<compile_context>
chip_gen: v7x
topology: tpu7x:2x2x1
jax: 0.10.2.dev20260603
libtpu: 0.0.44.dev20260713+nightly
codegen_flags: <defaults>
</compile_context>

<pallas_src>
import functools
import math

import jax
import jax.numpy as jnp
from jax import lax
from jax.experimental import pallas as pl
from jax.experimental.pallas import tpu as pltpu
from jax.experimental.pallas import tpu_sc as plsc

_CORRECT_PROB = 0.99
_TFKD_ALPHA = 0.1
_TFKD_T = 20.0
_TFKD_MULT = 100.0
_OUTER_ALPHA = 0.1

_NEG = -1e30


def _consts(B, K):
    c = (1.0 - _CORRECT_PROB) / (K - 1)
    za = math.exp(_CORRECT_PROB / _TFKD_T)
    zb = math.exp(c / _TFKD_T)
    Z = za + (K - 1) * zb
    a = za / Z
    b = zb / Z
    C1 = -(1.0 - _TFKD_ALPHA) / B - _TFKD_ALPHA * _TFKD_MULT / (B * K) * (a - b)
    C2 = -_TFKD_ALPHA * _TFKD_MULT / (B * K) * b
    C3 = -_OUTER_ALPHA * c / B
    bias = _TFKD_ALPHA * _TFKD_MULT / K * (
        a * math.log(a) + (K - 1) * b * math.log(b))
    return C1, C2, C3, bias



def _vsort(v, desc):
    k, _ = plsc.sort_key_val(v, v, descending=desc)
    return k


def _bitonic_local(run, desc):
    l = len(run)
    d = l // 2
    while d >= 1:
        nr = list(run)
        for base in range(0, l, 2 * d):
            for i in range(base, base + d):
                a, b = run[i], run[i + d]
                if desc:
                    nr[i] = jnp.maximum(a, b)
                    nr[i + d] = jnp.minimum(a, b)
                else:
                    nr[i] = jnp.minimum(a, b)
                    nr[i + d] = jnp.maximum(a, b)
        run = nr
        d //= 2
    return [_vsort(v, desc) for v in run]


def _merge_full(A, B, desc):
    l = len(A)
    lo = [jnp.minimum(A[i], B[i]) for i in range(l)]
    hi = [jnp.maximum(A[i], B[i]) for i in range(l)]
    if desc:
        return _bitonic_local(hi, True) + _bitonic_local(lo, True)
    return _bitonic_local(lo, False) + _bitonic_local(hi, False)


def _merge_top(A, B, desc):
    l = len(A)
    hi = [jnp.maximum(A[i], B[i]) for i in range(l)]
    return _bitonic_local(hi, desc)


def _top128(vregs):
    runs = [[_vsort(v, bool(j % 2))] for j, v in enumerate(vregs)]
    while len(runs) > 8:
        runs = [_merge_full(runs[i], runs[i + 1], bool((i // 2) % 2))
                for i in range(0, len(runs), 2)]
    while len(runs) > 1:
        runs = [_merge_top(runs[i], runs[i + 1], bool((i // 2) % 2))
                for i in range(0, len(runs), 2)]
    return runs[0]


def _pairwise_reduce(vals, op):
    vals = list(vals)
    while len(vals) > 1:
        nxt = [op(vals[i], vals[i + 1]) for i in range(0, len(vals) - 1, 2)]
        if len(vals) % 2:
            nxt.append(vals[-1])
        vals = nxt
    return vals[0]


def _sc_body(in_hbm, top_hbm, buf0, buf1, otop, sem0, sem1,
             *, K, rows_per, CH, NC):
    wid = lax.axis_index("s") * NC + lax.axis_index("c")
    nchunks = rows_per // CH
    nfull = K // 16
    ktail = K - nfull * 16
    lanes = lax.iota(jnp.int32, 16)
    row0 = wid * rows_per

    def chunk_compute(buf, ch):
        def process_row(r):
            vregs = [buf[r, pl.ds(16 * i, 16)] for i in range(nfull)]
            tail_raw = buf[r, pl.ds(K - 16, 16)]
            tail = jnp.where(lanes >= 16 - ktail, tail_raw,
                             jnp.float32(_NEG))
            vregs.append(tail)

            vregs.append(jnp.full((16,), _NEG, jnp.float32))
            top = _top128(vregs)
            for j in range(8):
                otop[ch * CH + r, pl.ds(16 * j, 16)] = top[j]

        def row_body(rr, carry2):
            process_row(rr)
            return carry2

        lax.fori_loop(0, CH, row_body, 0)

    def fire(ch, buf, sem):
        return pltpu.async_copy(in_hbm.at[pl.ds(row0 + ch * CH, CH)],
                                buf, sem)

    ngroups = nchunks // 2
    fire(0, buf0, sem0)

    def group_body(g, carry):
        ch_e = 2 * g
        fire(ch_e + 1, buf1, sem1)
        pltpu.make_async_copy(in_hbm.at[pl.ds(row0, CH)], buf0, sem0).wait()
        chunk_compute(buf0, ch_e)

        @pl.when(g + 1 < ngroups)
        def _():
            fire(ch_e + 2, buf0, sem0)

        pltpu.make_async_copy(in_hbm.at[pl.ds(row0, CH)], buf1, sem1).wait()
        chunk_compute(buf1, ch_e + 1)
        return carry

    lax.fori_loop(0, ngroups, group_body, 0)

    pltpu.sync_copy(otop, top_hbm.at[pl.ds(row0, rows_per)])


def _sc_topk(x, B, K):
    info = plsc.get_sparse_core_info()
    NC, NS = info.num_cores, info.num_subcores
    NW = NC * NS
    rows_per = B // NW
    CH = 8
    mesh = plsc.VectorSubcoreMesh(core_axis_name="c", subcore_axis_name="s")
    body = functools.partial(_sc_body, K=K, rows_per=rows_per, CH=CH, NC=NC)
    fn = pl.kernel(
        body,
        mesh=mesh,
        compiler_params=pltpu.CompilerParams(needs_layout_passes=False,
                                             use_tc_tiling_on_sc=True),
        out_type=jax.ShapeDtypeStruct((B, 128), jnp.float32),
        scratch_types=[
            pltpu.VMEM((CH, K), jnp.float32),
            pltpu.VMEM((CH, K), jnp.float32),
            pltpu.VMEM((rows_per, 128), jnp.float32),
            pltpu.SemaphoreType.DMA,
            pltpu.SemaphoreType.DMA,
        ],
    )
    return fn(x)



def _stats_body(x_ref, lab_ref, ps_ref, *, Rb, K, C1, C2):
    x = x_ref[...]
    lab = lab_ref[...]
    se = jnp.sum(jnp.exp(x), axis=1, keepdims=True)
    rsum = jnp.sum(x, axis=1, keepdims=True)
    col = lax.broadcasted_iota(jnp.int32, (Rb, K), 1)
    xlab = jnp.sum(jnp.where(col == lab, x, 0.0), axis=1, keepdims=True)
    lse = jnp.log(se)
    partial = jnp.sum(C1 * (xlab - lse) + C2 * (rsum - K * lse),
                      axis=(0, 1), keepdims=True)

    @pl.when(pl.program_id(0) == 0)
    def _():
        ps_ref[...] = jnp.zeros((1, 1), jnp.float32)

    ps_ref[...] += partial


def _tc_stats(x, labels, B, K, C1, C2):
    Rb = 1024
    return pl.pallas_call(
        functools.partial(_stats_body, Rb=Rb, K=K, C1=C1, C2=C2),
        grid=(B // Rb,),
        in_specs=[
            pl.BlockSpec((Rb, K), lambda i: (i, 0)),
            pl.BlockSpec((Rb, 1), lambda i: (i, 0)),
        ],
        out_specs=pl.BlockSpec((1, 1), lambda i: (0, 0)),
        out_shape=jax.ShapeDtypeStruct((1, 1), jnp.float32),
    )(x, labels.reshape(B, 1))



def _fin_body(top_ref, ps_ref, out_ref, *, R, G, C3, bias):
    top = top_ref[...]

    l0 = lax.broadcasted_iota(jnp.int32, (128, 128), 0)
    w1 = lax.broadcasted_iota(jnp.int32, (128, 128), 1)
    M = jnp.where((w1 < 19) & (l0 >= 118 - 5 * w1) & (l0 < 128 - 5 * w1),
                  1.0, 0.0).astype(jnp.float32)

    t0 = jnp.max(top, axis=1, keepdims=True)
    ex = jnp.exp(top - t0)
    W1 = jnp.dot(top, M, preferred_element_type=jnp.float32)
    W2 = jnp.dot(ex, M, preferred_element_type=jnp.float32)
    wv = lax.broadcasted_iota(jnp.int32, (R, 128), 1)
    W2s = jnp.where(wv < 19, W2, 1.0)
    term = jnp.where(wv < 19, W1 - 10.0 * (t0 + jnp.log(W2s)), 0.0)
    partial = C3 * jnp.sum(term, axis=(0, 1), keepdims=True)

    @pl.when(pl.program_id(0) == 0)
    def _():
        out_ref[...] = ps_ref[...] + bias

    out_ref[...] += partial


def kernel(output, label):
    B, K = output.shape
    C1, C2, C3, bias = _consts(B, K)

    top = _sc_topk(output, B, K)
    ps = _tc_stats(output, label.astype(jnp.int32), B, K, C1, C2)

    R = 4096
    G = B // R
    out = pl.pallas_call(
        functools.partial(_fin_body, R=R, G=G, C3=C3, bias=bias),
        grid=(G,),
        in_specs=[
            pl.BlockSpec((R, 128), lambda i: (i, 0)),
            pl.BlockSpec((1, 1), lambda i: (0, 0)),
        ],
        out_specs=pl.BlockSpec((1, 1), lambda i: (0, 0)),
        out_shape=jax.ShapeDtypeStruct((1, 1), jnp.float32),
    )(top, ps)

    return out[0, 0]

# --- scband reference (transcript-rebuilt; emitter-appended) ---
"""Pipeline reference for scband-tfkd-regularization-version9-89601607729512 (READ-ONLY COPY).

The authoritative reference and input builder live on the scoring server;
editing this copy changes nothing except your own understanding.
"""

import jax, jax.numpy as jnp
import numpy as np

CORRECT_PROB = 0.99
# model == 'resnet18' -> alpha=0.1, T=20, multiplier=100 (inner TFKD params)
TFKD_ALPHA = 0.1
TFKD_T = 20.0
TFKD_MULT = 100.0
OUTER_ALPHA = 0.1


def setup_inputs(seed: int = 0) -> dict:
    key = jax.random.key(seed)
    k1, k2 = jax.random.split(key)
    output = jax.random.normal(k1, (4096, 1000), dtype=jnp.float32)
    label = jax.random.randint(k2, (4096,), 0, 1000, dtype=jnp.int64)
    return {"output": output, "label": label}


def _tfkd_reg_loss(output, label):
    B, K = output.shape
    teacher_soft = jnp.full_like(output, (1.0 - CORRECT_PROB) / (K - 1))
    teacher_soft = teacher_soft.at[jnp.arange(B), label].set(CORRECT_PROB)
    logp = jax.nn.log_softmax(output, axis=1)
    # nn.CrossEntropyLoss (mean reduction)
    loss_CE = -jnp.mean(jnp.take_along_axis(logp, label[:, None], axis=1))
    # nn.KLDivLoss default reduction='mean' -> mean over ALL elements
    t = jax.nn.softmax(teacher_soft / TFKD_T, axis=1)
    loss_soft_reg = jnp.mean(t * (jnp.log(t) - logp)) * TFKD_MULT
    return (1.0 - TFKD_ALPHA) * loss_CE + TFKD_ALPHA * loss_soft_reg


def _pskd_ce(sub_out, sub_target):
    # Custom_CrossEntropy_PSKD: (-targets * log_softmax(output)).mean(0).sum()
    lp = jax.nn.log_softmax(sub_out, axis=1)
    return jnp.sum(jnp.mean(-sub_target * lp, axis=0))


def reference(output, label):
    B, K = output.shape
    soft_label = jnp.full_like(output, (1.0 - CORRECT_PROB) / (K - 1))
    loss = _tfkd_reg_loss(output, label)
    argsorted = jnp.argsort(-output, axis=1)  # descending
    for i in range(0, 90 + 1, 5):
        idxs = argsorted[:, i:i + 10]
        sub_out = jnp.take_along_axis(output, idxs, axis=1)
        sub_target = jnp.take_along_axis(soft_label, idxs, axis=1)
        loss = loss + _pskd_ce(sub_out, sub_target) * OUTER_ALPHA
    return loss

if __name__ == "__main__":
    import jax
    _d = setup_inputs()
    print(jax.jit(kernel)(*tuple(_d.values())))

</pallas_src>

<mosaic_0001>
#map = affine_map<(d0, d1) -> (0, 0)>
module attributes {stable_mosaic.version = 14 : i64} {
  func.func @_sc_body(%arg0: i32, %arg1: i32, %arg2: memref<4096x1000xf32, #tpu.memory_space<hbm>>, %arg3: memref<4096x128xf32, #tpu.memory_space<hbm>>, %arg4: memref<8x1000xf32, #tpu.memory_space<vmem>>, %arg5: memref<8x1000xf32, #tpu.memory_space<vmem>>, %arg6: memref<128x128xf32, #tpu.memory_space<vmem>>, %arg7: memref<!tpu.dma_semaphore, #tpu.memory_space<semaphore_mem>>, %arg8: memref<!tpu.dma_semaphore, #tpu.memory_space<semaphore_mem>>) attributes {dimension_semantics = [#tpu.dimension_semantics<core_parallel>, #tpu.dimension_semantics<subcore_parallel>], iteration_bounds = array<i64: 2, 16>, scalar_prefetch = 0 : i64, scratch_operands = 5 : i64, tpu.core_type = #tpu.core_type<sc_vector_subcore>, window_params = [{transform_indices = #map}, {transform_indices = #map}]} {
    %mul3A = arith.constant 2 : i32
    %mul3A_0 = arith.muli %arg1, %mul3A : i32
    %add3A = arith.addi %mul3A_0, %arg0 : i32
    %iota3A = tpu.iota {dimensions = array<i32: 0>} : vector<16xi32>
    %mul3A_1 = arith.constant 128 : i32
    %mul3A_2 = arith.muli %add3A, %mul3A_1 : i32
    %add3A_3 = arith.constant 0 : i32
    %add3A_4 = arith.addi %mul3A_2, %add3A_3 : i32
    %dma_start3A = arith.constant 0 : i32
    %dma_start3A_5 = tpu.memref_slice %arg2[%add3A_4, %dma_start3A] : memref<4096x1000xf32, #tpu.memory_space<hbm>> -> memref<8x1000xf32, #tpu.memory_space<hbm>>
    %dma_start3A_6 = arith.constant 0 : i32
    %dma_start3A_7 = tpu.memref_slice %arg2[%add3A_4, %dma_start3A_6] : memref<4096x1000xf32, #tpu.memory_space<hbm>> -> memref<8x1000xf32, #tpu.memory_space<hbm>>
    tpu.enqueue_dma source(%dma_start3A_7 : memref<8x1000xf32, #tpu.memory_space<hbm>>) target(%arg4 : memref<8x1000xf32, #tpu.memory_space<vmem>>) target_semaphore(%arg7 : memref<!tpu.dma_semaphore, #tpu.memory_space<semaphore_mem>>)
    %scan3A = arith.constant 0 : i32
    %scan3A_8 = arith.constant 0 : i32
    %scan3A_9 = arith.constant 8 : i32
    %scan3A_10 = arith.addi %scan3A_8, %scan3A_9 : i32
    %scan3A_11 = arith.constant 1 : i32
    scf.for %scan3A_13 = %scan3A_8 to %scan3A_10 step %scan3A_11  : i32 {
      %mul3A_14 = arith.constant 2 : i32
      %mul3A_15 = arith.muli %mul3A_14, %scan3A_13 : i32
      %add3A_16 = arith.constant 1 : i32
      %add3A_17 = arith.addi %mul3A_15, %add3A_16 : i32
      %mul3A_18 = arith.constant 8 : i32
      %mul3A_19 = arith.muli %add3A_17, %mul3A_18 : i32
      %add3A_20 = arith.addi %mul3A_2, %mul3A_19 : i32
      %dma_start3A_21 = arith.constant 0 : i32
      %dma_start3A_22 = tpu.memref_slice %arg2[%add3A_20, %dma_start3A_21] : memref<4096x1000xf32, #tpu.memory_space<hbm>> -> memref<8x1000xf32, #tpu.memory_space<hbm>>
      %dma_start3A_23 = arith.constant 0 : i32
      %dma_start3A_24 = tpu.memref_slice %arg2[%add3A_20, %dma_start3A_23] : memref<4096x1000xf32, #tpu.memory_space<hbm>> -> memref<8x1000xf32, #tpu.memory_space<hbm>>
      tpu.enqueue_dma source(%dma_start3A_24 : memref<8x1000xf32, #tpu.memory_space<hbm>>) target(%arg5 : memref<8x1000xf32, #tpu.memory_space<vmem>>) target_semaphore(%arg8 : memref<!tpu.dma_semaphore, #tpu.memory_space<semaphore_mem>>)
      %dma_wait3A = arith.constant 0 : i32
      %dma_wait3A_25 = tpu.memref_slice %arg2[%mul3A_2, %dma_wait3A] : memref<4096x1000xf32, #tpu.memory_space<hbm>> -> memref<8x1000xf32, #tpu.memory_space<hbm>>
      %dma_wait3A_26 = arith.constant 0 : i32
      %dma_wait3A_27 = tpu.memref_slice %arg2[%mul3A_2, %dma_wait3A_26] : memref<4096x1000xf32, #tpu.memory_space<hbm>> -> memref<8x1000xf32, #tpu.memory_space<hbm>>
      tpu.wait_dma2 semaphore(%arg7 : memref<!tpu.dma_semaphore, #tpu.memory_space<semaphore_mem>>) src(%dma_wait3A_27 : memref<8x1000xf32, #tpu.memory_space<hbm>>) dst(%arg4 : memref<8x1000xf32, #tpu.memory_space<vmem>>)
      %scan3A_28 = arith.constant 0 : i32
      %scan3A_29 = arith.constant 0 : i32
      %scan3A_30 = arith.constant 8 : i32
      %scan3A_31 = arith.addi %scan3A_29, %scan3A_30 : i32
      %scan3A_32 = arith.constant 1 : i32
      scf.for %scan3A_50 = %scan3A_29 to %scan3A_31 step %scan3A_32  : i32 {
        %get3A = arith.index_cast %scan3A_50 : i32 to index
        %get3A_51 = arith.constant 0 : index
        %get3A_52 = tpu.vector_load %arg4[%get3A, %get3A_51] {strides = array<i32>} : memref<8x1000xf32, #tpu.memory_space<vmem>>, vector<16xf32>,
        %get3A_53 = arith.index_cast %scan3A_50 : i32 to index
        %get3A_54 = arith.constant 16 : index
        %get3A_55 = tpu.vector_load %arg4[%get3A_53, %get3A_54] {strides = array<i32>} : memref<8x1000xf32, #tpu.memory_space<vmem>>, vector<16xf32>,
        %get3A_56 = arith.index_cast %scan3A_50 : i32 to index
        %get3A_57 = arith.constant 32 : index
        %get3A_58 = tpu.vector_load %arg4[%get3A_56, %get3A_57] {strides = array<i32>} : memref<8x1000xf32, #tpu.memory_space<vmem>>, vector<16xf32>,
        %get3A_59 = arith.index_cast %scan3A_50 : i32 to index
        %get3A_60 = arith.constant 48 : index
        %get3A_61 = tpu.vector_load %arg4[%get3A_59, %get3A_60] {strides = array<i32>} : memref<8x1000xf32, #tpu.memory_space<vmem>>, vector<16xf32>,
        %get3A_62 = arith.index_cast %scan3A_50 : i32 to index
        %get3A_63 = arith.constant 64 : index
        %get3A_64 = tpu.vector_load %arg4[%get3A_62, %get3A_63] {strides = array<i32>} : memref<8x1000xf32, #tpu.memory_space<vmem>>, vector<16xf32>,
        %get3A_65 = arith.index_cast %scan3A_50 : i32 to index
        %get3A_66 = arith.constant 80 : index
        %get3A_67 = tpu.vector_load %arg4[%get3A_65, %get3A_66] {strides = array<i32>} : memref<8x1000xf32, #tpu.memory_space<vmem>>, vector<16xf32>,
        %get3A_68 = arith.index_cast %scan3A_50 : i32 to index
        %get3A_69 = arith.constant 96 : index
        %get3A_70 = tpu.vector_load %arg4[%get3A_68, %get3A_69] {strides = array<i32>} : memref<8x1000xf32, #tpu.memory_space<vmem>>, vector<16xf32>,
        %get3A_71 = arith.index_cast %scan3A_50 : i32 to index
        %get3A_72 = arith.constant 112 : index
        %get3A_73 = tpu.vector_load %arg4[%get3A_71, %get3A_72] {strides = array<i32>} : memref<8x1000xf32, #tpu.memory_space<vmem>>, vector<16xf32>,
        %get3A_74 = arith.index_cast %scan3A_50 : i32 to index
        %get3A_75 = arith.constant 128 : index
        %get3A_76 = tpu.vector_load %arg4[%get3A_74, %get3A_75] {strides = array<i32>} : memref<8x1000xf32, #tpu.memory_space<vmem>>, vector<16xf32>,
        %get3A_77 = arith.index_cast %scan3A_50 : i32 to index
        %get3A_78 = arith.constant 144 : index
        %get3A_79 = tpu.vector_load %arg4[%get3A_77, %get3A_78] {strides = array<i32>} : memref<8x1000xf32, #tpu.memory_space<vmem>>, vector<16xf32>,
        %get3A_80 = arith.index_cast %scan3A_50 : i32 to index
        %get3A_81 = arith.constant 160 : index
        %get3A_82 = tpu.vector_load %arg4[%get3A_80, %get3A_81] {strides = array<i32>} : memref<8x1000xf32, #tpu.memory_space<vmem>>, vector<16xf32>,
        %get3A_83 = arith.index_cast %scan3A_50 : i32 to index
        %get3A_84 = arith.constant 176 : index
        %get3A_85 = tpu.vector_load %arg4[%get3A_83, %get3A_84] {strides = array<i32>} : memref<8x1000xf32, #tpu.memory_space<vmem>>, vector<16xf32>,
        %get3A_86 = arith.index_cast %scan3A_50 : i32 to index
        %get3A_87 = arith.constant 192 : index
        %get3A_88 = tpu.vector_load %arg4[%get3A_86, %get3A_87] {strides = array<i32>} : memref<8x1000xf32, #tpu.memory_space<vmem>>, vector<16xf32>,
        %get3A_89 = arith.index_cast %scan3A_50 : i32 to index
        %get3A_90 = arith.constant 208 : index
        %get3A_91 = tpu.vector_load %arg4[%get3A_89, %get3A_90] {strides = array<i32>} : memref<8x1000xf32, #tpu.memory_space<vmem>>, vector<16xf32>,
        %get3A_92 = arith.index_cast %scan3A_50 : i32 to index
        %get3A_93 = arith.constant 224 : index
        %get3A_94 = tpu.vector_load %arg4[%get3A_92, %get3A_93] {strides = array<i32>} : memref<8x1000xf32, #tpu.memory_space<vmem>>, vector<16xf32>,
        %get3A_95 = arith.index_cast %scan3A_50 : i32 to index
        %get3A_96 = arith.constant 240 : index
        %get3A_97 = tpu.vector_load %arg4[%get3A_95, %get3A_96] {strides = array<i32>} : memref<8x1000xf32, #tpu.memory_space<vmem>>, vector<16xf32>,
        %get3A_98 = arith.index_cast %scan3A_50 : i32 to index
        %get3A_99 = arith.constant 256 : index
        %get3A_100 = tpu.vector_load %arg4[%get3A_98, %get3A_99] {strides = array<i32>} : memref<8x1000xf32, #tpu.memory_space<vmem>>, vector<16xf32>,
        %get3A_101 = arith.index_cast %scan3A_50 : i32 to index
        %get3A_102 = arith.constant 272 : index
        %get3A_103 = tpu.vector_load %arg4[%get3A_101, %get3A_102] {strides = array<i32>} : memref<8x1000xf32, #tpu.memory_space<vmem>>, vector<16xf32>,
        %get3A_104 = arith.index_cast %scan3A_50 : i32 to index
        %get3A_105 = arith.constant 288 : index
        %get3A_106 = tpu.vector_load %arg4[%get3A_104, %get3A_105] {strides = array<i32>} : memref<8x1000xf32, #tpu.memory_space<vmem>>, vector<16xf32>,
        %get3A_107 = arith.index_cast %scan3A_50 : i32 to index
        %get3A_108 = arith.constant 304 : index
        %get3A_109 = tpu.vector_load %arg4[%get3A_107, %get3A_108] {strides = array<i32>} : memref<8x1000xf32, #tpu.memory_space<vmem>>, vector<16xf32>,
        %get3A_110 = arith.index_cast %scan3A_50 : i32 to index
        %get3A_111 = arith.constant 320 : index
        %get3A_112 = tpu.vector_load %arg4[%get3A_110, %get3A_111] {strides = array<i32>} : memref<8x1000xf32, #tpu.memory_space<vmem>>, vector<16xf32>,
        %get3A_113 = arith.index_cast %scan3A_50 : i32 to index
        %get3A_114 = arith.constant 336 : index
        %get3A_115 = tpu.vector_load %arg4[%get3A_113, %get3A_114] {strides = array<i32>} : memref<8x1000xf32, #tpu.memory_space<vmem>>, vector<16xf32>,
        %get3A_116 = arith.index_cast %scan3A_50 : i32 to index
        %get3A_117 = arith.constant 352 : index
        %get3A_118 = tpu.vector_load %arg4[%get3A_116, %get3A_117] {strides = array<i32>} : memref<8x1000xf32, #tpu.memory_space<vmem>>, vector<16xf32>,
        %get3A_119 = arith.index_cast %scan3A_50 : i32 to index
        %get3A_120 = arith.constant 368 : index
        %get3A_121 = tpu.vector_load %arg4[%get3A_119, %get3A_120] {strides = array<i32>} : memref<8x1000xf32, #tpu.memory_space<vmem>>, vector<16xf32>,
        %get3A_122 = arith.index_cast %scan3A_50 : i32 to index
        %get3A_123 = arith.constant 384 : index
        %get3A_124 = tpu.vector_load %arg4[%get3A_122, %get3A_123] {strides = array<i32>} : memref<8x1000xf32, #tpu.memory_space<vmem>>, vector<16xf32>,
        %get3A_125 = arith.index_cast %scan3A_50 : i32 to index
        %get3A_126 = arith.constant 400 : index
        %get3A_127 = tpu.vector_load %arg4[%get3A_125, %get3A_126] {strides = array<i32>} : memref<8x1000xf32, #tpu.memory_space<vmem>>, vector<16xf32>,
        %get3A_128 = arith.index_cast %scan3A_50 : i32 to index
        %get3A_129 = arith.constant 416 : index
        %get3A_130 = tpu.vector_load %arg4[%get3A_128, %get3A_129] {strides = array<i32>} : memref<8x1000xf32, #tpu.memory_space<vmem>>, vector<16xf32>,
        %get3A_131 = arith.index_cast %scan3A_50 : i32 to index
        %get3A_132 = arith.constant 432 : index
        %get3A_133 = tpu.vector_load %arg4[%get3A_131, %get3A_132] {strides = array<i32>} : memref<8x1000xf32, #tpu.memory_space<vmem>>, vector<16xf32>,
        %get3A_134 = arith.index_cast %scan3A_50 : i32 to index
        %get3A_135 = arith.constant 448 : index
        %get3A_136 = tpu.vector_load %arg4[%get3A_134, %get3A_135] {strides = array<i32>} : memref<8x1000xf32, #tpu.memory_space<vmem>>, vector<16xf32>,
        %get3A_137 = arith.index_cast %scan3A_50 : i32 to index
        %get3A_138 = arith.constant 464 : index
        %get3A_139 = tpu.vector_load %arg4[%get3A_137, %get3A_138] {strides = array<i32>} : memref<8x1000xf32, #tpu.memory_space<vmem>>, vector<16xf32>,
        %get3A_140 = arith.index_cast %scan3A_50 : i32 to index
        %get3A_141 = arith.constant 480 : index
        %get3A_142 = tpu.vector_load %arg4[%get3A_140, %get3A_141] {strides = array<i32>} : memref<8x1000xf32, #tpu.memory_space<vmem>>, vector<16xf32>,
        %get3A_143 = arith.index_cast %scan3A_50 : i32 to index
        %get3A_144 = arith.constant 496 : index
        %get3A_145 = tpu.vector_load %arg4[%get3A_143, %get3A_144] {strides = array<i32>} : memref<8x1000xf32, #tpu.memory_space<vmem>>, vector<16xf32>,
        %get3A_146 = arith.index_cast %scan3A_50 : i32 to index
        %get3A_147 = arith.constant 512 : index
        %get3A_148 = tpu.vector_load %arg4[%get3A_146, %get3A_147] {strides = array<i32>} : memref<8x1000xf32, #tpu.memory_space<vmem>>, vector<16xf32>,
        %get3A_149 = arith.index_cast %scan3A_50 : i32 to index
        %get3A_150 = arith.constant 528 : index
        %get3A_151 = tpu.vector_load %arg4[%get3A_149, %get3A_150] {strides = array<i32>} : memref<8x1000xf32, #tpu.memory_space<vmem>>, vector<16xf32>,
        %get3A_152 = arith.index_cast %scan3A_50 : i32 to index
        %get3A_153 = arith.constant 544 : index
        %get3A_154 = tpu.vector_load %arg4[%get3A_152, %get3A_153] {strides = array<i32>} : memref<8x1000xf32, #tpu.memory_space<vmem>>, vector<16xf32>,
        %get3A_155 = arith.index_cast %scan3A_50 : i32 to index
        %get3A_156 = arith.constant 560 : index
        %get3A_157 = tpu.vector_load %arg4[%get3A_155, %get3A_156] {strides = array<i32>} : memref<8x1000xf32, #tpu.memory_space<vmem>>, vector<16xf32>,
        %get3A_158 = arith.index_cast %scan3A_50 : i32 to index
        %get3A_159 = arith.constant 576 : index
        %get3A_160 = tpu.vector_load %arg4[%get3A_158, %get3A_159] {strides = array<i32>} : memref<8x1000xf32, #tpu.memory_space<vmem>>, vector<16xf32>,
        %get3A_161 = arith.index_cast %scan3A_50 : i32 to index
        %get3A_162 = arith.constant 592 : index
        %get3A_163 = tpu.vector_load %arg4[%get3A_161, %get3A_162] {strides = array<i32>} : memref<8x1000xf32, #tpu.memory_space<vmem>>, vector<16xf32>,
        %get3A_164 = arith.index_cast %scan3A_50 : i32 to index
        %get3A_165 = arith.constant 608 : index
        %get3A_166 = tpu.vector_load %arg4[%get3A_164, %get3A_165] {strides = array<i32>} : memref<8x1000xf32, #tpu.memory_space<vmem>>, vector<16xf32>,
        %get3A_167 = arith.index_cast %scan3A_50 : i32 to index
        %get3A_168 = arith.constant 624 : index
        %get3A_169 = tpu.vector_load %arg4[%get3A_167, %get3A_168] {strides = array<i32>} : memref<8x1000xf32, #tpu.memory_space<vmem>>, vector<16xf32>,
        %get3A_170 = arith.index_cast %scan3A_50 : i32 to index
        %get3A_171 = arith.constant 640 : index
        %get3A_172 = tpu.vector_load %arg4[%get3A_170, %get3A_171] {strides = array<i32>} : memref<8x1000xf32, #tpu.memory_space<vmem>>, vector<16xf32>,
        %get3A_173 = arith.index_cast %scan3A_50 : i32 to index
        %get3A_174 = arith.constant 656 : index
        %get3A_175 = tpu.vector_load %arg4[%get3A_173, %get3A_174] {strides = array<i32>} : memref<8x1000xf32, #tpu.memory_space<vmem>>, vector<16xf32>,
        %get3A_176 = arith.index_cast %scan3A_50 : i32 to index
        %get3A_177 = arith.constant 672 : index
        %get3A_178 = tpu.vector_load %arg4[%get3A_176, %get3A_177] {strides = array<i32>} : memref<8x1000xf32, #tpu.memory_space<vmem>>, vector<16xf32>,
        %get3A_179 = arith.index_cast %scan3A_50 : i32 to index
        %get3A_180 = arith.constant 688 : index
        %get3A_181 = tpu.vector_load %arg4[%get3A_179, %get3A_180] {strides = array<i32>} : memref<8x1000xf32, #tpu.memory_space<vmem>>, vector<16xf32>,
        %get3A_182 = arith.index_cast %scan3A_50 : i32 to index
        %get3A_183 = arith.constant 704 : index
        %get3A_184 = tpu.vector_load %arg4[%get3A_182, %get3A_183] {strides = array<i32>} : memref<8x1000xf32, #tpu.memory_space<vmem>>, vector<16xf32>,
        %get3A_185 = arith.index_cast %scan3A_50 : i32 to index
        %get3A_186 = arith.constant 720 : index
        %get3A_187 = tpu.vector_load %arg4[%get3A_185, %get3A_186] {strides = array<i32>} : memref<8x1000xf32, #tpu.memory_space<vmem>>, vector<16xf32>,
        %get3A_188 = arith.index_cast %scan3A_50 : i32 to index
        %get3A_189 = arith.constant 736 : index
        %get3A_190 = tpu.vector_load %arg4[%get3A_188, %get3A_189] {strides = array<i32>} : memref<8x1000xf32, #tpu.memory_space<vmem>>, vector<16xf32>,
        %get3A_191 = arith.index_cast %scan3A_50 : i32 to index
        %get3A_192 = arith.constant 752 : index
        %get3A_193 = tpu.vector_load %arg4[%get3A_191, %get3A_192] {strides = array<i32>} : memref<8x1000xf32, #tpu.memory_space<vmem>>, vector<16xf32>,
        %get3A_194 = arith.index_cast %scan3A_50 : i32 to index
        %get3A_195 = arith.constant 768 : index
        %get3A_196 = tpu.vector_load %arg4[%get3A_194, %get3A_195] {strides = array<i32>} : memref<8x1000xf32, #tpu.memory_space<vmem>>, vector<16xf32>,
        %get3A_197 = arith.index_cast %scan3A_50 : i32 to index
        %get3A_198 = arith.constant 784 : index
        %get3A_199 = tpu.vector_load %arg4[%get3A_197, %get3A_198] {strides = array<i32>} : memref<8x1000xf32, #tpu.memory_space<vmem>>, vector<16xf32>,
        %get3A_200 = arith.index_cast %scan3A_50 : i32 to index
        %get3A_201 = arith.constant 800 : index
        %get3A_202 = tpu.vector_load %arg4[%get3A_200, %get3A_201] {strides = array<i32>} : memref<8x1000xf32, #tpu.memory_space<vmem>>, vector<16xf32>,
        %get3A_203 = arith.index_cast %scan3A_50 : i32 to index
        %get3A_204 = arith.constant 816 : index
        %get3A_205 = tpu.vector_load %arg4[%get3A_203, %get3A_204] {strides = array<i32>} : memref<8x1000xf32, #tpu.memory_space<vmem>>, vector<16xf32>,
        %get3A_206 = arith.index_cast %scan3A_50 : i32 to index
        %get3A_207 = arith.constant 832 : index
        %get3A_208 = tpu.vector_load %arg4[%get3A_206, %get3A_207] {strides = array<i32>} : memref<8x1000xf32, #tpu.memory_space<vmem>>, vector<16xf32>,
        %get3A_209 = arith.index_cast %scan3A_50 : i32 to index
        %get3A_210 = arith.constant 848 : index
        %get3A_211 = tpu.vector_load %arg4[%get3A_209, %get3A_210] {strides = array<i32>} : memref<8x1000xf32, #tpu.memory_space<vmem>>, vector<16xf32>,
        %get3A_212 = arith.index_cast %scan3A_50 : i32 to index
        %get3A_213 = arith.constant 864 : index
        %get3A_214 = tpu.vector_load %arg4[%get3A_212, %get3A_213] {strides = array<i32>} : memref<8x1000xf32, #tpu.memory_space<vmem>>, vector<16xf32>,
        %get3A_215 = arith.index_cast %scan3A_50 : i32 to index
        %get3A_216 = arith.constant 880 : index
        %get3A_217 = tpu.vector_load %arg4[%get3A_215, %get3A_216] {strides = array<i32>} : memref<8x1000xf32, #tpu.memory_space<vmem>>, vector<16xf32>,
        %get3A_218 = arith.index_cast %scan3A_50 : i32 to index
        %get3A_219 = arith.constant 896 : index
        %get3A_220 = tpu.vector_load %arg4[%get3A_218, %get3A_219] {strides = array<i32>} : memref<8x1000xf32, #tpu.memory_space<vmem>>, vector<16xf32>,
        %get3A_221 = arith.index_cast %scan3A_50 : i32 to index
        %get3A_222 = arith.constant 912 : index
        %get3A_223 = tpu.vector_load %arg4[%get3A_221, %get3A_222] {strides = array<i32>} : memref<8x1000xf32, #tpu.memory_space<vmem>>, vector<16xf32>,
        %get3A_224 = arith.index_cast %scan3A_50 : i32 to index
        %get3A_225 = arith.constant 928 : index
        %get3A_226 = tpu.vector_load %arg4[%get3A_224, %get3A_225] {strides = array<i32>} : memref<8x1000xf32, #tpu.memory_space<vmem>>, vector<16xf32>,
        %get3A_227 = arith.index_cast %scan3A_50 : i32 to index
        %get3A_228 = arith.constant 944 : index
        %get3A_229 = tpu.vector_load %arg4[%get3A_227, %get3A_228] {strides = array<i32>} : memref<8x1000xf32, #tpu.memory_space<vmem>>, vector<16xf32>,
        %get3A_230 = arith.index_cast %scan3A_50 : i32 to index
        %get3A_231 = arith.constant 960 : index
        %get3A_232 = tpu.vector_load %arg4[%get3A_230, %get3A_231] {strides = array<i32>} : memref<8x1000xf32, #tpu.memory_space<vmem>>, vector<16xf32>,
        %get3A_233 = arith.index_cast %scan3A_50 : i32 to index
        %get3A_234 = arith.constant 976 : index
        %get3A_235 = tpu.vector_load %arg4[%get3A_233, %get3A_234] {strides = array<i32>} : memref<8x1000xf32, #tpu.memory_space<vmem>>, vector<16xf32>,
        %get3A_236 = arith.index_cast %scan3A_50 : i32 to index
        %get3A_237 = arith.constant 984 : index
        %get3A_238 = tpu.vector_load %arg4[%get3A_236, %get3A_237] {strides = array<i32>} : memref<8x1000xf32, #tpu.memory_space<vmem>>, vector<16xf32>,
        %ge3A = arith.constant 8 : i32
        %ge3A_239 = vector.broadcast %ge3A : i32 to vector<16xi32>
        %ge3A_240 = arith.cmpi sge, %iota3A, %ge3A_239 : vector<16xi32>
        %jit3A = arith.constant -1.000000e+30 : f32
        %broadcast_in_dim3A = vector.broadcast %jit3A : f32 to vector<16xf32>
        %select_n3A = arith.select %ge3A_240, %get3A_238, %broadcast_in_dim3A : vector<16xi1>, vector<16xf32>
        %broadcast_in_dim3A_241 = arith.constant -1.000000e+30 : f32
        %broadcast_in_dim3A_242 = vector.broadcast %broadcast_in_dim3A_241 : f32 to vector<16xf32>
        %masked_sort3A = arith.constant dense<true> : vector<16xi1>
        %masked_sort3A_243, %masked_sort3A_244, %masked_sort3A_245 = tpu.sort %get3A_52, %get3A_52 masked %masked_sort3A : (vector<16xf32>, vector<16xf32>, vector<16xi1>) -> (vector<16xi1>, vector<16xf32>, vector<16xf32>)
        %masked_sort3A_246 = arith.constant dense<true> : vector<16xi1>
        %masked_sort3A_247, %masked_sort3A_248, %masked_sort3A_249 = tpu.sort %get3A_55, %get3A_55 masked %masked_sort3A_246 {descending = true} : (vector<16xf32>, vector<16xf32>, vector<16xi1>) -> (vector<16xi1>, vector<16xf32>, vector<16xf32>)
        %masked_sort3A_250 = arith.constant dense<true> : vector<16xi1>
        %masked_sort3A_251, %masked_sort3A_252, %masked_sort3A_253 = tpu.sort %get3A_58, %get3A_58 masked %masked_sort3A_250 : (vector<16xf32>, vector<16xf32>, vector<16xi1>) -> (vector<16xi1>, vector<16xf32>, vector<16xf32>)
        %masked_sort3A_254 = arith.constant dense<true> : vector<16xi1>
        %masked_sort3A_255, %masked_sort3A_256, %masked_sort3A_257 = tpu.sort %get3A_61, %get3A_61 masked %masked_sort3A_254 {descending = true} : (vector<16xf32>, vector<16xf32>, vector<16xi1>) -> (vector<16xi1>, vector<16xf32>, vector<16xf32>)
        %masked_sort3A_258 = arith.constant dense<true> : vector<16xi1>
        %masked_sort3A_259, %masked_sort3A_260, %masked_sort3A_261 = tpu.sort %get3A_64, %get3A_64 masked %masked_sort3A_258 : (vector<16xf32>, vector<16xf32>, vector<16xi1>) -> (vector<16xi1>, vector<16xf32>, vector<16xf32>)
        %masked_sort3A_262 = arith.constant dense<true> : vector<16xi1>
        %masked_sort3A_263, %masked_sort3A_264, %masked_sort3A_265 = tpu.sort %get3A_67, %get3A_67 masked %masked_sort3A_262 {descending = true} : (vector<16xf32>, vector<16xf32>, vector<16xi1>) -> (vector<16xi1>, vector<16xf32>, vector<16xf32>)
        %masked_sort3A_266 = arith.constant dense<true> : vector<16xi1>
        %masked_sort3A_267, %masked_sort3A_268, %masked_sort3A_269 = tpu.sort %get3A_70, %get3A_70 masked %masked_sort3A_266 : (vector<16xf32>, vector<16xf32>, vector<16xi1>) -> (vector<16xi1>, vector<16xf32>, vector<16xf32>)
        %masked_sort3A_270 = arith.constant dense<true> : vector<16xi1>
        %masked_sort3A_271, %masked_sort3A_272, %masked_sort3A_273 = tpu.sort %get3A_73, %get3A_73 masked %masked_sort3A_270 {descending = true} : (vector<16xf32>, vector<16xf32>, vector<16xi1>) -> (vector<16xi1>, vector<16xf32>, vector<16xf32>)
        %masked_sort3A_274 = arith.constant dense<true> : vector<16xi1>
        %masked_sort3A_275, %masked_sort3A_276, %masked_sort3A_277 = tpu.sort %get3A_76, %get3A_76 masked %masked_sort3A_274 : (vector<16xf32>, vector<16xf32>, vector<16xi1>) -> (vector<16xi1>, vector<16xf32>, vector<16xf32>)
        %masked_sort3A_278 = arith.constant dense<true> : vector<16xi1>
        %masked_sort3A_279, %masked_sort3A_280, %masked_sort3A_281 = tpu.sort %get3A_79, %get3A_79 masked %masked_sort3A_278 {descending = true} : (vector<16xf32>, vector<16xf32>, vector<16xi1>) -> (vector<16xi1>, vector<16xf32>, vector<16xf32>)
        %masked_sort3A_282 = arith.constant dense<true> : vector<16xi1>
        %masked_sort3A_283, %masked_sort3A_284, %masked_sort3A_285 = tpu.sort %get3A_82, %get3A_82 masked %masked_sort3A_282 : (vector<16xf32>, vector<16xf32>, vector<16xi1>) -> (vector<16xi1>, vector<16xf32>, vector<16xf32>)
        %masked_sort3A_286 = arith.constant dense<true> : vector<16xi1>
        %masked_sort3A_287, %masked_sort3A_288, %masked_sort3A_289 = tpu.sort %get3A_85, %get3A_85 masked %masked_sort3A_286 {descending = true} : (vector<16xf32>, vector<16xf32>, vector<16xi1>) -> (vector<16xi1>, vector<16xf32>, vector<16xf32>)
        %masked_sort3A_290 = arith.constant dense<true> : vector<16xi1>
        %masked_sort3A_291, %masked_sort3A_292, %masked_sort3A_293 = tpu.sort %get3A_88, %get3A_88 masked %masked_sort3A_290 : (vector<16xf32>, vector<16xf32>, vector<16xi1>) -> (vector<16xi1>, vector<16xf32>, vector<16xf32>)
        %masked_sort3A_294 = arith.constant dense<true> : vector<16xi1>
        %masked_sort3A_295, %masked_sort3A_296, %masked_sort3A_297 = tpu.sort %get3A_91, %get3A_91 masked %masked_sort3A_294 {descending = true} : (vector<16xf32>, vector<16xf32>, vector<16xi1>) -> (vector<16xi1>, vector<16xf32>, vector<16xf32>)
        %masked_sort3A_298 = arith.constant dense<true> : vector<16xi1>
        %masked_sort3A_299, %masked_sort3A_300, %masked_sort3A_301 = tpu.sort %get3A_94, %get3A_94 masked %masked_sort3A_298 : (vector<16xf32>, vector<16xf32>, vector<16xi1>) -> (vector<16xi1>, vector<16xf32>, vector<16xf32>)
        %masked_sort3A_302 = arith.constant dense<true> : vector<16xi1>
        %masked_sort3A_303, %masked_sort3A_304, %masked_sort3A_305 = tpu.sort %get3A_97, %get3A_97 masked %masked_sort3A_302 {descending = true} : (vector<16xf32>, vector<16xf32>, vector<16xi1>) -> (vector<16xi1>, vector<16xf32>, vector<16xf32>)
        %masked_sort3A_306 = arith.constant dense<true> : vector<16xi1>
        %masked_sort3A_307, %masked_sort3A_308, %masked_sort3A_309 = tpu.sort %get3A_100, %get3A_100 masked %masked_sort3A_306 : (vector<16xf32>, vector<16xf32>, vector<16xi1>) -> (vector<16xi1>, vector<16xf32>, vector<16xf32>)
        %masked_sort3A_310 = arith.constant dense<true> : vector<16xi1>
        %masked_sort3A_311, %masked_sort3A_312, %masked_sort3A_313 = tpu.sort %get3A_103, %get3A_103 masked %masked_sort3A_310 {descending = true} : (vector<16xf32>, vector<16xf32>, vector<16xi1>) -> (vector<16xi1>, vector<16xf32>, vector<16xf32>)
        %masked_sort3A_314 = arith.constant dense<true> : vector<16xi1>
        %masked_sort3A_315, %masked_sort3A_316, %masked_sort3A_317 = tpu.sort %get3A_106, %get3A_106 masked %masked_sort3A_314 : (vector<16xf32>, vector<16xf32>, vector<16xi1>) -> (vector<16xi1>, vector<16xf32>, vector<16xf32>)
        %masked_sort3A_318 = arith.constant dense<true> : vector<16xi1>
        %masked_sort3A_319, %masked_sort3A_320, %masked_sort3A_321 = tpu.sort %get3A_109, %get3A_109 masked %masked_sort3A_318 {descending = true} : (vector<16xf32>, vector<16xf32>, vector<16xi1>) -> (vector<16xi1>, vector<16xf32>, vector<16xf32>)
        %masked_sort3A_322 = arith.constant dense<true> : vector<16xi1>
        %masked_sort3A_323, %masked_sort3A_324, %masked_sort3A_325 = tpu.sort %get3A_112, %get3A_112 masked %masked_sort3A_322 : (vector<16xf32>, vector<16xf32>, vector<16xi1>) -> (vector<16xi1>, vector<16xf32>, vector<16xf32>)
        %masked_sort3A_326 = arith.constant dense<true> : vector<16xi1>
        %masked_sort3A_327, %masked_sort3A_328, %masked_sort3A_329 = tpu.sort %get3A_115, %get3A_115 masked %masked_sort3A_326 {descending = true} : (vector<16xf32>, vector<16xf32>, vector<16xi1>) -> (vector<16xi1>, vector<16xf32>, vector<16xf32>)
        %masked_sort3A_330 = arith.constant dense<true> : vector<16xi1>
        %masked_sort3A_331, %masked_sort3A_332, %masked_sort3A_333 = tpu.sort %get3A_118, %get3A_118 masked %masked_sort3A_330 : (vector<16xf32>, vector<16xf32>, vector<16xi1>) -> (vector<16xi1>, vector<16xf32>, vector<16xf32>)
        %masked_sort3A_334 = arith.constant dense<true> : vector<16xi1>
        %masked_sort3A_335, %masked_sort3A_336, %masked_sort3A_337 = tpu.sort %get3A_121, %get3A_121 masked %masked_sort3A_334 {descending = true} : (vector<16xf32>, vector<16xf32>, vector<16xi1>) -> (vector<16xi1>, vector<16xf32>, vector<16xf32>)
        %masked_sort3A_338 = arith.constant dense<true> : vector<16xi1>
        %masked_sort3A_339, %masked_sort3A_340, %masked_sort3A_341 = tpu.sort %get3A_124, %get3A_124 masked %masked_sort3A_338 : (vector<16xf32>, vector<16xf32>, vector<16xi1>) -> (vector<16xi1>, vector<16xf32>, vector<16xf32>)
        %masked_sort3A_342 = arith.constant dense<true> : vector<16xi1>
        %masked_sort3A_343, %masked_sort3A_344, %masked_sort3A_345 = tpu.sort %get3A_127, %get3A_127 masked %masked_sort3A_342 {descending = true} : (vector<16xf32>, vector<16xf32>, vector<16xi1>) -> (vector<16xi1>, vector<16xf32>, vector<16xf32>)
        %masked_sort3A_346 = arith.constant dense<true> : vector<16xi1>
        %masked_sort3A_347, %masked_sort3A_348, %masked_sort3A_349 = tpu.sort %get3A_130, %get3A_130 masked %masked_sort3A_346 : (vector<16xf32>, vector<16xf32>, vector<16xi1>) -> (vector<16xi1>, vector<16xf32>, vector<16xf32>)
        %masked_sort3A_350 = arith.constant dense<true> : vector<16xi1>
        %masked_sort3A_351, %masked_sort3A_352, %masked_sort3A_353 = tpu.sort %get3A_133, %get3A_133 masked %masked_sort3A_350 {descending = true} : (vector<16xf32>, vector<16xf32>, vector<16xi1>) -> (vector<16xi1>, vector<16xf32>, vector<16xf32>)
        %masked_sort3A_354 = arith.constant dense<true> : vector<16xi1>
        %masked_sort3A_355, %masked_sort3A_356, %masked_sort3A_357 = tpu.sort %get3A_136, %get3A_136 masked %masked_sort3A_354 : (vector<16xf32>, vector<16xf32>, vector<16xi1>) -> (vector<16xi1>, vector<16xf32>, vector<16xf32>)
        %masked_sort3A_358 = arith.constant dense<true> : vector<16xi1>
        %masked_sort3A_359, %masked_sort3A_360, %masked_sort3A_361 = tpu.sort %get3A_139, %get3A_139 masked %masked_sort3A_358 {descending = true} : (vector<16xf32>, vector<16xf32>, vector<16xi1>) -> (vector<16xi1>, vector<16xf32>, vector<16xf32>)
        %masked_sort3A_362 = arith.constant dense<true> : vector<16xi1>
        %masked_sort3A_363, %masked_sort3A_364, %masked_sort3A_365 = tpu.sort %get3A_142, %get3A_142 masked %masked_sort3A_362 : (vector<16xf32>, vector<16xf32>, vector<16xi1>) -> (vector<16xi1>, vector<16xf32>, vector<16xf32>)
        %masked_sort3A_366 = arith.constant dense<true> : vector<16xi1>
        %masked_sort3A_367, %masked_sort3A_368, %masked_sort3A_369 = tpu.sort %get3A_145, %get3A_145 masked %masked_sort3A_366 {descending = true} : (vector<16xf32>, vector<16xf32>, vector<16xi1>) -> (vector<16xi1>, vector<16xf32>, vector<16xf32>)
        %masked_sort3A_370 = arith.constant dense<true> : vector<16xi1>
        %masked_sort3A_371, %masked_sort3A_372, %masked_sort3A_373 = tpu.sort %get3A_148, %get3A_148 masked %masked_sort3A_370 : (vector<16xf32>, vector<16xf32>, vector<16xi1>) -> (vector<16xi1>, vector<16xf32>, vector<16xf32>)
        %masked_sort3A_374 = arith.constant dense<true> : vector<16xi1>
        %masked_sort3A_375, %masked_sort3A_376, %masked_sort3A_377 = tpu.sort %get3A_151, %get3A_151 masked %masked_sort3A_374 {descending = true} : (vector<16xf32>, vector<16xf32>, vector<16xi1>) -> (vector<16xi1>, vector<16xf32>, vector<16xf32>)
        %masked_sort3A_378 = arith.constant dense<true> : vector<16xi1>
        %masked_sort3A_379, %masked_sort3A_380, %masked_sort3A_381 = tpu.sort %get3A_154, %get3A_154 masked %masked_sort3A_378 : (vector<16xf32>, vector<16xf32>, vector<16xi1>) -> (vector<16xi1>, vector<16xf32>, vector<16xf32>)
        %masked_sort3A_382 = arith.constant dense<true> : vector<16xi1>
        %masked_sort3A_383, %masked_sort3A_384, %masked_sort3A_385 = tpu.sort %get3A_157, %get3A_157 masked %masked_sort3A_382 {descending = true} : (vector<16xf32>, vector<16xf32>, vector<16xi1>) -> (vector<16xi1>, vector<16xf32>, vector<16xf32>)
        %masked_sort3A_386 = arith.constant dense<true> : vector<16xi1>
        %masked_sort3A_387, %masked_sort3A_388, %masked_sort3A_389 = tpu.sort %get3A_160, %get3A_160 masked %masked_sort3A_386 : (vector<16xf32>, vector<16xf32>, vector<16xi1>) -> (vector<16xi1>, vector<16xf32>, vector<16xf32>)
        %masked_sort3A_390 = arith.constant dense<true> : vector<16xi1>
        %masked_sort3A_391, %masked_sort3A_392, %masked_sort3A_393 = tpu.sort %get3A_163, %get3A_163 masked %masked_sort3A_390 {descending = true} : (vector<16xf32>, vector<16xf32>, vector<16xi1>) -> (vector<16xi1>, vector<16xf32>, vector<16xf32>)
        %masked_sort3A_394 = arith.constant dense<true> : vector<16xi1>
        %masked_sort3A_395, %masked_sort3A_396, %masked_sort3A_397 = tpu.sort %get3A_166, %get3A_166 masked %masked_sort3A_394 : (vector<16xf32>, vector<16xf32>, vector<16xi1>) -> (vector<16xi1>, vector<16xf32>, vector<16xf32>)
        %masked_sort3A_398 = arith.constant dense<true> : vector<16xi1>
        %masked_sort3A_399, %masked_sort3A_400, %masked_sort3A_401 = tpu.sort %get3A_169, %get3A_169 masked %masked_sort3A_398 {descending = true} : (vector<16xf32>, vector<16xf32>, vector<16xi1>) -> (vector<16xi1>, vector<16xf32>, vector<16xf32>)
        %masked_sort3A_402 = arith.constant dense<true> : vector<16xi1>
        %masked_sort3A_403, %masked_sort3A_404, %masked_sort3A_405 = tpu.sort %get3A_172, %get3A_172 masked %masked_sort3A_402 : (vector<16xf32>, vector<16xf32>, vector<16xi1>) -> (vector<16xi1>, vector<16xf32>, vector<16xf32>)
        %masked_sort3A_406 = arith.constant dense<true> : vector<16xi1>
        %masked_sort3A_407, %masked_sort3A_408, %masked_sort3A_409 = tpu.sort %get3A_175, %get3A_175 masked %masked_sort3A_406 {descending = true} : (vector<16xf32>, vector<16xf32>, vector<16xi1>) -> (vector<16xi1>, vector<16xf32>, vector<16xf32>)
        %masked_sort3A_410 = arith.constant dense<true> : vector<16xi1>
        %masked_sort3A_411, %masked_sort3A_412, %masked_sort3A_413 = tpu.sort %get3A_178, %get3A_178 masked %masked_sort3A_410 : (vector<16xf32>, vector<16xf32>, vector<16xi1>) -> (vector<16xi1>, vector<16xf32>, vector<16xf32>)
        %masked_sort3A_414 = arith.constant dense<true> : vector<16xi1>
        %masked_sort3A_415, %masked_sort3A_416, %masked_sort3A_417 = tpu.sort %get3A_181, %get3A_181 masked %masked_sort3A_414 {descending = true} : (vector<16xf32>, vector<16xf32>, vector<16xi1>) -> (vector<16xi1>, vector<16xf32>, vector<16xf32>)
        %masked_sort3A_418 = arith.constant dense<true> : vector<16xi1>
        %masked_sort3A_419, %masked_sort3A_420, %masked_sort3A_421 = tpu.sort %get3A_184, %get3A_184 masked %masked_sort3A_418 : (vector<16xf32>, vector<16xf32>, vector<16xi1>) -> (vector<16xi1>, vector<16xf32>, vector<16xf32>)
        %masked_sort3A_422 = arith.constant dense<true> : vector<16xi1>
        %masked_sort3A_423, %masked_sort3A_424, %masked_sort3A_425 = tpu.sort %get3A_187, %get3A_187 masked %masked_sort3A_422 {descending = true} : (vector<16xf32>, vector<16xf32>, vector<16xi1>) -> (vector<16xi1>, vector<16xf32>, vector<16xf32>)
        %masked_sort3A_426 = arith.constant dense<true> : vector<16xi1>
        %masked_sort3A_427, %masked_sort3A_428, %masked_sort3A_429 = tpu.sort %get3A_190, %get3A_190 masked %masked_sort3A_426 : (vector<16xf32>, vector<16xf32>, vector<16xi1>) -> (vector<16xi1>, vector<16xf32>, vector<16xf32>)
        %masked_sort3A_430 = arith.constant dense<true> : vector<16xi1>
        %masked_sort3A_431, %masked_sort3A_432, %masked_sort3A_433 = tpu.sort %get3A_193, %get3A_193 masked %masked_sort3A_430 {descending = true} : (vector<16xf32>, vector<16xf32>, vector<16xi1>) -> (vector<16xi1>, vector<16xf32>, vector<16xf32>)
        %masked_sort3A_434 = arith.constant dense<true> : vector<16xi1>
        %masked_sort3A_435, %masked_sort3A_436, %masked_sort3A_437 = tpu.sort %get3A_196, %get3A_196 masked %masked_sort3A_434 : (vector<16xf32>, vector<16xf32>, vector<16xi1>) -> (vector<16xi1>, vector<16xf32>, vector<16xf32>)
        %masked_sort3A_438 = arith.constant dense<true> : vector<16xi1>
        %masked_sort3A_439, %masked_sort3A_440, %masked_sort3A_441 = tpu.sort %get3A_199, %get3A_199 masked %masked_sort3A_438 {descending = true} : (vector<16xf32>, vector<16xf32>, vector<16xi1>) -> (vector<16xi1>, vector<16xf32>, vector<16xf32>)
        %masked_sort3A_442 = arith.constant dense<true> : vector<16xi1>
        %masked_sort3A_443, %masked_sort3A_444, %masked_sort3A_445 = tpu.sort %get3A_202, %get3A_202 masked %masked_sort3A_442 : (vector<16xf32>, vector<16xf32>, vector<16xi1>) -> (vector<16xi1>, vector<16xf32>, vector<16xf32>)
        %masked_sort3A_446 = arith.constant dense<true> : vector<16xi1>
        %masked_sort3A_447, %masked_sort3A_448, %masked_sort3A_449 = tpu.sort %get3A_205, %get3A_205 masked %masked_sort3A_446 {descending = true} : (vector<16xf32>, vector<16xf32>, vector<16xi1>) -> (vector<16xi1>, vector<16xf32>, vector<16xf32>)
        %masked_sort3A_450 = arith.constant dense<true> : vector<16xi1>
        %masked_sort3A_451, %masked_sort3A_452, %masked_sort3A_453 = tpu.sort %get3A_208, %get3A_208 masked %masked_sort3A_450 : (vector<16xf32>, vector<16xf32>, vector<16xi1>) -> (vector<16xi1>, vector<16xf32>, vector<16xf32>)
        %masked_sort3A_454 = arith.constant dense<true> : vector<16xi1>
        %masked_sort3A_455, %masked_sort3A_456, %masked_sort3A_457 = tpu.sort %get3A_211, %get3A_211 masked %masked_sort3A_454 {descending = true} : (vector<16xf32>, vector<16xf32>, vector<16xi1>) -> (vector<16xi1>, vector<16xf32>, vector<16xf32>)
        %masked_sort3A_458 = arith.constant dense<true> : vector<16xi1>
        %masked_sort3A_459, %masked_sort3A_460, %masked_sort3A_461 = tpu.sort %get3A_214, %get3A_214 masked %masked_sort3A_458 : (vector<16xf32>, vector<16xf32>, vector<16xi1>) -> (vector<16xi1>, vector<16xf32>, vector<16xf32>)
        %masked_sort3A_462 = arith.constant dense<true> : vector<16xi1>
        %masked_sort3A_463, %masked_sort3A_464, %masked_sort3A_465 = tpu.sort %get3A_217, %get3A_217 masked %masked_sort3A_462 {descending = true} : (vector<16xf32>, vector<16xf32>, vector<16xi1>) -> (vector<16xi1>, vector<16xf32>, vector<16xf32>)
        %masked_sort3A_466 = arith.constant dense<true> : vector<16xi1>
        %masked_sort3A_467, %masked_sort3A_468, %masked_sort3A_469 = tpu.sort %get3A_220, %get3A_220 masked %masked_sort3A_466 : (vector<16xf32>, vector<16xf32>, vector<16xi1>) -> (vector<16xi1>, vector<16xf32>, vector<16xf32>)
        %masked_sort3A_470 = arith.constant dense<true> : vector<16xi1>
        %masked_sort3A_471, %masked_sort3A_472, %masked_sort3A_473 = tpu.sort %get3A_223, %get3A_223 masked %masked_sort3A_470 {descending = true} : (vector<16xf32>, vector<16xf32>, vector<16xi1>) -> (vector<16xi1>, vector<16xf32>, vector<16xf32>)
        %masked_sort3A_474 = arith.constant dense<true> : vector<16xi1>
        %masked_sort3A_475, %masked_sort3A_476, %masked_sort3A_477 = tpu.sort %get3A_226, %get3A_226 masked %masked_sort3A_474 : (vector<16xf32>, vector<16xf32>, vector<16xi1>) -> (vector<16xi1>, vector<16xf32>, vector<16xf32>)
        %masked_sort3A_478 = arith.constant dense<true> : vector<16xi1>
        %masked_sort3A_479, %masked_sort3A_480, %masked_sort3A_481 = tpu.sort %get3A_229, %get3A_229 masked %masked_sort3A_478 {descending = true} : (vector<16xf32>, vector<16xf32>, vector<16xi1>) -> (vector<16xi1>, vector<16xf32>, vector<16xf32>)
        %masked_sort3A_482 = arith.constant dense<true> : vector<16xi1>
        %masked_sort3A_483, %masked_sort3A_484, %masked_sort3A_485 = tpu.sort %get3A_232, %get3A_232 masked %masked_sort3A_482 : (vector<16xf32>, vector<16xf32>, vector<16xi1>) -> (vector<16xi1>, vector<16xf32>, vector<16xf32>)
        %masked_sort3A_486 = arith.constant dense<true> : vector<16xi1>
        %masked_sort3A_487, %masked_sort3A_488, %masked_sort3A_489 = tpu.sort %get3A_235, %get3A_235 masked %masked_sort3A_486 {descending = true} : (vector<16xf32>, vector<16xf32>, vector<16xi1>) -> (vector<16xi1>, vector<16xf32>, vector<16xf32>)
        %masked_sort3A_490 = arith.constant dense<true> : vector<16xi1>
        %masked_sort3A_491, %masked_sort3A_492, %masked_sort3A_493 = tpu.sort %select_n3A, %select_n3A masked %masked_sort3A_490 : (vector<16xf32>, vector<16xf32>, vector<16xi1>) -> (vector<16xi1>, vector<16xf32>, vector<16xf32>)
        %masked_sort3A_494 = arith.constant dense<true> : vector<16xi1>
        %masked_sort3A_495, %masked_sort3A_496, %masked_sort3A_497 = tpu.sort %broadcast_in_dim3A_242, %broadcast_in_dim3A_242 masked %masked_sort3A_494 {descending = true} : (vector<16xf32>, vector<16xf32>, vector<16xi1>) -> (vector<16xi1>, vector<16xf32>, vector<16xf32>)
        %min3A = arith.minimumf %masked_sort3A_244, %masked_sort3A_248 : vector<16xf32>
        %max3A = arith.maximumf %masked_sort3A_244, %masked_sort3A_248 : vector<16xf32>
        %masked_sort3A_498 = arith.constant dense<true> : vector<16xi1>
        %masked_sort3A_499, %masked_sort3A_500, %masked_sort3A_501 = tpu.sort %min3A, %min3A masked %masked_sort3A_498 : (vector<16xf32>, vector<16xf32>, vector<16xi1>) -> (vector<16xi1>, vector<16xf32>, vector<16xf32>)
        %masked_sort3A_502 = arith.constant dense<true> : vector<16xi1>
        %masked_sort3A_503, %masked_sort3A_504, %masked_sort3A_505 = tpu.sort %max3A, %max3A masked %masked_sort3A_502 : (vector<16xf32>, vector<16xf32>, vector<16xi1>) -> (vector<16xi1>, vector<16xf32>, vector<16xf32>)
        %min3A_506 = arith.minimumf %masked_sort3A_252, %masked_sort3A_256 : vector<16xf32>
        %max3A_507 = arith.maximumf %masked_sort3A_252, %masked_sort3A_256 : vector<16xf32>
        %masked_sort3A_508 = arith.constant dense<true> : vector<16xi1>
        %masked_sort3A_509, %masked_sort3A_510, %masked_sort3A_511 = tpu.sort %max3A_507, %max3A_507 masked %masked_sort3A_508 {descending = true} : (vector<16xf32>, vector<16xf32>, vector<16xi1>) -> (vector<16xi1>, vector<16xf32>, vector<16xf32>)
        %masked_sort3A_512 = arith.constant dense<true> : vector<16xi1>
        %masked_sort3A_513, %masked_sort3A_514, %masked_sort3A_515 = tpu.sort %min3A_506, %min3A_506 masked %masked_sort3A_512 {descending = true} : (vector<16xf32>, vector<16xf32>, vector<16xi1>) -> (vector<16xi1>, vector<16xf32>, vector<16xf32>)
        %min3A_516 = arith.minimumf %masked_sort3A_260, %masked_sort3A_264 : vector<16xf32>
        %max3A_517 = arith.maximumf %masked_sort3A_260, %masked_sort3A_264 : vector<16xf32>
        %masked_sort3A_518 = arith.constant dense<true> : vector<16xi1>
        %masked_sort3A_519, %masked_sort3A_520, %masked_sort3A_521 = tpu.sort %min3A_516, %min3A_516 masked %masked_sort3A_518 : (vector<16xf32>, vector<16xf32>, vector<16xi1>) -> (vector<16xi1>, vector<16xf32>, vector<16xf32>)
        %masked_sort3A_522 = arith.constant dense<true> : vector<16xi1>
        %masked_sort3A_523, %masked_sort3A_524, %masked_sort3A_525 = tpu.sort %max3A_517, %max3A_517 masked %masked_sort3A_522 : (vector<16xf32>, vector<16xf32>, vector<16xi1>) -> (vector<16xi1>, vector<16xf32>, vector<16xf32>)
        %min3A_526 = arith.minimumf %masked_sort3A_268, %masked_sort3A_272 : vector<16xf32>
        %max3A_527 = arith.maximumf %masked_sort3A_268, %masked_sort3A_272 : vector<16xf32>
        %masked_sort3A_528 = arith.constant dense<true> : vector<16xi1>
        %masked_sort3A_529, %masked_sort3A_530, %masked_sort3A_531 = tpu.sort %max3A_527, %max3A_527 masked %masked_sort3A_528 {descending = true} : (vector<16xf32>, vector<16xf32>, vector<16xi1>) -> (vector<16xi1>, vector<16xf32>, vector<16xf32>)
        %masked_sort3A_532 = arith.constant dense<true> : vector<16xi1>
        %masked_sort3A_533, %masked_sort3A_534, %masked_sort3A_535 = tpu.sort %min3A_526, %min3A_526 masked %masked_sort3A_532 {descending = true} : (vector<16xf32>, vector<16xf32>, vector<16xi1>) -> (vector<16xi1>, vector<16xf32>, vector<16xf32>)
        %min3A_536 = arith.minimumf %masked_sort3A_276, %masked_sort3A_280 : vector<16xf32>
        %max3A_537 = arith.maximumf %masked_sort3A_276, %masked_sort3A_280 : vector<16xf32>
        %masked_sort3A_538 = arith.constant dense<true> : vector<16xi1>
        %masked_sort3A_539, %masked_sort3A_540, %masked_sort3A_541 = tpu.sort %min3A_536, %min3A_536 masked %masked_sort3A_538 : (vector<16xf32>, vector<16xf32>, vector<16xi1>) -> (vector<16xi1>, vector<16xf32>, vector<16xf32>)
        %masked_sort3A_542 = arith.constant dense<true> : vector<16xi1>
        %masked_sort3A_543, %masked_sort3A_544, %masked_sort3A_545 = tpu.sort %max3A_537, %max3A_537 masked %masked_sort3A_542 : (vector<16xf32>, vector<16xf32>, vector<16xi1>) -> (vector<16xi1>, vector<16xf32>, vector<16xf32>)
        %min3A_546 = arith.minimumf %masked_sort3A_284, %masked_sort3A_288 : vector<16xf32>
        %max3A_547 = arith.maximumf %masked_sort3A_284, %masked_sort3A_288 : vector<16xf32>
        %masked_sort3A_548 = arith.constant dense<true> : vector<16xi1>
        %masked_sort3A_549, %masked_sort3A_550, %masked_sort3A_551 = tpu.sort %max3A_547, %max3A_547 masked %masked_sort3A_548 {descending = true} : (vector<16xf32>, vector<16xf32>, vector<16xi1>) -> (vector<16xi1>, vector<16xf32>, vector<16xf32>)
        %masked_sort3A_552 = arith.constant dense<true> : vector<16xi1>
        %masked_sort3A_553, %masked_sort3A_554, %masked_sort3A_555 = tpu.sort %min3A_546, %min3A_546 masked %masked_sort3A_552 {descending = true} : (vector<16xf32>, vector<16xf32>, vector<16xi1>) -> (vector<16xi1>, vector<16xf32>, vector<16xf32>)
        %min3A_556 = arith.minimumf %masked_sort3A_292, %masked_sort3A_296 : vector<16xf32>
        %max3A_557 = arith.maximumf %masked_sort3A_292, %masked_sort3A_296 : vector<16xf32>
        %masked_sort3A_558 = arith.constant dense<true> : vector<16xi1>
        %masked_sort3A_559, %masked_sort3A_560, %masked_sort3A_561 = tpu.sort %min3A_556, %min3A_556 masked %masked_sort3A_558 : (vector<16xf32>, vector<16xf32>, vector<16xi1>) -> (vector<16xi1>, vector<16xf32>, vector<16xf32>)
        %masked_sort3A_562 = arith.constant dense<true> : vector<16xi1>
        %masked_sort3A_563, %masked_sort3A_564, %masked_sort3A_565 = tpu.sort %max3A_557, %max3A_557 masked %masked_sort3A_562 : (vector<16xf32>, vector<16xf32>, vector<16xi1>) -> (vector<16xi1>, vector<16xf32>, vector<16xf32>)
        %min3A_566 = arith.minimumf %masked_sort3A_300, %masked_sort3A_304 : vector<16xf32>
        %max3A_567 = arith.maximumf %masked_sort3A_300, %masked_sort3A_304 : vector<16xf32>
        %masked_sort3A_568 = arith.constant dense<true> : vector<16xi1>
        %masked_sort3A_569, %masked_sort3A_570, %masked_sort3A_571 = tpu.sort %max3A_567, %max3A_567 masked %masked_sort3A_568 {descending = true} : (vector<16xf32>, vector<16xf32>, vector<16xi1>) -> (vector<16xi1>, vector<16xf32>, vector<16xf32>)
        %masked_sort3A_572 = arith.constant dense<true> : vector<16xi1>
        %masked_sort3A_573, %masked_sort3A_574, %masked_sort3A_575 = tpu.sort %min3A_566, %min3A_566 masked %masked_sort3A_572 {descending = true} : (vector<16xf32>, vector<16xf32>, vector<16xi1>) -> (vector<16xi1>, vector<16xf32>, vector<16xf32>)
        %min3A_576 = arith.minimumf %masked_sort3A_308, %masked_sort3A_312 : vector<16xf32>
        %max3A_577 = arith.maximumf %masked_sort3A_308, %masked_sort3A_312 : vector<16xf32>
        %masked_sort3A_578 = arith.constant dense<true> : vector<16xi1>
        %masked_sort3A_579, %masked_sort3A_580, %masked_sort3A_581 = tpu.sort %min3A_576, %min3A_576 masked %masked_sort3A_578 : (vector<16xf32>, vector<16xf32>, vector<16xi1>) -> (vector<16xi1>, vector<16xf32>, vector<16xf32>)
        %masked_sort3A_582 = arith.constant dense<true> : vector<16xi1>
        %masked_sort3A_583, %masked_sort3A_584, %masked_sort3A_585 = tpu.sort %max3A_577, %max3A_577 masked %masked_sort3A_582 : (vector<16xf32>, vector<16xf32>, vector<16xi1>) -> (vector<16xi1>, vector<16xf32>, vector<16xf32>)
        %min3A_586 = arith.minimumf %masked_sort3A_316, %masked_sort3A_320 : vector<16xf32>
        %max3A_587 = arith.maximumf %masked_sort3A_316, %masked_sort3A_320 : vector<16xf32>
        %masked_sort3A_588 = arith.constant dense<true> : vector<16xi1>
        %masked_sort3A_589, %masked_sort3A_590, %masked_sort3A_591 = tpu.sort %max3A_587, %max3A_587 masked %masked_sort3A_588 {descending = true} : (vector<16xf32>, vector<16xf32>, vector<16xi1>) -> (vector<16xi1>, vector<16xf32>, vector<16xf32>)
        %masked_sort3A_592 = arith.constant dense<true> : vector<16xi1>
        %masked_sort3A_593, %masked_sort3A_594, %masked_sort3A_595 = tpu.sort %min3A_586, %min3A_586 masked %masked_sort3A_592 {descending = true} : (vector<16xf32>, vector<16xf32>, vector<16xi1>) -> (vector<16xi1>, vector<16xf32>, vector<16xf32>)
        %min3A_596 = arith.minimumf %masked_sort3A_324, %masked_sort3A_328 : vector<16xf32>
        %max3A_597 = arith.maximumf %masked_sort3A_324, %masked_sort3A_328 : vector<16xf32>
        %masked_sort3A_598 = arith.constant dense<true> : vector<16xi1>
        %masked_sort3A_599, %masked_sort3A_600, %masked_sort3A_601 = tpu.sort %min3A_596, %min3A_596 masked %masked_sort3A_598 : (vector<16xf32>, vector<16xf32>, vector<16xi1>) -> (vector<16xi1>, vector<16xf32>, vector<16xf32>)
        %masked_sort3A_602 = arith.constant dense<true> : vector<16xi1>
        %masked_sort3A_603, %masked_sort3A_604, %masked_sort3A_605 = tpu.sort %max3A_597, %max3A_597 masked %masked_sort3A_602 : (vector<16xf32>, vector<16xf32>, vector<16xi1>) -> (vector<16xi1>, vector<16xf32>, vector<16xf32>)
        %min3A_606 = arith.minimumf %masked_sort3A_332, %masked_sort3A_336 : vector<16xf32>
        %max3A_607 = arith.maximumf %masked_sort3A_332, %masked_sort3A_336 : vector<16xf32>
        %masked_sort3A_608 = arith.constant dense<true> : vector<16xi1>
        %masked_sort3A_609, %masked_sort3A_610, %masked_sort3A_611 = tpu.sort %max3A_607, %max3A_607 masked %masked_sort3A_608 {descending = true} : (vector<16xf32>, vector<16xf32>, vector<16xi1>) -> (vector<16xi1>, vector<16xf32>, vector<16xf32>)
        %masked_sort3A_612 = arith.constant dense<true> : vector<16xi1>
        %masked_sort3A_613, %masked_sort3A_614, %masked_sort3A_615 = tpu.sort %min3A_606, %min3A_606 masked %masked_sort3A_612 {descending = true} : (vector<16xf32>, vector<16xf32>, vector<16xi1>) -> (vector<16xi1>, vector<16xf32>, vector<16xf32>)
        %min3A_616 = arith.minimumf %masked_sort3A_340, %masked_sort3A_344 : vector<16xf32>
        %max3A_617 = arith.maximumf %masked_sort3A_340, %masked_sort3A_344 : vector<16xf32>
        %masked_sort3A_618 = arith.constant dense<true> : vector<16xi1>
        %masked_sort3A_619, %masked_sort3A_620, %masked_sort3A_621 = tpu.sort %min3A_616, %min3A_616 masked %masked_sort3A_618 : (vector<16xf32>, vector<16xf32>, vector<16xi1>) -> (vector<16xi1>, vector<16xf32>, vector<16xf32>)
        %masked_sort3A_622 = arith.constant dense<true> : vector<16xi1>
        %masked_sort3A_623, %masked_sort3A_624, %masked_sort3A_625 = tpu.sort %max3A_617, %max3A_617 masked %masked_sort3A_622 : (vector<16xf32>, vector<16xf32>, vector<16xi1>) -> (vector<16xi1>, vector<16xf32>, vector<16xf32>)
        %min3A_626 = arith.minimumf %masked_sort3A_348, %masked_sort3A_352 : vector<16xf32>
        %max3A_627 = arith.maximumf %masked_sort3A_348, %masked_sort3A_352 : vector<16xf32>
        %masked_sort3A_628 = arith.constant dense<true> : vector<16xi1>
        %masked_sort3A_629, %masked_sort3A_630, %masked_sort3A_631 = tpu.sort %max3A_627, %max3A_627 masked %masked_sort3A_628 {descending = true} : (vector<16xf32>, vector<16xf32>, vector<16xi1>) -> (vector<16xi1>, vector<16xf32>, vector<16xf32>)
        %masked_sort3A_632 = arith.constant dense<true> : vector<16xi1>
        %masked_sort3A_633, %masked_sort3A_634, %masked_sort3A_635 = tpu.sort %min3A_626, %min3A_626 masked %masked_sort3A_632 {descending = true} : (vector<16xf32>, vector<16xf32>, vector<16xi1>) -> (vector<16xi1>, vector<16xf32>, vector<16xf32>)
        %min3A_636 = arith.minimumf %masked_sort3A_356, %masked_sort3A_360 : vector<16xf32>
        %max3A_637 = arith.maximumf %masked_sort3A_356, %masked_sort3A_360 : vector<16xf32>
        %masked_sort3A_638 = arith.constant dense<true> : vector<16xi1>
        %masked_sort3A_639, %masked_sort3A_640, %masked_sort3A_641 = tpu.sort %min3A_636, %min3A_636 masked %masked_sort3A_638 : (vector<16xf32>, vector<16xf32>, vector<16xi1>) -> (vector<16xi1>, vector<16xf32>, vector<16xf32>)
        %masked_sort3A_642 = arith.constant dense<true> : vector<16xi1>
        %masked_sort3A_643, %masked_sort3A_644, %masked_sort3A_645 = tpu.sort %max3A_637, %max3A_637 masked %masked_sort3A_642 : (vector<16xf32>, vector<16xf32>, vector<16xi1>) -> (vector<16xi1>, vector<16xf32>, vector<16xf32>)
        %min3A_646 = arith.minimumf %masked_sort3A_364, %masked_sort3A_368 : vector<16xf32>
        %max3A_647 = arith.maximumf %masked_sort3A_364, %masked_sort3A_368 : vector<16xf32>
        %masked_sort3A_648 = arith.constant dense<true> : vector<16xi1>
        %masked_sort3A_649, %masked_sort3A_650, %masked_sort3A_651 = tpu.sort %max3A_647, %max3A_647 masked %masked_sort3A_648 {descending = true} : (vector<16xf32>, vector<16xf32>, vector<16xi1>) -> (vector<16xi1>, vector<16xf32>, vector<16xf32>)
        %masked_sort3A_652 = arith.constant dense<true> : vector<16xi1>
        %masked_sort3A_653, %masked_sort3A_654, %masked_sort3A_655 = tpu.sort %min3A_646, %min3A_646 masked %masked_sort3A_652 {descending = true} : (vector<16xf32>, vector<16xf32>, vector<16xi1>) -> (vector<16xi1>, vector<16xf32>, vector<16xf32>)
        %min3A_656 = arith.minimumf %masked_sort3A_372, %masked_sort3A_376 : vector<16xf32>
        %max3A_657 = arith.maximumf %masked_sort3A_372, %masked_sort3A_376 : vector<16xf32>
        %masked_sort3A_658 = arith.constant dense<true> : vector<16xi1>
        %masked_sort3A_659, %masked_sort3A_660, %masked_sort3A_661 = tpu.sort %min3A_656, %min3A_656 masked %masked_sort3A_658 : (vector<16xf32>, vector<16xf32>, vector<16xi1>) -> (vector<16xi1>, vector<16xf32>, vector<16xf32>)
        %masked_sort3A_662 = arith.constant dense<true> : vector<16xi1>
        %masked_sort3A_663, %masked_sort3A_664, %masked_sort3A_665 = tpu.sort %max3A_657, %max3A_657 masked %masked_sort3A_662 : (vector<16xf32>, vector<16xf32>, vector<16xi1>) -> (vector<16xi1>, vector<16xf32>, vector<16xf32>)
        %min3A_666 = arith.minimumf %masked_sort3A_380, %masked_sort3A_384 : vector<16xf32>
        %max3A_667 = arith.maximumf %masked_sort3A_380, %masked_sort3A_384 : vector<16xf32>
        %masked_sort3A_668 = arith.constant dense<true> : vector<16xi1>
        %masked_sort3A_669, %masked_sort3A_670, %masked_sort3A_671 = tpu.sort %max3A_667, %max3A_667 masked %masked_sort3A_668 {descending = true} : (vector<16xf32>, vector<16xf32>, vector<16xi1>) -> (vector<16xi1>, vector<16xf32>, vector<16xf32>)
        %masked_sort3A_672 = arith.constant dense<true> : vector<16xi1>
        %masked_sort3A_673, %masked_sort3A_674, %masked_sort3A_675 = tpu.sort %min3A_666, %min3A_666 masked %masked_sort3A_672 {descending = true} : (vector<16xf32>, vector<16xf32>, vector<16xi1>) -> (vector<16xi1>, vector<16xf32>, vector<16xf32>)
        %min3A_676 = arith.minimumf %masked_sort3A_388, %masked_sort3A_392 : vector<16xf32>
        %max3A_677 = arith.maximumf %masked_sort3A_388, %masked_sort3A_392 : vector<16xf32>
        %masked_sort3A_678 = arith.constant dense<true> : vector<16xi1>
        %masked_sort3A_679, %masked_sort3A_680, %masked_sort3A_681 = tpu.sort %min3A_676, %min3A_676 masked %masked_sort3A_678 : (vector<16xf32>, vector<16xf32>, vector<16xi1>) -> (vector<16xi1>, vector<16xf32>, vector<16xf32>)
        %masked_sort3A_682 = arith.constant dense<true> : vector<16xi1>
        %masked_sort3A_683, %masked_sort3A_684, %masked_sort3A_685 = tpu.sort %max3A_677, %max3A_677 masked %masked_sort3A_682 : (vector<16xf32>, vector<16xf32>, vector<16xi1>) -> (vector<16xi1>, vector<16xf32>, vector<16xf32>)
        %min3A_686 = arith.minimumf %masked_sort3A_396, %masked_sort3A_400 : vector<16xf32>
        %max3A_687 = arith.maximumf %masked_sort3A_396, %masked_sort3A_400 : vector<16xf32>
        %masked_sort3A_688 = arith.constant dense<true> : vector<16xi1>
        %masked_sort3A_689, %masked_sort3A_690, %masked_sort3A_691 = tpu.sort %max3A_687, %max3A_687 masked %masked_sort3A_688 {descending = true} : (vector<16xf32>, vector<16xf32>, vector<16xi1>) -> (vector<16xi1>, vector<16xf32>, vector<16xf32>)
        %masked_sort3A_692 = arith.constant dense<true> : vector<16xi1>
        %masked_sort3A_693, %masked_sort3A_694, %masked_sort3A_695 = tpu.sort %min3A_686, %min3A_686 masked %masked_sort3A_692 {descending = true} : (vector<16xf32>, vector<16xf32>, vector<16xi1>) -> (vector<16xi1>, vector<16xf32>, vector<16xf32>)
        %min3A_696 = arith.minimumf %masked_sort3A_404, %masked_sort3A_408 : vector<16xf32>
        %max3A_697 = arith.maximumf %masked_sort3A_404, %masked_sort3A_408 : vector<16xf32>
        %masked_sort3A_698 = arith.constant dense<true> : vector<16xi1>
        %masked_sort3A_699, %masked_sort3A_700, %masked_sort3A_701 = tpu.sort %min3A_696, %min3A_696 masked %masked_sort3A_698 : (vector<16xf32>, vector<16xf32>, vector<16xi1>) -> (vector<16xi1>, vector<16xf32>, vector<16xf32>)
        %masked_sort3A_702 = arith.constant dense<true> : vector<16xi1>
        %masked_sort3A_703, %masked_sort3A_704, %masked_sort3A_705 = tpu.sort %max3A_697, %max3A_697 masked %masked_sort3A_702 : (vector<16xf32>, vector<16xf32>, vector<16xi1>) -> (vector<16xi1>, vector<16xf32>, vector<16xf32>)
        %min3A_706 = arith.minimumf %masked_sort3A_412, %masked_sort3A_416 : vector<16xf32>
        %max3A_707 = arith.maximumf %masked_sort3A_412, %masked_sort3A_416 : vector<16xf32>
        %masked_sort3A_708 = arith.constant dense<true> : vector<16xi1>
        %masked_sort3A_709, %masked_sort3A_710, %masked_sort3A_711 = tpu.sort %max3A_707, %max3A_707 masked %masked_sort3A_708 {descending = true} : (vector<16xf32>, vector<16xf32>, vector<16xi1>) -> (vector<16xi1>, vector<16xf32>, vector<16xf32>)
        %masked_sort3A_712 = arith.constant dense<true> : vector<16xi1>
        %masked_sort3A_713, %masked_sort3A_714, %masked_sort3A_715 = tpu.sort %min3A_706, %min3A_706 masked %masked_sort3A_712 {descending = true} : (vector<16xf32>, vector<16xf32>, vector<16xi1>) -> (vector<16xi1>, vector<16xf32>, vector<16xf32>)
        %min3A_716 = arith.minimumf %masked_sort3A_420, %masked_sort3A_424 : vector<16xf32>
        %max3A_717 = arith.maximumf %masked_sort3A_420, %masked_sort3A_424 : vector<16xf32>
        %masked_sort3A_718 = arith.constant dense<true> : vector<16xi1>
        %masked_sort3A_719, %masked_sort3A_720, %masked_sort3A_721 = tpu.sort %min3A_716, %min3A_716 masked %masked_sort3A_718 : (vector<16xf32>, vector<16xf32>, vector<16xi1>) -> (vector<16xi1>, vector<16xf32>, vector<16xf32>)
        %masked_sort3A_722 = arith.constant dense<true> : vector<16xi1>
        %masked_sort3A_723, %masked_sort3A_724, %masked_sort3A_725 = tpu.sort %max3A_717, %max3A_717 masked %masked_sort3A_722 : (vector<16xf32>, vector<16xf32>, vector<16xi1>) -> (vector<16xi1>, vector<16xf32>, vector<16xf32>)
        %min3A_726 = arith.minimumf %masked_sort3A_428, %masked_sort3A_432 : vector<16xf32>
        %max3A_727 = arith.maximumf %masked_sort3A_428, %masked_sort3A_432 : vector<16xf32>
        %masked_sort3A_728 = arith.constant dense<true> : vector<16xi1>
        %masked_sort3A_729, %masked_sort3A_730, %masked_sort3A_731 = tpu.sort %max3A_727, %max3A_727 masked %masked_sort3A_728 {descending = true} : (vector<16xf32>, vector<16xf32>, vector<16xi1>) -> (vector<16xi1>, vector<16xf32>, vector<16xf32>)
        %masked_sort3A_732 = arith.constant dense<true> : vector<16xi1>
        %masked_sort3A_733, %masked_sort3A_734, %masked_sort3A_735 = tpu.sort %min3A_726, %min3A_726 masked %masked_sort3A_732 {descending = true} : (vector<16xf32>, vector<16xf32>, vector<16xi1>) -> (vector<16xi1>, vector<16xf32>, vector<16xf32>)
        %min3A_736 = arith.minimumf %masked_sort3A_436, %masked_sort3A_440 : vector<16xf32>
        %max3A_737 = arith.maximumf %masked_sort3A_436, %masked_sort3A_440 : vector<16xf32>
        %masked_sort3A_738 = arith.constant dense<true> : vector<16xi1>
        %masked_sort3A_739, %masked_sort3A_740, %masked_sort3A_741 = tpu.sort %min3A_736, %min3A_736 masked %masked_sort3A_738 : (vector<16xf32>, vector<16xf32>, vector<16xi1>) -> (vector<16xi1>, vector<16xf32>, vector<16xf32>)
        %masked_sort3A_742 = arith.constant dense<true> : vector<16xi1>
        %masked_sort3A_743, %masked_sort3A_744, %masked_sort3A_745 = tpu.sort %max3A_737, %max3A_737 masked %masked_sort3A_742 : (vector<16xf32>, vector<16xf32>, vector<16xi1>) -> (vector<16xi1>, vector<16xf32>, vector<16xf32>)
        %min3A_746 = arith.minimumf %masked_sort3A_444, %masked_sort3A_448 : vector<16xf32>
        %max3A_747 = arith.maximumf %masked_sort3A_444, %masked_sort3A_448 : vector<16xf32>
        %masked_sort3A_748 = arith.constant dense<true> : vector<16xi1>
        %masked_sort3A_749, %masked_sort3A_750, %masked_sort3A_751 = tpu.sort %max3A_747, %max3A_747 masked %masked_sort3A_748 {descending = true} : (vector<16xf32>, vector<16xf32>, vector<16xi1>) -> (vector<16xi1>, vector<16xf32>, vector<16xf32>)
        %masked_sort3A_752 = arith.constant dense<true> : vector<16xi1>
        %masked_sort3A_753, %masked_sort3A_754, %masked_sort3A_755 = tpu.sort %min3A_746, %min3A_746 masked %masked_sort3A_752 {descending = true} : (vector<16xf32>, vector<16xf32>, vector<16xi1>) -> (vector<16xi1>, vector<16xf32>, vector<16xf32>)
        %min3A_756 = arith.minimumf %masked_sort3A_452, %masked_sort3A_456 : vector<16xf32>
        %max3A_757 = arith.maximumf %masked_sort3A_452, %masked_sort3A_456 : vector<16xf32>
        %masked_sort3A_758 = arith.constant dense<true> : vector<16xi1>
        %masked_sort3A_759, %masked_sort3A_760, %masked_sort3A_761 = tpu.sort %min3A_756, %min3A_756 masked %masked_sort3A_758 : (vector<16xf32>, vector<16xf32>, vector<16xi1>) -> (vector<16xi1>, vector<16xf32>, vector<16xf32>)
        %masked_sort3A_762 = arith.constant dense<true> : vector<16xi1>
        %masked_sort3A_763, %masked_sort3A_764, %masked_sort3A_765 = tpu.sort %max3A_757, %max3A_757 masked %masked_sort3A_762 : (vector<16xf32>, vector<16xf32>, vector<16xi1>) -> (vector<16xi1>, vector<16xf32>, vector<16xf32>)
        %min3A_766 = arith.minimumf %masked_sort3A_460, %masked_sort3A_464 : vector<16xf32>
        %max3A_767 = arith.maximumf %masked_sort3A_460, %masked_sort3A_464 : vector<16xf32>
        %masked_sort3A_768 = arith.constant dense<true> : vector<16xi1>
        %masked_sort3A_769, %masked_sort3A_770, %masked_sort3A_771 = tpu.sort %max3A_767, %max3A_767 masked %masked_sort3A_768 {descending = true} : (vector<16xf32>, vector<16xf32>, vector<16xi1>) -> (vector<16xi1>, vector<16xf32>, vector<16xf32>)
        %masked_sort3A_772 = arith.constant dense<true> : vector<16xi1>
        %masked_sort3A_773, %masked_sort3A_774, %masked_sort3A_775 = tpu.sort %min3A_766, %min3A_766 masked %masked_sort3A_772 {descending = true} : (vector<16xf32>, vector<16xf32>, vector<16xi1>) -> (vector<16xi1>, vector<16xf32>, vector<16xf32>)
        %min3A_776 = arith.minimumf %masked_sort3A_468, %masked_sort3A_472 : vector<16xf32>
        %max3A_777 = arith.maximumf %masked_sort3A_468, %masked_sort3A_472 : vector<16xf32>
        %masked_sort3A_778 = arith.constant dense<true> : vector<16xi1>
        %masked_sort3A_779, %masked_sort3A_780, %masked_sort3A_781 = tpu.sort %min3A_776, %min3A_776 masked %masked_sort3A_778 : (vector<16xf32>, vector<16xf32>, vector<16xi1>) -> (vector<16xi1>, vector<16xf32>, vector<16xf32>)
        %masked_sort3A_782 = arith.constant dense<true> : vector<16xi1>
        %masked_sort3A_783, %masked_sort3A_784, %masked_sort3A_785 = tpu.sort %max3A_777, %max3A_777 masked %masked_sort3A_782 : (vector<16xf32>, vector<16xf32>, vector<16xi1>) -> (vector<16xi1>, vector<16xf32>, vector<16xf32>)
        %min3A_786 = arith.minimumf %masked_sort3A_476, %masked_sort3A_480 : vector<16xf32>
        %max3A_787 = arith.maximumf %masked_sort3A_476, %masked_sort3A_480 : vector<16xf32>
        %masked_sort3A_788 = arith.constant dense<true> : vector<16xi1>
        %masked_sort3A_789, %masked_sort3A_790, %masked_sort3A_791 = tpu.sort %max3A_787, %max3A_787 masked %masked_sort3A_788 {descending = true} : (vector<16xf32>, vector<16xf32>, vector<16xi1>) -> (vector<16xi1>, vector<16xf32>, vector<16xf32>)
        %masked_sort3A_792 = arith.constant dense<true> : vector<16xi1>
        %masked_sort3A_793, %masked_sort3A_794, %masked_sort3A_795 = tpu.sort %min3A_786, %min3A_786 masked %masked_sort3A_792 {descending = true} : (vector<16xf32>, vector<16xf32>, vector<16xi1>) -> (vector<16xi1>, vector<16xf32>, vector<16xf32>)
        %min3A_796 = arith.minimumf %masked_sort3A_484, %masked_sort3A_488 : vector<16xf32>
        %max3A_797 = arith.maximumf %masked_sort3A_484, %masked_sort3A_488 : vector<16xf32>
        %masked_sort3A_798 = arith.constant dense<true> : vector<16xi1>
        %masked_sort3A_799, %masked_sort3A_800, %masked_sort3A_801 = tpu.sort %min3A_796, %min3A_796 masked %masked_sort3A_798 : (vector<16xf32>, vector<16xf32>, vector<16xi1>) -> (vector<16xi1>, vector<16xf32>, vector<16xf32>)
        %masked_sort3A_802 = arith.constant dense<true> : vector<16xi1>
        %masked_sort3A_803, %masked_sort3A_804, %masked_sort3A_805 = tpu.sort %max3A_797, %max3A_797 masked %masked_sort3A_802 : (vector<16xf32>, vector<16xf32>, vector<16xi1>) -> (vector<16xi1>, vector<16xf32>, vector<16xf32>)
        %min3A_806 = arith.minimumf %masked_sort3A_492, %masked_sort3A_496 : vector<16xf32>
        %max3A_807 = arith.maximumf %masked_sort3A_492, %masked_sort3A_496 : vector<16xf32>
        %masked_sort3A_808 = arith.constant dense<true> : vector<16xi1>
        %masked_sort3A_809, %masked_sort3A_810, %masked_sort3A_811 = tpu.sort %max3A_807, %max3A_807 masked %masked_sort3A_808 {descending = true} : (vector<16xf32>, vector<16xf32>, vector<16xi1>) -> (vector<16xi1>, vector<16xf32>, vector<16xf32>)
        %masked_sort3A_812 = arith.constant dense<true> : vector<16xi1>
        %masked_sort3A_813, %masked_sort3A_814, %masked_sort3A_815 = tpu.sort %min3A_806, %min3A_806 masked %masked_sort3A_812 {descending = true} : (vector<16xf32>, vector<16xf32>, vector<16xi1>) -> (vector<16xi1>, vector<16xf32>, vector<16xf32>)
        %min3A_816 = arith.minimumf %masked_sort3A_500, %masked_sort3A_510 : vector<16xf32>
        %min3A_817 = arith.minimumf %masked_sort3A_504, %masked_sort3A_514 : vector<16xf32>
        %max3A_818 = arith.maximumf %masked_sort3A_500, %masked_sort3A_510 : vector<16xf32>
        %max3A_819 = arith.maximumf %masked_sort3A_504, %masked_sort3A_514 : vector<16xf32>
        %min3A_820 = arith.minimumf %min3A_816, %min3A_817 : vector<16xf32>
        %max3A_821 = arith.maximumf %min3A_816, %min3A_817 : vector<16xf32>
        %masked_sort3A_822 = arith.constant dense<true> : vector<16xi1>
        %masked_sort3A_823, %masked_sort3A_824, %masked_sort3A_825 = tpu.sort %min3A_820, %min3A_820 masked %masked_sort3A_822 : (vector<16xf32>, vector<16xf32>, vector<16xi1>) -> (vector<16xi1>, vector<16xf32>, vector<16xf32>)
        %masked_sort3A_826 = arith.constant dense<true> : vector<16xi1>
        %masked_sort3A_827, %masked_sort3A_828, %masked_sort3A_829 = tpu.sort %max3A_821, %max3A_821 masked %masked_sort3A_826 : (vector<16xf32>, vector<16xf32>, vector<16xi1>) -> (vector<16xi1>, vector<16xf32>, vector<16xf32>)
        %min3A_830 = arith.minimumf %max3A_818, %max3A_819 : vector<16xf32>
        %max3A_831 = arith.maximumf %max3A_818, %max3A_819 : vector<16xf32>
        %masked_sort3A_832 = arith.constant dense<true> : vector<16xi1>
        %masked_sort3A_833, %masked_sort3A_834, %masked_sort3A_835 = tpu.sort %min3A_830, %min3A_830 masked %masked_sort3A_832 : (vector<16xf32>, vector<16xf32>, vector<16xi1>) -> (vector<16xi1>, vector<16xf32>, vector<16xf32>)
        %masked_sort3A_836 = arith.constant dense<true> : vector<16xi1>
        %masked_sort3A_837, %masked_sort3A_838, %masked_sort3A_839 = tpu.sort %max3A_831, %max3A_831 masked %masked_sort3A_836 : (vector<16xf32>, vector<16xf32>, vector<16xi1>) -> (vector<16xi1>, vector<16xf32>, vector<16xf32>)
        %min3A_840 = arith.minimumf %masked_sort3A_520, %masked_sort3A_530 : vector<16xf32>
        %min3A_841 = arith.minimumf %masked_sort3A_524, %masked_sort3A_534 : vector<16xf32>
        %max3A_842 = arith.maximumf %masked_sort3A_520, %masked_sort3A_530 : vector<16xf32>
        %max3A_843 = arith.maximumf %masked_sort3A_524, %masked_sort3A_534 : vector<16xf32>
        %max3A_844 = arith.maximumf %max3A_842, %max3A_843 : vector<16xf32>
        %min3A_845 = arith.minimumf %max3A_842, %max3A_843 : vector<16xf32>
        %masked_sort3A_846 = arith.constant dense<true> : vector<16xi1>
        %masked_sort3A_847, %masked_sort3A_848, %masked_sort3A_849 = tpu.sort %max3A_844, %max3A_844 masked %masked_sort3A_846 {descending = true} : (vector<16xf32>, vector<16xf32>, vector<16xi1>) -> (vector<16xi1>, vector<16xf32>, vector<16xf32>)
        %masked_sort3A_850 = arith.constant dense<true> : vector<16xi1>
        %masked_sort3A_851, %masked_sort3A_852, %masked_sort3A_853 = tpu.sort %min3A_845, %min3A_845 masked %masked_sort3A_850 {descending = true} : (vector<16xf32>, vector<16xf32>, vector<16xi1>) -> (vector<16xi1>, vector<16xf32>, vector<16xf32>)
        %max3A_854 = arith.maximumf %min3A_840, %min3A_841 : vector<16xf32>
        %min3A_855 = arith.minimumf %min3A_840, %min3A_841 : vector<16xf32>
        %masked_sort3A_856 = arith.constant dense<true> : vector<16xi1>
        %masked_sort3A_857, %masked_sort3A_858, %masked_sort3A_859 = tpu.sort %max3A_854, %max3A_854 masked %masked_sort3A_856 {descending = true} : (vector<16xf32>, vector<16xf32>, vector<16xi1>) -> (vector<16xi1>, vector<16xf32>, vector<16xf32>)
        %masked_sort3A_860 = arith.constant dense<true> : vector<16xi1>
        %masked_sort3A_861, %masked_sort3A_862, %masked_sort3A_863 = tpu.sort %min3A_855, %min3A_855 masked %masked_sort3A_860 {descending = true} : (vector<16xf32>, vector<16xf32>, vector<16xi1>) -> (vector<16xi1>, vector<16xf32>, vector<16xf32>)
        %min3A_864 = arith.minimumf %masked_sort3A_540, %masked_sort3A_550 : vector<16xf32>
        %min3A_865 = arith.minimumf %masked_sort3A_544, %masked_sort3A_554 : vector<16xf32>
        %max3A_866 = arith.maximumf %masked_sort3A_540, %masked_sort3A_550 : vector<16xf32>
        %max3A_867 = arith.maximumf %masked_sort3A_544, %masked_sort3A_554 : vector<16xf32>
        %min3A_868 = arith.minimumf %min3A_864, %min3A_865 : vector<16xf32>
        %max3A_869 = arith.maximumf %min3A_864, %min3A_865 : vector<16xf32>
        %masked_sort3A_870 = arith.constant dense<true> : vector<16xi1>
        %masked_sort3A_871, %masked_sort3A_872, %masked_sort3A_873 = tpu.sort %min3A_868, %min3A_868 masked %masked_sort3A_870 : (vector<16xf32>, vector<16xf32>, vector<16xi1>) -> (vector<16xi1>, vector<16xf32>, vector<16xf32>)
        %masked_sort3A_874 = arith.constant dense<true> : vector<16xi1>
        %masked_sort3A_875, %masked_sort3A_876, %masked_sort3A_877 = tpu.sort %max3A_869, %max3A_869 masked %masked_sort3A_874 : (vector<16xf32>, vector<16xf32>, vector<16xi1>) -> (vector<16xi1>, vector<16xf32>, vector<16xf32>)
        %min3A_878 = arith.minimumf %max3A_866, %max3A_867 : vector<16xf32>
        %max3A_879 = arith.maximumf %max3A_866, %max3A_867 : vector<16xf32>
        %masked_sort3A_880 = arith.constant dense<true> : vector<16xi1>
        %masked_sort3A_881, %masked_sort3A_882, %masked_sort3A_883 = tpu.sort %min3A_878, %min3A_878 masked %masked_sort3A_880 : (vector<16xf32>, vector<16xf32>, vector<16xi1>) -> (vector<16xi1>, vector<16xf32>, vector<16xf32>)
        %masked_sort3A_884 = arith.constant dense<true> : vector<16xi1>
        %masked_sort3A_885, %masked_sort3A_886, %masked_sort3A_887 = tpu.sort %max3A_879, %max3A_879 masked %masked_sort3A_884 : (vector<16xf32>, vector<16xf32>, vector<16xi1>) -> (vector<16xi1>, vector<16xf32>, vector<16xf32>)
        %min3A_888 = arith.minimumf %masked_sort3A_560, %masked_sort3A_570 : vector<16xf32>
        %min3A_889 = arith.minimumf %masked_sort3A_564, %masked_sort3A_574 : vector<16xf32>
        %max3A_890 = arith.maximumf %masked_sort3A_560, %masked_sort3A_570 : vector<16xf32>
        %max3A_891 = arith.maximumf %masked_sort3A_564, %masked_sort3A_574 : vector<16xf32>
        %max3A_892 = arith.maximumf %max3A_890, %max3A_891 : vector<16xf32>
        %min3A_893 = arith.minimumf %max3A_890, %max3A_891 : vector<16xf32>
        %masked_sort3A_894 = arith.constant dense<true> : vector<16xi1>
        %masked_sort3A_895, %masked_sort3A_896, %masked_sort3A_897 = tpu.sort %max3A_892, %max3A_892 masked %masked_sort3A_894 {descending = true} : (vector<16xf32>, vector<16xf32>, vector<16xi1>) -> (vector<16xi1>, vector<16xf32>, vector<16xf32>)
        %masked_sort3A_898 = arith.constant dense<true> : vector<16xi1>
        %masked_sort3A_899, %masked_sort3A_900, %masked_sort3A_901 = tpu.sort %min3A_893, %min3A_893 masked %masked_sort3A_898 {descending = true} : (vector<16xf32>, vector<16xf32>, vector<16xi1>) -> (vector<16xi1>, vector<16xf32>, vector<16xf32>)
        %max3A_902 = arith.maximumf %min3A_888, %min3A_889 : vector<16xf32>
        %min3A_903 = arith.minimumf %min3A_888, %min3A_889 : vector<16xf32>
        %masked_sort3A_904 = arith.constant dense<true> : vector<16xi1>
        %masked_sort3A_905, %masked_sort3A_906, %masked_sort3A_907 = tpu.sort %max3A_902, %max3A_902 masked %masked_sort3A_904 {descending = true} : (vector<16xf32>, vector<16xf32>, vector<16xi1>) -> (vector<16xi1>, vector<16xf32>, vector<16xf32>)
        %masked_sort3A_908 = arith.constant dense<true> : vector<16xi1>
        %masked_sort3A_909, %masked_sort3A_910, %masked_sort3A_911 = tpu.sort %min3A_903, %min3A_903 masked %masked_sort3A_908 {descending = true} : (vector<16xf32>, vector<16xf32>, vector<16xi1>) -> (vector<16xi1>, vector<16xf32>, vector<16xf32>)
        %min3A_912 = arith.minimumf %masked_sort3A_580, %masked_sort3A_590 : vector<16xf32>
        %min3A_913 = arith.minimumf %masked_sort3A_584, %masked_sort3A_594 : vector<16xf32>
        %max3A_914 = arith.maximumf %masked_sort3A_580, %masked_sort3A_590 : vector<16xf32>
        %max3A_915 = arith.maximumf %masked_sort3A_584, %masked_sort3A_594 : vector<16xf32>
        %min3A_916 = arith.minimumf %min3A_912, %min3A_913 : vector<16xf32>
        %max3A_917 = arith.maximumf %min3A_912, %min3A_913 : vector<16xf32>
        %masked_sort3A_918 = arith.constant dense<true> : vector<16xi1>
        %masked_sort3A_919, %masked_sort3A_920, %masked_sort3A_921 = tpu.sort %min3A_916, %min3A_916 masked %masked_sort3A_918 : (vector<16xf32>, vector<16xf32>, vector<16xi1>) -> (vector<16xi1>, vector<16xf32>, vector<16xf32>)
        %masked_sort3A_922 = arith.constant dense<true> : vector<16xi1>
        %masked_sort3A_923, %masked_sort3A_924, %masked_sort3A_925 = tpu.sort %max3A_917, %max3A_917 masked %masked_sort3A_922 : (vector<16xf32>, vector<16xf32>, vector<16xi1>) -> (vector<16xi1>, vector<16xf32>, vector<16xf32>)
        %min3A_926 = arith.minimumf %max3A_914, %max3A_915 : vector<16xf32>
        %max3A_927 = arith.maximumf %max3A_914, %max3A_915 : vector<16xf32>
        %masked_sort3A_928 = arith.constant dense<true> : vector<16xi1>
        %masked_sort3A_929, %masked_sort3A_930, %masked_sort3A_931 = tpu.sort %min3A_926, %min3A_926 masked %masked_sort3A_928 : (vector<16xf32>, vector<16xf32>, vector<16xi1>) -> (vector<16xi1>, vector<16xf32>, vector<16xf32>)
        %masked_sort3A_932 = arith.constant dense<true> : vector<16xi1>
        %masked_sort3A_933, %masked_sort3A_934, %masked_sort3A_935 = tpu.sort %max3A_927, %max3A_927 masked %masked_sort3A_932 : (vector<16xf32>, vector<16xf32>, vector<16xi1>) -> (vector<16xi1>, vector<16xf32>, vector<16xf32>)
        %min3A_936 = arith.minimumf %masked_sort3A_600, %masked_sort3A_610 : vector<16xf32>
        %min3A_937 = arith.minimumf %masked_sort3A_604, %masked_sort3A_614 : vector<16xf32>
        %max3A_938 = arith.maximumf %masked_sort3A_600, %masked_sort3A_610 : vector<16xf32>
        %max3A_939 = arith.maximumf %masked_sort3A_604, %masked_sort3A_614 : vector<16xf32>
        %max3A_940 = arith.maximumf %max3A_938, %max3A_939 : vector<16xf32>
        %min3A_941 = arith.minimumf %max3A_938, %max3A_939 : vector<16xf32>
        %masked_sort3A_942 = arith.constant dense<true> : vector<16xi1>
        %masked_sort3A_943, %masked_sort3A_944, %masked_sort3A_945 = tpu.sort %max3A_940, %max3A_940 masked %masked_sort3A_942 {descending = true} : (vector<16xf32>, vector<16xf32>, vector<16xi1>) -> (vector<16xi1>, vector<16xf32>, vector<16xf32>)
        %masked_sort3A_946 = arith.constant dense<true> : vector<16xi1>
        %masked_sort3A_947, %masked_sort3A_948, %masked_sort3A_949 = tpu.sort %min3A_941, %min3A_941 masked %masked_sort3A_946 {descending = true} : (vector<16xf32>, vector<16xf32>, vector<16xi1>) -> (vector<16xi1>, vector<16xf32>, vector<16xf32>)
        %max3A_950 = arith.maximumf %min3A_936, %min3A_937 : vector<16xf32>
        %min3A_951 = arith.minimumf %min3A_936, %min3A_937 : vector<16xf32>
        %masked_sort3A_952 = arith.constant dense<true> : vector<16xi1>
        %masked_sort3A_953, %masked_sort3A_954, %masked_sort3A_955 = tpu.sort %max3A_950, %max3A_950 masked %masked_sort3A_952 {descending = true} : (vector<16xf32>, vector<16xf32>, vector<16xi1>) -> (vector<16xi1>, vector<16xf32>, vector<16xf32>)
        %masked_sort3A_956 = arith.constant dense<true> : vector<16xi1>
        %masked_sort3A_957, %masked_sort3A_958, %masked_sort3A_959 = tpu.sort %min3A_951, %min3A_951 masked %masked_sort3A_956 {descending = true} : (vector<16xf32>, vector<16xf32>, vector<16xi1>) -> (vector<16xi1>, vector<16xf32>, vector<16xf32>)
        %min3A_960 = arith.minimumf %masked_sort3A_620, %masked_sort3A_630 : vector<16xf32>
        %min3A_961 = arith.minimumf %masked_sort3A_624, %masked_sort3A_634 : vector<16xf32>
        %max3A_962 = arith.maximumf %masked_sort3A_620, %masked_sort3A_630 : vector<16xf32>
        %max3A_963 = arith.maximumf %masked_sort3A_624, %masked_sort3A_634 : vector<16xf32>
        %min3A_964 = arith.minimumf %min3A_960, %min3A_961 : vector<16xf32>
        %max3A_965 = arith.maximumf %min3A_960, %min3A_961 : vector<16xf32>
        %masked_sort3A_966 = arith.constant dense<true> : vector<16xi1>
        %masked_sort3A_967, %masked_sort3A_968, %masked_sort3A_969 = tpu.sort %min3A_964, %min3A_964 masked %masked_sort3A_966 : (vector<16xf32>, vector<16xf32>, vector<16xi1>) -> (vector<16xi1>, vector<16xf32>, vector<16xf32>)
        %masked_sort3A_970 = arith.constant dense<true> : vector<16xi1>
        %masked_sort3A_971, %masked_sort3A_972, %masked_sort3A_973 = tpu.sort %max3A_965, %max3A_965 masked %masked_sort3A_970 : (vector<16xf32>, vector<16xf32>, vector<16xi1>) -> (vector<16xi1>, vector<16xf32>, vector<16xf32>)
        %min3A_974 = arith.minimumf %max3A_962, %max3A_963 : vector<16xf32>
        %max3A_975 = arith.maximumf %max3A_962, %max3A_963 : vector<16xf32>
        %masked_sort3A_976 = arith.constant dense<true> : vector<16xi1>
        %masked_sort3A_977, %masked_sort3A_978, %masked_sort3A_979 = tpu.sort %min3A_974, %min3A_974 masked %masked_sort3A_976 : (vector<16xf32>, vector<16xf32>, vector<16xi1>) -> (vector<16xi1>, vector<16xf32>, vector<16xf32>)
        %masked_sort3A_980 = arith.constant dense<true> : vector<16xi1>
        %masked_sort3A_981, %masked_sort3A_982, %masked_sort3A_983 = tpu.sort %max3A_975, %max3A_975 masked %masked_sort3A_980 : (vector<16xf32>, vector<16xf32>, vector<16xi1>) -> (vector<16xi1>, vector<16xf32>, vector<16xf32>)
        %min3A_984 = arith.minimumf %masked_sort3A_640, %masked_sort3A_650 : vector<16xf32>
        %min3A_985 = arith.minimumf %masked_sort3A_644, %masked_sort3A_654 : vector<16xf32>
        %max3A_986 = arith.maximumf %masked_sort3A_640, %masked_sort3A_650 : vector<16xf32>
        %max3A_987 = arith.maximumf %masked_sort3A_644, %masked_sort3A_654 : vector<16xf32>
        %max3A_988 = arith.maximumf %max3A_986, %max3A_987 : vector<16xf32>
        %min3A_989 = arith.minimumf %max3A_986, %max3A_987 : vector<16xf32>
        %masked_sort3A_990 = arith.constant dense<true> : vector<16xi1>
        %masked_sort3A_991, %masked_sort3A_992, %masked_sort3A_993 = tpu.sort %max3A_988, %max3A_988 masked %masked_sort3A_990 {descending = true} : (vector<16xf32>, vector<16xf32>, vector<16xi1>) -> (vector<16xi1>, vector<16xf32>, vector<16xf32>)
        %masked_sort3A_994 = arith.constant dense<true> : vector<16xi1>
        %masked_sort3A_995, %masked_sort3A_996, %masked_sort3A_997 = tpu.sort %min3A_989, %min3A_989 masked %masked_sort3A_994 {descending = true} : (vector<16xf32>, vector<16xf32>, vector<16xi1>) -> (vector<16xi1>, vector<16xf32>, vector<16xf32>)
        %max3A_998 = arith.maximumf %min3A_984, %min3A_985 : vector<16xf32>
        %min3A_999 = arith.minimumf %min3A_984, %min3A_985 : vector<16xf32>
        %masked_sort3A_1000 = arith.constant dense<true> : vector<16xi1>
        %masked_sort3A_1001, %masked_sort3A_1002, %masked_sort3A_1003 = tpu.sort %max3A_998, %max3A_998 masked %masked_sort3A_1000 {descending = true} : (vector<16xf32>, vector<16xf32>, vector<16xi1>) -> (vector<16xi1>, vector<16xf32>, vector<16xf32>)
        %masked_sort3A_1004 = arith.constant dense<true> : vector<16xi1>
        %masked_sort3A_1005, %masked_sort3A_1006, %masked_sort3A_1007 = tpu.sort %min3A_999, %min3A_999 masked %masked_sort3A_1004 {descending = true} : (vector<16xf32>, vector<16xf32>, vector<16xi1>) -> (vector<16xi1>, vector<16xf32>, vector<16xf32>)
        %min3A_1008 = arith.minimumf %masked_sort3A_660, %masked_sort3A_670 : vector<16xf32>
        %min3A_1009 = arith.minimumf %masked_sort3A_664, %masked_sort3A_674 : vector<16xf32>
        %max3A_1010 = arith.maximumf %masked_sort3A_660, %masked_sort3A_670 : vector<16xf32>
        %max3A_1011 = arith.maximumf %masked_sort3A_664, %masked_sort3A_674 : vector<16xf32>
        %min3A_1012 = arith.minimumf %min3A_1008, %min3A_1009 : vector<16xf32>
        %max3A_1013 = arith.maximumf %min3A_1008, %min3A_1009 : vector<16xf32>
        %masked_sort3A_1014 = arith.constant dense<true> : vector<16xi1>
        %masked_sort3A_1015, %masked_sort3A_1016, %masked_sort3A_1017 = tpu.sort %min3A_1012, %min3A_1012 masked %masked_sort3A_1014 : (vector<16xf32>, vector<16xf32>, vector<16xi1>) -> (vector<16xi1>, vector<16xf32>, vector<16xf32>)
        %masked_sort3A_1018 = arith.constant dense<true> : vector<16xi1>
        %masked_sort3A_1019, %masked_sort3A_1020, %masked_sort3A_1021 = tpu.sort %max3A_1013, %max3A_1013 masked %masked_sort3A_1018 : (vector<16xf32>, vector<16xf32>, vector<16xi1>) -> (vector<16xi1>, vector<16xf32>, vector<16xf32>)
        %min3A_1022 = arith.minimumf %max3A_1010, %max3A_1011 : vector<16xf32>
        %max3A_1023 = arith.maximumf %max3A_1010, %max3A_1011 : vector<16xf32>
        %masked_sort3A_1024 = arith.constant dense<true> : vector<16xi1>
        %masked_sort3A_1025, %masked_sort3A_1026, %masked_sort3A_1027 = tpu.sort %min3A_1022, %min3A_1022 masked %masked_sort3A_1024 : (vector<16xf32>, vector<16xf32>, vector<16xi1>) -> (vector<16xi1>, vector<16xf32>, vector<16xf32>)
        %masked_sort3A_1028 = arith.constant dense<true> : vector<16xi1>
        %masked_sort3A_1029, %masked_sort3A_1030, %masked_sort3A_1031 = tpu.sort %max3A_1023, %max3A_1023 masked %masked_sort3A_1028 : (vector<16xf32>, vector<16xf32>, vector<16xi1>) -> (vector<16xi1>, vector<16xf32>, vector<16xf32>)
        %min3A_1032 = arith.minimumf %masked_sort3A_680, %masked_sort3A_690 : vector<16xf32>
        %min3A_1033 = arith.minimumf %masked_sort3A_684, %masked_sort3A_694 : vector<16xf32>
        %max3A_1034 = arith.maximumf %masked_sort3A_680, %masked_sort3A_690 : vector<16xf32>
        %max3A_1035 = arith.maximumf %masked_sort3A_684, %masked_sort3A_694 : vector<16xf32>
        %max3A_1036 = arith.maximumf %max3A_1034, %max3A_1035 : vector<16xf32>
        %min3A_1037 = arith.minimumf %max3A_1034, %max3A_1035 : vector<16xf32>
        %masked_sort3A_1038 = arith.constant dense<true> : vector<16xi1>
        %masked_sort3A_1039, %masked_sort3A_1040, %masked_sort3A_1041 = tpu.sort %max3A_1036, %max3A_1036 masked %masked_sort3A_1038 {descending = true} : (vector<16xf32>, vector<16xf32>, vector<16xi1>) -> (vector<16xi1>, vector<16xf32>, vector<16xf32>)
        %masked_sort3A_1042 = arith.constant dense<true> : vector<16xi1>
        %masked_sort3A_1043, %masked_sort3A_1044, %masked_sort3A_1045 = tpu.sort %min3A_1037, %min3A_1037 masked %masked_sort3A_1042 {descending = true} : (vector<16xf32>, vector<16xf32>, vector<16xi1>) -> (vector<16xi1>, vector<16xf32>, vector<16xf32>)
        %max3A_1046 = arith.maximumf %min3A_1032, %min3A_1033 : vector<16xf32>
        %min3A_1047 = arith.minimumf %min3A_1032, %min3A_1033 : vector<16xf32>
        %masked_sort3A_1048 = arith.constant dense<true> : vector<16xi1>
        %masked_sort3A_1049, %masked_sort3A_1050, %masked_sort3A_1051 = tpu.sort %max3A_1046, %max3A_1046 masked %masked_sort3A_1048 {descending = true} : (vector<16xf32>, vector<16xf32>, vector<16xi1>) -> (vector<16xi1>, vector<16xf32>, vector<16xf32>)
        %masked_sort3A_1052 = arith.constant dense<true> : vector<16xi1>
        %masked_sort3A_1053, %masked_sort3A_1054, %masked_sort3A_1055 = tpu.sort %min3A_1047, %min3A_1047 masked %masked_sort3A_1052 {descending = true} : (vector<16xf32>, vector<16xf32>, vector<16xi1>) -> (vector<16xi1>, vector<16xf32>, vector<16xf32>)
        %min3A_1056 = arith.minimumf %masked_sort3A_700, %masked_sort3A_710 : vector<16xf32>
        %min3A_1057 = arith.minimumf %masked_sort3A_704, %masked_sort3A_714 : vector<16xf32>
        %max3A_1058 = arith.maximumf %masked_sort3A_700, %masked_sort3A_710 : vector<16xf32>
        %max3A_1059 = arith.maximumf %masked_sort3A_704, %masked_sort3A_714 : vector<16xf32>
        %min3A_1060 = arith.minimumf %min3A_1056, %min3A_1057 : vector<16xf32>
        %max3A_1061 = arith.maximumf %min3A_1056, %min3A_1057 : vector<16xf32>
        %masked_sort3A_1062 = arith.constant dense<true> : vector<16xi1>
        %masked_sort3A_1063, %masked_sort3A_1064, %masked_sort3A_1065 = tpu.sort %min3A_1060, %min3A_1060 masked %masked_sort3A_1062 : (vector<16xf32>, vector<16xf32>, vector<16xi1>) -> (vector<16xi1>, vector<16xf32>, vector<16xf32>)
        %masked_sort3A_1066 = arith.constant dense<true> : vector<16xi1>
        %masked_sort3A_1067, %masked_sort3A_1068, %masked_sort3A_1069 = tpu.sort %max3A_1061, %max3A_1061 masked %masked_sort3A_1066 : (vector<16xf32>, vector<16xf32>, vector<16xi1>) -> (vector<16xi1>, vector<16xf32>, vector<16xf32>)
        %min3A_1070 = arith.minimumf %max3A_1058, %max3A_1059 : vector<16xf32>
        %max3A_1071 = arith.maximumf %max3A_1058, %max3A_1059 : vector<16xf32>
        %masked_sort3A_1072 = arith.constant dense<true> : vector<16xi1>
        %masked_sort3A_1073, %masked_sort3A_1074, %masked_sort3A_1075 = tpu.sort %min3A_1070, %min3A_1070 masked %masked_sort3A_1072 : (vector<16xf32>, vector<16xf32>, vector<16xi1>) -> (vector<16xi1>, vector<16xf32>, vector<16xf32>)
        %masked_sort3A_1076 = arith.constant dense<true> : vector<16xi1>
        %masked_sort3A_1077, %masked_sort3A_1078, %masked_sort3A_1079 = tpu.sort %max3A_1071, %max3A_1071 masked %masked_sort3A_1076 : (vector<16xf32>, vector<16xf32>, vector<16xi1>) -> (vector<16xi1>, vector<16xf32>, vector<16xf32>)
        %min3A_1080 = arith.minimumf %masked_sort3A_720, %masked_sort3A_730 : vector<16xf32>
        %min3A_1081 = arith.minimumf %masked_sort3A_724, %masked_sort3A_734 : vector<16xf32>
        %max3A_1082 = arith.maximumf %masked_sort3A_720, %masked_sort3A_730 : vector<16xf32>
        %max3A_1083 = arith.maximumf %masked_sort3A_724, %masked_sort3A_734 : vector<16xf32>
        %max3A_1084 = arith.maximumf %max3A_1082, %max3A_1083 : vector<16xf32>
        %min3A_1085 = arith.minimumf %max3A_1082, %max3A_1083 : vector<16xf32>
        %masked_sort3A_1086 = arith.constant dense<true> : vector<16xi1>
        %masked_sort3A_1087, %masked_sort3A_1088, %masked_sort3A_1089 = tpu.sort %max3A_1084, %max3A_1084 masked %masked_sort3A_1086 {descending = true} : (vector<16xf32>, vector<16xf32>, vector<16xi1>) -> (vector<16xi1>, vector<16xf32>, vector<16xf32>)
        %masked_sort3A_1090 = arith.constant dense<true> : vector<16xi1>
        %masked_sort3A_1091, %masked_sort3A_1092, %masked_sort3A_1093 = tpu.sort %min3A_1085, %min3A_1085 masked %masked_sort3A_1090 {descending = true} : (vector<16xf32>, vector<16xf32>, vector<16xi1>) -> (vector<16xi1>, vector<16xf32>, vector<16xf32>)
        %max3A_1094 = arith.maximumf %min3A_1080, %min3A_1081 : vector<16xf32>
        %min3A_1095 = arith.minimumf %min3A_1080, %min3A_1081 : vector<16xf32>
        %masked_sort3A_1096 = arith.constant dense<true> : vector<16xi1>
        %masked_sort3A_1097, %masked_sort3A_1098, %masked_sort3A_1099 = tpu.sort %max3A_1094, %max3A_1094 masked %masked_sort3A_1096 {descending = true} : (vector<16xf32>, vector<16xf32>, vector<16xi1>) -> (vector<16xi1>, vector<16xf32>, vector<16xf32>)
        %masked_sort3A_1100 = arith.constant dense<true> : vector<16xi1>
        %masked_sort3A_1101, %masked_sort3A_1102, %masked_sort3A_1103 = tpu.sort %min3A_1095, %min3A_1095 masked %masked_sort3A_1100 {descending = true} : (vector<16xf32>, vector<16xf32>, vector<16xi1>) -> (vector<16xi1>, vector<16xf32>, vector<16xf32>)
        %min3A_1104 = arith.minimumf %masked_sort3A_740, %masked_sort3A_750 : vector<16xf32>
        %min3A_1105 = arith.minimumf %masked_sort3A_744, %masked_sort3A_754 : vector<16xf32>
        %max3A_1106 = arith.maximumf %masked_sort3A_740, %masked_sort3A_750 : vector<16xf32>
        %max3A_1107 = arith.maximumf %masked_sort3A_744, %masked_sort3A_754 : vector<16xf32>
        %min3A_1108 = arith.minimumf %min3A_1104, %min3A_1105 : vector<16xf32>
        %max3A_1109 = arith.maximumf %min3A_1104, %min3A_1105 : vector<16xf32>
        %masked_sort3A_1110 = arith.constant dense<true> : vector<16xi1>
        %masked_sort3A_1111, %masked_sort3A_1112, %masked_sort3A_1113 = tpu.sort %min3A_1108, %min3A_1108 masked %masked_sort3A_1110 : (vector<16xf32>, vector<16xf32>, vector<16xi1>) -> (vector<16xi1>, vector<16xf32>, vector<16xf32>)
        %masked_sort3A_1114 = arith.constant dense<true> : vector<16xi1>
        %masked_sort3A_1115, %masked_sort3A_1116, %masked_sort3A_1117 = tpu.sort %max3A_1109, %max3A_1109 masked %masked_sort3A_1114 : (vector<16xf32>, vector<16xf32>, vector<16xi1>) -> (vector<16xi1>, vector<16xf32>, vector<16xf32>)
        %min3A_1118 = arith.minimumf %max3A_1106, %max3A_1107 : vector<16xf32>
        %max3A_1119 = arith.maximumf %max3A_1106, %max3A_1107 : vector<16xf32>
        %masked_sort3A_1120 = arith.constant dense<true> : vector<16xi1>
        %masked_sort3A_1121, %masked_sort3A_1122, %masked_sort3A_1123 = tpu.sort %min3A_1118, %min3A_1118 masked %masked_sort3A_1120 : (vector<16xf32>, vector<16xf32>, vector<16xi1>) -> (vector<16xi1>, vector<16xf32>, vector<16xf32>)
        %masked_sort3A_1124 = arith.constant dense<true> : vector<16xi1>
        %masked_sort3A_1125, %masked_sort3A_1126, %masked_sort3A_1127 = tpu.sort %max3A_1119, %max3A_1119 masked %masked_sort3A_1124 : (vector<16xf32>, vector<16xf32>, vector<16xi1>) -> (vector<16xi1>, vector<16xf32>, vector<16xf32>)
        %min3A_1128 = arith.minimumf %masked_sort3A_760, %masked_sort3A_770 : vector<16xf32>
        %min3A_1129 = arith.minimumf %masked_sort3A_764, %masked_sort3A_774 : vector<16xf32>
        %max3A_1130 = arith.maximumf %masked_sort3A_760, %masked_sort3A_770 : vector<16xf32>
        %max3A_1131 = arith.maximumf %masked_sort3A_764, %masked_sort3A_774 : vector<16xf32>
        %max3A_1132 = arith.maximumf %max3A_1130, %max3A_1131 : vector<16xf32>
        %min3A_1133 = arith.minimumf %max3A_1130, %max3A_1131 : vector<16xf32>
        %masked_sort3A_1134 = arith.constant dense<true> : vector<16xi1>
        %masked_sort3A_1135, %masked_sort3A_1136, %masked_sort3A_1137 = tpu.sort %max3A_1132, %max3A_1132 masked %masked_sort3A_1134 {descending = true} : (vector<16xf32>, vector<16xf32>, vector<16xi1>) -> (vector<16xi1>, vector<16xf32>, vector<16xf32>)
        %masked_sort3A_1138 = arith.constant dense<true> : vector<16xi1>
        %masked_sort3A_1139, %masked_sort3A_1140, %masked_sort3A_1141 = tpu.sort %min3A_1133, %min3A_1133 masked %masked_sort3A_1138 {descending = true} : (vector<16xf32>, vector<16xf32>, vector<16xi1>) -> (vector<16xi1>, vector<16xf32>, vector<16xf32>)
        %max3A_1142 = arith.maximumf %min3A_1128, %min3A_1129 : vector<16xf32>
        %min3A_1143 = arith.minimumf %min3A_1128, %min3A_1129 : vector<16xf32>
        %masked_sort3A_1144 = arith.constant dense<true> : vector<16xi1>
        %masked_sort3A_1145, %masked_sort3A_1146, %masked_sort3A_1147 = tpu.sort %max3A_1142, %max3A_1142 masked %masked_sort3A_1144 {descending = true} : (vector<16xf32>, vector<16xf32>, vector<16xi1>) -> (vector<16xi1>, vector<16xf32>, vector<16xf32>)
        %masked_sort3A_1148 = arith.constant dense<true> : vector<16xi1>
        %masked_sort3A_1149, %masked_sort3A_1150, %masked_sort3A_1151 = tpu.sort %min3A_1143, %min3A_1143 masked %masked_sort3A_1148 {descending = true} : (vector<16xf32>, vector<16xf32>, vector<16xi1>) -> (vector<16xi1>, vector<16xf32>, vector<16xf32>)
        %min3A_1152 = arith.minimumf %masked_sort3A_780, %masked_sort3A_790 : vector<16xf32>
        %min3A_1153 = arith.minimumf %masked_sort3A_784, %masked_sort3A_794 : vector<16xf32>
        %max3A_1154 = arith.maximumf %masked_sort3A_780, %masked_sort3A_790 : vector<16xf32>
        %max3A_1155 = arith.maximumf %masked_sort3A_784, %masked_sort3A_794 : vector<16xf32>
        %min3A_1156 = arith.minimumf %min3A_1152, %min3A_1153 : vector<16xf32>
        %max3A_1157 = arith.maximumf %min3A_1152, %min3A_1153 : vector<16xf32>
        %masked_sort3A_1158 = arith.constant dense<true> : vector<16xi1>
        %masked_sort3A_1159, %masked_sort3A_1160, %masked_sort3A_1161 = tpu.sort %min3A_1156, %min3A_1156 masked %masked_sort3A_1158 : (vector<16xf32>, vector<16xf32>, vector<16xi1>) -> (vector<16xi1>, vector<16xf32>, vector<16xf32>)
        %masked_sort3A_1162 = arith.constant dense<true> : vector<16xi1>
        %masked_sort3A_1163, %masked_sort3A_1164, %masked_sort3A_1165 = tpu.sort %max3A_1157, %max3A_1157 masked %masked_sort3A_1162 : (vector<16xf32>, vector<16xf32>, vector<16xi1>) -> (vector<16xi1>, vector<16xf32>, vector<16xf32>)
        %min3A_1166 = arith.minimumf %max3A_1154, %max3A_1155 : vector<16xf32>
        %max3A_1167 = arith.maximumf %max3A_1154, %max3A_1155 : vector<16xf32>
        %masked_sort3A_1168 = arith.constant dense<true> : vector<16xi1>
        %masked_sort3A_1169, %masked_sort3A_1170, %masked_sort3A_1171 = tpu.sort %min3A_1166, %min3A_1166 masked %masked_sort3A_1168 : (vector<16xf32>, vector<16xf32>, vector<16xi1>) -> (vector<16xi1>, vector<16xf32>, vector<16xf32>)
        %masked_sort3A_1172 = arith.constant dense<true> : vector<16xi1>
        %masked_sort3A_1173, %masked_sort3A_1174, %masked_sort3A_1175 = tpu.sort %max3A_1167, %max3A_1167 masked %masked_sort3A_1172 : (vector<16xf32>, vector<16xf32>, vector<16xi1>) -> (vector<16xi1>, vector<16xf32>, vector<16xf32>)
        %min3A_1176 = arith.minimumf %masked_sort3A_800, %masked_sort3A_810 : vector<16xf32>
        %min3A_1177 = arith.minimumf %masked_sort3A_804, %masked_sort3A_814 : vector<16xf32>
        %max3A_1178 = arith.maximumf %masked_sort3A_800, %masked_sort3A_810 : vector<16xf32>
        %max3A_1179 = arith.maximumf %masked_sort3A_804, %masked_sort3A_814 : vector<16xf32>
        %max3A_1180 = arith.maximumf %max3A_1178, %max3A_1179 : vector<16xf32>
        %min3A_1181 = arith.minimumf %max3A_1178, %max3A_1179 : vector<16xf32>
        %masked_sort3A_1182 = arith.constant dense<true> : vector<16xi1>
        %masked_sort3A_1183, %masked_sort3A_1184, %masked_sort3A_1185 = tpu.sort %max3A_1180, %max3A_1180 masked %masked_sort3A_1182 {descending = true} : (vector<16xf32>, vector<16xf32>, vector<16xi1>) -> (vector<16xi1>, vector<16xf32>, vector<16xf32>)
        %masked_sort3A_1186 = arith.constant dense<true> : vector<16xi1>
        %masked_sort3A_1187, %masked_sort3A_1188, %masked_sort3A_1189 = tpu.sort %min3A_1181, %min3A_1181 masked %masked_sort3A_1186 {descending = true} : (vector<16xf32>, vector<16xf32>, vector<16xi1>) -> (vector<16xi1>, vector<16xf32>, vector<16xf32>)
        %max3A_1190 = arith.maximumf %min3A_1176, %min3A_1177 : vector<16xf32>
        %min3A_1191 = arith.minimumf %min3A_1176, %min3A_1177 : vector<16xf32>
        %masked_sort3A_1192 = arith.constant dense<true> : vector<16xi1>
        %masked_sort3A_1193, %masked_sort3A_1194, %masked_sort3A_1195 = tpu.sort %max3A_1190, %max3A_1190 masked %masked_sort3A_1192 {descending = true} : (vector<16xf32>, vector<16xf32>, vector<16xi1>) -> (vector<16xi1>, vector<16xf32>, vector<16xf32>)
        %masked_sort3A_1196 = arith.constant dense<true> : vector<16xi1>
        %masked_sort3A_1197, %masked_sort3A_1198, %masked_sort3A_1199 = tpu.sort %min3A_1191, %min3A_1191 masked %masked_sort3A_1196 {descending = true} : (vector<16xf32>, vector<16xf32>, vector<16xi1>) -> (vector<16xi1>, vector<16xf32>, vector<16xf32>)
        %min3A_1200 = arith.minimumf %masked_sort3A_824, %masked_sort3A_848 : vector<16xf32>
        %min3A_1201 = arith.minimumf %masked_sort3A_828, %masked_sort3A_852 : vector<16xf32>
        %min3A_1202 = arith.minimumf %masked_sort3A_834, %masked_sort3A_858 : vector<16xf32>
        %min3A_1203 = arith.minimumf %masked_sort3A_838, %masked_sort3A_862 : vector<16xf32>
        %max3A_1204 = arith.maximumf %masked_sort3A_824, %masked_sort3A_848 : vector<16xf32>
        %max3A_1205 = arith.maximumf %masked_sort3A_828, %masked_sort3A_852 : vector<16xf32>
        %max3A_1206 = arith.maximumf %masked_sort3A_834, %masked_sort3A_858 : vector<16xf32>
        %max3A_1207 = arith.maximumf %masked_sort3A_838, %masked_sort3A_862 : vector<16xf32>
        %min3A_1208 = arith.minimumf %min3A_1200, %min3A_1202 : vector<16xf32>
        %max3A_1209 = arith.maximumf %min3A_1200, %min3A_1202 : vector<16xf32>
        %min3A_1210 = arith.minimumf %min3A_1201, %min3A_1203 : vector<16xf32>
        %max3A_1211 = arith.maximumf %min3A_1201, %min3A_1203 : vector<16xf32>
        %min3A_1212 = arith.minimumf %min3A_1208, %min3A_1210 : vector<16xf32>
        %max3A_1213 = arith.maximumf %min3A_1208, %min3A_1210 : vector<16xf32>
        %min3A_1214 = arith.minimumf %max3A_1209, %max3A_1211 : vector<16xf32>
        %max3A_1215 = arith.maximumf %max3A_1209, %max3A_1211 : vector<16xf32>
        %masked_sort3A_1216 = arith.constant dense<true> : vector<16xi1>
        %masked_sort3A_1217, %masked_sort3A_1218, %masked_sort3A_1219 = tpu.sort %min3A_1212, %min3A_1212 masked %masked_sort3A_1216 : (vector<16xf32>, vector<16xf32>, vector<16xi1>) -> (vector<16xi1>, vector<16xf32>, vector<16xf32>)
        %masked_sort3A_1220 = arith.constant dense<true> : vector<16xi1>
        %masked_sort3A_1221, %masked_sort3A_1222, %masked_sort3A_1223 = tpu.sort %max3A_1213, %max3A_1213 masked %masked_sort3A_1220 : (vector<16xf32>, vector<16xf32>, vector<16xi1>) -> (vector<16xi1>, vector<16xf32>, vector<16xf32>)
        %masked_sort3A_1224 = arith.constant dense<true> : vector<16xi1>
        %masked_sort3A_1225, %masked_sort3A_1226, %masked_sort3A_1227 = tpu.sort %min3A_1214, %min3A_1214 masked %masked_sort3A_1224 : (vector<16xf32>, vector<16xf32>, vector<16xi1>) -> (vector<16xi1>, vector<16xf32>, vector<16xf32>)
        %masked_sort3A_1228 = arith.constant dense<true> : vector<16xi1>
        %masked_sort3A_1229, %masked_sort3A_1230, %masked_sort3A_1231 = tpu.sort %max3A_1215, %max3A_1215 masked %masked_sort3A_1228 : (vector<16xf32>, vector<16xf32>, vector<16xi1>) -> (vector<16xi1>, vector<16xf32>, vector<16xf32>)
        %min3A_1232 = arith.minimumf %max3A_1204, %max3A_1206 : vector<16xf32>
        %max3A_1233 = arith.maximumf %max3A_1204, %max3A_1206 : vector<16xf32>
        %min3A_1234 = arith.minimumf %max3A_1205, %max3A_1207 : vector<16xf32>
        %max3A_1235 = arith.maximumf %max3A_1205, %max3A_1207 : vector<16xf32>
        %min3A_1236 = arith.minimumf %min3A_1232, %min3A_1234 : vector<16xf32>
        %max3A_1237 = arith.maximumf %min3A_1232, %min3A_1234 : vector<16xf32>
        %min3A_1238 = arith.minimumf %max3A_1233, %max3A_1235 : vector<16xf32>
        %max3A_1239 = arith.maximumf %max3A_1233, %max3A_1235 : vector<16xf32>
        %masked_sort3A_1240 = arith.constant dense<true> : vector<16xi1>
        %masked_sort3A_1241, %masked_sort3A_1242, %masked_sort3A_1243 = tpu.sort %min3A_1236, %min3A_1236 masked %masked_sort3A_1240 : (vector<16xf32>, vector<16xf32>, vector<16xi1>) -> (vector<16xi1>, vector<16xf32>, vector<16xf32>)
        %masked_sort3A_1244 = arith.constant dense<true> : vector<16xi1>
        %masked_sort3A_1245, %masked_sort3A_1246, %masked_sort3A_1247 = tpu.sort %max3A_1237, %max3A_1237 masked %masked_sort3A_1244 : (vector<16xf32>, vector<16xf32>, vector<16xi1>) -> (vector<16xi1>, vector<16xf32>, vector<16xf32>)
        %masked_sort3A_1248 = arith.constant dense<true> : vector<16xi1>
        %masked_sort3A_1249, %masked_sort3A_1250, %masked_sort3A_1251 = tpu.sort %min3A_1238, %min3A_1238 masked %masked_sort3A_1248 : (vector<16xf32>, vector<16xf32>, vector<16xi1>) -> (vector<16xi1>, vector<16xf32>, vector<16xf32>)
        %masked_sort3A_1252 = arith.constant dense<true> : vector<16xi1>
        %masked_sort3A_1253, %masked_sort3A_1254, %masked_sort3A_1255 = tpu.sort %max3A_1239, %max3A_1239 masked %masked_sort3A_1252 : (vector<16xf32>, vector<16xf32>, vector<16xi1>) -> (vector<16xi1>, vector<16xf32>, vector<16xf32>)
        %min3A_1256 = arith.minimumf %masked_sort3A_872, %masked_sort3A_896 : vector<16xf32>
        %min3A_1257 = arith.minimumf %masked_sort3A_876, %masked_sort3A_900 : vector<16xf32>
        %min3A_1258 = arith.minimumf %masked_sort3A_882, %masked_sort3A_906 : vector<16xf32>
        %min3A_1259 = arith.minimumf %masked_sort3A_886, %masked_sort3A_910 : vector<16xf32>
        %max3A_1260 = arith.maximumf %masked_sort3A_872, %masked_sort3A_896 : vector<16xf32>
        %max3A_1261 = arith.maximumf %masked_sort3A_876, %masked_sort3A_900 : vector<16xf32>
        %max3A_1262 = arith.maximumf %masked_sort3A_882, %masked_sort3A_906 : vector<16xf32>
        %max3A_1263 = arith.maximumf %masked_sort3A_886, %masked_sort3A_910 : vector<16xf32>
        %max3A_1264 = arith.maximumf %max3A_1260, %max3A_1262 : vector<16xf32>
        %min3A_1265 = arith.minimumf %max3A_1260, %max3A_1262 : vector<16xf32>
        %max3A_1266 = arith.maximumf %max3A_1261, %max3A_1263 : vector<16xf32>
        %min3A_1267 = arith.minimumf %max3A_1261, %max3A_1263 : vector<16xf32>
        %max3A_1268 = arith.maximumf %max3A_1264, %max3A_1266 : vector<16xf32>
        %min3A_1269 = arith.minimumf %max3A_1264, %max3A_1266 : vector<16xf32>
        %max3A_1270 = arith.maximumf %min3A_1265, %min3A_1267 : vector<16xf32>
        %min3A_1271 = arith.minimumf %min3A_1265, %min3A_1267 : vector<16xf32>
        %masked_sort3A_1272 = arith.constant dense<true> : vector<16xi1>
        %masked_sort3A_1273, %masked_sort3A_1274, %masked_sort3A_1275 = tpu.sort %max3A_1268, %max3A_1268 masked %masked_sort3A_1272 {descending = true} : (vector<16xf32>, vector<16xf32>, vector<16xi1>) -> (vector<16xi1>, vector<16xf32>, vector<16xf32>)
        %masked_sort3A_1276 = arith.constant dense<true> : vector<16xi1>
        %masked_sort3A_1277, %masked_sort3A_1278, %masked_sort3A_1279 = tpu.sort %min3A_1269, %min3A_1269 masked %masked_sort3A_1276 {descending = true} : (vector<16xf32>, vector<16xf32>, vector<16xi1>) -> (vector<16xi1>, vector<16xf32>, vector<16xf32>)
        %masked_sort3A_1280 = arith.constant dense<true> : vector<16xi1>
        %masked_sort3A_1281, %masked_sort3A_1282, %masked_sort3A_1283 = tpu.sort %max3A_1270, %max3A_1270 masked %masked_sort3A_1280 {descending = true} : (vector<16xf32>, vector<16xf32>, vector<16xi1>) -> (vector<16xi1>, vector<16xf32>, vector<16xf32>)
        %masked_sort3A_1284 = arith.constant dense<true> : vector<16xi1>
        %masked_sort3A_1285, %masked_sort3A_1286, %masked_sort3A_1287 = tpu.sort %min3A_1271, %min3A_1271 masked %masked_sort3A_1284 {descending = true} : (vector<16xf32>, vector<16xf32>, vector<16xi1>) -> (vector<16xi1>, vector<16xf32>, vector<16xf32>)
        %max3A_1288 = arith.maximumf %min3A_1256, %min3A_1258 : vector<16xf32>
        %min3A_1289 = arith.minimumf %min3A_1256, %min3A_1258 : vector<16xf32>
        %max3A_1290 = arith.maximumf %min3A_1257, %min3A_1259 : vector<16xf32>
        %min3A_1291 = arith.minimumf %min3A_1257, %min3A_1259 : vector<16xf32>
        %max3A_1292 = arith.maximumf %max3A_1288, %max3A_1290 : vector<16xf32>
        %min3A_1293 = arith.minimumf %max3A_1288, %max3A_1290 : vector<16xf32>
        %max3A_1294 = arith.maximumf %min3A_1289, %min3A_1291 : vector<16xf32>
        %min3A_1295 = arith.minimumf %min3A_1289, %min3A_1291 : vector<16xf32>
        %masked_sort3A_1296 = arith.constant dense<true> : vector<16xi1>
        %masked_sort3A_1297, %masked_sort3A_1298, %masked_sort3A_1299 = tpu.sort %max3A_1292, %max3A_1292 masked %masked_sort3A_1296 {descending = true} : (vector<16xf32>, vector<16xf32>, vector<16xi1>) -> (vector<16xi1>, vector<16xf32>, vector<16xf32>)
        %masked_sort3A_1300 = arith.constant dense<true> : vector<16xi1>
        %masked_sort3A_1301, %masked_sort3A_1302, %masked_sort3A_1303 = tpu.sort %min3A_1293, %min3A_1293 masked %masked_sort3A_1300 {descending = true} : (vector<16xf32>, vector<16xf32>, vector<16xi1>) -> (vector<16xi1>, vector<16xf32>, vector<16xf32>)
        %masked_sort3A_1304 = arith.constant dense<true> : vector<16xi1>
        %masked_sort3A_1305, %masked_sort3A_1306, %masked_sort3A_1307 = tpu.sort %max3A_1294, %max3A_1294 masked %masked_sort3A_1304 {descending = true} : (vector<16xf32>, vector<16xf32>, vector<16xi1>) -> (vector<16xi1>, vector<16xf32>, vector<16xf32>)
        %masked_sort3A_1308 = arith.constant dense<true> : vector<16xi1>
        %masked_sort3A_1309, %masked_sort3A_1310, %masked_sort3A_1311 = tpu.sort %min3A_1295, %min3A_1295 masked %masked_sort3A_1308 {descending = true} : (vector<16xf32>, vector<16xf32>, vector<16xi1>) -> (vector<16xi1>, vector<16xf32>, vector<16xf32>)
        %min3A_1312 = arith.minimumf %masked_sort3A_920, %masked_sort3A_944 : vector<16xf32>
        %min3A_1313 = arith.minimumf %masked_sort3A_924, %masked_sort3A_948 : vector<16xf32>
        %min3A_1314 = arith.minimumf %masked_sort3A_930, %masked_sort3A_954 : vector<16xf32>
        %min3A_1315 = arith.minimumf %masked_sort3A_934, %masked_sort3A_958 : vector<16xf32>
        %max3A_1316 = arith.maximumf %masked_sort3A_920, %masked_sort3A_944 : vector<16xf32>
        %max3A_1317 = arith.maximumf %masked_sort3A_924, %masked_sort3A_948 : vector<16xf32>
        %max3A_1318 = arith.maximumf %masked_sort3A_930, %masked_sort3A_954 : vector<16xf32>
        %max3A_1319 = arith.maximumf %masked_sort3A_934, %masked_sort3A_958 : vector<16xf32>
        %min3A_1320 = arith.minimumf %min3A_1312, %min3A_1314 : vector<16xf32>
        %max3A_1321 = arith.maximumf %min3A_1312, %min3A_1314 : vector<16xf32>
        %min3A_1322 = arith.minimumf %min3A_1313, %min3A_1315 : vector<16xf32>
        %max3A_1323 = arith.maximumf %min3A_1313, %min3A_1315 : vector<16xf32>
        %min3A_1324 = arith.minimumf %min3A_1320, %min3A_1322 : vector<16xf32>
        %max3A_1325 = arith.maximumf %min3A_1320, %min3A_1322 : vector<16xf32>
        %min3A_1326 = arith.minimumf %max3A_1321, %max3A_1323 : vector<16xf32>
        %max3A_1327 = arith.maximumf %max3A_1321, %max3A_1323 : vector<16xf32>
        %masked_sort3A_1328 = arith.constant dense<true> : vector<16xi1>
        %masked_sort3A_1329, %masked_sort3A_1330, %masked_sort3A_1331 = tpu.sort %min3A_1324, %min3A_1324 masked %masked_sort3A_1328 : (vector<16xf32>, vector<16xf32>, vector<16xi1>) -> (vector<16xi1>, vector<16xf32>, vector<16xf32>)
        %masked_sort3A_1332 = arith.constant dense<true> : vector<16xi1>
        %masked_sort3A_1333, %masked_sort3A_1334, %masked_sort3A_1335 = tpu.sort %max3A_1325, %max3A_1325 masked %masked_sort3A_1332 : (vector<16xf32>, vector<16xf32>, vector<16xi1>) -> (vector<16xi1>, vector<16xf32>, vector<16xf32>)
        %masked_sort3A_1336 = arith.constant dense<true> : vector<16xi1>
        %masked_sort3A_1337, %masked_sort3A_1338, %masked_sort3A_1339 = tpu.sort %min3A_1326, %min3A_1326 masked %masked_sort3A_1336 : (vector<16xf32>, vector<16xf32>, vector<16xi1>) -> (vector<16xi1>, vector<16xf32>, vector<16xf32>)
        %masked_sort3A_1340 = arith.constant dense<true> : vector<16xi1>
        %masked_sort3A_1341, %masked_sort3A_1342, %masked_sort3A_1343 = tpu.sort %max3A_1327, %max3A_1327 masked %masked_sort3A_1340 : (vector<16xf32>, vector<16xf32>, vector<16xi1>) -> (vector<16xi1>, vector<16xf32>, vector<16xf32>)
        %min3A_1344 = arith.minimumf %max3A_1316, %max3A_1318 : vector<16xf32>
        %max3A_1345 = arith.maximumf %max3A_1316, %max3A_1318 : vector<16xf32>
        %min3A_1346 = arith.minimumf %max3A_1317, %max3A_1319 : vector<16xf32>
        %max3A_1347 = arith.maximumf %max3A_1317, %max3A_1319 : vector<16xf32>
        %min3A_1348 = arith.minimumf %min3A_1344, %min3A_1346 : vector<16xf32>
        %max3A_1349 = arith.maximumf %min3A_1344, %min3A_1346 : vector<16xf32>
        %min3A_1350 = arith.minimumf %max3A_1345, %max3A_1347 : vector<16xf32>
        %max3A_1351 = arith.maximumf %max3A_1345, %max3A_1347 : vector<16xf32>
        %masked_sort3A_1352 = arith.constant dense<true> : vector<16xi1>
        %masked_sort3A_1353, %masked_sort3A_1354, %masked_sort3A_1355 = tpu.sort %min3A_1348, %min3A_1348 masked %masked_sort3A_1352 : (vector<16xf32>, vector<16xf32>, vector<16xi1>) -> (vector<16xi1>, vector<16xf32>, vector<16xf32>)
        %masked_sort3A_1356 = arith.constant dense<true> : vector<16xi1>
        %masked_sort3A_1357, %masked_sort3A_1358, %masked_sort3A_1359 = tpu.sort %max3A_1349, %max3A_1349 masked %masked_sort3A_1356 : (vector<16xf32>, vector<16xf32>, vector<16xi1>) -> (vector<16xi1>, vector<16xf32>, vector<16xf32>)
        %masked_sort3A_1360 = arith.constant dense<true> : vector<16xi1>
        %masked_sort3A_1361, %masked_sort3A_1362, %masked_sort3A_1363 = tpu.sort %min3A_1350, %min3A_1350 masked %masked_sort3A_1360 : (vector<16xf32>, vector<16xf32>, vector<16xi1>) -> (vector<16xi1>, vector<16xf32>, vector<16xf32>)
        %masked_sort3A_1364 = arith.constant dense<true> : vector<16xi1>
        %masked_sort3A_1365, %masked_sort3A_1366, %masked_sort3A_1367 = tpu.sort %max3A_1351, %max3A_1351 masked %masked_sort3A_1364 : (vector<16xf32>, vector<16xf32>, vector<16xi1>) -> (vector<16xi1>, vector<16xf32>, vector<16xf32>)
        %min3A_1368 = arith.minimumf %masked_sort3A_968, %masked_sort3A_992 : vector<16xf32>
        %min3A_1369 = arith.minimumf %masked_sort3A_972, %masked_sort3A_996 : vector<16xf32>
        %min3A_1370 = arith.minimumf %masked_sort3A_978, %masked_sort3A_1002 : vector<16xf32>
        %min3A_1371 = arith.minimumf %masked_sort3A_982, %masked_sort3A_1006 : vector<16xf32>
        %max3A_1372 = arith.maximumf %masked_sort3A_968, %masked_sort3A_992 : vector<16xf32>
        %max3A_1373 = arith.maximumf %masked_sort3A_972, %masked_sort3A_996 : vector<16xf32>
        %max3A_1374 = arith.maximumf %masked_sort3A_978, %masked_sort3A_1002 : vector<16xf32>
        %max3A_1375 = arith.maximumf %masked_sort3A_982, %masked_sort3A_1006 : vector<16xf32>
        %max3A_1376 = arith.maximumf %max3A_1372, %max3A_1374 : vector<16xf32>
        %min3A_1377 = arith.minimumf %max3A_1372, %max3A_1374 : vector<16xf32>
        %max3A_1378 = arith.maximumf %max3A_1373, %max3A_1375 : vector<16xf32>
        %min3A_1379 = arith.minimumf %max3A_1373, %max3A_1375 : vector<16xf32>
        %max3A_1380 = arith.maximumf %max3A_1376, %max3A_1378 : vector<16xf32>
        %min3A_1381 = arith.minimumf %max3A_1376, %max3A_1378 : vector<16xf32>
        %max3A_1382 = arith.maximumf %min3A_1377, %min3A_1379 : vector<16xf32>
        %min3A_1383 = arith.minimumf %min3A_1377, %min3A_1379 : vector<16xf32>
        %masked_sort3A_1384 = arith.constant dense<true> : vector<16xi1>
        %masked_sort3A_1385, %masked_sort3A_1386, %masked_sort3A_1387 = tpu.sort %max3A_1380, %max3A_1380 masked %masked_sort3A_1384 {descending = true} : (vector<16xf32>, vector<16xf32>, vector<16xi1>) -> (vector<16xi1>, vector<16xf32>, vector<16xf32>)
        %masked_sort3A_1388 = arith.constant dense<true> : vector<16xi1>
        %masked_sort3A_1389, %masked_sort3A_1390, %masked_sort3A_1391 = tpu.sort %min3A_1381, %min3A_1381 masked %masked_sort3A_1388 {descending = true} : (vector<16xf32>, vector<16xf32>, vector<16xi1>) -> (vector<16xi1>, vector<16xf32>, vector<16xf32>)
        %masked_sort3A_1392 = arith.constant dense<true> : vector<16xi1>
        %masked_sort3A_1393, %masked_sort3A_1394, %masked_sort3A_1395 = tpu.sort %max3A_1382, %max3A_1382 masked %masked_sort3A_1392 {descending = true} : (vector<16xf32>, vector<16xf32>, vector<16xi1>) -> (vector<16xi1>, vector<16xf32>, vector<16xf32>)
        %masked_sort3A_1396 = arith.constant dense<true> : vector<16xi1>
        %masked_sort3A_1397, %masked_sort3A_1398, %masked_sort3A_1399 = tpu.sort %min3A_1383, %min3A_1383 masked %masked_sort3A_1396 {descending = true} : (vector<16xf32>, vector<16xf32>, vector<16xi1>) -> (vector<16xi1>, vector<16xf32>, vector<16xf32>)
        %max3A_1400 = arith.maximumf %min3A_1368, %min3A_1370 : vector<16xf32>
        %min3A_1401 = arith.minimumf %min3A_1368, %min3A_1370 : vector<16xf32>
        %max3A_1402 = arith.maximumf %min3A_1369, %min3A_1371 : vector<16xf32>
        %min3A_1403 = arith.minimumf %min3A_1369, %min3A_1371 : vector<16xf32>
        %max3A_1404 = arith.maximumf %max3A_1400, %max3A_1402 : vector<16xf32>
        %min3A_1405 = arith.minimumf %max3A_1400, %max3A_1402 : vector<16xf32>
        %max3A_1406 = arith.maximumf %min3A_1401, %min3A_1403 : vector<16xf32>
        %min3A_1407 = arith.minimumf %min3A_1401, %min3A_1403 : vector<16xf32>
        %masked_sort3A_1408 = arith.constant dense<true> : vector<16xi1>
        %masked_sort3A_1409, %masked_sort3A_1410, %masked_sort3A_1411 = tpu.sort %max3A_1404, %max3A_1404 masked %masked_sort3A_1408 {descending = true} : (vector<16xf32>, vector<16xf32>, vector<16xi1>) -> (vector<16xi1>, vector<16xf32>, vector<16xf32>)
        %masked_sort3A_1412 = arith.constant dense<true> : vector<16xi1>
        %masked_sort3A_1413, %masked_sort3A_1414, %masked_sort3A_1415 = tpu.sort %min3A_1405, %min3A_1405 masked %masked_sort3A_1412 {descending = true} : (vector<16xf32>, vector<16xf32>, vector<16xi1>) -> (vector<16xi1>, vector<16xf32>, vector<16xf32>)
        %masked_sort3A_1416 = arith.constant dense<true> : vector<16xi1>
        %masked_sort3A_1417, %masked_sort3A_1418, %masked_sort3A_1419 = tpu.sort %max3A_1406, %max3A_1406 masked %masked_sort3A_1416 {descending = true} : (vector<16xf32>, vector<16xf32>, vector<16xi1>) -> (vector<16xi1>, vector<16xf32>, vector<16xf32>)
        %masked_sort3A_1420 = arith.constant dense<true> : vector<16xi1>
        %masked_sort3A_1421, %masked_sort3A_1422, %masked_sort3A_1423 = tpu.sort %min3A_1407, %min3A_1407 masked %masked_sort3A_1420 {descending = true} : (vector<16xf32>, vector<16xf32>, vector<16xi1>) -> (vector<16xi1>, vector<16xf32>, vector<16xf32>)
        %min3A_1424 = arith.minimumf %masked_sort3A_1016, %masked_sort3A_1040 : vector<16xf32>
        %min3A_1425 = arith.minimumf %masked_sort3A_1020, %masked_sort3A_1044 : vector<16xf32>
        %min3A_1426 = arith.minimumf %masked_sort3A_1026, %masked_sort3A_1050 : vector<16xf32>
        %min3A_1427 = arith.minimumf %masked_sort3A_1030, %masked_sort3A_1054 : vector<16xf32>
        %max3A_1428 = arith.maximumf %masked_sort3A_1016, %masked_sort3A_1040 : vector<16xf32>
        %max3A_1429 = arith.maximumf %masked_sort3A_1020, %masked_sort3A_1044 : vector<16xf32>
        %max3A_1430 = arith.maximumf %masked_sort3A_1026, %masked_sort3A_1050 : vector<16xf32>
        %max3A_1431 = arith.maximumf %masked_sort3A_1030, %masked_sort3A_1054 : vector<16xf32>
        %min3A_1432 = arith.minimumf %min3A_1424, %min3A_1426 : vector<16xf32>
        %max3A_1433 = arith.maximumf %min3A_1424, %min3A_1426 : vector<16xf32>
        %min3A_1434 = arith.minimumf %min3A_1425, %min3A_1427 : vector<16xf32>
        %max3A_1435 = arith.maximumf %min3A_1425, %min3A_1427 : vector<16xf32>
        %min3A_1436 = arith.minimumf %min3A_1432, %min3A_1434 : vector<16xf32>
        %max3A_1437 = arith.maximumf %min3A_1432, %min3A_1434 : vector<16xf32>
        %min3A_1438 = arith.minimumf %max3A_1433, %max3A_1435 : vector<16xf32>
        %max3A_1439 = arith.maximumf %max3A_1433, %max3A_1435 : vector<16xf32>
        %masked_sort3A_1440 = arith.constant dense<true> : vector<16xi1>
        %masked_sort3A_1441, %masked_sort3A_1442, %masked_sort3A_1443 = tpu.sort %min3A_1436, %min3A_1436 masked %masked_sort3A_1440 : (vector<16xf32>, vector<16xf32>, vector<16xi1>) -> (vector<16xi1>, vector<16xf32>, vector<16xf32>)
        %masked_sort3A_1444 = arith.constant dense<true> : vector<16xi1>
        %masked_sort3A_1445, %masked_sort3A_1446, %masked_sort3A_1447 = tpu.sort %max3A_1437, %max3A_1437 masked %masked_sort3A_1444 : (vector<16xf32>, vector<16xf32>, vector<16xi1>) -> (vector<16xi1>, vector<16xf32>, vector<16xf32>)
        %masked_sort3A_1448 = arith.constant dense<true> : vector<16xi1>
        %masked_sort3A_1449, %masked_sort3A_1450, %masked_sort3A_1451 = tpu.sort %min3A_1438, %min3A_1438 masked %masked_sort3A_1448 : (vector<16xf32>, vector<16xf32>, vector<16xi1>) -> (vector<16xi1>, vector<16xf32>, vector<16xf32>)
        %masked_sort3A_1452 = arith.constant dense<true> : vector<16xi1>
        %masked_sort3A_1453, %masked_sort3A_1454, %masked_sort3A_1455 = tpu.sort %max3A_1439, %max3A_1439 masked %masked_sort3A_1452 : (vector<16xf32>, vector<16xf32>, vector<16xi1>) -> (vector<16xi1>, vector<16xf32>, vector<16xf32>)
        %min3A_1456 = arith.minimumf %max3A_1428, %max3A_1430 : vector<16xf32>
        %max3A_1457 = arith.maximumf %max3A_1428, %max3A_1430 : vector<16xf32>
        %min3A_1458 = arith.minimumf %max3A_1429, %max3A_1431 : vector<16xf32>
        %max3A_1459 = arith.maximumf %max3A_1429, %max3A_1431 : vector<16xf32>
        %min3A_1460 = arith.minimumf %min3A_1456, %min3A_1458 : vector<16xf32>
        %max3A_1461 = arith.maximumf %min3A_1456, %min3A_1458 : vector<16xf32>
        %min3A_1462 = arith.minimumf %max3A_1457, %max3A_1459 : vector<16xf32>
        %max3A_1463 = arith.maximumf %max3A_1457, %max3A_1459 : vector<16xf32>
        %masked_sort3A_1464 = arith.constant dense<true> : vector<16xi1>
        %masked_sort3A_1465, %masked_sort3A_1466, %masked_sort3A_1467 = tpu.sort %min3A_1460, %min3A_1460 masked %masked_sort3A_1464 : (vector<16xf32>, vector<16xf32>, vector<16xi1>) -> (vector<16xi1>, vector<16xf32>, vector<16xf32>)
        %masked_sort3A_1468 = arith.constant dense<true> : vector<16xi1>
        %masked_sort3A_1469, %masked_sort3A_1470, %masked_sort3A_1471 = tpu.sort %max3A_1461, %max3A_1461 masked %masked_sort3A_1468 : (vector<16xf32>, vector<16xf32>, vector<16xi1>) -> (vector<16xi1>, vector<16xf32>, vector<16xf32>)
        %masked_sort3A_1472 = arith.constant dense<true> : vector<16xi1>
        %masked_sort3A_1473, %masked_sort3A_1474, %masked_sort3A_1475 = tpu.sort %min3A_1462, %min3A_1462 masked %masked_sort3A_1472 : (vector<16xf32>, vector<16xf32>, vector<16xi1>) -> (vector<16xi1>, vector<16xf32>, vector<16xf32>)
        %masked_sort3A_1476 = arith.constant dense<true> : vector<16xi1>
        %masked_sort3A_1477, %masked_sort3A_1478, %masked_sort3A_1479 = tpu.sort %max3A_1463, %max3A_1463 masked %masked_sort3A_1476 : (vector<16xf32>, vector<16xf32>, vector<16xi1>) -> (vector<16xi1>, vector<16xf32>, vector<16xf32>)
        %min3A_1480 = arith.minimumf %masked_sort3A_1064, %masked_sort3A_1088 : vector<16xf32>
        %min3A_1481 = arith.minimumf %masked_sort3A_1068, %masked_sort3A_1092 : vector<16xf32>
        %min3A_1482 = arith.minimumf %masked_sort3A_1074, %masked_sort3A_1098 : vector<16xf32>
        %min3A_1483 = arith.minimumf %masked_sort3A_1078, %masked_sort3A_1102 : vector<16xf32>
        %max3A_1484 = arith.maximumf %masked_sort3A_1064, %masked_sort3A_1088 : vector<16xf32>
        %max3A_1485 = arith.maximumf %masked_sort3A_1068, %masked_sort3A_1092 : vector<16xf32>
        %max3A_1486 = arith.maximumf %masked_sort3A_1074, %masked_sort3A_1098 : vector<16xf32>
        %max3A_1487 = arith.maximumf %masked_sort3A_1078, %masked_sort3A_1102 : vector<16xf32>
        %max3A_1488 = arith.maximumf %max3A_1484, %max3A_1486 : vector<16xf32>
        %min3A_1489 = arith.minimumf %max3A_1484, %max3A_1486 : vector<16xf32>
        %max3A_1490 = arith.maximumf %max3A_1485, %max3A_1487 : vector<16xf32>
        %min3A_1491 = arith.minimumf %max3A_1485, %max3A_1487 : vector<16xf32>
        %max3A_1492 = arith.maximumf %max3A_1488, %max3A_1490 : vector<16xf32>
        %min3A_1493 = arith.minimumf %max3A_1488, %max3A_1490 : vector<16xf32>
        %max3A_1494 = arith.maximumf %min3A_1489, %min3A_1491 : vector<16xf32>
        %min3A_1495 = arith.minimumf %min3A_1489, %min3A_1491 : vector<16xf32>
        %masked_sort3A_1496 = arith.constant dense<true> : vector<16xi1>
        %masked_sort3A_1497, %masked_sort3A_1498, %masked_sort3A_1499 = tpu.sort %max3A_1492, %max3A_1492 masked %masked_sort3A_1496 {descending = true} : (vector<16xf32>, vector<16xf32>, vector<16xi1>) -> (vector<16xi1>, vector<16xf32>, vector<16xf32>)
        %masked_sort3A_1500 = arith.constant dense<true> : vector<16xi1>
        %masked_sort3A_1501, %masked_sort3A_1502, %masked_sort3A_1503 = tpu.sort %min3A_1493, %min3A_1493 masked %masked_sort3A_1500 {descending = true} : (vector<16xf32>, vector<16xf32>, vector<16xi1>) -> (vector<16xi1>, vector<16xf32>, vector<16xf32>)
        %masked_sort3A_1504 = arith.constant dense<true> : vector<16xi1>
        %masked_sort3A_1505, %masked_sort3A_1506, %masked_sort3A_1507 = tpu.sort %max3A_1494, %max3A_1494 masked %masked_sort3A_1504 {descending = true} : (vector<16xf32>, vector<16xf32>, vector<16xi1>) -> (vector<16xi1>, vector<16xf32>, vector<16xf32>)
        %masked_sort3A_1508 = arith.constant dense<true> : vector<16xi1>
        %masked_sort3A_1509, %masked_sort3A_1510, %masked_sort3A_1511 = tpu.sort %min3A_1495, %min3A_1495 masked %masked_sort3A_1508 {descending = true} : (vector<16xf32>, vector<16xf32>, vector<16xi1>) -> (vector<16xi1>, vector<16xf32>, vector<16xf32>)
        %max3A_1512 = arith.maximumf %min3A_1480, %min3A_1482 : vector<16xf32>
        %min3A_1513 = arith.minimumf %min3A_1480, %min3A_1482 : vector<16xf32>
        %max3A_1514 = arith.maximumf %min3A_1481, %min3A_1483 : vector<16xf32>
        %min3A_1515 = arith.minimumf %min3A_1481, %min3A_1483 : vector<16xf32>
        %max3A_1516 = arith.maximumf %max3A_1512, %max3A_1514 : vector<16xf32>
        %min3A_1517 = arith.minimumf %max3A_1512, %max3A_1514 : vector<16xf32>
        %max3A_1518 = arith.maximumf %min3A_1513, %min3A_1515 : vector<16xf32>
        %min3A_1519 = arith.minimumf %min3A_1513, %min3A_1515 : vector<16xf32>
        %masked_sort3A_1520 = arith.constant dense<true> : vector<16xi1>
        %masked_sort3A_1521, %masked_sort3A_1522, %masked_sort3A_1523 = tpu.sort %max3A_1516, %max3A_1516 masked %masked_sort3A_1520 {descending = true} : (vector<16xf32>, vector<16xf32>, vector<16xi1>) -> (vector<16xi1>, vector<16xf32>, vector<16xf32>)
        %masked_sort3A_1524 = arith.constant dense<true> : vector<16xi1>
        %masked_sort3A_1525, %masked_sort3A_1526, %masked_sort3A_1527 = tpu.sort %min3A_1517, %min3A_1517 masked %masked_sort3A_1524 {descending = true} : (vector<16xf32>, vector<16xf32>, vector<16xi1>) -> (vector<16xi1>, vector<16xf32>, vector<16xf32>)
        %masked_sort3A_1528 = arith.constant dense<true> : vector<16xi1>
        %masked_sort3A_1529, %masked_sort3A_1530, %masked_sort3A_1531 = tpu.sort %max3A_1518, %max3A_1518 masked %masked_sort3A_1528 {descending = true} : (vector<16xf32>, vector<16xf32>, vector<16xi1>) -> (vector<16xi1>, vector<16xf32>, vector<16xf32>)
        %masked_sort3A_1532 = arith.constant dense<true> : vector<16xi1>
        %masked_sort3A_1533, %masked_sort3A_1534, %masked_sort3A_1535 = tpu.sort %min3A_1519, %min3A_1519 masked %masked_sort3A_1532 {descending = true} : (vector<16xf32>, vector<16xf32>, vector<16xi1>) -> (vector<16xi1>, vector<16xf32>, vector<16xf32>)
        %min3A_1536 = arith.minimumf %masked_sort3A_1112, %masked_sort3A_1136 : vector<16xf32>
        %min3A_1537 = arith.minimumf %masked_sort3A_1116, %masked_sort3A_1140 : vector<16xf32>
        %min3A_1538 = arith.minimumf %masked_sort3A_1122, %masked_sort3A_1146 : vector<16xf32>
        %min3A_1539 = arith.minimumf %masked_sort3A_1126, %masked_sort3A_1150 : vector<16xf32>
        %max3A_1540 = arith.maximumf %masked_sort3A_1112, %masked_sort3A_1136 : vector<16xf32>
        %max3A_1541 = arith.maximumf %masked_sort3A_1116, %masked_sort3A_1140 : vector<16xf32>
        %max3A_1542 = arith.maximumf %masked_sort3A_1122, %masked_sort3A_1146 : vector<16xf32>
        %max3A_1543 = arith.maximumf %masked_sort3A_1126, %masked_sort3A_1150 : vector<16xf32>
        %min3A_1544 = arith.minimumf %min3A_1536, %min3A_1538 : vector<16xf32>
        %max3A_1545 = arith.maximumf %min3A_1536, %min3A_1538 : vector<16xf32>
        %min3A_1546 = arith.minimumf %min3A_1537, %min3A_1539 : vector<16xf32>
        %max3A_1547 = arith.maximumf %min3A_1537, %min3A_1539 : vector<16xf32>
        %min3A_1548 = arith.minimumf %min3A_1544, %min3A_1546 : vector<16xf32>
        %max3A_1549 = arith.maximumf %min3A_1544, %min3A_1546 : vector<16xf32>
        %min3A_1550 = arith.minimumf %max3A_1545, %max3A_1547 : vector<16xf32>
        %max3A_1551 = arith.maximumf %max3A_1545, %max3A_1547 : vector<16xf32>
        %masked_sort3A_1552 = arith.constant dense<true> : vector<16xi1>
        %masked_sort3A_1553, %masked_sort3A_1554, %masked_sort3A_1555 = tpu.sort %min3A_1548, %min3A_1548 masked %masked_sort3A_1552 : (vector<16xf32>, vector<16xf32>, vector<16xi1>) -> (vector<16xi1>, vector<16xf32>, vector<16xf32>)
        %masked_sort3A_1556 = arith.constant dense<true> : vector<16xi1>
        %masked_sort3A_1557, %masked_sort3A_1558, %masked_sort3A_1559 = tpu.sort %max3A_1549, %max3A_1549 masked %masked_sort3A_1556 : (vector<16xf32>, vector<16xf32>, vector<16xi1>) -> (vector<16xi1>, vector<16xf32>, vector<16xf32>)
        %masked_sort3A_1560 = arith.constant dense<true> : vector<16xi1>
        %masked_sort3A_1561, %masked_sort3A_1562, %masked_sort3A_1563 = tpu.sort %min3A_1550, %min3A_1550 masked %masked_sort3A_1560 : (vector<16xf32>, vector<16xf32>, vector<16xi1>) -> (vector<16xi1>, vector<16xf32>, vector<16xf32>)
        %masked_sort3A_1564 = arith.constant dense<true> : vector<16xi1>
        %masked_sort3A_1565, %masked_sort3A_1566, %masked_sort3A_1567 = tpu.sort %max3A_1551, %max3A_1551 masked %masked_sort3A_1564 : (vector<16xf32>, vector<16xf32>, vector<16xi1>) -> (vector<16xi1>, vector<16xf32>, vector<16xf32>)
        %min3A_1568 = arith.minimumf %max3A_1540, %max3A_1542 : vector<16xf32>
        %max3A_1569 = arith.maximumf %max3A_1540, %max3A_1542 : vector<16xf32>
        %min3A_1570 = arith.minimumf %max3A_1541, %max3A_1543 : vector<16xf32>
        %max3A_1571 = arith.maximumf %max3A_1541, %max3A_1543 : vector<16xf32>
        %min3A_1572 = arith.minimumf %min3A_1568, %min3A_1570 : vector<16xf32>
        %max3A_1573 = arith.maximumf %min3A_1568, %min3A_1570 : vector<16xf32>
        %min3A_1574 = arith.minimumf %max3A_1569, %max3A_1571 : vector<16xf32>
        %max3A_1575 = arith.maximumf %max3A_1569, %max3A_1571 : vector<16xf32>
        %masked_sort3A_1576 = arith.constant dense<true> : vector<16xi1>
        %masked_sort3A_1577, %masked_sort3A_1578, %masked_sort3A_1579 = tpu.sort %min3A_1572, %min3A_1572 masked %masked_sort3A_1576 : (vector<16xf32>, vector<16xf32>, vector<16xi1>) -> (vector<16xi1>, vector<16xf32>, vector<16xf32>)
        %masked_sort3A_1580 = arith.constant dense<true> : vector<16xi1>
        %masked_sort3A_1581, %masked_sort3A_1582, %masked_sort3A_1583 = tpu.sort %max3A_1573, %max3A_1573 masked %masked_sort3A_1580 : (vector<16xf32>, vector<16xf32>, vector<16xi1>) -> (vector<16xi1>, vector<16xf32>, vector<16xf32>)
        %masked_sort3A_1584 = arith.constant dense<true> : vector<16xi1>
        %masked_sort3A_1585, %masked_sort3A_1586, %masked_sort3A_1587 = tpu.sort %min3A_1574, %min3A_1574 masked %masked_sort3A_1584 : (vector<16xf32>, vector<16xf32>, vector<16xi1>) -> (vector<16xi1>, vector<16xf32>, vector<16xf32>)
        %masked_sort3A_1588 = arith.constant dense<true> : vector<16xi1>
        %masked_sort3A_1589, %masked_sort3A_1590, %masked_sort3A_1591 = tpu.sort %max3A_1575, %max3A_1575 masked %masked_sort3A_1588 : (vector<16xf32>, vector<16xf32>, vector<16xi1>) -> (vector<16xi1>, vector<16xf32>, vector<16xf32>)
        %min3A_1592 = arith.minimumf %masked_sort3A_1160, %masked_sort3A_1184 : vector<16xf32>
        %min3A_1593 = arith.minimumf %masked_sort3A_1164, %masked_sort3A_1188 : vector<16xf32>
        %min3A_1594 = arith.minimumf %masked_sort3A_1170, %masked_sort3A_1194 : vector<16xf32>
        %min3A_1595 = arith.minimumf %masked_sort3A_1174, %masked_sort3A_1198 : vector<16xf32>
        %max3A_1596 = arith.maximumf %masked_sort3A_1160, %masked_sort3A_1184 : vector<16xf32>
        %max3A_1597 = arith.maximumf %masked_sort3A_1164, %masked_sort3A_1188 : vector<16xf32>
        %max3A_1598 = arith.maximumf %masked_sort3A_1170, %masked_sort3A_1194 : vector<16xf32>
        %max3A_1599 = arith.maximumf %masked_sort3A_1174, %masked_sort3A_1198 : vector<16xf32>
        %max3A_1600 = arith.maximumf %max3A_1596, %max3A_1598 : vector<16xf32>
        %min3A_1601 = arith.minimumf %max3A_1596, %max3A_1598 : vector<16xf32>
        %max3A_1602 = arith.maximumf %max3A_1597, %max3A_1599 : vector<16xf32>
        %min3A_1603 = arith.minimumf %max3A_1597, %max3A_1599 : vector<16xf32>
        %max3A_1604 = arith.maximumf %max3A_1600, %max3A_1602 : vector<16xf32>
        %min3A_1605 = arith.minimumf %max3A_1600, %max3A_1602 : vector<16xf32>
        %max3A_1606 = arith.maximumf %min3A_1601, %min3A_1603 : vector<16xf32>
        %min3A_1607 = arith.minimumf %min3A_1601, %min3A_1603 : vector<16xf32>
        %masked_sort3A_1608 = arith.constant dense<true> : vector<16xi1>
        %masked_sort3A_1609, %masked_sort3A_1610, %masked_sort3A_1611 = tpu.sort %max3A_1604, %max3A_1604 masked %masked_sort3A_1608 {descending = true} : (vector<16xf32>, vector<16xf32>, vector<16xi1>) -> (vector<16xi1>, vector<16xf32>, vector<16xf32>)
        %masked_sort3A_1612 = arith.constant dense<true> : vector<16xi1>
        %masked_sort3A_1613, %masked_sort3A_1614, %masked_sort3A_1615 = tpu.sort %min3A_1605, %min3A_1605 masked %masked_sort3A_1612 {descending = true} : (vector<16xf32>, vector<16xf32>, vector<16xi1>) -> (vector<16xi1>, vector<16xf32>, vector<16xf32>)
        %masked_sort3A_1616 = arith.constant dense<true> : vector<16xi1>
        %masked_sort3A_1617, %masked_sort3A_1618, %masked_sort3A_1619 = tpu.sort %max3A_1606, %max3A_1606 masked %masked_sort3A_1616 {descending = true} : (vector<16xf32>, vector<16xf32>, vector<16xi1>) -> (vector<16xi1>, vector<16xf32>, vector<16xf32>)
        %masked_sort3A_1620 = arith.constant dense<true> : vector<16xi1>
        %masked_sort3A_1621, %masked_sort3A_1622, %masked_sort3A_1623 = tpu.sort %min3A_1607, %min3A_1607 masked %masked_sort3A_1620 {descending = true} : (vector<16xf32>, vector<16xf32>, vector<16xi1>) -> (vector<16xi1>, vector<16xf32>, vector<16xf32>)
        %max3A_1624 = arith.maximumf %min3A_1592, %min3A_1594 : vector<16xf32>
        %min3A_1625 = arith.minimumf %min3A_1592, %min3A_1594 : vector<16xf32>
        %max3A_1626 = arith.maximumf %min3A_1593, %min3A_1595 : vector<16xf32>
        %min3A_1627 = arith.minimumf %min3A_1593, %min3A_1595 : vector<16xf32>
        %max3A_1628 = arith.maximumf %max3A_1624, %max3A_1626 : vector<16xf32>
        %min3A_1629 = arith.minimumf %max3A_1624, %max3A_1626 : vector<16xf32>
        %max3A_1630 = arith.maximumf %min3A_1625, %min3A_1627 : vector<16xf32>
        %min3A_1631 = arith.minimumf %min3A_1625, %min3A_1627 : vector<16xf32>
        %masked_sort3A_1632 = arith.constant dense<true> : vector<16xi1>
        %masked_sort3A_1633, %masked_sort3A_1634, %masked_sort3A_1635 = tpu.sort %max3A_1628, %max3A_1628 masked %masked_sort3A_1632 {descending = true} : (vector<16xf32>, vector<16xf32>, vector<16xi1>) -> (vector<16xi1>, vector<16xf32>, vector<16xf32>)
        %masked_sort3A_1636 = arith.constant dense<true> : vector<16xi1>
        %masked_sort3A_1637, %masked_sort3A_1638, %masked_sort3A_1639 = tpu.sort %min3A_1629, %min3A_1629 masked %masked_sort3A_1636 {descending = true} : (vector<16xf32>, vector<16xf32>, vector<16xi1>) -> (vector<16xi1>, vector<16xf32>, vector<16xf32>)
        %masked_sort3A_1640 = arith.constant dense<true> : vector<16xi1>
        %masked_sort3A_1641, %masked_sort3A_1642, %masked_sort3A_1643 = tpu.sort %max3A_1630, %max3A_1630 masked %masked_sort3A_1640 {descending = true} : (vector<16xf32>, vector<16xf32>, vector<16xi1>) -> (vector<16xi1>, vector<16xf32>, vector<16xf32>)
        %masked_sort3A_1644 = arith.constant dense<true> : vector<16xi1>
        %masked_sort3A_1645, %masked_sort3A_1646, %masked_sort3A_1647 = tpu.sort %min3A_1631, %min3A_1631 masked %masked_sort3A_1644 {descending = true} : (vector<16xf32>, vector<16xf32>, vector<16xi1>) -> (vector<16xi1>, vector<16xf32>, vector<16xf32>)
        %max3A_1648 = arith.maximumf %masked_sort3A_1218, %masked_sort3A_1274 : vector<16xf32>
        %max3A_1649 = arith.maximumf %masked_sort3A_1222, %masked_sort3A_1278 : vector<16xf32>
        %max3A_1650 = arith.maximumf %masked_sort3A_1226, %masked_sort3A_1282 : vector<16xf32>
        %max3A_1651 = arith.maximumf %masked_sort3A_1230, %masked_sort3A_1286 : vector<16xf32>
        %max3A_1652 = arith.maximumf %masked_sort3A_1242, %masked_sort3A_1298 : vector<16xf32>
        %max3A_1653 = arith.maximumf %masked_sort3A_1246, %masked_sort3A_1302 : vector<16xf32>
        %max3A_1654 = arith.maximumf %masked_sort3A_1250, %masked_sort3A_1306 : vector<16xf32>
        %max3A_1655 = arith.maximumf %masked_sort3A_1254, %masked_sort3A_1310 : vector<16xf32>
        %min3A_1656 = arith.minimumf %max3A_1648, %max3A_1652 : vector<16xf32>
        %max3A_1657 = arith.maximumf %max3A_1648, %max3A_1652 : vector<16xf32>
        %min3A_1658 = arith.minimumf %max3A_1649, %max3A_1653 : vector<16xf32>
        %max3A_1659 = arith.maximumf %max3A_1649, %max3A_1653 : vector<16xf32>
        %min3A_1660 = arith.minimumf %max3A_1650, %max3A_1654 : vector<16xf32>
        %max3A_1661 = arith.maximumf %max3A_1650, %max3A_1654 : vector<16xf32>
        %min3A_1662 = arith.minimumf %max3A_1651, %max3A_1655 : vector<16xf32>
        %max3A_1663 = arith.maximumf %max3A_1651, %max3A_1655 : vector<16xf32>
        %min3A_1664 = arith.minimumf %min3A_1656, %min3A_1660 : vector<16xf32>
        %max3A_1665 = arith.maximumf %min3A_1656, %min3A_1660 : vector<16xf32>
        %min3A_1666 = arith.minimumf %min3A_1658, %min3A_1662 : vector<16xf32>
        %max3A_1667 = arith.maximumf %min3A_1658, %min3A_1662 : vector<16xf32>
        %min3A_1668 = arith.minimumf %max3A_1657, %max3A_1661 : vector<16xf32>
        %max3A_1669 = arith.maximumf %max3A_1657, %max3A_1661 : vector<16xf32>
        %min3A_1670 = arith.minimumf %max3A_1659, %max3A_1663 : vector<16xf32>
        %max3A_1671 = arith.maximumf %max3A_1659, %max3A_1663 : vector<16xf32>
        %min3A_1672 = arith.minimumf %min3A_1664, %min3A_1666 : vector<16xf32>
        %max3A_1673 = arith.maximumf %min3A_1664, %min3A_1666 : vector<16xf32>
        %min3A_1674 = arith.minimumf %max3A_1665, %max3A_1667 : vector<16xf32>
        %max3A_1675 = arith.maximumf %max3A_1665, %max3A_1667 : vector<16xf32>
        %min3A_1676 = arith.minimumf %min3A_1668, %min3A_1670 : vector<16xf32>
        %max3A_1677 = arith.maximumf %min3A_1668, %min3A_1670 : vector<16xf32>
        %min3A_1678 = arith.minimumf %max3A_1669, %max3A_1671 : vector<16xf32>
        %max3A_1679 = arith.maximumf %max3A_1669, %max3A_1671 : vector<16xf32>
        %masked_sort3A_1680 = arith.constant dense<true> : vector<16xi1>
        %masked_sort3A_1681, %masked_sort3A_1682, %masked_sort3A_1683 = tpu.sort %min3A_1672, %min3A_1672 masked %masked_sort3A_1680 : (vector<16xf32>, vector<16xf32>, vector<16xi1>) -> (vector<16xi1>, vector<16xf32>, vector<16xf32>)
        %masked_sort3A_1684 = arith.constant dense<true> : vector<16xi1>
        %masked_sort3A_1685, %masked_sort3A_1686, %masked_sort3A_1687 = tpu.sort %max3A_1673, %max3A_1673 masked %masked_sort3A_1684 : (vector<16xf32>, vector<16xf32>, vector<16xi1>) -> (vector<16xi1>, vector<16xf32>, vector<16xf32>)
        %masked_sort3A_1688 = arith.constant dense<true> : vector<16xi1>
        %masked_sort3A_1689, %masked_sort3A_1690, %masked_sort3A_1691 = tpu.sort %min3A_1674, %min3A_1674 masked %masked_sort3A_1688 : (vector<16xf32>, vector<16xf32>, vector<16xi1>) -> (vector<16xi1>, vector<16xf32>, vector<16xf32>)
        %masked_sort3A_1692 = arith.constant dense<true> : vector<16xi1>
        %masked_sort3A_1693, %masked_sort3A_1694, %masked_sort3A_1695 = tpu.sort %max3A_1675, %max3A_1675 masked %masked_sort3A_1692 : (vector<16xf32>, vector<16xf32>, vector<16xi1>) -> (vector<16xi1>, vector<16xf32>, vector<16xf32>)
        %masked_sort3A_1696 = arith.constant dense<true> : vector<16xi1>
        %masked_sort3A_1697, %masked_sort3A_1698, %masked_sort3A_1699 = tpu.sort %min3A_1676, %min3A_1676 masked %masked_sort3A_1696 : (vector<16xf32>, vector<16xf32>, vector<16xi1>) -> (vector<16xi1>, vector<16xf32>, vector<16xf32>)
        %masked_sort3A_1700 = arith.constant dense<true> : vector<16xi1>
        %masked_sort3A_1701, %masked_sort3A_1702, %masked_sort3A_1703 = tpu.sort %max3A_1677, %max3A_1677 masked %masked_sort3A_1700 : (vector<16xf32>, vector<16xf32>, vector<16xi1>) -> (vector<16xi1>, vector<16xf32>, vector<16xf32>)
        %masked_sort3A_1704 = arith.constant dense<true> : vector<16xi1>
        %masked_sort3A_1705, %masked_sort3A_1706, %masked_sort3A_1707 = tpu.sort %min3A_1678, %min3A_1678 masked %masked_sort3A_1704 : (vector<16xf32>, vector<16xf32>, vector<16xi1>) -> (vector<16xi1>, vector<16xf32>, vector<16xf32>)
        %masked_sort3A_1708 = arith.constant dense<true> : vector<16xi1>
        %masked_sort3A_1709, %masked_sort3A_1710, %masked_sort3A_1711 = tpu.sort %max3A_1679, %max3A_1679 masked %masked_sort3A_1708 : (vector<16xf32>, vector<16xf32>, vector<16xi1>) -> (vector<16xi1>, vector<16xf32>, vector<16xf32>)
        %max3A_1712 = arith.maximumf %masked_sort3A_1330, %masked_sort3A_1386 : vector<16xf32>
        %max3A_1713 = arith.maximumf %masked_sort3A_1334, %masked_sort3A_1390 : vector<16xf32>
        %max3A_1714 = arith.maximumf %masked_sort3A_1338, %masked_sort3A_1394 : vector<16xf32>
        %max3A_1715 = arith.maximumf %masked_sort3A_1342, %masked_sort3A_1398 : vector<16xf32>
        %max3A_1716 = arith.maximumf %masked_sort3A_1354, %masked_sort3A_1410 : vector<16xf32>
        %max3A_1717 = arith.maximumf %masked_sort3A_1358, %masked_sort3A_1414 : vector<16xf32>
        %max3A_1718 = arith.maximumf %masked_sort3A_1362, %masked_sort3A_1418 : vector<16xf32>
        %max3A_1719 = arith.maximumf %masked_sort3A_1366, %masked_sort3A_1422 : vector<16xf32>
        %max3A_1720 = arith.maximumf %max3A_1712, %max3A_1716 : vector<16xf32>
        %min3A_1721 = arith.minimumf %max3A_1712, %max3A_1716 : vector<16xf32>
        %max3A_1722 = arith.maximumf %max3A_1713, %max3A_1717 : vector<16xf32>
        %min3A_1723 = arith.minimumf %max3A_1713, %max3A_1717 : vector<16xf32>
        %max3A_1724 = arith.maximumf %max3A_1714, %max3A_1718 : vector<16xf32>
        %min3A_1725 = arith.minimumf %max3A_1714, %max3A_1718 : vector<16xf32>
        %max3A_1726 = arith.maximumf %max3A_1715, %max3A_1719 : vector<16xf32>
        %min3A_1727 = arith.minimumf %max3A_1715, %max3A_1719 : vector<16xf32>
        %max3A_1728 = arith.maximumf %max3A_1720, %max3A_1724 : vector<16xf32>
        %min3A_1729 = arith.minimumf %max3A_1720, %max3A_1724 : vector<16xf32>
        %max3A_1730 = arith.maximumf %max3A_1722, %max3A_1726 : vector<16xf32>
        %min3A_1731 = arith.minimumf %max3A_1722, %max3A_1726 : vector<16xf32>
        %max3A_1732 = arith.maximumf %min3A_1721, %min3A_1725 : vector<16xf32>
        %min3A_1733 = arith.minimumf %min3A_1721, %min3A_1725 : vector<16xf32>
        %max3A_1734 = arith.maximumf %min3A_1723, %min3A_1727 : vector<16xf32>
        %min3A_1735 = arith.minimumf %min3A_1723, %min3A_1727 : vector<16xf32>
        %max3A_1736 = arith.maximumf %max3A_1728, %max3A_1730 : vector<16xf32>
        %min3A_1737 = arith.minimumf %max3A_1728, %max3A_1730 : vector<16xf32>
        %max3A_1738 = arith.maximumf %min3A_1729, %min3A_1731 : vector<16xf32>
        %min3A_1739 = arith.minimumf %min3A_1729, %min3A_1731 : vector<16xf32>
        %max3A_1740 = arith.maximumf %max3A_1732, %max3A_1734 : vector<16xf32>
        %min3A_1741 = arith.minimumf %max3A_1732, %max3A_1734 : vector<16xf32>
        %max3A_1742 = arith.maximumf %min3A_1733, %min3A_1735 : vector<16xf32>
        %min3A_1743 = arith.minimumf %min3A_1733, %min3A_1735 : vector<16xf32>
        %masked_sort3A_1744 = arith.constant dense<true> : vector<16xi1>
        %masked_sort3A_1745, %masked_sort3A_1746, %masked_sort3A_1747 = tpu.sort %max3A_1736, %max3A_1736 masked %masked_sort3A_1744 {descending = true} : (vector<16xf32>, vector<16xf32>, vector<16xi1>) -> (vector<16xi1>, vector<16xf32>, vector<16xf32>)
        %masked_sort3A_1748 = arith.constant dense<true> : vector<16xi1>
        %masked_sort3A_1749, %masked_sort3A_1750, %masked_sort3A_1751 = tpu.sort %min3A_1737, %min3A_1737 masked %masked_sort3A_1748 {descending = true} : (vector<16xf32>, vector<16xf32>, vector<16xi1>) -> (vector<16xi1>, vector<16xf32>, vector<16xf32>)
        %masked_sort3A_1752 = arith.constant dense<true> : vector<16xi1>
        %masked_sort3A_1753, %masked_sort3A_1754, %masked_sort3A_1755 = tpu.sort %max3A_1738, %max3A_1738 masked %masked_sort3A_1752 {descending = true} : (vector<16xf32>, vector<16xf32>, vector<16xi1>) -> (vector<16xi1>, vector<16xf32>, vector<16xf32>)
        %masked_sort3A_1756 = arith.constant dense<true> : vector<16xi1>
        %masked_sort3A_1757, %masked_sort3A_1758, %masked_sort3A_1759 = tpu.sort %min3A_1739, %min3A_1739 masked %masked_sort3A_1756 {descending = true} : (vector<16xf32>, vector<16xf32>, vector<16xi1>) -> (vector<16xi1>, vector<16xf32>, vector<16xf32>)
        %masked_sort3A_1760 = arith.constant dense<true> : vector<16xi1>
        %masked_sort3A_1761, %masked_sort3A_1762, %masked_sort3A_1763 = tpu.sort %max3A_1740, %max3A_1740 masked %masked_sort3A_1760 {descending = true} : (vector<16xf32>, vector<16xf32>, vector<16xi1>) -> (vector<16xi1>, vector<16xf32>, vector<16xf32>)
        %masked_sort3A_1764 = arith.constant dense<true> : vector<16xi1>
        %masked_sort3A_1765, %masked_sort3A_1766, %masked_sort3A_1767 = tpu.sort %min3A_1741, %min3A_1741 masked %masked_sort3A_1764 {descending = true} : (vector<16xf32>, vector<16xf32>, vector<16xi1>) -> (vector<16xi1>, vector<16xf32>, vector<16xf32>)
        %masked_sort3A_1768 = arith.constant dense<true> : vector<16xi1>
        %masked_sort3A_1769, %masked_sort3A_1770, %masked_sort3A_1771 = tpu.sort %max3A_1742, %max3A_1742 masked %masked_sort3A_1768 {descending = true} : (vector<16xf32>, vector<16xf32>, vector<16xi1>) -> (vector<16xi1>, vector<16xf32>, vector<16xf32>)
        %masked_sort3A_1772 = arith.constant dense<true> : vector<16xi1>
        %masked_sort3A_1773, %masked_sort3A_1774, %masked_sort3A_1775 = tpu.sort %min3A_1743, %min3A_1743 masked %masked_sort3A_1772 {descending = true} : (vector<16xf32>, vector<16xf32>, vector<16xi1>) -> (vector<16xi1>, vector<16xf32>, vector<16xf32>)
        %max3A_1776 = arith.maximumf %masked_sort3A_1442, %masked_sort3A_1498 : vector<16xf32>
        %max3A_1777 = arith.maximumf %masked_sort3A_1446, %masked_sort3A_1502 : vector<16xf32>
        %max3A_1778 = arith.maximumf %masked_sort3A_1450, %masked_sort3A_1506 : vector<16xf32>
        %max3A_1779 = arith.maximumf %masked_sort3A_1454, %masked_sort3A_1510 : vector<16xf32>
        %max3A_1780 = arith.maximumf %masked_sort3A_1466, %masked_sort3A_1522 : vector<16xf32>
        %max3A_1781 = arith.maximumf %masked_sort3A_1470, %masked_sort3A_1526 : vector<16xf32>
        %max3A_1782 = arith.maximumf %masked_sort3A_1474, %masked_sort3A_1530 : vector<16xf32>
        %max3A_1783 = arith.maximumf %masked_sort3A_1478, %masked_sort3A_1534 : vector<16xf32>
        %min3A_1784 = arith.minimumf %max3A_1776, %max3A_1780 : vector<16xf32>
        %max3A_1785 = arith.maximumf %max3A_1776, %max3A_1780 : vector<16xf32>
        %min3A_1786 = arith.minimumf %max3A_1777, %max3A_1781 : vector<16xf32>
        %max3A_1787 = arith.maximumf %max3A_1777, %max3A_1781 : vector<16xf32>
        %min3A_1788 = arith.minimumf %max3A_1778, %max3A_1782 : vector<16xf32>
        %max3A_1789 = arith.maximumf %max3A_1778, %max3A_1782 : vector<16xf32>
        %min3A_1790 = arith.minimumf %max3A_1779, %max3A_1783 : vector<16xf32>
        %max3A_1791 = arith.maximumf %max3A_1779, %max3A_1783 : vector<16xf32>
        %min3A_1792 = arith.minimumf %min3A_1784, %min3A_1788 : vector<16xf32>
        %max3A_1793 = arith.maximumf %min3A_1784, %min3A_1788 : vector<16xf32>
        %min3A_1794 = arith.minimumf %min3A_1786, %min3A_1790 : vector<16xf32>
        %max3A_1795 = arith.maximumf %min3A_1786, %min3A_1790 : vector<16xf32>
        %min3A_1796 = arith.minimumf %max3A_1785, %max3A_1789 : vector<16xf32>
        %max3A_1797 = arith.maximumf %max3A_1785, %max3A_1789 : vector<16xf32>
        %min3A_1798 = arith.minimumf %max3A_1787, %max3A_1791 : vector<16xf32>
        %max3A_1799 = arith.maximumf %max3A_1787, %max3A_1791 : vector<16xf32>
        %min3A_1800 = arith.minimumf %min3A_1792, %min3A_1794 : vector<16xf32>
        %max3A_1801 = arith.maximumf %min3A_1792, %min3A_1794 : vector<16xf32>
        %min3A_1802 = arith.minimumf %max3A_1793, %max3A_1795 : vector<16xf32>
        %max3A_1803 = arith.maximumf %max3A_1793, %max3A_1795 : vector<16xf32>
        %min3A_1804 = arith.minimumf %min3A_1796, %min3A_1798 : vector<16xf32>
        %max3A_1805 = arith.maximumf %min3A_1796, %min3A_1798 : vector<16xf32>
        %min3A_1806 = arith.minimumf %max3A_1797, %max3A_1799 : vector<16xf32>
        %max3A_1807 = arith.maximumf %max3A_1797, %max3A_1799 : vector<16xf32>
        %masked_sort3A_1808 = arith.constant dense<true> : vector<16xi1>
        %masked_sort3A_1809, %masked_sort3A_1810, %masked_sort3A_1811 = tpu.sort %min3A_1800, %min3A_1800 masked %masked_sort3A_1808 : (vector<16xf32>, vector<16xf32>, vector<16xi1>) -> (vector<16xi1>, vector<16xf32>, vector<16xf32>)
        %masked_sort3A_1812 = arith.constant dense<true> : vector<16xi1>
        %masked_sort3A_1813, %masked_sort3A_1814, %masked_sort3A_1815 = tpu.sort %max3A_1801, %max3A_1801 masked %masked_sort3A_1812 : (vector<16xf32>, vector<16xf32>, vector<16xi1>) -> (vector<16xi1>, vector<16xf32>, vector<16xf32>)
        %masked_sort3A_1816 = arith.constant dense<true> : vector<16xi1>
        %masked_sort3A_1817, %masked_sort3A_1818, %masked_sort3A_1819 = tpu.sort %min3A_1802, %min3A_1802 masked %masked_sort3A_1816 : (vector<16xf32>, vector<16xf32>, vector<16xi1>) -> (vector<16xi1>, vector<16xf32>, vector<16xf32>)
        %masked_sort3A_1820 = arith.constant dense<true> : vector<16xi1>
        %masked_sort3A_1821, %masked_sort3A_1822, %masked_sort3A_1823 = tpu.sort %max3A_1803, %max3A_1803 masked %masked_sort3A_1820 : (vector<16xf32>, vector<16xf32>, vector<16xi1>) -> (vector<16xi1>, vector<16xf32>, vector<16xf32>)
        %masked_sort3A_1824 = arith.constant dense<true> : vector<16xi1>
        %masked_sort3A_1825, %masked_sort3A_1826, %masked_sort3A_1827 = tpu.sort %min3A_1804, %min3A_1804 masked %masked_sort3A_1824 : (vector<16xf32>, vector<16xf32>, vector<16xi1>) -> (vector<16xi1>, vector<16xf32>, vector<16xf32>)
        %masked_sort3A_1828 = arith.constant dense<true> : vector<16xi1>
        %masked_sort3A_1829, %masked_sort3A_1830, %masked_sort3A_1831 = tpu.sort %max3A_1805, %max3A_1805 masked %masked_sort3A_1828 : (vector<16xf32>, vector<16xf32>, vector<16xi1>) -> (vector<16xi1>, vector<16xf32>, vector<16xf32>)
        %masked_sort3A_1832 = arith.constant dense<true> : vector<16xi1>
        %masked_sort3A_1833, %masked_sort3A_1834, %masked_sort3A_1835 = tpu.sort %min3A_1806, %min3A_1806 masked %masked_sort3A_1832 : (vector<16xf32>, vector<16xf32>, vector<16xi1>) -> (vector<16xi1>, vector<16xf32>, vector<16xf32>)
        %masked_sort3A_1836 = arith.constant dense<true> : vector<16xi1>
        %masked_sort3A_1837, %masked_sort3A_1838, %masked_sort3A_1839 = tpu.sort %max3A_1807, %max3A_1807 masked %masked_sort3A_1836 : (vector<16xf32>, vector<16xf32>, vector<16xi1>) -> (vector<16xi1>, vector<16xf32>, vector<16xf32>)
        %max3A_1840 = arith.maximumf %masked_sort3A_1554, %masked_sort3A_1610 : vector<16xf32>
        %max3A_1841 = arith.maximumf %masked_sort3A_1558, %masked_sort3A_1614 : vector<16xf32>
        %max3A_1842 = arith.maximumf %masked_sort3A_1562, %masked_sort3A_1618 : vector<16xf32>
        %max3A_1843 = arith.maximumf %masked_sort3A_1566, %masked_sort3A_1622 : vector<16xf32>
        %max3A_1844 = arith.maximumf %masked_sort3A_1578, %masked_sort3A_1634 : vector<16xf32>
        %max3A_1845 = arith.maximumf %masked_sort3A_1582, %masked_sort3A_1638 : vector<16xf32>
        %max3A_1846 = arith.maximumf %masked_sort3A_1586, %masked_sort3A_1642 : vector<16xf32>
        %max3A_1847 = arith.maximumf %masked_sort3A_1590, %masked_sort3A_1646 : vector<16xf32>
        %max3A_1848 = arith.maximumf %max3A_1840, %max3A_1844 : vector<16xf32>
        %min3A_1849 = arith.minimumf %max3A_1840, %max3A_1844 : vector<16xf32>
        %max3A_1850 = arith.maximumf %max3A_1841, %max3A_1845 : vector<16xf32>
        %min3A_1851 = arith.minimumf %max3A_1841, %max3A_1845 : vector<16xf32>
        %max3A_1852 = arith.maximumf %max3A_1842, %max3A_1846 : vector<16xf32>
        %min3A_1853 = arith.minimumf %max3A_1842, %max3A_1846 : vector<16xf32>
        %max3A_1854 = arith.maximumf %max3A_1843, %max3A_1847 : vector<16xf32>
        %min3A_1855 = arith.minimumf %max3A_1843, %max3A_1847 : vector<16xf32>
        %max3A_1856 = arith.maximumf %max3A_1848, %max3A_1852 : vector<16xf32>
        %min3A_1857 = arith.minimumf %max3A_1848, %max3A_1852 : vector<16xf32>
        %max3A_1858 = arith.maximumf %max3A_1850, %max3A_1854 : vector<16xf32>
        %min3A_1859 = arith.minimumf %max3A_1850, %max3A_1854 : vector<16xf32>
        %max3A_1860 = arith.maximumf %min3A_1849, %min3A_1853 : vector<16xf32>
        %min3A_1861 = arith.minimumf %min3A_1849, %min3A_1853 : vector<16xf32>
        %max3A_1862 = arith.maximumf %min3A_1851, %min3A_1855 : vector<16xf32>
        %min3A_1863 = arith.minimumf %min3A_1851, %min3A_1855 : vector<16xf32>
        %max3A_1864 = arith.maximumf %max3A_1856, %max3A_1858 : vector<16xf32>
        %min3A_1865 = arith.minimumf %max3A_1856, %max3A_1858 : vector<16xf32>
        %max3A_1866 = arith.maximumf %min3A_1857, %min3A_1859 : vector<16xf32>
        %min3A_1867 = arith.minimumf %min3A_1857, %min3A_1859 : vector<16xf32>
        %max3A_1868 = arith.maximumf %max3A_1860, %max3A_1862 : vector<16xf32>
        %min3A_1869 = arith.minimumf %max3A_1860, %max3A_1862 : vector<16xf32>
        %max3A_1870 = arith.maximumf %min3A_1861, %min3A_1863 : vector<16xf32>
        %min3A_1871 = arith.minimumf %min3A_1861, %min3A_1863 : vector<16xf32>
        %masked_sort3A_1872 = arith.constant dense<true> : vector<16xi1>
        %masked_sort3A_1873, %masked_sort3A_1874, %masked_sort3A_1875 = tpu.sort %max3A_1864, %max3A_1864 masked %masked_sort3A_1872 {descending = true} : (vector<16xf32>, vector<16xf32>, vector<16xi1>) -> (vector<16xi1>, vector<16xf32>, vector<16xf32>)
        %masked_sort3A_1876 = arith.constant dense<true> : vector<16xi1>
        %masked_sort3A_1877, %masked_sort3A_1878, %masked_sort3A_1879 = tpu.sort %min3A_1865, %min3A_1865 masked %masked_sort3A_1876 {descending = true} : (vector<16xf32>, vector<16xf32>, vector<16xi1>) -> (vector<16xi1>, vector<16xf32>, vector<16xf32>)
        %masked_sort3A_1880 = arith.constant dense<true> : vector<16xi1>
        %masked_sort3A_1881, %masked_sort3A_1882, %masked_sort3A_1883 = tpu.sort %max3A_1866, %max3A_1866 masked %masked_sort3A_1880 {descending = true} : (vector<16xf32>, vector<16xf32>, vector<16xi1>) -> (vector<16xi1>, vector<16xf32>, vector<16xf32>)
        %masked_sort3A_1884 = arith.constant dense<true> : vector<16xi1>
        %masked_sort3A_1885, %masked_sort3A_1886, %masked_sort3A_1887 = tpu.sort %min3A_1867, %min3A_1867 masked %masked_sort3A_1884 {descending = true} : (vector<16xf32>, vector<16xf32>, vector<16xi1>) -> (vector<16xi1>, vector<16xf32>, vector<16xf32>)
        %masked_sort3A_1888 = arith.constant dense<true> : vector<16xi1>
        %masked_sort3A_1889, %masked_sort3A_1890, %masked_sort3A_1891 = tpu.sort %max3A_1868, %max3A_1868 masked %masked_sort3A_1888 {descending = true} : (vector<16xf32>, vector<16xf32>, vector<16xi1>) -> (vector<16xi1>, vector<16xf32>, vector<16xf32>)
        %masked_sort3A_1892 = arith.constant dense<true> : vector<16xi1>
        %masked_sort3A_1893, %masked_sort3A_1894, %masked_sort3A_1895 = tpu.sort %min3A_1869, %min3A_1869 masked %masked_sort3A_1892 {descending = true} : (vector<16xf32>, vector<16xf32>, vector<16xi1>) -> (vector<16xi1>, vector<16xf32>, vector<16xf32>)
        %masked_sort3A_1896 = arith.constant dense<true> : vector<16xi1>
        %masked_sort3A_1897, %masked_sort3A_1898, %masked_sort3A_1899 = tpu.sort %max3A_1870, %max3A_1870 masked %masked_sort3A_1896 {descending = true} : (vector<16xf32>, vector<16xf32>, vector<16xi1>) -> (vector<16xi1>, vector<16xf32>, vector<16xf32>)
        %masked_sort3A_1900 = arith.constant dense<true> : vector<16xi1>
        %masked_sort3A_1901, %masked_sort3A_1902, %masked_sort3A_1903 = tpu.sort %min3A_1871, %min3A_1871 masked %masked_sort3A_1900 {descending = true} : (vector<16xf32>, vector<16xf32>, vector<16xi1>) -> (vector<16xi1>, vector<16xf32>, vector<16xf32>)
        %max3A_1904 = arith.maximumf %masked_sort3A_1682, %masked_sort3A_1746 : vector<16xf32>
        %max3A_1905 = arith.maximumf %masked_sort3A_1686, %masked_sort3A_1750 : vector<16xf32>
        %max3A_1906 = arith.maximumf %masked_sort3A_1690, %masked_sort3A_1754 : vector<16xf32>
        %max3A_1907 = arith.maximumf %masked_sort3A_1694, %masked_sort3A_1758 : vector<16xf32>
        %max3A_1908 = arith.maximumf %masked_sort3A_1698, %masked_sort3A_1762 : vector<16xf32>
        %max3A_1909 = arith.maximumf %masked_sort3A_1702, %masked_sort3A_1766 : vector<16xf32>
        %max3A_1910 = arith.maximumf %masked_sort3A_1706, %masked_sort3A_1770 : vector<16xf32>
        %max3A_1911 = arith.maximumf %masked_sort3A_1710, %masked_sort3A_1774 : vector<16xf32>
        %min3A_1912 = arith.minimumf %max3A_1904, %max3A_1908 : vector<16xf32>
        %max3A_1913 = arith.maximumf %max3A_1904, %max3A_1908 : vector<16xf32>
        %min3A_1914 = arith.minimumf %max3A_1905, %max3A_1909 : vector<16xf32>
        %max3A_1915 = arith.maximumf %max3A_1905, %max3A_1909 : vector<16xf32>
        %min3A_1916 = arith.minimumf %max3A_1906, %max3A_1910 : vector<16xf32>
        %max3A_1917 = arith.maximumf %max3A_1906, %max3A_1910 : vector<16xf32>
        %min3A_1918 = arith.minimumf %max3A_1907, %max3A_1911 : vector<16xf32>
        %max3A_1919 = arith.maximumf %max3A_1907, %max3A_1911 : vector<16xf32>
        %min3A_1920 = arith.minimumf %min3A_1912, %min3A_1916 : vector<16xf32>
        %max3A_1921 = arith.maximumf %min3A_1912, %min3A_1916 : vector<16xf32>
        %min3A_1922 = arith.minimumf %min3A_1914, %min3A_1918 : vector<16xf32>
        %max3A_1923 = arith.maximumf %min3A_1914, %min3A_1918 : vector<16xf32>
        %min3A_1924 = arith.minimumf %max3A_1913, %max3A_1917 : vector<16xf32>
        %max3A_1925 = arith.maximumf %max3A_1913, %max3A_1917 : vector<16xf32>
        %min3A_1926 = arith.minimumf %max3A_1915, %max3A_1919 : vector<16xf32>
        %max3A_1927 = arith.maximumf %max3A_1915, %max3A_1919 : vector<16xf32>
        %min3A_1928 = arith.minimumf %min3A_1920, %min3A_1922 : vector<16xf32>
        %max3A_1929 = arith.maximumf %min3A_1920, %min3A_1922 : vector<16xf32>
        %min3A_1930 = arith.minimumf %max3A_1921, %max3A_1923 : vector<16xf32>
        %max3A_1931 = arith.maximumf %max3A_1921, %max3A_1923 : vector<16xf32>
        %min3A_1932 = arith.minimumf %min3A_1924, %min3A_1926 : vector<16xf32>
        %max3A_1933 = arith.maximumf %min3A_1924, %min3A_1926 : vector<16xf32>
        %min3A_1934 = arith.minimumf %max3A_1925, %max3A_1927 : vector<16xf32>
        %max3A_1935 = arith.maximumf %max3A_1925, %max3A_1927 : vector<16xf32>
        %masked_sort3A_1936 = arith.constant dense<true> : vector<16xi1>
        %masked_sort3A_1937, %masked_sort3A_1938, %masked_sort3A_1939 = tpu.sort %min3A_1928, %min3A_1928 masked %masked_sort3A_1936 : (vector<16xf32>, vector<16xf32>, vector<16xi1>) -> (vector<16xi1>, vector<16xf32>, vector<16xf32>)
        %masked_sort3A_1940 = arith.constant dense<true> : vector<16xi1>
        %masked_sort3A_1941, %masked_sort3A_1942, %masked_sort3A_1943 = tpu.sort %max3A_1929, %max3A_1929 masked %masked_sort3A_1940 : (vector<16xf32>, vector<16xf32>, vector<16xi1>) -> (vector<16xi1>, vector<16xf32>, vector<16xf32>)
        %masked_sort3A_1944 = arith.constant dense<true> : vector<16xi1>
        %masked_sort3A_1945, %masked_sort3A_1946, %masked_sort3A_1947 = tpu.sort %min3A_1930, %min3A_1930 masked %masked_sort3A_1944 : (vector<16xf32>, vector<16xf32>, vector<16xi1>) -> (vector<16xi1>, vector<16xf32>, vector<16xf32>)
        %masked_sort3A_1948 = arith.constant dense<true> : vector<16xi1>
        %masked_sort3A_1949, %masked_sort3A_1950, %masked_sort3A_1951 = tpu.sort %max3A_1931, %max3A_1931 masked %masked_sort3A_1948 : (vector<16xf32>, vector<16xf32>, vector<16xi1>) -> (vector<16xi1>, vector<16xf32>, vector<16xf32>)
        %masked_sort3A_1952 = arith.constant dense<true> : vector<16xi1>
        %masked_sort3A_1953, %masked_sort3A_1954, %masked_sort3A_1955 = tpu.sort %min3A_1932, %min3A_1932 masked %masked_sort3A_1952 : (vector<16xf32>, vector<16xf32>, vector<16xi1>) -> (vector<16xi1>, vector<16xf32>, vector<16xf32>)
        %masked_sort3A_1956 = arith.constant dense<true> : vector<16xi1>
        %masked_sort3A_1957, %masked_sort3A_1958, %masked_sort3A_1959 = tpu.sort %max3A_1933, %max3A_1933 masked %masked_sort3A_1956 : (vector<16xf32>, vector<16xf32>, vector<16xi1>) -> (vector<16xi1>, vector<16xf32>, vector<16xf32>)
        %masked_sort3A_1960 = arith.constant dense<true> : vector<16xi1>
        %masked_sort3A_1961, %masked_sort3A_1962, %masked_sort3A_1963 = tpu.sort %min3A_1934, %min3A_1934 masked %masked_sort3A_1960 : (vector<16xf32>, vector<16xf32>, vector<16xi1>) -> (vector<16xi1>, vector<16xf32>, vector<16xf32>)
        %masked_sort3A_1964 = arith.constant dense<true> : vector<16xi1>
        %masked_sort3A_1965, %masked_sort3A_1966, %masked_sort3A_1967 = tpu.sort %max3A_1935, %max3A_1935 masked %masked_sort3A_1964 : (vector<16xf32>, vector<16xf32>, vector<16xi1>) -> (vector<16xi1>, vector<16xf32>, vector<16xf32>)
        %max3A_1968 = arith.maximumf %masked_sort3A_1810, %masked_sort3A_1874 : vector<16xf32>
        %max3A_1969 = arith.maximumf %masked_sort3A_1814, %masked_sort3A_1878 : vector<16xf32>
        %max3A_1970 = arith.maximumf %masked_sort3A_1818, %masked_sort3A_1882 : vector<16xf32>
        %max3A_1971 = arith.maximumf %masked_sort3A_1822, %masked_sort3A_1886 : vector<16xf32>
        %max3A_1972 = arith.maximumf %masked_sort3A_1826, %masked_sort3A_1890 : vector<16xf32>
        %max3A_1973 = arith.maximumf %masked_sort3A_1830, %masked_sort3A_1894 : vector<16xf32>
        %max3A_1974 = arith.maximumf %masked_sort3A_1834, %masked_sort3A_1898 : vector<16xf32>
        %max3A_1975 = arith.maximumf %masked_sort3A_1838, %masked_sort3A_1902 : vector<16xf32>
        %max3A_1976 = arith.maximumf %max3A_1968, %max3A_1972 : vector<16xf32>
        %min3A_1977 = arith.minimumf %max3A_1968, %max3A_1972 : vector<16xf32>
        %max3A_1978 = arith.maximumf %max3A_1969, %max3A_1973 : vector<16xf32>
        %min3A_1979 = arith.minimumf %max3A_1969, %max3A_1973 : vector<16xf32>
        %max3A_1980 = arith.maximumf %max3A_1970, %max3A_1974 : vector<16xf32>
        %min3A_1981 = arith.minimumf %max3A_1970, %max3A_1974 : vector<16xf32>
        %max3A_1982 = arith.maximumf %max3A_1971, %max3A_1975 : vector<16xf32>
        %min3A_1983 = arith.minimumf %max3A_1971, %max3A_1975 : vector<16xf32>
        %max3A_1984 = arith.maximumf %max3A_1976, %max3A_1980 : vector<16xf32>
        %min3A_1985 = arith.minimumf %max3A_1976, %max3A_1980 : vector<16xf32>
        %max3A_1986 = arith.maximumf %max3A_1978, %max3A_1982 : vector<16xf32>
        %min3A_1987 = arith.minimumf %max3A_1978, %max3A_1982 : vector<16xf32>
        %max3A_1988 = arith.maximumf %min3A_1977, %min3A_1981 : vector<16xf32>
        %min3A_1989 = arith.minimumf %min3A_1977, %min3A_1981 : vector<16xf32>
        %max3A_1990 = arith.maximumf %min3A_1979, %min3A_1983 : vector<16xf32>
        %min3A_1991 = arith.minimumf %min3A_1979, %min3A_1983 : vector<16xf32>
        %max3A_1992 = arith.maximumf %max3A_1984, %max3A_1986 : vector<16xf32>
        %min3A_1993 = arith.minimumf %max3A_1984, %max3A_1986 : vector<16xf32>
        %max3A_1994 = arith.maximumf %min3A_1985, %min3A_1987 : vector<16xf32>
        %min3A_1995 = arith.minimumf %min3A_1985, %min3A_1987 : vector<16xf32>
        %max3A_1996 = arith.maximumf %max3A_1988, %max3A_1990 : vector<16xf32>
        %min3A_1997 = arith.minimumf %max3A_1988, %max3A_1990 : vector<16xf32>
        %max3A_1998 = arith.maximumf %min3A_1989, %min3A_1991 : vector<16xf32>
        %min3A_1999 = arith.minimumf %min3A_1989, %min3A_1991 : vector<16xf32>
        %masked_sort3A_2000 = arith.constant dense<true> : vector<16xi1>
        %masked_sort3A_2001, %masked_sort3A_2002, %masked_sort3A_2003 = tpu.sort %max3A_1992, %max3A_1992 masked %masked_sort3A_2000 {descending = true} : (vector<16xf32>, vector<16xf32>, vector<16xi1>) -> (vector<16xi1>, vector<16xf32>, vector<16xf32>)
        %masked_sort3A_2004 = arith.constant dense<true> : vector<16xi1>
        %masked_sort3A_2005, %masked_sort3A_2006, %masked_sort3A_2007 = tpu.sort %min3A_1993, %min3A_1993 masked %masked_sort3A_2004 {descending = true} : (vector<16xf32>, vector<16xf32>, vector<16xi1>) -> (vector<16xi1>, vector<16xf32>, vector<16xf32>)
        %masked_sort3A_2008 = arith.constant dense<true> : vector<16xi1>
        %masked_sort3A_2009, %masked_sort3A_2010, %masked_sort3A_2011 = tpu.sort %max3A_1994, %max3A_1994 masked %masked_sort3A_2008 {descending = true} : (vector<16xf32>, vector<16xf32>, vector<16xi1>) -> (vector<16xi1>, vector<16xf32>, vector<16xf32>)
        %masked_sort3A_2012 = arith.constant dense<true> : vector<16xi1>
        %masked_sort3A_2013, %masked_sort3A_2014, %masked_sort3A_2015 = tpu.sort %min3A_1995, %min3A_1995 masked %masked_sort3A_2012 {descending = true} : (vector<16xf32>, vector<16xf32>, vector<16xi1>) -> (vector<16xi1>, vector<16xf32>, vector<16xf32>)
        %masked_sort3A_2016 = arith.constant dense<true> : vector<16xi1>
        %masked_sort3A_2017, %masked_sort3A_2018, %masked_sort3A_2019 = tpu.sort %max3A_1996, %max3A_1996 masked %masked_sort3A_2016 {descending = true} : (vector<16xf32>, vector<16xf32>, vector<16xi1>) -> (vector<16xi1>, vector<16xf32>, vector<16xf32>)
        %masked_sort3A_2020 = arith.constant dense<true> : vector<16xi1>
        %masked_sort3A_2021, %masked_sort3A_2022, %masked_sort3A_2023 = tpu.sort %min3A_1997, %min3A_1997 masked %masked_sort3A_2020 {descending = true} : (vector<16xf32>, vector<16xf32>, vector<16xi1>) -> (vector<16xi1>, vector<16xf32>, vector<16xf32>)
        %masked_sort3A_2024 = arith.constant dense<true> : vector<16xi1>
        %masked_sort3A_2025, %masked_sort3A_2026, %masked_sort3A_2027 = tpu.sort %max3A_1998, %max3A_1998 masked %masked_sort3A_2024 {descending = true} : (vector<16xf32>, vector<16xf32>, vector<16xi1>) -> (vector<16xi1>, vector<16xf32>, vector<16xf32>)
        %masked_sort3A_2028 = arith.constant dense<true> : vector<16xi1>
        %masked_sort3A_2029, %masked_sort3A_2030, %masked_sort3A_2031 = tpu.sort %min3A_1999, %min3A_1999 masked %masked_sort3A_2028 {descending = true} : (vector<16xf32>, vector<16xf32>, vector<16xi1>) -> (vector<16xi1>, vector<16xf32>, vector<16xf32>)
        %max3A_2032 = arith.maximumf %masked_sort3A_1938, %masked_sort3A_2002 : vector<16xf32>
        %max3A_2033 = arith.maximumf %masked_sort3A_1942, %masked_sort3A_2006 : vector<16xf32>
        %max3A_2034 = arith.maximumf %masked_sort3A_1946, %masked_sort3A_2010 : vector<16xf32>
        %max3A_2035 = arith.maximumf %masked_sort3A_1950, %masked_sort3A_2014 : vector<16xf32>
        %max3A_2036 = arith.maximumf %masked_sort3A_1954, %masked_sort3A_2018 : vector<16xf32>
        %max3A_2037 = arith.maximumf %masked_sort3A_1958, %masked_sort3A_2022 : vector<16xf32>
        %max3A_2038 = arith.maximumf %masked_sort3A_1962, %masked_sort3A_2026 : vector<16xf32>
        %max3A_2039 = arith.maximumf %masked_sort3A_1966, %masked_sort3A_2030 : vector<16xf32>
        %min3A_2040 = arith.minimumf %max3A_2032, %max3A_2036 : vector<16xf32>
        %max3A_2041 = arith.maximumf %max3A_2032, %max3A_2036 : vector<16xf32>
        %min3A_2042 = arith.minimumf %max3A_2033, %max3A_2037 : vector<16xf32>
        %max3A_2043 = arith.maximumf %max3A_2033, %max3A_2037 : vector<16xf32>
        %min3A_2044 = arith.minimumf %max3A_2034, %max3A_2038 : vector<16xf32>
        %max3A_2045 = arith.maximumf %max3A_2034, %max3A_2038 : vector<16xf32>
        %min3A_2046 = arith.minimumf %max3A_2035, %max3A_2039 : vector<16xf32>
        %max3A_2047 = arith.maximumf %max3A_2035, %max3A_2039 : vector<16xf32>
        %min3A_2048 = arith.minimumf %min3A_2040, %min3A_2044 : vector<16xf32>
        %max3A_2049 = arith.maximumf %min3A_2040, %min3A_2044 : vector<16xf32>
        %min3A_2050 = arith.minimumf %min3A_2042, %min3A_2046 : vector<16xf32>
        %max3A_2051 = arith.maximumf %min3A_2042, %min3A_2046 : vector<16xf32>
        %min3A_2052 = arith.minimumf %max3A_2041, %max3A_2045 : vector<16xf32>
        %max3A_2053 = arith.maximumf %max3A_2041, %max3A_2045 : vector<16xf32>
        %min3A_2054 = arith.minimumf %max3A_2043, %max3A_2047 : vector<16xf32>
        %max3A_2055 = arith.maximumf %max3A_2043, %max3A_2047 : vector<16xf32>
        %min3A_2056 = arith.minimumf %min3A_2048, %min3A_2050 : vector<16xf32>
        %max3A_2057 = arith.maximumf %min3A_2048, %min3A_2050 : vector<16xf32>
        %min3A_2058 = arith.minimumf %max3A_2049, %max3A_2051 : vector<16xf32>
        %max3A_2059 = arith.maximumf %max3A_2049, %max3A_2051 : vector<16xf32>
        %min3A_2060 = arith.minimumf %min3A_2052, %min3A_2054 : vector<16xf32>
        %max3A_2061 = arith.maximumf %min3A_2052, %min3A_2054 : vector<16xf32>
        %min3A_2062 = arith.minimumf %max3A_2053, %max3A_2055 : vector<16xf32>
        %max3A_2063 = arith.maximumf %max3A_2053, %max3A_2055 : vector<16xf32>
        %masked_sort3A_2064 = arith.constant dense<true> : vector<16xi1>
        %masked_sort3A_2065, %masked_sort3A_2066, %masked_sort3A_2067 = tpu.sort %min3A_2056, %min3A_2056 masked %masked_sort3A_2064 : (vector<16xf32>, vector<16xf32>, vector<16xi1>) -> (vector<16xi1>, vector<16xf32>, vector<16xf32>)
        %masked_sort3A_2068 = arith.constant dense<true> : vector<16xi1>
        %masked_sort3A_2069, %masked_sort3A_2070, %masked_sort3A_2071 = tpu.sort %max3A_2057, %max3A_2057 masked %masked_sort3A_2068 : (vector<16xf32>, vector<16xf32>, vector<16xi1>) -> (vector<16xi1>, vector<16xf32>, vector<16xf32>)
        %masked_sort3A_2072 = arith.constant dense<true> : vector<16xi1>
        %masked_sort3A_2073, %masked_sort3A_2074, %masked_sort3A_2075 = tpu.sort %min3A_2058, %min3A_2058 masked %masked_sort3A_2072 : (vector<16xf32>, vector<16xf32>, vector<16xi1>) -> (vector<16xi1>, vector<16xf32>, vector<16xf32>)
        %masked_sort3A_2076 = arith.constant dense<true> : vector<16xi1>
        %masked_sort3A_2077, %masked_sort3A_2078, %masked_sort3A_2079 = tpu.sort %max3A_2059, %max3A_2059 masked %masked_sort3A_2076 : (vector<16xf32>, vector<16xf32>, vector<16xi1>) -> (vector<16xi1>, vector<16xf32>, vector<16xf32>)
        %masked_sort3A_2080 = arith.constant dense<true> : vector<16xi1>
        %masked_sort3A_2081, %masked_sort3A_2082, %masked_sort3A_2083 = tpu.sort %min3A_2060, %min3A_2060 masked %masked_sort3A_2080 : (vector<16xf32>, vector<16xf32>, vector<16xi1>) -> (vector<16xi1>, vector<16xf32>, vector<16xf32>)
        %masked_sort3A_2084 = arith.constant dense<true> : vector<16xi1>
        %masked_sort3A_2085, %masked_sort3A_2086, %masked_sort3A_2087 = tpu.sort %max3A_2061, %max3A_2061 masked %masked_sort3A_2084 : (vector<16xf32>, vector<16xf32>, vector<16xi1>) -> (vector<16xi1>, vector<16xf32>, vector<16xf32>)
        %masked_sort3A_2088 = arith.constant dense<true> : vector<16xi1>
        %masked_sort3A_2089, %masked_sort3A_2090, %masked_sort3A_2091 = tpu.sort %min3A_2062, %min3A_2062 masked %masked_sort3A_2088 : (vector<16xf32>, vector<16xf32>, vector<16xi1>) -> (vector<16xi1>, vector<16xf32>, vector<16xf32>)
        %masked_sort3A_2092 = arith.constant dense<true> : vector<16xi1>
        %masked_sort3A_2093, %masked_sort3A_2094, %masked_sort3A_2095 = tpu.sort %max3A_2063, %max3A_2063 masked %masked_sort3A_2092 : (vector<16xf32>, vector<16xf32>, vector<16xi1>) -> (vector<16xi1>, vector<16xf32>, vector<16xf32>)
        %mul3A_2096 = arith.constant 8 : i32
        %mul3A_2097 = arith.muli %mul3A_15, %mul3A_2096 : i32
        %add3A_2098 = arith.addi %mul3A_2097, %scan3A_50 : i32
        %swap3A = arith.index_cast %add3A_2098 : i32 to index
        %swap3A_2099 = arith.constant 0 : index
        %swap3A_2100 = tpu.vector_load %arg6[%swap3A, %swap3A_2099] {strides = array<i32>} : memref<128x128xf32, #tpu.memory_space<vmem>>, vector<16xf32>,
        tpu.vector_store %arg6[%swap3A, %swap3A_2099], %masked_sort3A_2066 {strides = array<i32>} : memref<128x128xf32, #tpu.memory_space<vmem>>, vector<16xf32>,
        %mul3A_2101 = arith.constant 8 : i32
        %mul3A_2102 = arith.muli %mul3A_15, %mul3A_2101 : i32
        %add3A_2103 = arith.addi %mul3A_2102, %scan3A_50 : i32
        %swap3A_2104 = arith.index_cast %add3A_2103 : i32 to index
        %swap3A_2105 = arith.constant 16 : index
        %swap3A_2106 = tpu.vector_load %arg6[%swap3A_2104, %swap3A_2105] {strides = array<i32>} : memref<128x128xf32, #tpu.memory_space<vmem>>, vector<16xf32>,
        tpu.vector_store %arg6[%swap3A_2104, %swap3A_2105], %masked_sort3A_2070 {strides = array<i32>} : memref<128x128xf32, #tpu.memory_space<vmem>>, vector<16xf32>,
        %mul3A_2107 = arith.constant 8 : i32
        %mul3A_2108 = arith.muli %mul3A_15, %mul3A_2107 : i32
        %add3A_2109 = arith.addi %mul3A_2108, %scan3A_50 : i32
        %swap3A_2110 = arith.index_cast %add3A_2109 : i32 to index
        %swap3A_2111 = arith.constant 32 : index
        %swap3A_2112 = tpu.vector_load %arg6[%swap3A_2110, %swap3A_2111] {strides = array<i32>} : memref<128x128xf32, #tpu.memory_space<vmem>>, vector<16xf32>,
        tpu.vector_store %arg6[%swap3A_2110, %swap3A_2111], %masked_sort3A_2074 {strides = array<i32>} : memref<128x128xf32, #tpu.memory_space<vmem>>, vector<16xf32>,
        %mul3A_2113 = arith.constant 8 : i32
        %mul3A_2114 = arith.muli %mul3A_15, %mul3A_2113 : i32
        %add3A_2115 = arith.addi %mul3A_2114, %scan3A_50 : i32
        %swap3A_2116 = arith.index_cast %add3A_2115 : i32 to index
        %swap3A_2117 = arith.constant 48 : index
        %swap3A_2118 = tpu.vector_load %arg6[%swap3A_2116, %swap3A_2117] {strides = array<i32>} : memref<128x128xf32, #tpu.memory_space<vmem>>, vector<16xf32>,
        tpu.vector_store %arg6[%swap3A_2116, %swap3A_2117], %masked_sort3A_2078 {strides = array<i32>} : memref<128x128xf32, #tpu.memory_space<vmem>>, vector<16xf32>,
        %mul3A_2119 = arith.constant 8 : i32
        %mul3A_2120 = arith.muli %mul3A_15, %mul3A_2119 : i32
        %add3A_2121 = arith.addi %mul3A_2120, %scan3A_50 : i32
        %swap3A_2122 = arith.index_cast %add3A_2121 : i32 to index
        %swap3A_2123 = arith.constant 64 : index
        %swap3A_2124 = tpu.vector_load %arg6[%swap3A_2122, %swap3A_2123] {strides = array<i32>} : memref<128x128xf32, #tpu.memory_space<vmem>>, vector<16xf32>,
        tpu.vector_store %arg6[%swap3A_2122, %swap3A_2123], %masked_sort3A_2082 {strides = array<i32>} : memref<128x128xf32, #tpu.memory_space<vmem>>, vector<16xf32>,
        %mul3A_2125 = arith.constant 8 : i32
        %mul3A_2126 = arith.muli %mul3A_15, %mul3A_2125 : i32
        %add3A_2127 = arith.addi %mul3A_2126, %scan3A_50 : i32
        %swap3A_2128 = arith.index_cast %add3A_2127 : i32 to index
        %swap3A_2129 = arith.constant 80 : index
        %swap3A_2130 = tpu.vector_load %arg6[%swap3A_2128, %swap3A_2129] {strides = array<i32>} : memref<128x128xf32, #tpu.memory_space<vmem>>, vector<16xf32>,
        tpu.vector_store %arg6[%swap3A_2128, %swap3A_2129], %masked_sort3A_2086 {strides = array<i32>} : memref<128x128xf32, #tpu.memory_space<vmem>>, vector<16xf32>,
        %mul3A_2131 = arith.constant 8 : i32
        %mul3A_2132 = arith.muli %mul3A_15, %mul3A_2131 : i32
        %add3A_2133 = arith.addi %mul3A_2132, %scan3A_50 : i32
        %swap3A_2134 = arith.index_cast %add3A_2133 : i32 to index
        %swap3A_2135 = arith.constant 96 : index
        %swap3A_2136 = tpu.vector_load %arg6[%swap3A_2134, %swap3A_2135] {strides = array<i32>} : memref<128x128xf32, #tpu.memory_space<vmem>>, vector<16xf32>,
        tpu.vector_store %arg6[%swap3A_2134, %swap3A_2135], %masked_sort3A_2090 {strides = array<i32>} : memref<128x128xf32, #tpu.memory_space<vmem>>, vector<16xf32>,
        %mul3A_2137 = arith.constant 8 : i32
        %mul3A_2138 = arith.muli %mul3A_15, %mul3A_2137 : i32
        %add3A_2139 = arith.addi %mul3A_2138, %scan3A_50 : i32
        %swap3A_2140 = arith.index_cast %add3A_2139 : i32 to index
        %swap3A_2141 = arith.constant 112 : index
        %swap3A_2142 = tpu.vector_load %arg6[%swap3A_2140, %swap3A_2141] {strides = array<i32>} : memref<128x128xf32, #tpu.memory_space<vmem>>, vector<16xf32>,
        tpu.vector_store %arg6[%swap3A_2140, %swap3A_2141], %masked_sort3A_2094 {strides = array<i32>} : memref<128x128xf32, #tpu.memory_space<vmem>>, vector<16xf32>,
      }
      %scan3A_33 = arith.constant 8 : i32
      %add3A_34 = arith.constant 1 : i32
      %add3A_35 = arith.addi %scan3A_13, %add3A_34 : i32
      %lt3A = arith.constant 8 : i32
      %lt3A_36 = arith.cmpi slt, %add3A_35, %lt3A : i32
      %convert_element_type3A = arith.extui %lt3A_36 : i1 to i32
      %cond3A = arith.constant 0 : i32
      %cond3A_37 = arith.cmpi ne, %convert_element_type3A, %cond3A : i32
      scf.if %cond3A_37 {
        %add3A_50 = arith.constant 2 : i32
        %add3A_51 = arith.addi %mul3A_15, %add3A_50 : i32
        %mul3A_52 = arith.constant 8 : i32
        %mul3A_53 = arith.muli %add3A_51, %mul3A_52 : i32
        %add3A_54 = arith.addi %mul3A_2, %mul3A_53 : i32
        %dma_start3A_55 = arith.constant 0 : i32
        %dma_start3A_56 = tpu.memref_slice %arg2[%add3A_54, %dma_start3A_55] : memref<4096x1000xf32, #tpu.memory_space<hbm>> -> memref<8x1000xf32, #tpu.memory_space<hbm>>
        %dma_start3A_57 = arith.constant 0 : i32
        %dma_start3A_58 = tpu.memref_slice %arg2[%add3A_54, %dma_start3A_57] : memref<4096x1000xf32, #tpu.memory_space<hbm>> -> memref<8x1000xf32, #tpu.memory_space<hbm>>
        tpu.enqueue_dma source(%dma_start3A_58 : memref<8x1000xf32, #tpu.memory_space<hbm>>) target(%arg4 : memref<8x1000xf32, #tpu.memory_space<vmem>>) target_semaphore(%arg7 : memref<!tpu.dma_semaphore, #tpu.memory_space<semaphore_mem>>)
      } else {
      }
      %dma_wait3A_38 = arith.constant 0 : i32
      %dma_wait3A_39 = tpu.memref_slice %arg2[%mul3A_2, %dma_wait3A_38] : memref<4096x1000xf32, #tpu.memory_space<hbm>> -> memref<8x1000xf32, #tpu.memory_space<hbm>>
      %dma_wait3A_40 = arith.constant 0 : i32
      %dma_wait3A_41 = tpu.memref_slice %arg2[%mul3A_2, %dma_wait3A_40] : memref<4096x1000xf32, #tpu.memory_space<hbm>> -> memref<8x1000xf32, #tpu.memory_space<hbm>>
      tpu.wait_dma2 semaphore(%arg8 : memref<!tpu.dma_semaphore, #tpu.memory_space<semaphore_mem>>) src(%dma_wait3A_41 : memref<8x1000xf32, #tpu.memory_space<hbm>>) dst(%arg5 : memref<8x1000xf32, #tpu.memory_space<vmem>>)
      %add3A_42 = arith.constant 1 : i32
      %add3A_43 = arith.addi %mul3A_15, %add3A_42 : i32
      %scan3A_44 = arith.constant 0 : i32
      %scan3A_45 = arith.constant 0 : i32
      %scan3A_46 = arith.constant 8 : i32
      %scan3A_47 = arith.addi %scan3A_45, %scan3A_46 : i32
      %scan3A_48 = arith.constant 1 : i32
      scf.for %scan3A_50 = %scan3A_45 to %scan3A_47 step %scan3A_48  : i32 {
        %get3A = arith.index_cast %scan3A_50 : i32 to index
        %get3A_51 = arith.constant 0 : index
        %get3A_52 = tpu.vector_load %arg5[%get3A, %get3A_51] {strides = array<i32>} : memref<8x1000xf32, #tpu.memory_space<vmem>>, vector<16xf32>,
        %get3A_53 = arith.index_cast %scan3A_50 : i32 to index
        %get3A_54 = arith.constant 16 : index
        %get3A_55 = tpu.vector_load %arg5[%get3A_53, %get3A_54] {strides = array<i32>} : memref<8x1000xf32, #tpu.memory_space<vmem>>, vector<16xf32>,
        %get3A_56 = arith.index_cast %scan3A_50 : i32 to index
        %get3A_57 = arith.constant 32 : index
        %get3A_58 = tpu.vector_load %arg5[%get3A_56, %get3A_57] {strides = array<i32>} : memref<8x1000xf32, #tpu.memory_space<vmem>>, vector<16xf32>,
        %get3A_59 = arith.index_cast %scan3A_50 : i32 to index
        %get3A_60 = arith.constant 48 : index
        %get3A_61 = tpu.vector_load %arg5[%get3A_59, %get3A_60] {strides = array<i32>} : memref<8x1000xf32, #tpu.memory_space<vmem>>, vector<16xf32>,
        %get3A_62 = arith.index_cast %scan3A_50 : i32 to index
        %get3A_63 = arith.constant 64 : index
        %get3A_64 = tpu.vector_load %arg5[%get3A_62, %get3A_63] {strides = array<i32>} : memref<8x1000xf32, #tpu.memory_space<vmem>>, vector<16xf32>,
        %get3A_65 = arith.index_cast %scan3A_50 : i32 to index
        %get3A_66 = arith.constant 80 : index
        %get3A_67 = tpu.vector_load %arg5[%get3A_65, %get3A_66] {strides = array<i32>} : memref<8x1000xf32, #tpu.memory_space<vmem>>, vector<16xf32>,
        %get3A_68 = arith.index_cast %scan3A_50 : i32 to index
        %get3A_69 = arith.constant 96 : index
        %get3A_70 = tpu.vector_load %arg5[%get3A_68, %get3A_69] {strides = array<i32>} : memref<8x1000xf32, #tpu.memory_space<vmem>>, vector<16xf32>,
        %get3A_71 = arith.index_cast %scan3A_50 : i32 to index
        %get3A_72 = arith.constant 112 : index
        %get3A_73 = tpu.vector_load %arg5[%get3A_71, %get3A_72] {strides = array<i32>} : memref<8x1000xf32, #tpu.memory_space<vmem>>, vector<16xf32>,
        %get3A_74 = arith.index_cast %scan3A_50 : i32 to index
        %get3A_75 = arith.constant 128 : index
        %get3A_76 = tpu.vector_load %arg5[%get3A_74, %get3A_75] {strides = array<i32>} : memref<8x1000xf32, #tpu.memory_space<vmem>>, vector<16xf32>,
        %get3A_77 = arith.index_cast %scan3A_50 : i32 to index
        %get3A_78 = arith.constant 144 : index
        %get3A_79 = tpu.vector_load %arg5[%get3A_77, %get3A_78] {strides = array<i32>} : memref<8x1000xf32, #tpu.memory_space<vmem>>, vector<16xf32>,
        %get3A_80 = arith.index_cast %scan3A_50 : i32 to index
        %get3A_81 = arith.constant 160 : index
        %get3A_82 = tpu.vector_load %arg5[%get3A_80, %get3A_81] {strides = array<i32>} : memref<8x1000xf32, #tpu.memory_space<vmem>>, vector<16xf32>,
        %get3A_83 = arith.index_cast %scan3A_50 : i32 to index
        %get3A_84 = arith.constant 176 : index
        %get3A_85 = tpu.vector_load %arg5[%get3A_83, %get3A_84] {strides = array<i32>} : memref<8x1000xf32, #tpu.memory_space<vmem>>, vector<16xf32>,
        %get3A_86 = arith.index_cast %scan3A_50 : i32 to index
        %get3A_87 = arith.constant 192 : index
        %get3A_88 = tpu.vector_load %arg5[%get3A_86, %get3A_87] {strides = array<i32>} : memref<8x1000xf32, #tpu.memory_space<vmem>>, vector<16xf32>,
        %get3A_89 = arith.index_cast %scan3A_50 : i32 to index
        %get3A_90 = arith.constant 208 : index
        %get3A_91 = tpu.vector_load %arg5[%get3A_89, %get3A_90] {strides = array<i32>} : memref<8x1000xf32, #tpu.memory_space<vmem>>, vector<16xf32>,
        %get3A_92 = arith.index_cast %scan3A_50 : i32 to index
        %get3A_93 = arith.constant 224 : index
        %get3A_94 = tpu.vector_load %arg5[%get3A_92, %get3A_93] {strides = array<i32>} : memref<8x1000xf32, #tpu.memory_space<vmem>>, vector<16xf32>,
        %get3A_95 = arith.index_cast %scan3A_50 : i32 to index
        %get3A_96 = arith.constant 240 : index
        %get3A_97 = tpu.vector_load %arg5[%get3A_95, %get3A_96] {strides = array<i32>} : memref<8x1000xf32, #tpu.memory_space<vmem>>, vector<16xf32>,
        %get3A_98 = arith.index_cast %scan3A_50 : i32 to index
        %get3A_99 = arith.constant 256 : index
        %get3A_100 = tpu.vector_load %arg5[%get3A_98, %get3A_99] {strides = array<i32>} : memref<8x1000xf32, #tpu.memory_space<vmem>>, vector<16xf32>,
        %get3A_101 = arith.index_cast %scan3A_50 : i32 to index
        %get3A_102 = arith.constant 272 : index
        %get3A_103 = tpu.vector_load %arg5[%get3A_101, %get3A_102] {strides = array<i32>} : memref<8x1000xf32, #tpu.memory_space<vmem>>, vector<16xf32>,
        %get3A_104 = arith.index_cast %scan3A_50 : i32 to index
        %get3A_105 = arith.constant 288 : index
        %get3A_106 = tpu.vector_load %arg5[%get3A_104, %get3A_105] {strides = array<i32>} : memref<8x1000xf32, #tpu.memory_space<vmem>>, vector<16xf32>,
        %get3A_107 = arith.index_cast %scan3A_50 : i32 to index
        %get3A_108 = arith.constant 304 : index
        %get3A_109 = tpu.vector_load %arg5[%get3A_107, %get3A_108] {strides = array<i32>} : memref<8x1000xf32, #tpu.memory_space<vmem>>, vector<16xf32>,
        %get3A_110 = arith.index_cast %scan3A_50 : i32 to index
        %get3A_111 = arith.constant 320 : index
        %get3A_112 = tpu.vector_load %arg5[%get3A_110, %get3A_111] {strides = array<i32>} : memref<8x1000xf32, #tpu.memory_space<vmem>>, vector<16xf32>,
        %get3A_113 = arith.index_cast %scan3A_50 : i32 to index
        %get3A_114 = arith.constant 336 : index
        %get3A_115 = tpu.vector_load %arg5[%get3A_113, %get3A_114] {strides = array<i32>} : memref<8x1000xf32, #tpu.memory_space<vmem>>, vector<16xf32>,
        %get3A_116 = arith.index_cast %scan3A_50 : i32 to index
        %get3A_117 = arith.constant 352 : index
        %get3A_118 = tpu.vector_load %arg5[%get3A_116, %get3A_117] {strides = array<i32>} : memref<8x1000xf32, #tpu.memory_space<vmem>>, vector<16xf32>,
        %get3A_119 = arith.index_cast %scan3A_50 : i32 to index
        %get3A_120 = arith.constant 368 : index
        %get3A_121 = tpu.vector_load %arg5[%get3A_119, %get3A_120] {strides = array<i32>} : memref<8x1000xf32, #tpu.memory_space<vmem>>, vector<16xf32>,
        %get3A_122 = arith.index_cast %scan3A_50 : i32 to index
        %get3A_123 = arith.constant 384 : index
        %get3A_124 = tpu.vector_load %arg5[%get3A_122, %get3A_123] {strides = array<i32>} : memref<8x1000xf32, #tpu.memory_space<vmem>>, vector<16xf32>,
        %get3A_125 = arith.index_cast %scan3A_50 : i32 to index
        %get3A_126 = arith.constant 400 : index
        %get3A_127 = tpu.vector_load %arg5[%get3A_125, %get3A_126] {strides = array<i32>} : memref<8x1000xf32, #tpu.memory_space<vmem>>, vector<16xf32>,
        %get3A_128 = arith.index_cast %scan3A_50 : i32 to index
        %get3A_129 = arith.constant 416 : index
        %get3A_130 = tpu.vector_load %arg5[%get3A_128, %get3A_129] {strides = array<i32>} : memref<8x1000xf32, #tpu.memory_space<vmem>>, vector<16xf32>,
        %get3A_131 = arith.index_cast %scan3A_50 : i32 to index
        %get3A_132 = arith.constant 432 : index
        %get3A_133 = tpu.vector_load %arg5[%get3A_131, %get3A_132] {strides = array<i32>} : memref<8x1000xf32, #tpu.memory_space<vmem>>, vector<16xf32>,
        %get3A_134 = arith.index_cast %scan3A_50 : i32 to index
        %get3A_135 = arith.constant 448 : index
        %get3A_136 = tpu.vector_load %arg5[%get3A_134, %get3A_135] {strides = array<i32>} : memref<8x1000xf32, #tpu.memory_space<vmem>>, vector<16xf32>,
        %get3A_137 = arith.index_cast %scan3A_50 : i32 to index
        %get3A_138 = arith.constant 464 : index
        %get3A_139 = tpu.vector_load %arg5[%get3A_137, %get3A_138] {strides = array<i32>} : memref<8x1000xf32, #tpu.memory_space<vmem>>, vector<16xf32>,
        %get3A_140 = arith.index_cast %scan3A_50 : i32 to index
        %get3A_141 = arith.constant 480 : index
        %get3A_142 = tpu.vector_load %arg5[%get3A_140, %get3A_141] {strides = array<i32>} : memref<8x1000xf32, #tpu.memory_space<vmem>>, vector<16xf32>,
        %get3A_143 = arith.index_cast %scan3A_50 : i32 to index
        %get3A_144 = arith.constant 496 : index
        %get3A_145 = tpu.vector_load %arg5[%get3A_143, %get3A_144] {strides = array<i32>} : memref<8x1000xf32, #tpu.memory_space<vmem>>, vector<16xf32>,
        %get3A_146 = arith.index_cast %scan3A_50 : i32 to index
        %get3A_147 = arith.constant 512 : index
        %get3A_148 = tpu.vector_load %arg5[%get3A_146, %get3A_147] {strides = array<i32>} : memref<8x1000xf32, #tpu.memory_space<vmem>>, vector<16xf32>,
        %get3A_149 = arith.index_cast %scan3A_50 : i32 to index
        %get3A_150 = arith.constant 528 : index
        %get3A_151 = tpu.vector_load %arg5[%get3A_149, %get3A_150] {strides = array<i32>} : memref<8x1000xf32, #tpu.memory_space<vmem>>, vector<16xf32>,
        %get3A_152 = arith.index_cast %scan3A_50 : i32 to index
        %get3A_153 = arith.constant 544 : index
        %get3A_154 = tpu.vector_load %arg5[%get3A_152, %get3A_153] {strides = array<i32>} : memref<8x1000xf32, #tpu.memory_space<vmem>>, vector<16xf32>,
        %get3A_155 = arith.index_cast %scan3A_50 : i32 to index
        %get3A_156 = arith.constant 560 : index
        %get3A_157 = tpu.vector_load %arg5[%get3A_155, %get3A_156] {strides = array<i32>} : memref<8x1000xf32, #tpu.memory_space<vmem>>, vector<16xf32>,
        %get3A_158 = arith.index_cast %scan3A_50 : i32 to index
        %get3A_159 = arith.constant 576 : index
        %get3A_160 = tpu.vector_load %arg5[%get3A_158, %get3A_159] {strides = array<i32>} : memref<8x1000xf32, #tpu.memory_space<vmem>>, vector<16xf32>,
        %get3A_161 = arith.index_cast %scan3A_50 : i32 to index
        %get3A_162 = arith.constant 592 : index
        %get3A_163 = tpu.vector_load %arg5[%get3A_161, %get3A_162] {strides = array<i32>} : memref<8x1000xf32, #tpu.memory_space<vmem>>, vector<16xf32>,
        %get3A_164 = arith.index_cast %scan3A_50 : i32 to index
        %get3A_165 = arith.constant 608 : index
        %get3A_166 = tpu.vector_load %arg5[%get3A_164, %get3A_165] {strides = array<i32>} : memref<8x1000xf32, #tpu.memory_space<vmem>>, vector<16xf32>,
        %get3A_167 = arith.index_cast %scan3A_50 : i32 to index
        %get3A_168 = arith.constant 624 : index
        %get3A_169 = tpu.vector_load %arg5[%get3A_167, %get3A_168] {strides = array<i32>} : memref<8x1000xf32, #tpu.memory_space<vmem>>, vector<16xf32>,
        %get3A_170 = arith.index_cast %scan3A_50 : i32 to index
        %get3A_171 = arith.constant 640 : index
        %get3A_172 = tpu.vector_load %arg5[%get3A_170, %get3A_171] {strides = array<i32>} : memref<8x1000xf32, #tpu.memory_space<vmem>>, vector<16xf32>,
        %get3A_173 = arith.index_cast %scan3A_50 : i32 to index
        %get3A_174 = arith.constant 656 : index
        %get3A_175 = tpu.vector_load %arg5[%get3A_173, %get3A_174] {strides = array<i32>} : memref<8x1000xf32, #tpu.memory_space<vmem>>, vector<16xf32>,
        %get3A_176 = arith.index_cast %scan3A_50 : i32 to index
        %get3A_177 = arith.constant 672 : index
        %get3A_178 = tpu.vector_load %arg5[%get3A_176, %get3A_177] {strides = array<i32>} : memref<8x1000xf32, #tpu.memory_space<vmem>>, vector<16xf32>,
        %get3A_179 = arith.index_cast %scan3A_50 : i32 to index
        %get3A_180 = arith.constant 688 : index
        %get3A_181 = tpu.vector_load %arg5[%get3A_179, %get3A_180] {strides = array<i32>} : memref<8x1000xf32, #tpu.memory_space<vmem>>, vector<16xf32>,
        %get3A_182 = arith.index_cast %scan3A_50 : i32 to index
        %get3A_183 = arith.constant 704 : index
        %get3A_184 = tpu.vector_load %arg5[%get3A_182, %get3A_183] {strides = array<i32>} : memref<8x1000xf32, #tpu.memory_space<vmem>>, vector<16xf32>,
        %get3A_185 = arith.index_cast %scan3A_50 : i32 to index
        %get3A_186 = arith.constant 720 : index
        %get3A_187 = tpu.vector_load %arg5[%get3A_185, %get3A_186] {strides = array<i32>} : memref<8x1000xf32, #tpu.memory_space<vmem>>, vector<16xf32>,
        %get3A_188 = arith.index_cast %scan3A_50 : i32 to index
        %get3A_189 = arith.constant 736 : index
        %get3A_190 = tpu.vector_load %arg5[%get3A_188, %get3A_189] {strides = array<i32>} : memref<8x1000xf32, #tpu.memory_space<vmem>>, vector<16xf32>,
        %get3A_191 = arith.index_cast %scan3A_50 : i32 to index
        %get3A_192 = arith.constant 752 : index
        %get3A_193 = tpu.vector_load %arg5[%get3A_191, %get3A_192] {strides = array<i32>} : memref<8x1000xf32, #tpu.memory_space<vmem>>, vector<16xf32>,
        %get3A_194 = arith.index_cast %scan3A_50 : i32 to index
        %get3A_195 = arith.constant 768 : index
        %get3A_196 = tpu.vector_load %arg5[%get3A_194, %get3A_195] {strides = array<i32>} : memref<8x1000xf32, #tpu.memory_space<vmem>>, vector<16xf32>,
        %get3A_197 = arith.index_cast %scan3A_50 : i32 to index
        %get3A_198 = arith.constant 784 : index
        %get3A_199 = tpu.vector_load %arg5[%get3A_197, %get3A_198] {strides = array<i32>} : memref<8x1000xf32, #tpu.memory_space<vmem>>, vector<16xf32>,
        %get3A_200 = arith.index_cast %scan3A_50 : i32 to index
        %get3A_201 = arith.constant 800 : index
        %get3A_202 = tpu.vector_load %arg5[%get3A_200, %get3A_201] {strides = array<i32>} : memref<8x1000xf32, #tpu.memory_space<vmem>>, vector<16xf32>,
        %get3A_203 = arith.index_cast %scan3A_50 : i32 to index
        %get3A_204 = arith.constant 816 : index
        %get3A_205 = tpu.vector_load %arg5[%get3A_203, %get3A_204] {strides = array<i32>} : memref<8x1000xf32, #tpu.memory_space<vmem>>, vector<16xf32>,
        %get3A_206 = arith.index_cast %scan3A_50 : i32 to index
        %get3A_207 = arith.constant 832 : index
        %get3A_208 = tpu.vector_load %arg5[%get3A_206, %get3A_207] {strides = array<i32>} : memref<8x1000xf32, #tpu.memory_space<vmem>>, vector<16xf32>,
        %get3A_209 = arith.index_cast %scan3A_50 : i32 to index
        %get3A_210 = arith.constant 848 : index
        %get3A_211 = tpu.vector_load %arg5[%get3A_209, %get3A_210] {strides = array<i32>} : memref<8x1000xf32, #tpu.memory_space<vmem>>, vector<16xf32>,
        %get3A_212 = arith.index_cast %scan3A_50 : i32 to index
        %get3A_213 = arith.constant 864 : index
        %get3A_214 = tpu.vector_load %arg5[%get3A_212, %get3A_213] {strides = array<i32>} : memref<8x1000xf32, #tpu.memory_space<vmem>>, vector<16xf32>,
        %get3A_215 = arith.index_cast %scan3A_50 : i32 to index
        %get3A_216 = arith.constant 880 : index
        %get3A_217 = tpu.vector_load %arg5[%get3A_215, %get3A_216] {strides = array<i32>} : memref<8x1000xf32, #tpu.memory_space<vmem>>, vector<16xf32>,
        %get3A_218 = arith.index_cast %scan3A_50 : i32 to index
        %get3A_219 = arith.constant 896 : index
        %get3A_220 = tpu.vector_load %arg5[%get3A_218, %get3A_219] {strides = array<i32>} : memref<8x1000xf32, #tpu.memory_space<vmem>>, vector<16xf32>,
        %get3A_221 = arith.index_cast %scan3A_50 : i32 to index
        %get3A_222 = arith.constant 912 : index
        %get3A_223 = tpu.vector_load %arg5[%get3A_221, %get3A_222] {strides = array<i32>} : memref<8x1000xf32, #tpu.memory_space<vmem>>, vector<16xf32>,
        %get3A_224 = arith.index_cast %scan3A_50 : i32 to index
        %get3A_225 = arith.constant 928 : index
        %get3A_226 = tpu.vector_load %arg5[%get3A_224, %get3A_225] {strides = array<i32>} : memref<8x1000xf32, #tpu.memory_space<vmem>>, vector<16xf32>,
        %get3A_227 = arith.index_cast %scan3A_50 : i32 to index
        %get3A_228 = arith.constant 944 : index
        %get3A_229 = tpu.vector_load %arg5[%get3A_227, %get3A_228] {strides = array<i32>} : memref<8x1000xf32, #tpu.memory_space<vmem>>, vector<16xf32>,
        %get3A_230 = arith.index_cast %scan3A_50 : i32 to index
        %get3A_231 = arith.constant 960 : index
        %get3A_232 = tpu.vector_load %arg5[%get3A_230, %get3A_231] {strides = array<i32>} : memref<8x1000xf32, #tpu.memory_space<vmem>>, vector<16xf32>,
        %get3A_233 = arith.index_cast %scan3A_50 : i32 to index
        %get3A_234 = arith.constant 976 : index
        %get3A_235 = tpu.vector_load %arg5[%get3A_233, %get3A_234] {strides = array<i32>} : memref<8x1000xf32, #tpu.memory_space<vmem>>, vector<16xf32>,
        %get3A_236 = arith.index_cast %scan3A_50 : i32 to index
        %get3A_237 = arith.constant 984 : index
        %get3A_238 = tpu.vector_load %arg5[%get3A_236, %get3A_237] {strides = array<i32>} : memref<8x1000xf32, #tpu.memory_space<vmem>>, vector<16xf32>,
        %ge3A = arith.constant 8 : i32
        %ge3A_239 = vector.broadcast %ge3A : i32 to vector<16xi32>
        %ge3A_240 = arith.cmpi sge, %iota3A, %ge3A_239 : vector<16xi32>
        %jit3A = arith.constant -1.000000e+30 : f32
        %broadcast_in_dim3A = vector.broadcast %jit3A : f32 to vector<16xf32>
        %select_n3A = arith.select %ge3A_240, %get3A_238, %broadcast_in_dim3A : vector<16xi1>, vector<16xf32>
        %broadcast_in_dim3A_241 = arith.constant -1.000000e+30 : f32
        %broadcast_in_dim3A_242 = vector.broadcast %broadcast_in_dim3A_241 : f32 to vector<16xf32>
        %masked_sort3A = arith.constant dense<true> : vector<16xi1>
        %masked_sort3A_243, %masked_sort3A_244, %masked_sort3A_245 = tpu.sort %get3A_52, %get3A_52 masked %masked_sort3A : (vector<16xf32>, vector<16xf32>, vector<16xi1>) -> (vector<16xi1>, vector<16xf32>, vector<16xf32>)
        %masked_sort3A_246 = arith.constant dense<true> : vector<16xi1>
        %masked_sort3A_247, %masked_sort3A_248, %masked_sort3A_249 = tpu.sort %get3A_55, %get3A_55 masked %masked_sort3A_246 {descending = true} : (vector<16xf32>, vector<16xf32>, vector<16xi1>) -> (vector<16xi1>, vector<16xf32>, vector<16xf32>)
        %masked_sort3A_250 = arith.constant dense<true> : vector<16xi1>
        %masked_sort3A_251, %masked_sort3A_252, %masked_sort3A_253 = tpu.sort %get3A_58, %get3A_58 masked %masked_sort3A_250 : (vector<16xf32>, vector<16xf32>, vector<16xi1>) -> (vector<16xi1>, vector<16xf32>, vector<16xf32>)
        %masked_sort3A_254 = arith.constant dense<true> : vector<16xi1>
        %masked_sort3A_255, %masked_sort3A_256, %masked_sort3A_257 = tpu.sort %get3A_61, %get3A_61 masked %masked_sort3A_254 {descending = true} : (vector<16xf32>, vector<16xf32>, vector<16xi1>) -> (vector<16xi1>, vector<16xf32>, vector<16xf32>)
        %masked_sort3A_258 = arith.constant dense<true> : vector<16xi1>
        %masked_sort3A_259, %masked_sort3A_260, %masked_sort3A_261 = tpu.sort %get3A_64, %get3A_64 masked %masked_sort3A_258 : (vector<16xf32>, vector<16xf32>, vector<16xi1>) -> (vector<16xi1>, vector<16xf32>, vector<16xf32>)
        %masked_sort3A_262 = arith.constant dense<true> : vector<16xi1>
        %masked_sort3A_263, %masked_sort3A_264, %masked_sort3A_265 = tpu.sort %get3A_67, %get3A_67 masked %masked_sort3A_262 {descending = true} : (vector<16xf32>, vector<16xf32>, vector<16xi1>) -> (vector<16xi1>, vector<16xf32>, vector<16xf32>)
        %masked_sort3A_266 = arith.constant dense<true> : vector<16xi1>
        %masked_sort3A_267, %masked_sort3A_268, %masked_sort3A_269 = tpu.sort %get3A_70, %get3A_70 masked %masked_sort3A_266 : (vector<16xf32>, vector<16xf32>, vector<16xi1>) -> (vector<16xi1>, vector<16xf32>, vector<16xf32>)
        %masked_sort3A_270 = arith.constant dense<true> : vector<16xi1>
        %masked_sort3A_271, %masked_sort3A_272, %masked_sort3A_273 = tpu.sort %get3A_73, %get3A_73 masked %masked_sort3A_270 {descending = true} : (vector<16xf32>, vector<16xf32>, vector<16xi1>) -> (vector<16xi1>, vector<16xf32>, vector<16xf32>)
        %masked_sort3A_274 = arith.constant dense<true> : vector<16xi1>
        %masked_sort3A_275, %masked_sort3A_276, %masked_sort3A_277 = tpu.sort %get3A_76, %get3A_76 masked %masked_sort3A_274 : (vector<16xf32>, vector<16xf32>, vector<16xi1>) -> (vector<16xi1>, vector<16xf32>, vector<16xf32>)
        %masked_sort3A_278 = arith.constant dense<true> : vector<16xi1>
        %masked_sort3A_279, %masked_sort3A_280, %masked_sort3A_281 = tpu.sort %get3A_79, %get3A_79 masked %masked_sort3A_278 {descending = true} : (vector<16xf32>, vector<16xf32>, vector<16xi1>) -> (vector<16xi1>, vector<16xf32>, vector<16xf32>)
        %masked_sort3A_282 = arith.constant dense<true> : vector<16xi1>
        %masked_sort3A_283, %masked_sort3A_284, %masked_sort3A_285 = tpu.sort %get3A_82, %get3A_82 masked %masked_sort3A_282 : (vector<16xf32>, vector<16xf32>, vector<16xi1>) -> (vector<16xi1>, vector<16xf32>, vector<16xf32>)
        %masked_sort3A_286 = arith.constant dense<true> : vector<16xi1>
        %masked_sort3A_287, %masked_sort3A_288, %masked_sort3A_289 = tpu.sort %get3A_85, %get3A_85 masked %masked_sort3A_286 {descending = true} : (vector<16xf32>, vector<16xf32>, vector<16xi1>) -> (vector<16xi1>, vector<16xf32>, vector<16xf32>)
        %masked_sort3A_290 = arith.constant dense<true> : vector<16xi1>
        %masked_sort3A_291, %masked_sort3A_292, %masked_sort3A_293 = tpu.sort %get3A_88, %get3A_88 masked %masked_sort3A_290 : (vector<16xf32>, vector<16xf32>, vector<16xi1>) -> (vector<16xi1>, vector<16xf32>, vector<16xf32>)
        %masked_sort3A_294 = arith.constant dense<true> : vector<16xi1>
        %masked_sort3A_295, %masked_sort3A_296, %masked_sort3A_297 = tpu.sort %get3A_91, %get3A_91 masked %masked_sort3A_294 {descending = true} : (vector<16xf32>, vector<16xf32>, vector<16xi1>) -> (vector<16xi1>, vector<16xf32>, vector<16xf32>)
        %masked_sort3A_298 = arith.constant dense<true> : vector<16xi1>
        %masked_sort3A_299, %masked_sort3A_300, %masked_sort3A_301 = tpu.sort %get3A_94, %get3A_94 masked %masked_sort3A_298 : (vector<16xf32>, vector<16xf32>, vector<16xi1>) -> (vector<16xi1>, vector<16xf32>, vector<16xf32>)
        %masked_sort3A_302 = arith.constant dense<true> : vector<16xi1>
        %masked_sort3A_303, %masked_sort3A_304, %masked_sort3A_305 = tpu.sort %get3A_97, %get3A_97 masked %masked_sort3A_302 {descending = true} : (vector<16xf32>, vector<16xf32>, vector<16xi1>) -> (vector<16xi1>, vector<16xf32>, vector<16xf32>)
        %masked_sort3A_306 = arith.constant dense<true> : vector<16xi1>
        %masked_sort3A_307, %masked_sort3A_308, %masked_sort3A_309 = tpu.sort %get3A_100, %get3A_100 masked %masked_sort3A_306 : (vector<16xf32>, vector<16xf32>, vector<16xi1>) -> (vector<16xi1>, vector<16xf32>, vector<16xf32>)
        %masked_sort3A_310 = arith.constant dense<true> : vector<16xi1>
        %masked_sort3A_311, %masked_sort3A_312, %masked_sort3A_313 = tpu.sort %get3A_103, %get3A_103 masked %masked_sort3A_310 {descending = true} : (vector<16xf32>, vector<16xf32>, vector<16xi1>) -> (vector<16xi1>, vector<16xf32>, vector<16xf32>)
        %masked_sort3A_314 = arith.constant dense<true> : vector<16xi1>
        %masked_sort3A_315, %masked_sort3A_316, %masked_sort3A_317 = tpu.sort %get3A_106, %get3A_106 masked %masked_sort3A_314 : (vector<16xf32>, vector<16xf32>, vector<16xi1>) -> (vector<16xi1>, vector<16xf32>, vector<16xf32>)
        %masked_sort3A_318 = arith.constant dense<true> : vector<16xi1>
        %masked_sort3A_319, %masked_sort3A_320, %masked_sort3A_321 = tpu.sort %get3A_109, %get3A_109 masked %masked_sort3A_318 {descending = true} : (vector<16xf32>, vector<16xf32>, vector<16xi1>) -> (vector<16xi1>, vector<16xf32>, vector<16xf32>)
        %masked_sort3A_322 = arith.constant dense<true> : vector<16xi1>
        %masked_sort3A_323, %masked_sort3A_324, %masked_sort3A_325 = tpu.sort %get3A_112, %get3A_112 masked %masked_sort3A_322 : (vector<16xf32>, vector<16xf32>, vector<16xi1>) -> (vector<16xi1>, vector<16xf32>, vector<16xf32>)
        %masked_sort3A_326 = arith.constant dense<true> : vector<16xi1>
        %masked_sort3A_327, %masked_sort3A_328, %masked_sort3A_329 = tpu.sort %get3A_115, %get3A_115 masked %masked_sort3A_326 {descending = true} : (vector<16xf32>, vector<16xf32>, vector<16xi1>) -> (vector<16xi1>, vector<16xf32>, vector<16xf32>)
        %masked_sort3A_330 = arith.constant dense<true> : vector<16xi1>
        %masked_sort3A_331, %masked_sort3A_332, %masked_sort3A_333 = tpu.sort %get3A_118, %get3A_118 masked %masked_sort3A_330 : (vector<16xf32>, vector<16xf32>, vector<16xi1>) -> (vector<16xi1>, vector<16xf32>, vector<16xf32>)
        %masked_sort3A_334 = arith.constant dense<true> : vector<16xi1>
        %masked_sort3A_335, %masked_sort3A_336, %masked_sort3A_337 = tpu.sort %get3A_121, %get3A_121 masked %masked_sort3A_334 {descending = true} : (vector<16xf32>, vector<16xf32>, vector<16xi1>) -> (vector<16xi1>, vector<16xf32>, vector<16xf32>)
        %masked_sort3A_338 = arith.constant dense<true> : vector<16xi1>
        %masked_sort3A_339, %masked_sort3A_340, %masked_sort3A_341 = tpu.sort %get3A_124, %get3A_124 masked %masked_sort3A_338 : (vector<16xf32>, vector<16xf32>, vector<16xi1>) -> (vector<16xi1>, vector<16xf32>, vector<16xf32>)
        %masked_sort3A_342 = arith.constant dense<true> : vector<16xi1>
        %masked_sort3A_343, %masked_sort3A_344, %masked_sort3A_345 = tpu.sort %get3A_127, %get3A_127 masked %masked_sort3A_342 {descending = true} : (vector<16xf32>, vector<16xf32>, vector<16xi1>) -> (vector<16xi1>, vector<16xf32>, vector<16xf32>)
        %masked_sort3A_346 = arith.constant dense<true> : vector<16xi1>
        %masked_sort3A_347, %masked_sort3A_348, %masked_sort3A_349 = tpu.sort %get3A_130, %get3A_130 masked %masked_sort3A_346 : (vector<16xf32>, vector<16xf32>, vector<16xi1>) -> (vector<16xi1>, vector<16xf32>, vector<16xf32>)
        %masked_sort3A_350 = arith.constant dense<true> : vector<16xi1>
        %masked_sort3A_351, %masked_sort3A_352, %masked_sort3A_353 = tpu.sort %get3A_133, %get3A_133 masked %masked_sort3A_350 {descending = true} : (vector<16xf32>, vector<16xf32>, vector<16xi1>) -> (vector<16xi1>, vector<16xf32>, vector<16xf32>)
        %masked_sort3A_354 = arith.constant dense<true> : vector<16xi1>
        %masked_sort3A_355, %masked_sort3A_356, %masked_sort3A_357 = tpu.sort %get3A_136, %get3A_136 masked %masked_sort3A_354 : (vector<16xf32>, vector<16xf32>, vector<16xi1>) -> (vector<16xi1>, vector<16xf32>, vector<16xf32>)
        %masked_sort3A_358 = arith.constant dense<true> : vector<16xi1>
        %masked_sort3A_359, %masked_sort3A_360, %masked_sort3A_361 = tpu.sort %get3A_139, %get3A_139 masked %masked_sort3A_358 {descending = true} : (vector<16xf32>, vector<16xf32>, vector<16xi1>) -> (vector<16xi1>, vector<16xf32>, vector<16xf32>)
        %masked_sort3A_362 = arith.constant dense<true> : vector<16xi1>
        %masked_sort3A_363, %masked_sort3A_364, %masked_sort3A_365 = tpu.sort %get3A_142, %get3A_142 masked %masked_sort3A_362 : (vector<16xf32>, vector<16xf32>, vector<16xi1>) -> (vector<16xi1>, vector<16xf32>, vector<16xf32>)
        %masked_sort3A_366 = arith.constant dense<true> : vector<16xi1>
        %masked_sort3A_367, %masked_sort3A_368, %masked_sort3A_369 = tpu.sort %get3A_145, %get3A_145 masked %masked_sort3A_366 {descending = true} : (vector<16xf32>, vector<16xf32>, vector<16xi1>) -> (vector<16xi1>, vector<16xf32>, vector<16xf32>)
        %masked_sort3A_370 = arith.constant dense<true> : vector<16xi1>
        %masked_sort3A_371, %masked_sort3A_372, %masked_sort3A_373 = tpu.sort %get3A_148, %get3A_148 masked %masked_sort3A_370 : (vector<16xf32>, vector<16xf32>, vector<16xi1>) -> (vector<16xi1>, vector<16xf32>, vector<16xf32>)
        %masked_sort3A_374 = arith.constant dense<true> : vector<16xi1>
        %masked_sort3A_375, %masked_sort3A_376, %masked_sort3A_377 = tpu.sort %get3A_151, %get3A_151 masked %masked_sort3A_374 {descending = true} : (vector<16xf32>, vector<16xf32>, vector<16xi1>) -> (vector<16xi1>, vector<16xf32>, vector<16xf32>)
        %masked_sort3A_378 = arith.constant dense<true> : vector<16xi1>
        %masked_sort3A_379, %masked_sort3A_380, %masked_sort3A_381 = tpu.sort %get3A_154, %get3A_154 masked %masked_sort3A_378 : (vector<16xf32>, vector<16xf32>, vector<16xi1>) -> (vector<16xi1>, vector<16xf32>, vector<16xf32>)
        %masked_sort3A_382 = arith.constant dense<true> : vector<16xi1>
        %masked_sort3A_383, %masked_sort3A_384, %masked_sort3A_385 = tpu.sort %get3A_157, %get3A_157 masked %masked_sort3A_382 {descending = true} : (vector<16xf32>, vector<16xf32>, vector<16xi1>) -> (vector<16xi1>, vector<16xf32>, vector<16xf32>)
        %masked_sort3A_386 = arith.constant dense<true> : vector<16xi1>
        %masked_sort3A_387, %masked_sort3A_388, %masked_sort3A_389 = tpu.sort %get3A_160, %get3A_160 masked %masked_sort3A_386 : (vector<16xf32>, vector<16xf32>, vector<16xi1>) -> (vector<16xi1>, vector<16xf32>, vector<16xf32>)
        %masked_sort3A_390 = arith.constant dense<true> : vector<16xi1>
        %masked_sort3A_391, %masked_sort3A_392, %masked_sort3A_393 = tpu.sort %get3A_163, %get3A_163 masked %masked_sort3A_390 {descending = true} : (vector<16xf32>, vector<16xf32>, vector<16xi1>) -> (vector<16xi1>, vector<16xf32>, vector<16xf32>)
        %masked_sort3A_394 = arith.constant dense<true> : vector<16xi1>
        %masked_sort3A_395, %masked_sort3A_396, %masked_sort3A_397 = tpu.sort %get3A_166, %get3A_166 masked %masked_sort3A_394 : (vector<16xf32>, vector<16xf32>, vector<16xi1>) -> (vector<16xi1>, vector<16xf32>, vector<16xf32>)
        %masked_sort3A_398 = arith.constant dense<true> : vector<16xi1>
        %masked_sort3A_399, %masked_sort3A_400, %masked_sort3A_401 = tpu.sort %get3A_169, %get3A_169 masked %masked_sort3A_398 {descending = true} : (vector<16xf32>, vector<16xf32>, vector<16xi1>) -> (vector<16xi1>, vector<16xf32>, vector<16xf32>)
        %masked_sort3A_402 = arith.constant dense<true> : vector<16xi1>
        %masked_sort3A_403, %masked_sort3A_404, %masked_sort3A_405 = tpu.sort %get3A_172, %get3A_172 masked %masked_sort3A_402 : (vector<16xf32>, vector<16xf32>, vector<16xi1>) -> (vector<16xi1>, vector<16xf32>, vector<16xf32>)
        %masked_sort3A_406 = arith.constant dense<true> : vector<16xi1>
        %masked_sort3A_407, %masked_sort3A_408, %masked_sort3A_409 = tpu.sort %get3A_175, %get3A_175 masked %masked_sort3A_406 {descending = true} : (vector<16xf32>, vector<16xf32>, vector<16xi1>) -> (vector<16xi1>, vector<16xf32>, vector<16xf32>)
        %masked_sort3A_410 = arith.constant dense<true> : vector<16xi1>
        %masked_sort3A_411, %masked_sort3A_412, %masked_sort3A_413 = tpu.sort %get3A_178, %get3A_178 masked %masked_sort3A_410 : (vector<16xf32>, vector<16xf32>, vector<16xi1>) -> (vector<16xi1>, vector<16xf32>, vector<16xf32>)
        %masked_sort3A_414 = arith.constant dense<true> : vector<16xi1>
        %masked_sort3A_415, %masked_sort3A_416, %masked_sort3A_417 = tpu.sort %get3A_181, %get3A_181 masked %masked_sort3A_414 {descending = true} : (vector<16xf32>, vector<16xf32>, vector<16xi1>) -> (vector<16xi1>, vector<16xf32>, vector<16xf32>)
        %masked_sort3A_418 = arith.constant dense<true> : vector<16xi1>
        %masked_sort3A_419, %masked_sort3A_420, %masked_sort3A_421 = tpu.sort %get3A_184, %get3A_184 masked %masked_sort3A_418 : (vector<16xf32>, vector<16xf32>, vector<16xi1>) -> (vector<16xi1>, vector<16xf32>, vector<16xf32>)
        %masked_sort3A_422 = arith.constant dense<true> : vector<16xi1>
        %masked_sort3A_423, %masked_sort3A_424, %masked_sort3A_425 = tpu.sort %get3A_187, %get3A_187 masked %masked_sort3A_422 {descending = true} : (vector<16xf32>, vector<16xf32>, vector<16xi1>) -> (vector<16xi1>, vector<16xf32>, vector<16xf32>)
        %masked_sort3A_426 = arith.constant dense<true> : vector<16xi1>
        %masked_sort3A_427, %masked_sort3A_428, %masked_sort3A_429 = tpu.sort %get3A_190, %get3A_190 masked %masked_sort3A_426 : (vector<16xf32>, vector<16xf32>, vector<16xi1>) -> (vector<16xi1>, vector<16xf32>, vector<16xf32>)
        %masked_sort3A_430 = arith.constant dense<true> : vector<16xi1>
        %masked_sort3A_431, %masked_sort3A_432, %masked_sort3A_433 = tpu.sort %get3A_193, %get3A_193 masked %masked_sort3A_430 {descending = true} : (vector<16xf32>, vector<16xf32>, vector<16xi1>) -> (vector<16xi1>, vector<16xf32>, vector<16xf32>)
        %masked_sort3A_434 = arith.constant dense<true> : vector<16xi1>
        %masked_sort3A_435, %masked_sort3A_436, %masked_sort3A_437 = tpu.sort %get3A_196, %get3A_196 masked %masked_sort3A_434 : (vector<16xf32>, vector<16xf32>, vector<16xi1>) -> (vector<16xi1>, vector<16xf32>, vector<16xf32>)
        %masked_sort3A_438 = arith.constant dense<true> : vector<16xi1>
        %masked_sort3A_439, %masked_sort3A_440, %masked_sort3A_441 = tpu.sort %get3A_199, %get3A_199 masked %masked_sort3A_438 {descending = true} : (vector<16xf32>, vector<16xf32>, vector<16xi1>) -> (vector<16xi1>, vector<16xf32>, vector<16xf32>)
        %masked_sort3A_442 = arith.constant dense<true> : vector<16xi1>
        %masked_sort3A_443, %masked_sort3A_444, %masked_sort3A_445 = tpu.sort %get3A_202, %get3A_202 masked %masked_sort3A_442 : (vector<16xf32>, vector<16xf32>, vector<16xi1>) -> (vector<16xi1>, vector<16xf32>, vector<16xf32>)
        %masked_sort3A_446 = arith.constant dense<true> : vector<16xi1>
        %masked_sort3A_447, %masked_sort3A_448, %masked_sort3A_449 = tpu.sort %get3A_205, %get3A_205 masked %masked_sort3A_446 {descending = true} : (vector<16xf32>, vector<16xf32>, vector<16xi1>) -> (vector<16xi1>, vector<16xf32>, vector<16xf32>)
        %masked_sort3A_450 = arith.constant dense<true> : vector<16xi1>
        %masked_sort3A_451, %masked_sort3A_452, %masked_sort3A_453 = tpu.sort %get3A_208, %get3A_208 masked %masked_sort3A_450 : (vector<16xf32>, vector<16xf32>, vector<16xi1>) -> (vector<16xi1>, vector<16xf32>, vector<16xf32>)
        %masked_sort3A_454 = arith.constant dense<true> : vector<16xi1>
        %masked_sort3A_455, %masked_sort3A_456, %masked_sort3A_457 = tpu.sort %get3A_211, %get3A_211 masked %masked_sort3A_454 {descending = true} : (vector<16xf32>, vector<16xf32>, vector<16xi1>) -> (vector<16xi1>, vector<16xf32>, vector<16xf32>)
        %masked_sort3A_458 = arith.constant dense<true> : vector<16xi1>
        %masked_sort3A_459, %masked_sort3A_460, %masked_sort3A_461 = tpu.sort %get3A_214, %get3A_214 masked %masked_sort3A_458 : (vector<16xf32>, vector<16xf32>, vector<16xi1>) -> (vector<16xi1>, vector<16xf32>, vector<16xf32>)
        %masked_sort3A_462 = arith.constant dense<true> : vector<16xi1>
        %masked_sort3A_463, %masked_sort3A_464, %masked_sort3A_465 = tpu.sort %get3A_217, %get3A_217 masked %masked_sort3A_462 {descending = true} : (vector<16xf32>, vector<16xf32>, vector<16xi1>) -> (vector<16xi1>, vector<16xf32>, vector<16xf32>)
        %masked_sort3A_466 = arith.constant dense<true> : vector<16xi1>
        %masked_sort3A_467, %masked_sort3A_468, %masked_sort3A_469 = tpu.sort %get3A_220, %get3A_220 masked %masked_sort3A_466 : (vector<16xf32>, vector<16xf32>, vector<16xi1>) -> (vector<16xi1>, vector<16xf32>, vector<16xf32>)
        %masked_sort3A_470 = arith.constant dense<true> : vector<16xi1>
        %masked_sort3A_471, %masked_sort3A_472, %masked_sort3A_473 = tpu.sort %get3A_223, %get3A_223 masked %masked_sort3A_470 {descending = true} : (vector<16xf32>, vector<16xf32>, vector<16xi1>) -> (vector<16xi1>, vector<16xf32>, vector<16xf32>)
        %masked_sort3A_474 = arith.constant dense<true> : vector<16xi1>
        %masked_sort3A_475, %masked_sort3A_476, %masked_sort3A_477 = tpu.sort %get3A_226, %get3A_226 masked %masked_sort3A_474 : (vector<16xf32>, vector<16xf32>, vector<16xi1>) -> (vector<16xi1>, vector<16xf32>, vector<16xf32>)
        %masked_sort3A_478 = arith.constant dense<true> : vector<16xi1>
        %masked_sort3A_479, %masked_sort3A_480, %masked_sort3A_481 = tpu.sort %get3A_229, %get3A_229 masked %masked_sort3A_478 {descending = true} : (vector<16xf32>, vector<16xf32>, vector<16xi1>) -> (vector<16xi1>, vector<16xf32>, vector<16xf32>)
        %masked_sort3A_482 = arith.constant dense<true> : vector<16xi1>
        %masked_sort3A_483, %masked_sort3A_484, %masked_sort3A_485 = tpu.sort %get3A_232, %get3A_232 masked %masked_sort3A_482 : (vector<16xf32>, vector<16xf32>, vector<16xi1>) -> (vector<16xi1>, vector<16xf32>, vector<16xf32>)
        %masked_sort3A_486 = arith.constant dense<true> : vector<16xi1>
        %masked_sort3A_487, %masked_sort3A_488, %masked_sort3A_489 = tpu.sort %get3A_235, %get3A_235 masked %masked_sort3A_486 {descending = true} : (vector<16xf32>, vector<16xf32>, vector<16xi1>) -> (vector<16xi1>, vector<16xf32>, vector<16xf32>)
        %masked_sort3A_490 = arith.constant dense<true> : vector<16xi1>
        %masked_sort3A_491, %masked_sort3A_492, %masked_sort3A_493 = tpu.sort %select_n3A, %select_n3A masked %masked_sort3A_490 : (vector<16xf32>, vector<16xf32>, vector<16xi1>) -> (vector<16xi1>, vector<16xf32>, vector<16xf32>)
        %masked_sort3A_494 = arith.constant dense<true> : vector<16xi1>
        %masked_sort3A_495, %masked_sort3A_496, %masked_sort3A_497 = tpu.sort %broadcast_in_dim3A_242, %broadcast_in_dim3A_242 masked %masked_sort3A_494 {descending = true} : (vector<16xf32>, vector<16xf32>, vector<16xi1>) -> (vector<16xi1>, vector<16xf32>, vector<16xf32>)
        %min3A = arith.minimumf %masked_sort3A_244, %masked_sort3A_248 : vector<16xf32>
        %max3A = arith.maximumf %masked_sort3A_244, %masked_sort3A_248 : vector<16xf32>
        %masked_sort3A_498 = arith.constant dense<true> : vector<16xi1>
        %masked_sort3A_499, %masked_sort3A_500, %masked_sort3A_501 = tpu.sort %min3A, %min3A masked %masked_sort3A_498 : (vector<16xf32>, vector<16xf32>, vector<16xi1>) -> (vector<16xi1>, vector<16xf32>, vector<16xf32>)
        %masked_sort3A_502 = arith.constant dense<true> : vector<16xi1>
        %masked_sort3A_503, %masked_sort3A_504, %masked_sort3A_505 = tpu.sort %max3A, %max3A masked %masked_sort3A_502 : (vector<16xf32>, vector<16xf32>, vector<16xi1>) -> (vector<16xi1>, vector<16xf32>, vector<16xf32>)
        %min3A_506 = arith.minimumf %masked_sort3A_252, %masked_sort3A_256 : vector<16xf32>
        %max3A_507 = arith.maximumf %masked_sort3A_252, %masked_sort3A_256 : vector<16xf32>
        %masked_sort3A_508 = arith.constant dense<true> : vector<16xi1>
        %masked_sort3A_509, %masked_sort3A_510, %masked_sort3A_511 = tpu.sort %max3A_507, %max3A_507 masked %masked_sort3A_508 {descending = true} : (vector<16xf32>, vector<16xf32>, vector<16xi1>) -> (vector<16xi1>, vector<16xf32>, vector<16xf32>)
        %masked_sort3A_512 = arith.constant dense<true> : vector<16xi1>
        %masked_sort3A_513, %masked_sort3A_514, %masked_sort3A_515 = tpu.sort %min3A_506, %min3A_506 masked %masked_sort3A_512 {descending = true} : (vector<16xf32>, vector<16xf32>, vector<16xi1>) -> (vector<16xi1>, vector<16xf32>, vector<16xf32>)
        %min3A_516 = arith.minimumf %masked_sort3A_260, %masked_sort3A_264 : vector<16xf32>
        %max3A_517 = arith.maximumf %masked_sort3A_260, %masked_sort3A_264 : vector<16xf32>
        %masked_sort3A_518 = arith.constant dense<true> : vector<16xi1>
        %masked_sort3A_519, %masked_sort3A_520, %masked_sort3A_521 = tpu.sort %min3A_516, %min3A_516 masked %masked_sort3A_518 : (vector<16xf32>, vector<16xf32>, vector<16xi1>) -> (vector<16xi1>, vector<16xf32>, vector<16xf32>)
        %masked_sort3A_522 = arith.constant dense<true> : vector<16xi1>
        %masked_sort3A_523, %masked_sort3A_524, %masked_sort3A_525 = tpu.sort %max3A_517, %max3A_517 masked %masked_sort3A_522 : (vector<16xf32>, vector<16xf32>, vector<16xi1>) -> (vector<16xi1>, vector<16xf32>, vector<16xf32>)
        %min3A_526 = arith.minimumf %masked_sort3A_268, %masked_sort3A_272 : vector<16xf32>
        %max3A_527 = arith.maximumf %masked_sort3A_268, %masked_sort3A_272 : vector<16xf32>
        %masked_sort3A_528 = arith.constant dense<true> : vector<16xi1>
        %masked_sort3A_529, %masked_sort3A_530, %masked_sort3A_531 = tpu.sort %max3A_527, %max3A_527 masked %masked_sort3A_528 {descending = true} : (vector<16xf32>, vector<16xf32>, vector<16xi1>) -> (vector<16xi1>, vector<16xf32>, vector<16xf32>)
        %masked_sort3A_532 = arith.constant dense<true> : vector<16xi1>
        %masked_sort3A_533, %masked_sort3A_534, %masked_sort3A_535 = tpu.sort %min3A_526, %min3A_526 masked %masked_sort3A_532 {descending = true} : (vector<16xf32>, vector<16xf32>, vector<16xi1>) -> (vector<16xi1>, vector<16xf32>, vector<16xf32>)
        %min3A_536 = arith.minimumf %masked_sort3A_276, %masked_sort3A_280 : vector<16xf32>
        %max3A_537 = arith.maximumf %masked_sort3A_276, %masked_sort3A_280 : vector<16xf32>
        %masked_sort3A_538 = arith.constant dense<true> : vector<16xi1>
        %masked_sort3A_539, %masked_sort3A_540, %masked_sort3A_541 = tpu.sort %min3A_536, %min3A_536 masked %masked_sort3A_538 : (vector<16xf32>, vector<16xf32>, vector<16xi1>) -> (vector<16xi1>, vector<16xf32>, vector<16xf32>)
        %masked_sort3A_542 = arith.constant dense<true> : vector<16xi1>
        %masked_sort3A_543, %masked_sort3A_544, %masked_sort3A_545 = tpu.sort %max3A_537, %max3A_537 masked %masked_sort3A_542 : (vector<16xf32>, vector<16xf32>, vector<16xi1>) -> (vector<16xi1>, vector<16xf32>, vector<16xf32>)
        %min3A_546 = arith.minimumf %masked_sort3A_284, %masked_sort3A_288 : vector<16xf32>
        %max3A_547 = arith.maximumf %masked_sort3A_284, %masked_sort3A_288 : vector<16xf32>
        %masked_sort3A_548 = arith.constant dense<true> : vector<16xi1>
        %masked_sort3A_549, %masked_sort3A_550, %masked_sort3A_551 = tpu.sort %max3A_547, %max3A_547 masked %masked_sort3A_548 {descending = true} : (vector<16xf32>, vector<16xf32>, vector<16xi1>) -> (vector<16xi1>, vector<16xf32>, vector<16xf32>)
        %masked_sort3A_552 = arith.constant dense<true> : vector<16xi1>
        %masked_sort3A_553, %masked_sort3A_554, %masked_sort3A_555 = tpu.sort %min3A_546, %min3A_546 masked %masked_sort3A_552 {descending = true} : (vector<16xf32>, vector<16xf32>, vector<16xi1>) -> (vector<16xi1>, vector<16xf32>, vector<16xf32>)
        %min3A_556 = arith.minimumf %masked_sort3A_292, %masked_sort3A_296 : vector<16xf32>
        %max3A_557 = arith.maximumf %masked_sort3A_292, %masked_sort3A_296 : vector<16xf32>
        %masked_sort3A_558 = arith.constant dense<true> : vector<16xi1>
        %masked_sort3A_559, %masked_sort3A_560, %masked_sort3A_561 = tpu.sort %min3A_556, %min3A_556 masked %masked_sort3A_558 : (vector<16xf32>, vector<16xf32>, vector<16xi1>) -> (vector<16xi1>, vector<16xf32>, vector<16xf32>)
        %masked_sort3A_562 = arith.constant dense<true> : vector<16xi1>
        %masked_sort3A_563, %masked_sort3A_564, %masked_sort3A_565 = tpu.sort %max3A_557, %max3A_557 masked %masked_sort3A_562 : (vector<16xf32>, vector<16xf32>, vector<16xi1>) -> (vector<16xi1>, vector<16xf32>, vector<16xf32>)
        %min3A_566 = arith.minimumf %masked_sort3A_300, %masked_sort3A_304 : vector<16xf32>
        %max3A_567 = arith.maximumf %masked_sort3A_300, %masked_sort3A_304 : vector<16xf32>
        %masked_sort3A_568 = arith.constant dense<true> : vector<16xi1>
        %masked_sort3A_569, %masked_sort3A_570, %masked_sort3A_571 = tpu.sort %max3A_567, %max3A_567 masked %masked_sort3A_568 {descending = true} : (vector<16xf32>, vector<16xf32>, vector<16xi1>) -> (vector<16xi1>, vector<16xf32>, vector<16xf32>)
        %masked_sort3A_572 = arith.constant dense<true> : vector<16xi1>
        %masked_sort3A_573, %masked_sort3A_574, %masked_sort3A_575 = tpu.sort %min3A_566, %min3A_566 masked %masked_sort3A_572 {descending = true} : (vector<16xf32>, vector<16xf32>, vector<16xi1>) -> (vector<16xi1>, vector<16xf32>, vector<16xf32>)
        %min3A_576 = arith.minimumf %masked_sort3A_308, %masked_sort3A_312 : vector<16xf32>
        %max3A_577 = arith.maximumf %masked_sort3A_308, %masked_sort3A_312 : vector<16xf32>
        %masked_sort3A_578 = arith.constant dense<true> : vector<16xi1>
        %masked_sort3A_579, %masked_sort3A_580, %masked_sort3A_581 = tpu.sort %min3A_576, %min3A_576 masked %masked_sort3A_578 : (vector<16xf32>, vector<16xf32>, vector<16xi1>) -> (vector<16xi1>, vector<16xf32>, vector<16xf32>)
        %masked_sort3A_582 = arith.constant dense<true> : vector<16xi1>
        %masked_sort3A_583, %masked_sort3A_584, %masked_sort3A_585 = tpu.sort %max3A_577, %max3A_577 masked %masked_sort3A_582 : (vector<16xf32>, vector<16xf32>, vector<16xi1>) -> (vector<16xi1>, vector<16xf32>, vector<16xf32>)
        %min3A_586 = arith.minimumf %masked_sort3A_316, %masked_sort3A_320 : vector<16xf32>
        %max3A_587 = arith.maximumf %masked_sort3A_316, %masked_sort3A_320 : vector<16xf32>
        %masked_sort3A_588 = arith.constant dense<true> : vector<16xi1>
        %masked_sort3A_589, %masked_sort3A_590, %masked_sort3A_591 = tpu.sort %max3A_587, %max3A_587 masked %masked_sort3A_588 {descending = true} : (vector<16xf32>, vector<16xf32>, vector<16xi1>) -> (vector<16xi1>, vector<16xf32>, vector<16xf32>)
        %masked_sort3A_592 = arith.constant dense<true> : vector<16xi1>
        %masked_sort3A_593, %masked_sort3A_594, %masked_sort3A_595 = tpu.sort %min3A_586, %min3A_586 masked %masked_sort3A_592 {descending = true} : (vector<16xf32>, vector<16xf32>, vector<16xi1>) -> (vector<16xi1>, vector<16xf32>, vector<16xf32>)
        %min3A_596 = arith.minimumf %masked_sort3A_324, %masked_sort3A_328 : vector<16xf32>
        %max3A_597 = arith.maximumf %masked_sort3A_324, %masked_sort3A_328 : vector<16xf32>
        %masked_sort3A_598 = arith.constant dense<true> : vector<16xi1>
        %masked_sort3A_599, %masked_sort3A_600, %masked_sort3A_601 = tpu.sort %min3A_596, %min3A_596 masked %masked_sort3A_598 : (vector<16xf32>, vector<16xf32>, vector<16xi1>) -> (vector<16xi1>, vector<16xf32>, vector<16xf32>)
        %masked_sort3A_602 = arith.constant dense<true> : vector<16xi1>
        %masked_sort3A_603, %masked_sort3A_604, %masked_sort3A_605 = tpu.sort %max3A_597, %max3A_597 masked %masked_sort3A_602 : (vector<16xf32>, vector<16xf32>, vector<16xi1>) -> (vector<16xi1>, vector<16xf32>, vector<16xf32>)
        %min3A_606 = arith.minimumf %masked_sort3A_332, %masked_sort3A_336 : vector<16xf32>
        %max3A_607 = arith.maximumf %masked_sort3A_332, %masked_sort3A_336 : vector<16xf32>
        %masked_sort3A_608 = arith.constant dense<true> : vector<16xi1>
        %masked_sort3A_609, %masked_sort3A_610, %masked_sort3A_611 = tpu.sort %max3A_607, %max3A_607 masked %masked_sort3A_608 {descending = true} : (vector<16xf32>, vector<16xf32>, vector<16xi1>) -> (vector<16xi1>, vector<16xf32>, vector<16xf32>)
        %masked_sort3A_612 = arith.constant dense<true> : vector<16xi1>
        %masked_sort3A_613, %masked_sort3A_614, %masked_sort3A_615 = tpu.sort %min3A_606, %min3A_606 masked %masked_sort3A_612 {descending = true} : (vector<16xf32>, vector<16xf32>, vector<16xi1>) -> (vector<16xi1>, vector<16xf32>, vector<16xf32>)
        %min3A_616 = arith.minimumf %masked_sort3A_340, %masked_sort3A_344 : vector<16xf32>
        %max3A_617 = arith.maximumf %masked_sort3A_340, %masked_sort3A_344 : vector<16xf32>
        %masked_sort3A_618 = arith.constant dense<true> : vector<16xi1>
        %masked_sort3A_619, %masked_sort3A_620, %masked_sort3A_621 = tpu.sort %min3A_616, %min3A_616 masked %masked_sort3A_618 : (vector<16xf32>, vector<16xf32>, vector<16xi1>) -> (vector<16xi1>, vector<16xf32>, vector<16xf32>)
        %masked_sort3A_622 = arith.constant dense<true> : vector<16xi1>
        %masked_sort3A_623, %masked_sort3A_624, %masked_sort3A_625 = tpu.sort %max3A_617, %max3A_617 masked %masked_sort3A_622 : (vector<16xf32>, vector<16xf32>, vector<16xi1>) -> (vector<16xi1>, vector<16xf32>, vector<16xf32>)
        %min3A_626 = arith.minimumf %masked_sort3A_348, %masked_sort3A_352 : vector<16xf32>
        %max3A_627 = arith.maximumf %masked_sort3A_348, %masked_sort3A_352 : vector<16xf32>
        %masked_sort3A_628 = arith.constant dense<true> : vector<16xi1>
        %masked_sort3A_629, %masked_sort3A_630, %masked_sort3A_631 = tpu.sort %max3A_627, %max3A_627 masked %masked_sort3A_628 {descending = true} : (vector<16xf32>, vector<16xf32>, vector<16xi1>) -> (vector<16xi1>, vector<16xf32>, vector<16xf32>)
        %masked_sort3A_632 = arith.constant dense<true> : vector<16xi1>
        %masked_sort3A_633, %masked_sort3A_634, %masked_sort3A_635 = tpu.sort %min3A_626, %min3A_626 masked %masked_sort3A_632 {descending = true} : (vector<16xf32>, vector<16xf32>, vector<16xi1>) -> (vector<16xi1>, vector<16xf32>, vector<16xf32>)
        %min3A_636 = arith.minimumf %masked_sort3A_356, %masked_sort3A_360 : vector<16xf32>
        %max3A_637 = arith.maximumf %masked_sort3A_356, %masked_sort3A_360 : vector<16xf32>
        %masked_sort3A_638 = arith.constant dense<true> : vector<16xi1>
        %masked_sort3A_639, %masked_sort3A_640, %masked_sort3A_641 = tpu.sort %min3A_636, %min3A_636 masked %masked_sort3A_638 : (vector<16xf32>, vector<16xf32>, vector<16xi1>) -> (vector<16xi1>, vector<16xf32>, vector<16xf32>)
        %masked_sort3A_642 = arith.constant dense<true> : vector<16xi1>
        %masked_sort3A_643, %masked_sort3A_644, %masked_sort3A_645 = tpu.sort %max3A_637, %max3A_637 masked %masked_sort3A_642 : (vector<16xf32>, vector<16xf32>, vector<16xi1>) -> (vector<16xi1>, vector<16xf32>, vector<16xf32>)
        %min3A_646 = arith.minimumf %masked_sort3A_364, %masked_sort3A_368 : vector<16xf32>
        %max3A_647 = arith.maximumf %masked_sort3A_364, %masked_sort3A_368 : vector<16xf32>
        %masked_sort3A_648 = arith.constant dense<true> : vector<16xi1>
        %masked_sort3A_649, %masked_sort3A_650, %masked_sort3A_651 = tpu.sort %max3A_647, %max3A_647 masked %masked_sort3A_648 {descending = true} : (vector<16xf32>, vector<16xf32>, vector<16xi1>) -> (vector<16xi1>, vector<16xf32>, vector<16xf32>)
        %masked_sort3A_652 = arith.constant dense<true> : vector<16xi1>
        %masked_sort3A_653, %masked_sort3A_654, %masked_sort3A_655 = tpu.sort %min3A_646, %min3A_646 masked %masked_sort3A_652 {descending = true} : (vector<16xf32>, vector<16xf32>, vector<16xi1>) -> (vector<16xi1>, vector<16xf32>, vector<16xf32>)
        %min3A_656 = arith.minimumf %masked_sort3A_372, %masked_sort3A_376 : vector<16xf32>
        %max3A_657 = arith.maximumf %masked_sort3A_372, %masked_sort3A_376 : vector<16xf32>
        %masked_sort3A_658 = arith.constant dense<true> : vector<16xi1>
        %masked_sort3A_659, %masked_sort3A_660, %masked_sort3A_661 = tpu.sort %min3A_656, %min3A_656 masked %masked_sort3A_658 : (vector<16xf32>, vector<16xf32>, vector<16xi1>) -> (vector<16xi1>, vector<16xf32>, vector<16xf32>)
        %masked_sort3A_662 = arith.constant dense<true> : vector<16xi1>
        %masked_sort3A_663, %masked_sort3A_664, %masked_sort3A_665 = tpu.sort %max3A_657, %max3A_657 masked %masked_sort3A_662 : (vector<16xf32>, vector<16xf32>, vector<16xi1>) -> (vector<16xi1>, vector<16xf32>, vector<16xf32>)
        %min3A_666 = arith.minimumf %masked_sort3A_380, %masked_sort3A_384 : vector<16xf32>
        %max3A_667 = arith.maximumf %masked_sort3A_380, %masked_sort3A_384 : vector<16xf32>
        %masked_sort3A_668 = arith.constant dense<true> : vector<16xi1>
        %masked_sort3A_669, %masked_sort3A_670, %masked_sort3A_671 = tpu.sort %max3A_667, %max3A_667 masked %masked_sort3A_668 {descending = true} : (vector<16xf32>, vector<16xf32>, vector<16xi1>) -> (vector<16xi1>, vector<16xf32>, vector<16xf32>)
        %masked_sort3A_672 = arith.constant dense<true> : vector<16xi1>
        %masked_sort3A_673, %masked_sort3A_674, %masked_sort3A_675 = tpu.sort %min3A_666, %min3A_666 masked %masked_sort3A_672 {descending = true} : (vector<16xf32>, vector<16xf32>, vector<16xi1>) -> (vector<16xi1>, vector<16xf32>, vector<16xf32>)
        %min3A_676 = arith.minimumf %masked_sort3A_388, %masked_sort3A_392 : vector<16xf32>
        %max3A_677 = arith.maximumf %masked_sort3A_388, %masked_sort3A_392 : vector<16xf32>
        %masked_sort3A_678 = arith.constant dense<true> : vector<16xi1>
        %masked_sort3A_679, %masked_sort3A_680, %masked_sort3A_681 = tpu.sort %min3A_676, %min3A_676 masked %masked_sort3A_678 : (vector<16xf32>, vector<16xf32>, vector<16xi1>) -> (vector<16xi1>, vector<16xf32>, vector<16xf32>)
        %masked_sort3A_682 = arith.constant dense<true> : vector<16xi1>
        %masked_sort3A_683, %masked_sort3A_684, %masked_sort3A_685 = tpu.sort %max3A_677, %max3A_677 masked %masked_sort3A_682 : (vector<16xf32>, vector<16xf32>, vector<16xi1>) -> (vector<16xi1>, vector<16xf32>, vector<16xf32>)
        %min3A_686 = arith.minimumf %masked_sort3A_396, %masked_sort3A_400 : vector<16xf32>
        %max3A_687 = arith.maximumf %masked_sort3A_396, %masked_sort3A_400 : vector<16xf32>
        %masked_sort3A_688 = arith.constant dense<true> : vector<16xi1>
        %masked_sort3A_689, %masked_sort3A_690, %masked_sort3A_691 = tpu.sort %max3A_687, %max3A_687 masked %masked_sort3A_688 {descending = true} : (vector<16xf32>, vector<16xf32>, vector<16xi1>) -> (vector<16xi1>, vector<16xf32>, vector<16xf32>)
        %masked_sort3A_692 = arith.constant dense<true> : vector<16xi1>
        %masked_sort3A_693, %masked_sort3A_694, %masked_sort3A_695 = tpu.sort %min3A_686, %min3A_686 masked %masked_sort3A_692 {descending = true} : (vector<16xf32>, vector<16xf32>, vector<16xi1>) -> (vector<16xi1>, vector<16xf32>, vector<16xf32>)
        %min3A_696 = arith.minimumf %masked_sort3A_404, %masked_sort3A_408 : vector<16xf32>
        %max3A_697 = arith.maximumf %masked_sort3A_404, %masked_sort3A_408 : vector<16xf32>
        %masked_sort3A_698 = arith.constant dense<true> : vector<16xi1>
        %masked_sort3A_699, %masked_sort3A_700, %masked_sort3A_701 = tpu.sort %min3A_696, %min3A_696 masked %masked_sort3A_698 : (vector<16xf32>, vector<16xf32>, vector<16xi1>) -> (vector<16xi1>, vector<16xf32>, vector<16xf32>)
        %masked_sort3A_702 = arith.constant dense<true> : vector<16xi1>
        %masked_sort3A_703, %masked_sort3A_704, %masked_sort3A_705 = tpu.sort %max3A_697, %max3A_697 masked %masked_sort3A_702 : (vector<16xf32>, vector<16xf32>, vector<16xi1>) -> (vector<16xi1>, vector<16xf32>, vector<16xf32>)
        %min3A_706 = arith.minimumf %masked_sort3A_412, %masked_sort3A_416 : vector<16xf32>
        %max3A_707 = arith.maximumf %masked_sort3A_412, %masked_sort3A_416 : vector<16xf32>
        %masked_sort3A_708 = arith.constant dense<true> : vector<16xi1>
        %masked_sort3A_709, %masked_sort3A_710, %masked_sort3A_711 = tpu.sort %max3A_707, %max3A_707 masked %masked_sort3A_708 {descending = true} : (vector<16xf32>, vector<16xf32>, vector<16xi1>) -> (vector<16xi1>, vector<16xf32>, vector<16xf32>)
        %masked_sort3A_712 = arith.constant dense<true> : vector<16xi1>
        %masked_sort3A_713, %masked_sort3A_714, %masked_sort3A_715 = tpu.sort %min3A_706, %min3A_706 masked %masked_sort3A_712 {descending = true} : (vector<16xf32>, vector<16xf32>, vector<16xi1>) -> (vector<16xi1>, vector<16xf32>, vector<16xf32>)
        %min3A_716 = arith.minimumf %masked_sort3A_420, %masked_sort3A_424 : vector<16xf32>
        %max3A_717 = arith.maximumf %masked_sort3A_420, %masked_sort3A_424 : vector<16xf32>
        %masked_sort3A_718 = arith.constant dense<true> : vector<16xi1>
        %masked_sort3A_719, %masked_sort3A_720, %masked_sort3A_721 = tpu.sort %min3A_716, %min3A_716 masked %masked_sort3A_718 : (vector<16xf32>, vector<16xf32>, vector<16xi1>) -> (vector<16xi1>, vector<16xf32>, vector<16xf32>)
        %masked_sort3A_722 = arith.constant dense<true> : vector<16xi1>
        %masked_sort3A_723, %masked_sort3A_724, %masked_sort3A_725 = tpu.sort %max3A_717, %max3A_717 masked %masked_sort3A_722 : (vector<16xf32>, vector<16xf32>, vector<16xi1>) -> (vector<16xi1>, vector<16xf32>, vector<16xf32>)
        %min3A_726 = arith.minimumf %masked_sort3A_428, %masked_sort3A_432 : vector<16xf32>
        %max3A_727 = arith.maximumf %masked_sort3A_428, %masked_sort3A_432 : vector<16xf32>
        %masked_sort3A_728 = arith.constant dense<true> : vector<16xi1>
        %masked_sort3A_729, %masked_sort3A_730, %masked_sort3A_731 = tpu.sort %max3A_727, %max3A_727 masked %masked_sort3A_728 {descending = true} : (vector<16xf32>, vector<16xf32>, vector<16xi1>) -> (vector<16xi1>, vector<16xf32>, vector<16xf32>)
        %masked_sort3A_732 = arith.constant dense<true> : vector<16xi1>
        %masked_sort3A_733, %masked_sort3A_734, %masked_sort3A_735 = tpu.sort %min3A_726, %min3A_726 masked %masked_sort3A_732 {descending = true} : (vector<16xf32>, vector<16xf32>, vector<16xi1>) -> (vector<16xi1>, vector<16xf32>, vector<16xf32>)
        %min3A_736 = arith.minimumf %masked_sort3A_436, %masked_sort3A_440 : vector<16xf32>
        %max3A_737 = arith.maximumf %masked_sort3A_436, %masked_sort3A_440 : vector<16xf32>
        %masked_sort3A_738 = arith.constant dense<true> : vector<16xi1>
        %masked_sort3A_739, %masked_sort3A_740, %masked_sort3A_741 = tpu.sort %min3A_736, %min3A_736 masked %masked_sort3A_738 : (vector<16xf32>, vector<16xf32>, vector<16xi1>) -> (vector<16xi1>, vector<16xf32>, vector<16xf32>)
        %masked_sort3A_742 = arith.constant dense<true> : vector<16xi1>
        %masked_sort3A_743, %masked_sort3A_744, %masked_sort3A_745 = tpu.sort %max3A_737, %max3A_737 masked %masked_sort3A_742 : (vector<16xf32>, vector<16xf32>, vector<16xi1>) -> (vector<16xi1>, vector<16xf32>, vector<16xf32>)
        %min3A_746 = arith.minimumf %masked_sort3A_444, %masked_sort3A_448 : vector<16xf32>
        %max3A_747 = arith.maximumf %masked_sort3A_444, %masked_sort3A_448 : vector<16xf32>
        %masked_sort3A_748 = arith.constant dense<true> : vector<16xi1>
        %masked_sort3A_749, %masked_sort3A_750, %masked_sort3A_751 = tpu.sort %max3A_747, %max3A_747 masked %masked_sort3A_748 {descending = true} : (vector<16xf32>, vector<16xf32>, vector<16xi1>) -> (vector<16xi1>, vector<16xf32>, vector<16xf32>)
        %masked_sort3A_752 = arith.constant dense<true> : vector<16xi1>
        %masked_sort3A_753, %masked_sort3A_754, %masked_sort3A_755 = tpu.sort %min3A_746, %min3A_746 masked %masked_sort3A_752 {descending = true} : (vector<16xf32>, vector<16xf32>, vector<16xi1>) -> (vector<16xi1>, vector<16xf32>, vector<16xf32>)
        %min3A_756 = arith.minimumf %masked_sort3A_452, %masked_sort3A_456 : vector<16xf32>
        %max3A_757 = arith.maximumf %masked_sort3A_452, %masked_sort3A_456 : vector<16xf32>
        %masked_sort3A_758 = arith.constant dense<true> : vector<16xi1>
        %masked_sort3A_759, %masked_sort3A_760, %masked_sort3A_761 = tpu.sort %min3A_756, %min3A_756 masked %masked_sort3A_758 : (vector<16xf32>, vector<16xf32>, vector<16xi1>) -> (vector<16xi1>, vector<16xf32>, vector<16xf32>)
        %masked_sort3A_762 = arith.constant dense<true> : vector<16xi1>
        %masked_sort3A_763, %masked_sort3A_764, %masked_sort3A_765 = tpu.sort %max3A_757, %max3A_757 masked %masked_sort3A_762 : (vector<16xf32>, vector<16xf32>, vector<16xi1>) -> (vector<16xi1>, vector<16xf32>, vector<16xf32>)
        %min3A_766 = arith.minimumf %masked_sort3A_460, %masked_sort3A_464 : vector<16xf32>
        %max3A_767 = arith.maximumf %masked_sort3A_460, %masked_sort3A_464 : vector<16xf32>
        %masked_sort3A_768 = arith.constant dense<true> : vector<16xi1>
        %masked_sort3A_769, %masked_sort3A_770, %masked_sort3A_771 = tpu.sort %max3A_767, %max3A_767 masked %masked_sort3A_768 {descending = true} : (vector<16xf32>, vector<16xf32>, vector<16xi1>) -> (vector<16xi1>, vector<16xf32>, vector<16xf32>)
        %masked_sort3A_772 = arith.constant dense<true> : vector<16xi1>
        %masked_sort3A_773, %masked_sort3A_774, %masked_sort3A_775 = tpu.sort %min3A_766, %min3A_766 masked %masked_sort3A_772 {descending = true} : (vector<16xf32>, vector<16xf32>, vector<16xi1>) -> (vector<16xi1>, vector<16xf32>, vector<16xf32>)
        %min3A_776 = arith.minimumf %masked_sort3A_468, %masked_sort3A_472 : vector<16xf32>
        %max3A_777 = arith.maximumf %masked_sort3A_468, %masked_sort3A_472 : vector<16xf32>
        %masked_sort3A_778 = arith.constant dense<true> : vector<16xi1>
        %masked_sort3A_779, %masked_sort3A_780, %masked_sort3A_781 = tpu.sort %min3A_776, %min3A_776 masked %masked_sort3A_778 : (vector<16xf32>, vector<16xf32>, vector<16xi1>) -> (vector<16xi1>, vector<16xf32>, vector<16xf32>)
        %masked_sort3A_782 = arith.constant dense<true> : vector<16xi1>
        %masked_sort3A_783, %masked_sort3A_784, %masked_sort3A_785 = tpu.sort %max3A_777, %max3A_777 masked %masked_sort3A_782 : (vector<16xf32>, vector<16xf32>, vector<16xi1>) -> (vector<16xi1>, vector<16xf32>, vector<16xf32>)
        %min3A_786 = arith.minimumf %masked_sort3A_476, %masked_sort3A_480 : vector<16xf32>
        %max3A_787 = arith.maximumf %masked_sort3A_476, %masked_sort3A_480 : vector<16xf32>
        %masked_sort3A_788 = arith.constant dense<true> : vector<16xi1>
        %masked_sort3A_789, %masked_sort3A_790, %masked_sort3A_791 = tpu.sort %max3A_787, %max3A_787 masked %masked_sort3A_788 {descending = true} : (vector<16xf32>, vector<16xf32>, vector<16xi1>) -> (vector<16xi1>, vector<16xf32>, vector<16xf32>)
        %masked_sort3A_792 = arith.constant dense<true> : vector<16xi1>
        %masked_sort3A_793, %masked_sort3A_794, %masked_sort3A_795 = tpu.sort %min3A_786, %min3A_786 masked %masked_sort3A_792 {descending = true} : (vector<16xf32>, vector<16xf32>, vector<16xi1>) -> (vector<16xi1>, vector<16xf32>, vector<16xf32>)
        %min3A_796 = arith.minimumf %masked_sort3A_484, %masked_sort3A_488 : vector<16xf32>
        %max3A_797 = arith.maximumf %masked_sort3A_484, %masked_sort3A_488 : vector<16xf32>
        %masked_sort3A_798 = arith.constant dense<true> : vector<16xi1>
        %masked_sort3A_799, %masked_sort3A_800, %masked_sort3A_801 = tpu.sort %min3A_796, %min3A_796 masked %masked_sort3A_798 : (vector<16xf32>, vector<16xf32>, vector<16xi1>) -> (vector<16xi1>, vector<16xf32>, vector<16xf32>)
        %masked_sort3A_802 = arith.constant dense<true> : vector<16xi1>
        %masked_sort3A_803, %masked_sort3A_804, %masked_sort3A_805 = tpu.sort %max3A_797, %max3A_797 masked %masked_sort3A_802 : (vector<16xf32>, vector<16xf32>, vector<16xi1>) -> (vector<16xi1>, vector<16xf32>, vector<16xf32>)
        %min3A_806 = arith.minimumf %masked_sort3A_492, %masked_sort3A_496 : vector<16xf32>
        %max3A_807 = arith.maximumf %masked_sort3A_492, %masked_sort3A_496 : vector<16xf32>
        %masked_sort3A_808 = arith.constant dense<true> : vector<16xi1>
        %masked_sort3A_809, %masked_sort3A_810, %masked_sort3A_811 = tpu.sort %max3A_807, %max3A_807 masked %masked_sort3A_808 {descending = true} : (vector<16xf32>, vector<16xf32>, vector<16xi1>) -> (vector<16xi1>, vector<16xf32>, vector<16xf32>)
        %masked_sort3A_812 = arith.constant dense<true> : vector<16xi1>
        %masked_sort3A_813, %masked_sort3A_814, %masked_sort3A_815 = tpu.sort %min3A_806, %min3A_806 masked %masked_sort3A_812 {descending = true} : (vector<16xf32>, vector<16xf32>, vector<16xi1>) -> (vector<16xi1>, vector<16xf32>, vector<16xf32>)
        %min3A_816 = arith.minimumf %masked_sort3A_500, %masked_sort3A_510 : vector<16xf32>
        %min3A_817 = arith.minimumf %masked_sort3A_504, %masked_sort3A_514 : vector<16xf32>
        %max3A_818 = arith.maximumf %masked_sort3A_500, %masked_sort3A_510 : vector<16xf32>
        %max3A_819 = arith.maximumf %masked_sort3A_504, %masked_sort3A_514 : vector<16xf32>
        %min3A_820 = arith.minimumf %min3A_816, %min3A_817 : vector<16xf32>
        %max3A_821 = arith.maximumf %min3A_816, %min3A_817 : vector<16xf32>
        %masked_sort3A_822 = arith.constant dense<true> : vector<16xi1>
        %masked_sort3A_823, %masked_sort3A_824, %masked_sort3A_825 = tpu.sort %min3A_820, %min3A_820 masked %masked_sort3A_822 : (vector<16xf32>, vector<16xf32>, vector<16xi1>) -> (vector<16xi1>, vector<16xf32>, vector<16xf32>)
        %masked_sort3A_826 = arith.constant dense<true> : vector<16xi1>
        %masked_sort3A_827, %masked_sort3A_828, %masked_sort3A_829 = tpu.sort %max3A_821, %max3A_821 masked %masked_sort3A_826 : (vector<16xf32>, vector<16xf32>, vector<16xi1>) -> (vector<16xi1>, vector<16xf32>, vector<16xf32>)
        %min3A_830 = arith.minimumf %max3A_818, %max3A_819 : vector<16xf32>
        %max3A_831 = arith.maximumf %max3A_818, %max3A_819 : vector<16xf32>
        %masked_sort3A_832 = arith.constant dense<true> : vector<16xi1>
        %masked_sort3A_833, %masked_sort3A_834, %masked_sort3A_835 = tpu.sort %min3A_830, %min3A_830 masked %masked_sort3A_832 : (vector<16xf32>, vector<16xf32>, vector<16xi1>) -> (vector<16xi1>, vector<16xf32>, vector<16xf32>)
        %masked_sort3A_836 = arith.constant dense<true> : vector<16xi1>
        %masked_sort3A_837, %masked_sort3A_838, %masked_sort3A_839 = tpu.sort %max3A_831, %max3A_831 masked %masked_sort3A_836 : (vector<16xf32>, vector<16xf32>, vector<16xi1>) -> (vector<16xi1>, vector<16xf32>, vector<16xf32>)
        %min3A_840 = arith.minimumf %masked_sort3A_520, %masked_sort3A_530 : vector<16xf32>
        %min3A_841 = arith.minimumf %masked_sort3A_524, %masked_sort3A_534 : vector<16xf32>
        %max3A_842 = arith.maximumf %masked_sort3A_520, %masked_sort3A_530 : vector<16xf32>
        %max3A_843 = arith.maximumf %masked_sort3A_524, %masked_sort3A_534 : vector<16xf32>
        %max3A_844 = arith.maximumf %max3A_842, %max3A_843 : vector<16xf32>
        %min3A_845 = arith.minimumf %max3A_842, %max3A_843 : vector<16xf32>
        %masked_sort3A_846 = arith.constant dense<true> : vector<16xi1>
        %masked_sort3A_847, %masked_sort3A_848, %masked_sort3A_849 = tpu.sort %max3A_844, %max3A_844 masked %masked_sort3A_846 {descending = true} : (vector<16xf32>, vector<16xf32>, vector<16xi1>) -> (vector<16xi1>, vector<16xf32>, vector<16xf32>)
        %masked_sort3A_850 = arith.constant dense<true> : vector<16xi1>
        %masked_sort3A_851, %masked_sort3A_852, %masked_sort3A_853 = tpu.sort %min3A_845, %min3A_845 masked %masked_sort3A_850 {descending = true} : (vector<16xf32>, vector<16xf32>, vector<16xi1>) -> (vector<16xi1>, vector<16xf32>, vector<16xf32>)
        %max3A_854 = arith.maximumf %min3A_840, %min3A_841 : vector<16xf32>
        %min3A_855 = arith.minimumf %min3A_840, %min3A_841 : vector<16xf32>
        %masked_sort3A_856 = arith.constant dense<true> : vector<16xi1>
        %masked_sort3A_857, %masked_sort3A_858, %masked_sort3A_859 = tpu.sort %max3A_854, %max3A_854 masked %masked_sort3A_856 {descending = true} : (vector<16xf32>, vector<16xf32>, vector<16xi1>) -> (vector<16xi1>, vector<16xf32>, vector<16xf32>)
        %masked_sort3A_860 = arith.constant dense<true> : vector<16xi1>
        %masked_sort3A_861, %masked_sort3A_862, %masked_sort3A_863 = tpu.sort %min3A_855, %min3A_855 masked %masked_sort3A_860 {descending = true} : (vector<16xf32>, vector<16xf32>, vector<16xi1>) -> (vector<16xi1>, vector<16xf32>, vector<16xf32>)
        %min3A_864 = arith.minimumf %masked_sort3A_540, %masked_sort3A_550 : vector<16xf32>
        %min3A_865 = arith.minimumf %masked_sort3A_544, %masked_sort3A_554 : vector<16xf32>
        %max3A_866 = arith.maximumf %masked_sort3A_540, %masked_sort3A_550 : vector<16xf32>
        %max3A_867 = arith.maximumf %masked_sort3A_544, %masked_sort3A_554 : vector<16xf32>
        %min3A_868 = arith.minimumf %min3A_864, %min3A_865 : vector<16xf32>
        %max3A_869 = arith.maximumf %min3A_864, %min3A_865 : vector<16xf32>
        %masked_sort3A_870 = arith.constant dense<true> : vector<16xi1>
        %masked_sort3A_871, %masked_sort3A_872, %masked_sort3A_873 = tpu.sort %min3A_868, %min3A_868 masked %masked_sort3A_870 : (vector<16xf32>, vector<16xf32>, vector<16xi1>) -> (vector<16xi1>, vector<16xf32>, vector<16xf32>)
        %masked_sort3A_874 = arith.constant dense<true> : vector<16xi1>
        %masked_sort3A_875, %masked_sort3A_876, %masked_sort3A_877 = tpu.sort %max3A_869, %max3A_869 masked %masked_sort3A_874 : (vector<16xf32>, vector<16xf32>, vector<16xi1>) -> (vector<16xi1>, vector<16xf32>, vector<16xf32>)
        %min3A_878 = arith.minimumf %max3A_866, %max3A_867 : vector<16xf32>
        %max3A_879 = arith.maximumf %max3A_866, %max3A_867 : vector<16xf32>
        %masked_sort3A_880 = arith.constant dense<true> : vector<16xi1>
        %masked_sort3A_881, %masked_sort3A_882, %masked_sort3A_883 = tpu.sort %min3A_878, %min3A_878 masked %masked_sort3A_880 : (vector<16xf32>, vector<16xf32>, vector<16xi1>) -> (vector<16xi1>, vector<16xf32>, vector<16xf32>)
        %masked_sort3A_884 = arith.constant dense<true> : vector<16xi1>
        %masked_sort3A_885, %masked_sort3A_886, %masked_sort3A_887 = tpu.sort %max3A_879, %max3A_879 masked %masked_sort3A_884 : (vector<16xf32>, vector<16xf32>, vector<16xi1>) -> (vector<16xi1>, vector<16xf32>, vector<16xf32>)
        %min3A_888 = arith.minimumf %masked_sort3A_560, %masked_sort3A_570 : vector<16xf32>
        %min3A_889 = arith.minimumf %masked_sort3A_564, %masked_sort3A_574 : vector<16xf32>
        %max3A_890 = arith.maximumf %masked_sort3A_560, %masked_sort3A_570 : vector<16xf32>
        %max3A_891 = arith.maximumf %masked_sort3A_564, %masked_sort3A_574 : vector<16xf32>
        %max3A_892 = arith.maximumf %max3A_890, %max3A_891 : vector<16xf32>
        %min3A_893 = arith.minimumf %max3A_890, %max3A_891 : vector<16xf32>
        %masked_sort3A_894 = arith.constant dense<true> : vector<16xi1>
        %masked_sort3A_895, %masked_sort3A_896, %masked_sort3A_897 = tpu.sort %max3A_892, %max3A_892 masked %masked_sort3A_894 {descending = true} : (vector<16xf32>, vector<16xf32>, vector<16xi1>) -> (vector<16xi1>, vector<16xf32>, vector<16xf32>)
        %masked_sort3A_898 = arith.constant dense<true> : vector<16xi1>
        %masked_sort3A_899, %masked_sort3A_900, %masked_sort3A_901 = tpu.sort %min3A_893, %min3A_893 masked %masked_sort3A_898 {descending = true} : (vector<16xf32>, vector<16xf32>, vector<16xi1>) -> (vector<16xi1>, vector<16xf32>, vector<16xf32>)
        %max3A_902 = arith.maximumf %min3A_888, %min3A_889 : vector<16xf32>
        %min3A_903 = arith.minimumf %min3A_888, %min3A_889 : vector<16xf32>
        %masked_sort3A_904 = arith.constant dense<true> : vector<16xi1>
        %masked_sort3A_905, %masked_sort3A_906, %masked_sort3A_907 = tpu.sort %max3A_902, %max3A_902 masked %masked_sort3A_904 {descending = true} : (vector<16xf32>, vector<16xf32>, vector<16xi1>) -> (vector<16xi1>, vector<16xf32>, vector<16xf32>)
        %masked_sort3A_908 = arith.constant dense<true> : vector<16xi1>
        %masked_sort3A_909, %masked_sort3A_910, %masked_sort3A_911 = tpu.sort %min3A_903, %min3A_903 masked %masked_sort3A_908 {descending = true} : (vector<16xf32>, vector<16xf32>, vector<16xi1>) -> (vector<16xi1>, vector<16xf32>, vector<16xf32>)
        %min3A_912 = arith.minimumf %masked_sort3A_580, %masked_sort3A_590 : vector<16xf32>
        %min3A_913 = arith.minimumf %masked_sort3A_584, %masked_sort3A_594 : vector<16xf32>
        %max3A_914 = arith.maximumf %masked_sort3A_580, %masked_sort3A_590 : vector<16xf32>
        %max3A_915 = arith.maximumf %masked_sort3A_584, %masked_sort3A_594 : vector<16xf32>
        %min3A_916 = arith.minimumf %min3A_912, %min3A_913 : vector<16xf32>
        %max3A_917 = arith.maximumf %min3A_912, %min3A_913 : vector<16xf32>
        %masked_sort3A_918 = arith.constant dense<true> : vector<16xi1>
        %masked_sort3A_919, %masked_sort3A_920, %masked_sort3A_921 = tpu.sort %min3A_916, %min3A_916 masked %masked_sort3A_918 : (vector<16xf32>, vector<16xf32>, vector<16xi1>) -> (vector<16xi1>, vector<16xf32>, vector<16xf32>)
        %masked_sort3A_922 = arith.constant dense<true> : vector<16xi1>
        %masked_sort3A_923, %masked_sort3A_924, %masked_sort3A_925 = tpu.sort %max3A_917, %max3A_917 masked %masked_sort3A_922 : (vector<16xf32>, vector<16xf32>, vector<16xi1>) -> (vector<16xi1>, vector<16xf32>, vector<16xf32>)
        %min3A_926 = arith.minimumf %max3A_914, %max3A_915 : vector<16xf32>
        %max3A_927 = arith.maximumf %max3A_914, %max3A_915 : vector<16xf32>
        %masked_sort3A_928 = arith.constant dense<true> : vector<16xi1>
        %masked_sort3A_929, %masked_sort3A_930, %masked_sort3A_931 = tpu.sort %min3A_926, %min3A_926 masked %masked_sort3A_928 : (vector<16xf32>, vector<16xf32>, vector<16xi1>) -> (vector<16xi1>, vector<16xf32>, vector<16xf32>)
        %masked_sort3A_932 = arith.constant dense<true> : vector<16xi1>
        %masked_sort3A_933, %masked_sort3A_934, %masked_sort3A_935 = tpu.sort %max3A_927, %max3A_927 masked %masked_sort3A_932 : (vector<16xf32>, vector<16xf32>, vector<16xi1>) -> (vector<16xi1>, vector<16xf32>, vector<16xf32>)
        %min3A_936 = arith.minimumf %masked_sort3A_600, %masked_sort3A_610 : vector<16xf32>
        %min3A_937 = arith.minimumf %masked_sort3A_604, %masked_sort3A_614 : vector<16xf32>
        %max3A_938 = arith.maximumf %masked_sort3A_600, %masked_sort3A_610 : vector<16xf32>
        %max3A_939 = arith.maximumf %masked_sort3A_604, %masked_sort3A_614 : vector<16xf32>
        %max3A_940 = arith.maximumf %max3A_938, %max3A_939 : vector<16xf32>
        %min3A_941 = arith.minimumf %max3A_938, %max3A_939 : vector<16xf32>
        %masked_sort3A_942 = arith.constant dense<true> : vector<16xi1>
        %masked_sort3A_943, %masked_sort3A_944, %masked_sort3A_945 = tpu.sort %max3A_940, %max3A_940 masked %masked_sort3A_942 {descending = true} : (vector<16xf32>, vector<16xf32>, vector<16xi1>) -> (vector<16xi1>, vector<16xf32>, vector<16xf32>)
        %masked_sort3A_946 = arith.constant dense<true> : vector<16xi1>
        %masked_sort3A_947, %masked_sort3A_948, %masked_sort3A_949 = tpu.sort %min3A_941, %min3A_941 masked %masked_sort3A_946 {descending = true} : (vector<16xf32>, vector<16xf32>, vector<16xi1>) -> (vector<16xi1>, vector<16xf32>, vector<16xf32>)
        %max3A_950 = arith.maximumf %min3A_936, %min3A_937 : vector<16xf32>
        %min3A_951 = arith.minimumf %min3A_936, %min3A_937 : vector<16xf32>
        %masked_sort3A_952 = arith.constant dense<true> : vector<16xi1>
        %masked_sort3A_953, %masked_sort3A_954, %masked_sort3A_955 = tpu.sort %max3A_950, %max3A_950 masked %masked_sort3A_952 {descending = true} : (vector<16xf32>, vector<16xf32>, vector<16xi1>) -> (vector<16xi1>, vector<16xf32>, vector<16xf32>)
        %masked_sort3A_956 = arith.constant dense<true> : vector<16xi1>
        %masked_sort3A_957, %masked_sort3A_958, %masked_sort3A_959 = tpu.sort %min3A_951, %min3A_951 masked %masked_sort3A_956 {descending = true} : (vector<16xf32>, vector<16xf32>, vector<16xi1>) -> (vector<16xi1>, vector<16xf32>, vector<16xf32>)
        %min3A_960 = arith.minimumf %masked_sort3A_620, %masked_sort3A_630 : vector<16xf32>
        %min3A_961 = arith.minimumf %masked_sort3A_624, %masked_sort3A_634 : vector<16xf32>
        %max3A_962 = arith.maximumf %masked_sort3A_620, %masked_sort3A_630 : vector<16xf32>
        %max3A_963 = arith.maximumf %masked_sort3A_624, %masked_sort3A_634 : vector<16xf32>
        %min3A_964 = arith.minimumf %min3A_960, %min3A_961 : vector<16xf32>
        %max3A_965 = arith.maximumf %min3A_960, %min3A_961 : vector<16xf32>
        %masked_sort3A_966 = arith.constant dense<true> : vector<16xi1>
        %masked_sort3A_967, %masked_sort3A_968, %masked_sort3A_969 = tpu.sort %min3A_964, %min3A_964 masked %masked_sort3A_966 : (vector<16xf32>, vector<16xf32>, vector<16xi1>) -> (vector<16xi1>, vector<16xf32>, vector<16xf32>)
        %masked_sort3A_970 = arith.constant dense<true> : vector<16xi1>
        %masked_sort3A_971, %masked_sort3A_972, %masked_sort3A_973 = tpu.sort %max3A_965, %max3A_965 masked %masked_sort3A_970 : (vector<16xf32>, vector<16xf32>, vector<16xi1>) -> (vector<16xi1>, vector<16xf32>, vector<16xf32>)
        %min3A_974 = arith.minimumf %max3A_962, %max3A_963 : vector<16xf32>
        %max3A_975 = arith.maximumf %max3A_962, %max3A_963 : vector<16xf32>
        %masked_sort3A_976 = arith.constant dense<true> : vector<16xi1>
        %masked_sort3A_977, %masked_sort3A_978, %masked_sort3A_979 = tpu.sort %min3A_974, %min3A_974 masked %masked_sort3A_976 : (vector<16xf32>, vector<16xf32>, vector<16xi1>) -> (vector<16xi1>, vector<16xf32>, vector<16xf32>)
        %masked_sort3A_980 = arith.constant dense<true> : vector<16xi1>
        %masked_sort3A_981, %masked_sort3A_982, %masked_sort3A_983 = tpu.sort %max3A_975, %max3A_975 masked %masked_sort3A_980 : (vector<16xf32>, vector<16xf32>, vector<16xi1>) -> (vector<16xi1>, vector<16xf32>, vector<16xf32>)
        %min3A_984 = arith.minimumf %masked_sort3A_640, %masked_sort3A_650 : vector<16xf32>
        %min3A_985 = arith.minimumf %masked_sort3A_644, %masked_sort3A_654 : vector<16xf32>
        %max3A_986 = arith.maximumf %masked_sort3A_640, %masked_sort3A_650 : vector<16xf32>
        %max3A_987 = arith.maximumf %masked_sort3A_644, %masked_sort3A_654 : vector<16xf32>
        %max3A_988 = arith.maximumf %max3A_986, %max3A_987 : vector<16xf32>
        %min3A_989 = arith.minimumf %max3A_986, %max3A_987 : vector<16xf32>
        %masked_sort3A_990 = arith.constant dense<true> : vector<16xi1>
        %masked_sort3A_991, %masked_sort3A_992, %masked_sort3A_993 = tpu.sort %max3A_988, %max3A_988 masked %masked_sort3A_990 {descending = true} : (vector<16xf32>, vector<16xf32>, vector<16xi1>) -> (vector<16xi1>, vector<16xf32>, vector<16xf32>)
        %masked_sort3A_994 = arith.constant dense<true> : vector<16xi1>
        %masked_sort3A_995, %masked_sort3A_996, %masked_sort3A_997 = tpu.sort %min3A_989, %min3A_989 masked %masked_sort3A_994 {descending = true} : (vector<16xf32>, vector<16xf32>, vector<16xi1>) -> (vector<16xi1>, vector<16xf32>, vector<16xf32>)
        %max3A_998 = arith.maximumf %min3A_984, %min3A_985 : vector<16xf32>
        %min3A_999 = arith.minimumf %min3A_984, %min3A_985 : vector<16xf32>
        %masked_sort3A_1000 = arith.constant dense<true> : vector<16xi1>
        %masked_sort3A_1001, %masked_sort3A_1002, %masked_sort3A_1003 = tpu.sort %max3A_998, %max3A_998 masked %masked_sort3A_1000 {descending = true} : (vector<16xf32>, vector<16xf32>, vector<16xi1>) -> (vector<16xi1>, vector<16xf32>, vector<16xf32>)
        %masked_sort3A_1004 = arith.constant dense<true> : vector<16xi1>
        %masked_sort3A_1005, %masked_sort3A_1006, %masked_sort3A_1007 = tpu.sort %min3A_999, %min3A_999 masked %masked_sort3A_1004 {descending = true} : (vector<16xf32>, vector<16xf32>, vector<16xi1>) -> (vector<16xi1>, vector<16xf32>, vector<16xf32>)
        %min3A_1008 = arith.minimumf %masked_sort3A_660, %masked_sort3A_670 : vector<16xf32>
        %min3A_1009 = arith.minimumf %masked_sort3A_664, %masked_sort3A_674 : vector<16xf32>
        %max3A_1010 = arith.maximumf %masked_sort3A_660, %masked_sort3A_670 : vector<16xf32>
        %max3A_1011 = arith.maximumf %masked_sort3A_664, %masked_sort3A_674 : vector<16xf32>
        %min3A_1012 = arith.minimumf %min3A_1008, %min3A_1009 : vector<16xf32>
        %max3A_1013 = arith.maximumf %min3A_1008, %min3A_1009 : vector<16xf32>
        %masked_sort3A_1014 = arith.constant dense<true> : vector<16xi1>
        %masked_sort3A_1015, %masked_sort3A_1016, %masked_sort3A_1017 = tpu.sort %min3A_1012, %min3A_1012 masked %masked_sort3A_1014 : (vector<16xf32>, vector<16xf32>, vector<16xi1>) -> (vector<16xi1>, vector<16xf32>, vector<16xf32>)
        %masked_sort3A_1018 = arith.constant dense<true> : vector<16xi1>
        %masked_sort3A_1019, %masked_sort3A_1020, %masked_sort3A_1021 = tpu.sort %max3A_1013, %max3A_1013 masked %masked_sort3A_1018 : (vector<16xf32>, vector<16xf32>, vector<16xi1>) -> (vector<16xi1>, vector<16xf32>, vector<16xf32>)
        %min3A_1022 = arith.minimumf %max3A_1010, %max3A_1011 : vector<16xf32>
        %max3A_1023 = arith.maximumf %max3A_1010, %max3A_1011 : vector<16xf32>
        %masked_sort3A_1024 = arith.constant dense<true> : vector<16xi1>
        %masked_sort3A_1025, %masked_sort3A_1026, %masked_sort3A_1027 = tpu.sort %min3A_1022, %min3A_1022 masked %masked_sort3A_1024 : (vector<16xf32>, vector<16xf32>, vector<16xi1>) -> (vector<16xi1>, vector<16xf32>, vector<16xf32>)
        %masked_sort3A_1028 = arith.constant dense<true> : vector<16xi1>
        %masked_sort3A_1029, %masked_sort3A_1030, %masked_sort3A_1031 = tpu.sort %max3A_1023, %max3A_1023 masked %masked_sort3A_1028 : (vector<16xf32>, vector<16xf32>, vector<16xi1>) -> (vector<16xi1>, vector<16xf32>, vector<16xf32>)
        %min3A_1032 = arith.minimumf %masked_sort3A_680, %masked_sort3A_690 : vector<16xf32>
        %min3A_1033 = arith.minimumf %masked_sort3A_684, %masked_sort3A_694 : vector<16xf32>
        %max3A_1034 = arith.maximumf %masked_sort3A_680, %masked_sort3A_690 : vector<16xf32>
        %max3A_1035 = arith.maximumf %masked_sort3A_684, %masked_sort3A_694 : vector<16xf32>
        %max3A_1036 = arith.maximumf %max3A_1034, %max3A_1035 : vector<16xf32>
        %min3A_1037 = arith.minimumf %max3A_1034, %max3A_1035 : vector<16xf32>
        %masked_sort3A_1038 = arith.constant dense<true> : vector<16xi1>
        %masked_sort3A_1039, %masked_sort3A_1040, %masked_sort3A_1041 = tpu.sort %max3A_1036, %max3A_1036 masked %masked_sort3A_1038 {descending = true} : (vector<16xf32>, vector<16xf32>, vector<16xi1>) -> (vector<16xi1>, vector<16xf32>, vector<16xf32>)
        %masked_sort3A_1042 = arith.constant dense<true> : vector<16xi1>
        %masked_sort3A_1043, %masked_sort3A_1044, %masked_sort3A_1045 = tpu.sort %min3A_1037, %min3A_1037 masked %masked_sort3A_1042 {descending = true} : (vector<16xf32>, vector<16xf32>, vector<16xi1>) -> (vector<16xi1>, vector<16xf32>, vector<16xf32>)
        %max3A_1046 = arith.maximumf %min3A_1032, %min3A_1033 : vector<16xf32>
        %min3A_1047 = arith.minimumf %min3A_1032, %min3A_1033 : vector<16xf32>
        %masked_sort3A_1048 = arith.constant dense<true> : vector<16xi1>
        %masked_sort3A_1049, %masked_sort3A_1050, %masked_sort3A_1051 = tpu.sort %max3A_1046, %max3A_1046 masked %masked_sort3A_1048 {descending = true} : (vector<16xf32>, vector<16xf32>, vector<16xi1>) -> (vector<16xi1>, vector<16xf32>, vector<16xf32>)
        %masked_sort3A_1052 = arith.constant dense<true> : vector<16xi1>
        %masked_sort3A_1053, %masked_sort3A_1054, %masked_sort3A_1055 = tpu.sort %min3A_1047, %min3A_1047 masked %masked_sort3A_1052 {descending = true} : (vector<16xf32>, vector<16xf32>, vector<16xi1>) -> (vector<16xi1>, vector<16xf32>, vector<16xf32>)
        %min3A_1056 = arith.minimumf %masked_sort3A_700, %masked_sort3A_710 : vector<16xf32>
        %min3A_1057 = arith.minimumf %masked_sort3A_704, %masked_sort3A_714 : vector<16xf32>
        %max3A_1058 = arith.maximumf %masked_sort3A_700, %masked_sort3A_710 : vector<16xf32>
        %max3A_1059 = arith.maximumf %masked_sort3A_704, %masked_sort3A_714 : vector<16xf32>
        %min3A_1060 = arith.minimumf %min3A_1056, %min3A_1057 : vector<16xf32>
        %max3A_1061 = arith.maximumf %min3A_1056, %min3A_1057 : vector<16xf32>
        %masked_sort3A_1062 = arith.constant dense<true> : vector<16xi1>
        %masked_sort3A_1063, %masked_sort3A_1064, %masked_sort3A_1065 = tpu.sort %min3A_1060, %min3A_1060 masked %masked_sort3A_1062 : (vector<16xf32>, vector<16xf32>, vector<16xi1>) -> (vector<16xi1>, vector<16xf32>, vector<16xf32>)
        %masked_sort3A_1066 = arith.constant dense<true> : vector<16xi1>
        %masked_sort3A_1067, %masked_sort3A_1068, %masked_sort3A_1069 = tpu.sort %max3A_1061, %max3A_1061 masked %masked_sort3A_1066 : (vector<16xf32>, vector<16xf32>, vector<16xi1>) -> (vector<16xi1>, vector<16xf32>, vector<16xf32>)
        %min3A_1070 = arith.minimumf %max3A_1058, %max3A_1059 : vector<16xf32>
        %max3A_1071 = arith.maximumf %max3A_1058, %max3A_1059 : vector<16xf32>
        %masked_sort3A_1072 = arith.constant dense<true> : vector<16xi1>
        %masked_sort3A_1073, %masked_sort3A_1074, %masked_sort3A_1075 = tpu.sort %min3A_1070, %min3A_1070 masked %masked_sort3A_1072 : (vector<16xf32>, vector<16xf32>, vector<16xi1>) -> (vector<16xi1>, vector<16xf32>, vector<16xf32>)
        %masked_sort3A_1076 = arith.constant dense<true> : vector<16xi1>
        %masked_sort3A_1077, %masked_sort3A_1078, %masked_sort3A_1079 = tpu.sort %max3A_1071, %max3A_1071 masked %masked_sort3A_1076 : (vector<16xf32>, vector<16xf32>, vector<16xi1>) -> (vector<16xi1>, vector<16xf32>, vector<16xf32>)
        %min3A_1080 = arith.minimumf %masked_sort3A_720, %masked_sort3A_730 : vector<16xf32>
        %min3A_1081 = arith.minimumf %masked_sort3A_724, %masked_sort3A_734 : vector<16xf32>
        %max3A_1082 = arith.maximumf %masked_sort3A_720, %masked_sort3A_730 : vector<16xf32>
        %max3A_1083 = arith.maximumf %masked_sort3A_724, %masked_sort3A_734 : vector<16xf32>
        %max3A_1084 = arith.maximumf %max3A_1082, %max3A_1083 : vector<16xf32>
        %min3A_1085 = arith.minimumf %max3A_1082, %max3A_1083 : vector<16xf32>
        %masked_sort3A_1086 = arith.constant dense<true> : vector<16xi1>
        %masked_sort3A_1087, %masked_sort3A_1088, %masked_sort3A_1089 = tpu.sort %max3A_1084, %max3A_1084 masked %masked_sort3A_1086 {descending = true} : (vector<16xf32>, vector<16xf32>, vector<16xi1>) -> (vector<16xi1>, vector<16xf32>, vector<16xf32>)
        %masked_sort3A_1090 = arith.constant dense<true> : vector<16xi1>
        %masked_sort3A_1091, %masked_sort3A_1092, %masked_sort3A_1093 = tpu.sort %min3A_1085, %min3A_1085 masked %masked_sort3A_1090 {descending = true} : (vector<16xf32>, vector<16xf32>, vector<16xi1>) -> (vector<16xi1>, vector<16xf32>, vector<16xf32>)
        %max3A_1094 = arith.maximumf %min3A_1080, %min3A_1081 : vector<16xf32>
        %min3A_1095 = arith.minimumf %min3A_1080, %min3A_1081 : vector<16xf32>
        %masked_sort3A_1096 = arith.constant dense<true> : vector<16xi1>
        %masked_sort3A_1097, %masked_sort3A_1098, %masked_sort3A_1099 = tpu.sort %max3A_1094, %max3A_1094 masked %masked_sort3A_1096 {descending = true} : (vector<16xf32>, vector<16xf32>, vector<16xi1>) -> (vector<16xi1>, vector<16xf32>, vector<16xf32>)
        %masked_sort3A_1100 = arith.constant dense<true> : vector<16xi1>
        %masked_sort3A_1101, %masked_sort3A_1102, %masked_sort3A_1103 = tpu.sort %min3A_1095, %min3A_1095 masked %masked_sort3A_1100 {descending = true} : (vector<16xf32>, vector<16xf32>, vector<16xi1>) -> (vector<16xi1>, vector<16xf32>, vector<16xf32>)
        %min3A_1104 = arith.minimumf %masked_sort3A_740, %masked_sort3A_750 : vector<16xf32>
        %min3A_1105 = arith.minimumf %masked_sort3A_744, %masked_sort3A_754 : vector<16xf32>
        %max3A_1106 = arith.maximumf %masked_sort3A_740, %masked_sort3A_750 : vector<16xf32>
        %max3A_1107 = arith.maximumf %masked_sort3A_744, %masked_sort3A_754 : vector<16xf32>
        %min3A_1108 = arith.minimumf %min3A_1104, %min3A_1105 : vector<16xf32>
        %max3A_1109 = arith.maximumf %min3A_1104, %min3A_1105 : vector<16xf32>
        %masked_sort3A_1110 = arith.constant dense<true> : vector<16xi1>
        %masked_sort3A_1111, %masked_sort3A_1112, %masked_sort3A_1113 = tpu.sort %min3A_1108, %min3A_1108 masked %masked_sort3A_1110 : (vector<16xf32>, vector<16xf32>, vector<16xi1>) -> (vector<16xi1>, vector<16xf32>, vector<16xf32>)
        %masked_sort3A_1114 = arith.constant dense<true> : vector<16xi1>
        %masked_sort3A_1115, %masked_sort3A_1116, %masked_sort3A_1117 = tpu.sort %max3A_1109, %max3A_1109 masked %masked_sort3A_1114 : (vector<16xf32>, vector<16xf32>, vector<16xi1>) -> (vector<16xi1>, vector<16xf32>, vector<16xf32>)
        %min3A_1118 = arith.minimumf %max3A_1106, %max3A_1107 : vector<16xf32>
        %max3A_1119 = arith.maximumf %max3A_1106, %max3A_1107 : vector<16xf32>
        %masked_sort3A_1120 = arith.constant dense<true> : vector<16xi1>
        %masked_sort3A_1121, %masked_sort3A_1122, %masked_sort3A_1123 = tpu.sort %min3A_1118, %min3A_1118 masked %masked_sort3A_1120 : (vector<16xf32>, vector<16xf32>, vector<16xi1>) -> (vector<16xi1>, vector<16xf32>, vector<16xf32>)
        %masked_sort3A_1124 = arith.constant dense<true> : vector<16xi1>
        %masked_sort3A_1125, %masked_sort3A_1126, %masked_sort3A_1127 = tpu.sort %max3A_1119, %max3A_1119 masked %masked_sort3A_1124 : (vector<16xf32>, vector<16xf32>, vector<16xi1>) -> (vector<16xi1>, vector<16xf32>, vector<16xf32>)
        %min3A_1128 = arith.minimumf %masked_sort3A_760, %masked_sort3A_770 : vector<16xf32>
        %min3A_1129 = arith.minimumf %masked_sort3A_764, %masked_sort3A_774 : vector<16xf32>
        %max3A_1130 = arith.maximumf %masked_sort3A_760, %masked_sort3A_770 : vector<16xf32>
        %max3A_1131 = arith.maximumf %masked_sort3A_764, %masked_sort3A_774 : vector<16xf32>
        %max3A_1132 = arith.maximumf %max3A_1130, %max3A_1131 : vector<16xf32>
        %min3A_1133 = arith.minimumf %max3A_1130, %max3A_1131 : vector<16xf32>
        %masked_sort3A_1134 = arith.constant dense<true> : vector<16xi1>
        %masked_sort3A_1135, %masked_sort3A_1136, %masked_sort3A_1137 = tpu.sort %max3A_1132, %max3A_1132 masked %masked_sort3A_1134 {descending = true} : (vector<16xf32>, vector<16xf32>, vector<16xi1>) -> (vector<16xi1>, vector<16xf32>, vector<16xf32>)
        %masked_sort3A_1138 = arith.constant dense<true> : vector<16xi1>
        %masked_sort3A_1139, %masked_sort3A_1140, %masked_sort3A_1141 = tpu.sort %min3A_1133, %min3A_1133 masked %masked_sort3A_1138 {descending = true} : (vector<16xf32>, vector<16xf32>, vector<16xi1>) -> (vector<16xi1>, vector<16xf32>, vector<16xf32>)
        %max3A_1142 = arith.maximumf %min3A_1128, %min3A_1129 : vector<16xf32>
        %min3A_1143 = arith.minimumf %min3A_1128, %min3A_1129 : vector<16xf32>
        %masked_sort3A_1144 = arith.constant dense<true> : vector<16xi1>
        %masked_sort3A_1145, %masked_sort3A_1146, %masked_sort3A_1147 = tpu.sort %max3A_1142, %max3A_1142 masked %masked_sort3A_1144 {descending = true} : (vector<16xf32>, vector<16xf32>, vector<16xi1>) -> (vector<16xi1>, vector<16xf32>, vector<16xf32>)
        %masked_sort3A_1148 = arith.constant dense<true> : vector<16xi1>
        %masked_sort3A_1149, %masked_sort3A_1150, %masked_sort3A_1151 = tpu.sort %min3A_1143, %min3A_1143 masked %masked_sort3A_1148 {descending = true} : (vector<16xf32>, vector<16xf32>, vector<16xi1>) -> (vector<16xi1>, vector<16xf32>, vector<16xf32>)
        %min3A_1152 = arith.minimumf %masked_sort3A_780, %masked_sort3A_790 : vector<16xf32>
        %min3A_1153 = arith.minimumf %masked_sort3A_784, %masked_sort3A_794 : vector<16xf32>
        %max3A_1154 = arith.maximumf %masked_sort3A_780, %masked_sort3A_790 : vector<16xf32>
        %max3A_1155 = arith.maximumf %masked_sort3A_784, %masked_sort3A_794 : vector<16xf32>
        %min3A_1156 = arith.minimumf %min3A_1152, %min3A_1153 : vector<16xf32>
        %max3A_1157 = arith.maximumf %min3A_1152, %min3A_1153 : vector<16xf32>
        %masked_sort3A_1158 = arith.constant dense<true> : vector<16xi1>
        %masked_sort3A_1159, %masked_sort3A_1160, %masked_sort3A_1161 = tpu.sort %min3A_1156, %min3A_1156 masked %masked_sort3A_1158 : (vector<16xf32>, vector<16xf32>, vector<16xi1>) -> (vector<16xi1>, vector<16xf32>, vector<16xf32>)
        %masked_sort3A_1162 = arith.constant dense<true> : vector<16xi1>
        %masked_sort3A_1163, %masked_sort3A_1164, %masked_sort3A_1165 = tpu.sort %max3A_1157, %max3A_1157 masked %masked_sort3A_1162 : (vector<16xf32>, vector<16xf32>, vector<16xi1>) -> (vector<16xi1>, vector<16xf32>, vector<16xf32>)
        %min3A_1166 = arith.minimumf %max3A_1154, %max3A_1155 : vector<16xf32>
        %max3A_1167 = arith.maximumf %max3A_1154, %max3A_1155 : vector<16xf32>
        %masked_sort3A_1168 = arith.constant dense<true> : vector<16xi1>
        %masked_sort3A_1169, %masked_sort3A_1170, %masked_sort3A_1171 = tpu.sort %min3A_1166, %min3A_1166 masked %masked_sort3A_1168 : (vector<16xf32>, vector<16xf32>, vector<16xi1>) -> (vector<16xi1>, vector<16xf32>, vector<16xf32>)
        %masked_sort3A_1172 = arith.constant dense<true> : vector<16xi1>
        %masked_sort3A_1173, %masked_sort3A_1174, %masked_sort3A_1175 = tpu.sort %max3A_1167, %max3A_1167 masked %masked_sort3A_1172 : (vector<16xf32>, vector<16xf32>, vector<16xi1>) -> (vector<16xi1>, vector<16xf32>, vector<16xf32>)
        %min3A_1176 = arith.minimumf %masked_sort3A_800, %masked_sort3A_810 : vector<16xf32>
        %min3A_1177 = arith.minimumf %masked_sort3A_804, %masked_sort3A_814 : vector<16xf32>
        %max3A_1178 = arith.maximumf %masked_sort3A_800, %masked_sort3A_810 : vector<16xf32>
        %max3A_1179 = arith.maximumf %masked_sort3A_804, %masked_sort3A_814 : vector<16xf32>
        %max3A_1180 = arith.maximumf %max3A_1178, %max3A_1179 : vector<16xf32>
        %min3A_1181 = arith.minimumf %max3A_1178, %max3A_1179 : vector<16xf32>
        %masked_sort3A_1182 = arith.constant dense<true> : vector<16xi1>
        %masked_sort3A_1183, %masked_sort3A_1184, %masked_sort3A_1185 = tpu.sort %max3A_1180, %max3A_1180 masked %masked_sort3A_1182 {descending = true} : (vector<16xf32>, vector<16xf32>, vector<16xi1>) -> (vector<16xi1>, vector<16xf32>, vector<16xf32>)
        %masked_sort3A_1186 = arith.constant dense<true> : vector<16xi1>
        %masked_sort3A_1187, %masked_sort3A_1188, %masked_sort3A_1189 = tpu.sort %min3A_1181, %min3A_1181 masked %masked_sort3A_1186 {descending = true} : (vector<16xf32>, vector<16xf32>, vector<16xi1>) -> (vector<16xi1>, vector<16xf32>, vector<16xf32>)
        %max3A_1190 = arith.maximumf %min3A_1176, %min3A_1177 : vector<16xf32>
        %min3A_1191 = arith.minimumf %min3A_1176, %min3A_1177 : vector<16xf32>
        %masked_sort3A_1192 = arith.constant dense<true> : vector<16xi1>
        %masked_sort3A_1193, %masked_sort3A_1194, %masked_sort3A_1195 = tpu.sort %max3A_1190, %max3A_1190 masked %masked_sort3A_1192 {descending = true} : (vector<16xf32>, vector<16xf32>, vector<16xi1>) -> (vector<16xi1>, vector<16xf32>, vector<16xf32>)
        %masked_sort3A_1196 = arith.constant dense<true> : vector<16xi1>
        %masked_sort3A_1197, %masked_sort3A_1198, %masked_sort3A_1199 = tpu.sort %min3A_1191, %min3A_1191 masked %masked_sort3A_1196 {descending = true} : (vector<16xf32>, vector<16xf32>, vector<16xi1>) -> (vector<16xi1>, vector<16xf32>, vector<16xf32>)
        %min3A_1200 = arith.minimumf %masked_sort3A_824, %masked_sort3A_848 : vector<16xf32>
        %min3A_1201 = arith.minimumf %masked_sort3A_828, %masked_sort3A_852 : vector<16xf32>
        %min3A_1202 = arith.minimumf %masked_sort3A_834, %masked_sort3A_858 : vector<16xf32>
        %min3A_1203 = arith.minimumf %masked_sort3A_838, %masked_sort3A_862 : vector<16xf32>
        %max3A_1204 = arith.maximumf %masked_sort3A_824, %masked_sort3A_848 : vector<16xf32>
        %max3A_1205 = arith.maximumf %masked_sort3A_828, %masked_sort3A_852 : vector<16xf32>
        %max3A_1206 = arith.maximumf %masked_sort3A_834, %masked_sort3A_858 : vector<16xf32>
        %max3A_1207 = arith.maximumf %masked_sort3A_838, %masked_sort3A_862 : vector<16xf32>
        %min3A_1208 = arith.minimumf %min3A_1200, %min3A_1202 : vector<16xf32>
        %max3A_1209 = arith.maximumf %min3A_1200, %min3A_1202 : vector<16xf32>
        %min3A_1210 = arith.minimumf %min3A_1201, %min3A_1203 : vector<16xf32>
        %max3A_1211 = arith.maximumf %min3A_1201, %min3A_1203 : vector<16xf32>
        %min3A_1212 = arith.minimumf %min3A_1208, %min3A_1210 : vector<16xf32>
        %max3A_1213 = arith.maximumf %min3A_1208, %min3A_1210 : vector<16xf32>
        %min3A_1214 = arith.minimumf %max3A_1209, %max3A_1211 : vector<16xf32>
        %max3A_1215 = arith.maximumf %max3A_1209, %max3A_1211 : vector<16xf32>
        %masked_sort3A_1216 = arith.constant dense<true> : vector<16xi1>
        %masked_sort3A_1217, %masked_sort3A_1218, %masked_sort3A_1219 = tpu.sort %min3A_1212, %min3A_1212 masked %masked_sort3A_1216 : (vector<16xf32>, vector<16xf32>, vector<16xi1>) -> (vector<16xi1>, vector<16xf32>, vector<16xf32>)
        %masked_sort3A_1220 = arith.constant dense<true> : vector<16xi1>
        %masked_sort3A_1221, %masked_sort3A_1222, %masked_sort3A_1223 = tpu.sort %max3A_1213, %max3A_1213 masked %masked_sort3A_1220 : (vector<16xf32>, vector<16xf32>, vector<16xi1>) -> (vector<16xi1>, vector<16xf32>, vector<16xf32>)
        %masked_sort3A_1224 = arith.constant dense<true> : vector<16xi1>
        %masked_sort3A_1225, %masked_sort3A_1226, %masked_sort3A_1227 = tpu.sort %min3A_1214, %min3A_1214 masked %masked_sort3A_1224 : (vector<16xf32>, vector<16xf32>, vector<16xi1>) -> (vector<16xi1>, vector<16xf32>, vector<16xf32>)
        %masked_sort3A_1228 = arith.constant dense<true> : vector<16xi1>
        %masked_sort3A_1229, %masked_sort3A_1230, %masked_sort3A_1231 = tpu.sort %max3A_1215, %max3A_1215 masked %masked_sort3A_1228 : (vector<16xf32>, vector<16xf32>, vector<16xi1>) -> (vector<16xi1>, vector<16xf32>, vector<16xf32>)
        %min3A_1232 = arith.minimumf %max3A_1204, %max3A_1206 : vector<16xf32>
        %max3A_1233 = arith.maximumf %max3A_1204, %max3A_1206 : vector<16xf32>
        %min3A_1234 = arith.minimumf %max3A_1205, %max3A_1207 : vector<16xf32>
        %max3A_1235 = arith.maximumf %max3A_1205, %max3A_1207 : vector<16xf32>
        %min3A_1236 = arith.minimumf %min3A_1232, %min3A_1234 : vector<16xf32>
        %max3A_1237 = arith.maximumf %min3A_1232, %min3A_1234 : vector<16xf32>
        %min3A_1238 = arith.minimumf %max3A_1233, %max3A_1235 : vector<16xf32>
        %max3A_1239 = arith.maximumf %max3A_1233, %max3A_1235 : vector<16xf32>
        %masked_sort3A_1240 = arith.constant dense<true> : vector<16xi1>
        %masked_sort3A_1241, %masked_sort3A_1242, %masked_sort3A_1243 = tpu.sort %min3A_1236, %min3A_1236 masked %masked_sort3A_1240 : (vector<16xf32>, vector<16xf32>, vector<16xi1>) -> (vector<16xi1>, vector<16xf32>, vector<16xf32>)
        %masked_sort3A_1244 = arith.constant dense<true> : vector<16xi1>
        %masked_sort3A_1245, %masked_sort3A_1246, %masked_sort3A_1247 = tpu.sort %max3A_1237, %max3A_1237 masked %masked_sort3A_1244 : (vector<16xf32>, vector<16xf32>, vector<16xi1>) -> (vector<16xi1>, vector<16xf32>, vector<16xf32>)
        %masked_sort3A_1248 = arith.constant dense<true> : vector<16xi1>
        %masked_sort3A_1249, %masked_sort3A_1250, %masked_sort3A_1251 = tpu.sort %min3A_1238, %min3A_1238 masked %masked_sort3A_1248 : (vector<16xf32>, vector<16xf32>, vector<16xi1>) -> (vector<16xi1>, vector<16xf32>, vector<16xf32>)
        %masked_sort3A_1252 = arith.constant dense<true> : vector<16xi1>
        %masked_sort3A_1253, %masked_sort3A_1254, %masked_sort3A_1255 = tpu.sort %max3A_1239, %max3A_1239 masked %masked_sort3A_1252 : (vector<16xf32>, vector<16xf32>, vector<16xi1>) -> (vector<16xi1>, vector<16xf32>, vector<16xf32>)
        %min3A_1256 = arith.minimumf %masked_sort3A_872, %masked_sort3A_896 : vector<16xf32>
        %min3A_1257 = arith.minimumf %masked_sort3A_876, %masked_sort3A_900 : vector<16xf32>
        %min3A_1258 = arith.minimumf %masked_sort3A_882, %masked_sort3A_906 : vector<16xf32>
        %min3A_1259 = arith.minimumf %masked_sort3A_886, %masked_sort3A_910 : vector<16xf32>
        %max3A_1260 = arith.maximumf %masked_sort3A_872, %masked_sort3A_896 : vector<16xf32>
        %max3A_1261 = arith.maximumf %masked_sort3A_876, %masked_sort3A_900 : vector<16xf32>
        %max3A_1262 = arith.maximumf %masked_sort3A_882, %masked_sort3A_906 : vector<16xf32>
        %max3A_1263 = arith.maximumf %masked_sort3A_886, %masked_sort3A_910 : vector<16xf32>
        %max3A_1264 = arith.maximumf %max3A_1260, %max3A_1262 : vector<16xf32>
        %min3A_1265 = arith.minimumf %max3A_1260, %max3A_1262 : vector<16xf32>
        %max3A_1266 = arith.maximumf %max3A_1261, %max3A_1263 : vector<16xf32>
        %min3A_1267 = arith.minimumf %max3A_1261, %max3A_1263 : vector<16xf32>
        %max3A_1268 = arith.maximumf %max3A_1264, %max3A_1266 : vector<16xf32>
        %min3A_1269 = arith.minimumf %max3A_1264, %max3A_1266 : vector<16xf32>
        %max3A_1270 = arith.maximumf %min3A_1265, %min3A_1267 : vector<16xf32>
        %min3A_1271 = arith.minimumf %min3A_1265, %min3A_1267 : vector<16xf32>
        %masked_sort3A_1272 = arith.constant dense<true> : vector<16xi1>
        %masked_sort3A_1273, %masked_sort3A_1274, %masked_sort3A_1275 = tpu.sort %max3A_1268, %max3A_1268 masked %masked_sort3A_1272 {descending = true} : (vector<16xf32>, vector<16xf32>, vector<16xi1>) -> (vector<16xi1>, vector<16xf32>, vector<16xf32>)
        %masked_sort3A_1276 = arith.constant dense<true> : vector<16xi1>
        %masked_sort3A_1277, %masked_sort3A_1278, %masked_sort3A_1279 = tpu.sort %min3A_1269, %min3A_1269 masked %masked_sort3A_1276 {descending = true} : (vector<16xf32>, vector<16xf32>, vector<16xi1>) -> (vector<16xi1>, vector<16xf32>, vector<16xf32>)
        %masked_sort3A_1280 = arith.constant dense<true> : vector<16xi1>
        %masked_sort3A_1281, %masked_sort3A_1282, %masked_sort3A_1283 = tpu.sort %max3A_1270, %max3A_1270 masked %masked_sort3A_1280 {descending = true} : (vector<16xf32>, vector<16xf32>, vector<16xi1>) -> (vector<16xi1>, vector<16xf32>, vector<16xf32>)
        %masked_sort3A_1284 = arith.constant dense<true> : vector<16xi1>
        %masked_sort3A_1285, %masked_sort3A_1286, %masked_sort3A_1287 = tpu.sort %min3A_1271, %min3A_1271 masked %masked_sort3A_1284 {descending = true} : (vector<16xf32>, vector<16xf32>, vector<16xi1>) -> (vector<16xi1>, vector<16xf32>, vector<16xf32>)
        %max3A_1288 = arith.maximumf %min3A_1256, %min3A_1258 : vector<16xf32>
        %min3A_1289 = arith.minimumf %min3A_1256, %min3A_1258 : vector<16xf32>
        %max3A_1290 = arith.maximumf %min3A_1257, %min3A_1259 : vector<16xf32>
        %min3A_1291 = arith.minimumf %min3A_1257, %min3A_1259 : vector<16xf32>
        %max3A_1292 = arith.maximumf %max3A_1288, %max3A_1290 : vector<16xf32>
        %min3A_1293 = arith.minimumf %max3A_1288, %max3A_1290 : vector<16xf32>
        %max3A_1294 = arith.maximumf %min3A_1289, %min3A_1291 : vector<16xf32>
        %min3A_1295 = arith.minimumf %min3A_1289, %min3A_1291 : vector<16xf32>
        %masked_sort3A_1296 = arith.constant dense<true> : vector<16xi1>
        %masked_sort3A_1297, %masked_sort3A_1298, %masked_sort3A_1299 = tpu.sort %max3A_1292, %max3A_1292 masked %masked_sort3A_1296 {descending = true} : (vector<16xf32>, vector<16xf32>, vector<16xi1>) -> (vector<16xi1>, vector<16xf32>, vector<16xf32>)
        %masked_sort3A_1300 = arith.constant dense<true> : vector<16xi1>
        %masked_sort3A_1301, %masked_sort3A_1302, %masked_sort3A_1303 = tpu.sort %min3A_1293, %min3A_1293 masked %masked_sort3A_1300 {descending = true} : (vector<16xf32>, vector<16xf32>, vector<16xi1>) -> (vector<16xi1>, vector<16xf32>, vector<16xf32>)
        %masked_sort3A_1304 = arith.constant dense<true> : vector<16xi1>
        %masked_sort3A_1305, %masked_sort3A_1306, %masked_sort3A_1307 = tpu.sort %max3A_1294, %max3A_1294 masked %masked_sort3A_1304 {descending = true} : (vector<16xf32>, vector<16xf32>, vector<16xi1>) -> (vector<16xi1>, vector<16xf32>, vector<16xf32>)
        %masked_sort3A_1308 = arith.constant dense<true> : vector<16xi1>
        %masked_sort3A_1309, %masked_sort3A_1310, %masked_sort3A_1311 = tpu.sort %min3A_1295, %min3A_1295 masked %masked_sort3A_1308 {descending = true} : (vector<16xf32>, vector<16xf32>, vector<16xi1>) -> (vector<16xi1>, vector<16xf32>, vector<16xf32>)
        %min3A_1312 = arith.minimumf %masked_sort3A_920, %masked_sort3A_944 : vector<16xf32>
        %min3A_1313 = arith.minimumf %masked_sort3A_924, %masked_sort3A_948 : vector<16xf32>
        %min3A_1314 = arith.minimumf %masked_sort3A_930, %masked_sort3A_954 : vector<16xf32>
        %min3A_1315 = arith.minimumf %masked_sort3A_934, %masked_sort3A_958 : vector<16xf32>
        %max3A_1316 = arith.maximumf %masked_sort3A_920, %masked_sort3A_944 : vector<16xf32>
        %max3A_1317 = arith.maximumf %masked_sort3A_924, %masked_sort3A_948 : vector<16xf32>
        %max3A_1318 = arith.maximumf %masked_sort3A_930, %masked_sort3A_954 : vector<16xf32>
        %max3A_1319 = arith.maximumf %masked_sort3A_934, %masked_sort3A_958 : vector<16xf32>
        %min3A_1320 = arith.minimumf %min3A_1312, %min3A_1314 : vector<16xf32>
        %max3A_1321 = arith.maximumf %min3A_1312, %min3A_1314 : vector<16xf32>
        %min3A_1322 = arith.minimumf %min3A_1313, %min3A_1315 : vector<16xf32>
        %max3A_1323 = arith.maximumf %min3A_1313, %min3A_1315 : vector<16xf32>
        %min3A_1324 = arith.minimumf %min3A_1320, %min3A_1322 : vector<16xf32>
        %max3A_1325 = arith.maximumf %min3A_1320, %min3A_1322 : vector<16xf32>
        %min3A_1326 = arith.minimumf %max3A_1321, %max3A_1323 : vector<16xf32>
        %max3A_1327 = arith.maximumf %max3A_1321, %max3A_1323 : vector<16xf32>
        %masked_sort3A_1328 = arith.constant dense<true> : vector<16xi1>
        %masked_sort3A_1329, %masked_sort3A_1330, %masked_sort3A_1331 = tpu.sort %min3A_1324, %min3A_1324 masked %masked_sort3A_1328 : (vector<16xf32>, vector<16xf32>, vector<16xi1>) -> (vector<16xi1>, vector<16xf32>, vector<16xf32>)
        %masked_sort3A_1332 = arith.constant dense<true> : vector<16xi1>
        %masked_sort3A_1333, %masked_sort3A_1334, %masked_sort3A_1335 = tpu.sort %max3A_1325, %max3A_1325 masked %masked_sort3A_1332 : (vector<16xf32>, vector<16xf32>, vector<16xi1>) -> (vector<16xi1>, vector<16xf32>, vector<16xf32>)
        %masked_sort3A_1336 = arith.constant dense<true> : vector<16xi1>
        %masked_sort3A_1337, %masked_sort3A_1338, %masked_sort3A_1339 = tpu.sort %min3A_1326, %min3A_1326 masked %masked_sort3A_1336 : (vector<16xf32>, vector<16xf32>, vector<16xi1>) -> (vector<16xi1>, vector<16xf32>, vector<16xf32>)
        %masked_sort3A_1340 = arith.constant dense<true> : vector<16xi1>
        %masked_sort3A_1341, %masked_sort3A_1342, %masked_sort3A_1343 = tpu.sort %max3A_1327, %max3A_1327 masked %masked_sort3A_1340 : (vector<16xf32>, vector<16xf32>, vector<16xi1>) -> (vector<16xi1>, vector<16xf32>, vector<16xf32>)
        %min3A_1344 = arith.minimumf %max3A_1316, %max3A_1318 : vector<16xf32>
        %max3A_1345 = arith.maximumf %max3A_1316, %max3A_1318 : vector<16xf32>
        %min3A_1346 = arith.minimumf %max3A_1317, %max3A_1319 : vector<16xf32>
        %max3A_1347 = arith.maximumf %max3A_1317, %max3A_1319 : vector<16xf32>
        %min3A_1348 = arith.minimumf %min3A_1344, %min3A_1346 : vector<16xf32>
        %max3A_1349 = arith.maximumf %min3A_1344, %min3A_1346 : vector<16xf32>
        %min3A_1350 = arith.minimumf %max3A_1345, %max3A_1347 : vector<16xf32>
        %max3A_1351 = arith.maximumf %max3A_1345, %max3A_1347 : vector<16xf32>
        %masked_sort3A_1352 = arith.constant dense<true> : vector<16xi1>
        %masked_sort3A_1353, %masked_sort3A_1354, %masked_sort3A_1355 = tpu.sort %min3A_1348, %min3A_1348 masked %masked_sort3A_1352 : (vector<16xf32>, vector<16xf32>, vector<16xi1>) -> (vector<16xi1>, vector<16xf32>, vector<16xf32>)
        %masked_sort3A_1356 = arith.constant dense<true> : vector<16xi1>
        %masked_sort3A_1357, %masked_sort3A_1358, %masked_sort3A_1359 = tpu.sort %max3A_1349, %max3A_1349 masked %masked_sort3A_1356 : (vector<16xf32>, vector<16xf32>, vector<16xi1>) -> (vector<16xi1>, vector<16xf32>, vector<16xf32>)
        %masked_sort3A_1360 = arith.constant dense<true> : vector<16xi1>
        %masked_sort3A_1361, %masked_sort3A_1362, %masked_sort3A_1363 = tpu.sort %min3A_1350, %min3A_1350 masked %masked_sort3A_1360 : (vector<16xf32>, vector<16xf32>, vector<16xi1>) -> (vector<16xi1>, vector<16xf32>, vector<16xf32>)
        %masked_sort3A_1364 = arith.constant dense<true> : vector<16xi1>
        %masked_sort3A_1365, %masked_sort3A_1366, %masked_sort3A_1367 = tpu.sort %max3A_1351, %max3A_1351 masked %masked_sort3A_1364 : (vector<16xf32>, vector<16xf32>, vector<16xi1>) -> (vector<16xi1>, vector<16xf32>, vector<16xf32>)
        %min3A_1368 = arith.minimumf %masked_sort3A_968, %masked_sort3A_992 : vector<16xf32>
        %min3A_1369 = arith.minimumf %masked_sort3A_972, %masked_sort3A_996 : vector<16xf32>
        %min3A_1370 = arith.minimumf %masked_sort3A_978, %masked_sort3A_1002 : vector<16xf32>
        %min3A_1371 = arith.minimumf %masked_sort3A_982, %masked_sort3A_1006 : vector<16xf32>
        %max3A_1372 = arith.maximumf %masked_sort3A_968, %masked_sort3A_992 : vector<16xf32>
        %max3A_1373 = arith.maximumf %masked_sort3A_972, %masked_sort3A_996 : vector<16xf32>
        %max3A_1374 = arith.maximumf %masked_sort3A_978, %masked_sort3A_1002 : vector<16xf32>
        %max3A_1375 = arith.maximumf %masked_sort3A_982, %masked_sort3A_1006 : vector<16xf32>
        %max3A_1376 = arith.maximumf %max3A_1372, %max3A_1374 : vector<16xf32>
        %min3A_1377 = arith.minimumf %max3A_1372, %max3A_1374 : vector<16xf32>
        %max3A_1378 = arith.maximumf %max3A_1373, %max3A_1375 : vector<16xf32>
        %min3A_1379 = arith.minimumf %max3A_1373, %max3A_1375 : vector<16xf32>
        %max3A_1380 = arith.maximumf %max3A_1376, %max3A_1378 : vector<16xf32>
        %min3A_1381 = arith.minimumf %max3A_1376, %max3A_1378 : vector<16xf32>
        %max3A_1382 = arith.maximumf %min3A_1377, %min3A_1379 : vector<16xf32>
        %min3A_1383 = arith.minimumf %min3A_1377, %min3A_1379 : vector<16xf32>
        %masked_sort3A_1384 = arith.constant dense<true> : vector<16xi1>
        %masked_sort3A_1385, %masked_sort3A_1386, %masked_sort3A_1387 = tpu.sort %max3A_1380, %max3A_1380 masked %masked_sort3A_1384 {descending = true} : (vector<16xf32>, vector<16xf32>, vector<16xi1>) -> (vector<16xi1>, vector<16xf32>, vector<16xf32>)
        %masked_sort3A_1388 = arith.constant dense<true> : vector<16xi1>
        %masked_sort3A_1389, %masked_sort3A_1390, %masked_sort3A_1391 = tpu.sort %min3A_1381, %min3A_1381 masked %masked_sort3A_1388 {descending = true} : (vector<16xf32>, vector<16xf32>, vector<16xi1>) -> (vector<16xi1>, vector<16xf32>, vector<16xf32>)
        %masked_sort3A_1392 = arith.constant dense<true> : vector<16xi1>
        %masked_sort3A_1393, %masked_sort3A_1394, %masked_sort3A_1395 = tpu.sort %max3A_1382, %max3A_1382 masked %masked_sort3A_1392 {descending = true} : (vector<16xf32>, vector<16xf32>, vector<16xi1>) -> (vector<16xi1>, vector<16xf32>, vector<16xf32>)
        %masked_sort3A_1396 = arith.constant dense<true> : vector<16xi1>
        %masked_sort3A_1397, %masked_sort3A_1398, %masked_sort3A_1399 = tpu.sort %min3A_1383, %min3A_1383 masked %masked_sort3A_1396 {descending = true} : (vector<16xf32>, vector<16xf32>, vector<16xi1>) -> (vector<16xi1>, vector<16xf32>, vector<16xf32>)
        %max3A_1400 = arith.maximumf %min3A_1368, %min3A_1370 : vector<16xf32>
        %min3A_1401 = arith.minimumf %min3A_1368, %min3A_1370 : vector<16xf32>
        %max3A_1402 = arith.maximumf %min3A_1369, %min3A_1371 : vector<16xf32>
        %min3A_1403 = arith.minimumf %min3A_1369, %min3A_1371 : vector<16xf32>
        %max3A_1404 = arith.maximumf %max3A_1400, %max3A_1402 : vector<16xf32>
        %min3A_1405 = arith.minimumf %max3A_1400, %max3A_1402 : vector<16xf32>
        %max3A_1406 = arith.maximumf %min3A_1401, %min3A_1403 : vector<16xf32>
        %min3A_1407 = arith.minimumf %min3A_1401, %min3A_1403 : vector<16xf32>
        %masked_sort3A_1408 = arith.constant dense<true> : vector<16xi1>
        %masked_sort3A_1409, %masked_sort3A_1410, %masked_sort3A_1411 = tpu.sort %max3A_1404, %max3A_1404 masked %masked_sort3A_1408 {descending = true} : (vector<16xf32>, vector<16xf32>, vector<16xi1>) -> (vector<16xi1>, vector<16xf32>, vector<16xf32>)
        %masked_sort3A_1412 = arith.constant dense<true> : vector<16xi1>
        %masked_sort3A_1413, %masked_sort3A_1414, %masked_sort3A_1415 = tpu.sort %min3A_1405, %min3A_1405 masked %masked_sort3A_1412 {descending = true} : (vector<16xf32>, vector<16xf32>, vector<16xi1>) -> (vector<16xi1>, vector<16xf32>, vector<16xf32>)
        %masked_sort3A_1416 = arith.constant dense<true> : vector<16xi1>
        %masked_sort3A_1417, %masked_sort3A_1418, %masked_sort3A_1419 = tpu.sort %max3A_1406, %max3A_1406 masked %masked_sort3A_1416 {descending = true} : (vector<16xf32>, vector<16xf32>, vector<16xi1>) -> (vector<16xi1>, vector<16xf32>, vector<16xf32>)
        %masked_sort3A_1420 = arith.constant dense<true> : vector<16xi1>
        %masked_sort3A_1421, %masked_sort3A_1422, %masked_sort3A_1423 = tpu.sort %min3A_1407, %min3A_1407 masked %masked_sort3A_1420 {descending = true} : (vector<16xf32>, vector<16xf32>, vector<16xi1>) -> (vector<16xi1>, vector<16xf32>, vector<16xf32>)
        %min3A_1424 = arith.minimumf %masked_sort3A_1016, %masked_sort3A_1040 : vector<16xf32>
        %min3A_1425 = arith.minimumf %masked_sort3A_1020, %masked_sort3A_1044 : vector<16xf32>
        %min3A_1426 = arith.minimumf %masked_sort3A_1026, %masked_sort3A_1050 : vector<16xf32>
        %min3A_1427 = arith.minimumf %masked_sort3A_1030, %masked_sort3A_1054 : vector<16xf32>
        %max3A_1428 = arith.maximumf %masked_sort3A_1016, %masked_sort3A_1040 : vector<16xf32>
        %max3A_1429 = arith.maximumf %masked_sort3A_1020, %masked_sort3A_1044 : vector<16xf32>
        %max3A_1430 = arith.maximumf %masked_sort3A_1026, %masked_sort3A_1050 : vector<16xf32>
        %max3A_1431 = arith.maximumf %masked_sort3A_1030, %masked_sort3A_1054 : vector<16xf32>
        %min3A_1432 = arith.minimumf %min3A_1424, %min3A_1426 : vector<16xf32>
        %max3A_1433 = arith.maximumf %min3A_1424, %min3A_1426 : vector<16xf32>
        %min3A_1434 = arith.minimumf %min3A_1425, %min3A_1427 : vector<16xf32>
        %max3A_1435 = arith.maximumf %min3A_1425, %min3A_1427 : vector<16xf32>
        %min3A_1436 = arith.minimumf %min3A_1432, %min3A_1434 : vector<16xf32>
        %max3A_1437 = arith.maximumf %min3A_1432, %min3A_1434 : vector<16xf32>
        %min3A_1438 = arith.minimumf %max3A_1433, %max3A_1435 : vector<16xf32>
        %max3A_1439 = arith.maximumf %max3A_1433, %max3A_1435 : vector<16xf32>
        %masked_sort3A_1440 = arith.constant dense<true> : vector<16xi1>
        %masked_sort3A_1441, %masked_sort3A_1442, %masked_sort3A_1443 = tpu.sort %min3A_1436, %min3A_1436 masked %masked_sort3A_1440 : (vector<16xf32>, vector<16xf32>, vector<16xi1>) -> (vector<16xi1>, vector<16xf32>, vector<16xf32>)
        %masked_sort3A_1444 = arith.constant dense<true> : vector<16xi1>
        %masked_sort3A_1445, %masked_sort3A_1446, %masked_sort3A_1447 = tpu.sort %max3A_1437, %max3A_1437 masked %masked_sort3A_1444 : (vector<16xf32>, vector<16xf32>, vector<16xi1>) -> (vector<16xi1>, vector<16xf32>, vector<16xf32>)
        %masked_sort3A_1448 = arith.constant dense<true> : vector<16xi1>
        %masked_sort3A_1449, %masked_sort3A_1450, %masked_sort3A_1451 = tpu.sort %min3A_1438, %min3A_1438 masked %masked_sort3A_1448 : (vector<16xf32>, vector<16xf32>, vector<16xi1>) -> (vector<16xi1>, vector<16xf32>, vector<16xf32>)
        %masked_sort3A_1452 = arith.constant dense<true> : vector<16xi1>
        %masked_sort3A_1453, %masked_sort3A_1454, %masked_sort3A_1455 = tpu.sort %max3A_1439, %max3A_1439 masked %masked_sort3A_1452 : (vector<16xf32>, vector<16xf32>, vector<16xi1>) -> (vector<16xi1>, vector<16xf32>, vector<16xf32>)
        %min3A_1456 = arith.minimumf %max3A_1428, %max3A_1430 : vector<16xf32>
        %max3A_1457 = arith.maximumf %max3A_1428, %max3A_1430 : vector<16xf32>
        %min3A_1458 = arith.minimumf %max3A_1429, %max3A_1431 : vector<16xf32>
        %max3A_1459 = arith.maximumf %max3A_1429, %max3A_1431 : vector<16xf32>
        %min3A_1460 = arith.minimumf %min3A_1456, %min3A_1458 : vector<16xf32>
        %max3A_1461 = arith.maximumf %min3A_1456, %min3A_1458 : vector<16xf32>
        %min3A_1462 = arith.minimumf %max3A_1457, %max3A_1459 : vector<16xf32>
        %max3A_1463 = arith.maximumf %max3A_1457, %max3A_1459 : vector<16xf32>
        %masked_sort3A_1464 = arith.constant dense<true> : vector<16xi1>
        %masked_sort3A_1465, %masked_sort3A_1466, %masked_sort3A_1467 = tpu.sort %min3A_1460, %min3A_1460 masked %masked_sort3A_1464 : (vector<16xf32>, vector<16xf32>, vector<16xi1>) -> (vector<16xi1>, vector<16xf32>, vector<16xf32>)
        %masked_sort3A_1468 = arith.constant dense<true> : vector<16xi1>
        %masked_sort3A_1469, %masked_sort3A_1470, %masked_sort3A_1471 = tpu.sort %max3A_1461, %max3A_1461 masked %masked_sort3A_1468 : (vector<16xf32>, vector<16xf32>, vector<16xi1>) -> (vector<16xi1>, vector<16xf32>, vector<16xf32>)
        %masked_sort3A_1472 = arith.constant dense<true> : vector<16xi1>
        %masked_sort3A_1473, %masked_sort3A_1474, %masked_sort3A_1475 = tpu.sort %min3A_1462, %min3A_1462 masked %masked_sort3A_1472 : (vector<16xf32>, vector<16xf32>, vector<16xi1>) -> (vector<16xi1>, vector<16xf32>, vector<16xf32>)
        %masked_sort3A_1476 = arith.constant dense<true> : vector<16xi1>
        %masked_sort3A_1477, %masked_sort3A_1478, %masked_sort3A_1479 = tpu.sort %max3A_1463, %max3A_1463 masked %masked_sort3A_1476 : (vector<16xf32>, vector<16xf32>, vector<16xi1>) -> (vector<16xi1>, vector<16xf32>, vector<16xf32>)
        %min3A_1480 = arith.minimumf %masked_sort3A_1064, %masked_sort3A_1088 : vector<16xf32>
        %min3A_1481 = arith.minimumf %masked_sort3A_1068, %masked_sort3A_1092 : vector<16xf32>
        %min3A_1482 = arith.minimumf %masked_sort3A_1074, %masked_sort3A_1098 : vector<16xf32>
        %min3A_1483 = arith.minimumf %masked_sort3A_1078, %masked_sort3A_1102 : vector<16xf32>
        %max3A_1484 = arith.maximumf %masked_sort3A_1064, %masked_sort3A_1088 : vector<16xf32>
        %max3A_1485 = arith.maximumf %masked_sort3A_1068, %masked_sort3A_1092 : vector<16xf32>
        %max3A_1486 = arith.maximumf %masked_sort3A_1074, %masked_sort3A_1098 : vector<16xf32>
        %max3A_1487 = arith.maximumf %masked_sort3A_1078, %masked_sort3A_1102 : vector<16xf32>
        %max3A_1488 = arith.maximumf %max3A_1484, %max3A_1486 : vector<16xf32>
        %min3A_1489 = arith.minimumf %max3A_1484, %max3A_1486 : vector<16xf32>
        %max3A_1490 = arith.maximumf %max3A_1485, %max3A_1487 : vector<16xf32>
        %min3A_1491 = arith.minimumf %max3A_1485, %max3A_1487 : vector<16xf32>
        %max3A_1492 = arith.maximumf %max3A_1488, %max3A_1490 : vector<16xf32>
        %min3A_1493 = arith.minimumf %max3A_1488, %max3A_1490 : vector<16xf32>
        %max3A_1494 = arith.maximumf %min3A_1489, %min3A_1491 : vector<16xf32>
        %min3A_1495 = arith.minimumf %min3A_1489, %min3A_1491 : vector<16xf32>
        %masked_sort3A_1496 = arith.constant dense<true> : vector<16xi1>
        %masked_sort3A_1497, %masked_sort3A_1498, %masked_sort3A_1499 = tpu.sort %max3A_1492, %max3A_1492 masked %masked_sort3A_1496 {descending = true} : (vector<16xf32>, vector<16xf32>, vector<16xi1>) -> (vector<16xi1>, vector<16xf32>, vector<16xf32>)
        %masked_sort3A_1500 = arith.constant dense<true> : vector<16xi1>
        %masked_sort3A_1501, %masked_sort3A_1502, %masked_sort3A_1503 = tpu.sort %min3A_1493, %min3A_1493 masked %masked_sort3A_1500 {descending = true} : (vector<16xf32>, vector<16xf32>, vector<16xi1>) -> (vector<16xi1>, vector<16xf32>, vector<16xf32>)
        %masked_sort3A_1504 = arith.constant dense<true> : vector<16xi1>
        %masked_sort3A_1505, %masked_sort3A_1506, %masked_sort3A_1507 = tpu.sort %max3A_1494, %max3A_1494 masked %masked_sort3A_1504 {descending = true} : (vector<16xf32>, vector<16xf32>, vector<16xi1>) -> (vector<16xi1>, vector<16xf32>, vector<16xf32>)
        %masked_sort3A_1508 = arith.constant dense<true> : vector<16xi1>
        %masked_sort3A_1509, %masked_sort3A_1510, %masked_sort3A_1511 = tpu.sort %min3A_1495, %min3A_1495 masked %masked_sort3A_1508 {descending = true} : (vector<16xf32>, vector<16xf32>, vector<16xi1>) -> (vector<16xi1>, vector<16xf32>, vector<16xf32>)
        %max3A_1512 = arith.maximumf %min3A_1480, %min3A_1482 : vector<16xf32>
        %min3A_1513 = arith.minimumf %min3A_1480, %min3A_1482 : vector<16xf32>
        %max3A_1514 = arith.maximumf %min3A_1481, %min3A_1483 : vector<16xf32>
        %min3A_1515 = arith.minimumf %min3A_1481, %min3A_1483 : vector<16xf32>
        %max3A_1516 = arith.maximumf %max3A_1512, %max3A_1514 : vector<16xf32>
        %min3A_1517 = arith.minimumf %max3A_1512, %max3A_1514 : vector<16xf32>
        %max3A_1518 = arith.maximumf %min3A_1513, %min3A_1515 : vector<16xf32>
        %min3A_1519 = arith.minimumf %min3A_1513, %min3A_1515 : vector<16xf32>
        %masked_sort3A_1520 = arith.constant dense<true> : vector<16xi1>
        %masked_sort3A_1521, %masked_sort3A_1522, %masked_sort3A_1523 = tpu.sort %max3A_1516, %max3A_1516 masked %masked_sort3A_1520 {descending = true} : (vector<16xf32>, vector<16xf32>, vector<16xi1>) -> (vector<16xi1>, vector<16xf32>, vector<16xf32>)
        %masked_sort3A_1524 = arith.constant dense<true> : vector<16xi1>
        %masked_sort3A_1525, %masked_sort3A_1526, %masked_sort3A_1527 = tpu.sort %min3A_1517, %min3A_1517 masked %masked_sort3A_1524 {descending = true} : (vector<16xf32>, vector<16xf32>, vector<16xi1>) -> (vector<16xi1>, vector<16xf32>, vector<16xf32>)
        %masked_sort3A_1528 = arith.constant dense<true> : vector<16xi1>
        %masked_sort3A_1529, %masked_sort3A_1530, %masked_sort3A_1531 = tpu.sort %max3A_1518, %max3A_1518 masked %masked_sort3A_1528 {descending = true} : (vector<16xf32>, vector<16xf32>, vector<16xi1>) -> (vector<16xi1>, vector<16xf32>, vector<16xf32>)
        %masked_sort3A_1532 = arith.constant dense<true> : vector<16xi1>
        %masked_sort3A_1533, %masked_sort3A_1534, %masked_sort3A_1535 = tpu.sort %min3A_1519, %min3A_1519 masked %masked_sort3A_1532 {descending = true} : (vector<16xf32>, vector<16xf32>, vector<16xi1>) -> (vector<16xi1>, vector<16xf32>, vector<16xf32>)
        %min3A_1536 = arith.minimumf %masked_sort3A_1112, %masked_sort3A_1136 : vector<16xf32>
        %min3A_1537 = arith.minimumf %masked_sort3A_1116, %masked_sort3A_1140 : vector<16xf32>
        %min3A_1538 = arith.minimumf %masked_sort3A_1122, %masked_sort3A_1146 : vector<16xf32>
        %min3A_1539 = arith.minimumf %masked_sort3A_1126, %masked_sort3A_1150 : vector<16xf32>
        %max3A_1540 = arith.maximumf %masked_sort3A_1112, %masked_sort3A_1136 : vector<16xf32>
        %max3A_1541 = arith.maximumf %masked_sort3A_1116, %masked_sort3A_1140 : vector<16xf32>
        %max3A_1542 = arith.maximumf %masked_sort3A_1122, %masked_sort3A_1146 : vector<16xf32>
        %max3A_1543 = arith.maximumf %masked_sort3A_1126, %masked_sort3A_1150 : vector<16xf32>
        %min3A_1544 = arith.minimumf %min3A_1536, %min3A_1538 : vector<16xf32>
        %max3A_1545 = arith.maximumf %min3A_1536, %min3A_1538 : vector<16xf32>
        %min3A_1546 = arith.minimumf %min3A_1537, %min3A_1539 : vector<16xf32>
        %max3A_1547 = arith.maximumf %min3A_1537, %min3A_1539 : vector<16xf32>
        %min3A_1548 = arith.minimumf %min3A_1544, %min3A_1546 : vector<16xf32>
        %max3A_1549 = arith.maximumf %min3A_1544, %min3A_1546 : vector<16xf32>
        %min3A_1550 = arith.minimumf %max3A_1545, %max3A_1547 : vector<16xf32>
        %max3A_1551 = arith.maximumf %max3A_1545, %max3A_1547 : vector<16xf32>
        %masked_sort3A_1552 = arith.constant dense<true> : vector<16xi1>
        %masked_sort3A_1553, %masked_sort3A_1554, %masked_sort3A_1555 = tpu.sort %min3A_1548, %min3A_1548 masked %masked_sort3A_1552 : (vector<16xf32>, vector<16xf32>, vector<16xi1>) -> (vector<16xi1>, vector<16xf32>, vector<16xf32>)
        %masked_sort3A_1556 = arith.constant dense<true> : vector<16xi1>
        %masked_sort3A_1557, %masked_sort3A_1558, %masked_sort3A_1559 = tpu.sort %max3A_1549, %max3A_1549 masked %masked_sort3A_1556 : (vector<16xf32>, vector<16xf32>, vector<16xi1>) -> (vector<16xi1>, vector<16xf32>, vector<16xf32>)
        %masked_sort3A_1560 = arith.constant dense<true> : vector<16xi1>
        %masked_sort3A_1561, %masked_sort3A_1562, %masked_sort3A_1563 = tpu.sort %min3A_1550, %min3A_1550 masked %masked_sort3A_1560 : (vector<16xf32>, vector<16xf32>, vector<16xi1>) -> (vector<16xi1>, vector<16xf32>, vector<16xf32>)
        %masked_sort3A_1564 = arith.constant dense<true> : vector<16xi1>
        %masked_sort3A_1565, %masked_sort3A_1566, %masked_sort3A_1567 = tpu.sort %max3A_1551, %max3A_1551 masked %masked_sort3A_1564 : (vector<16xf32>, vector<16xf32>, vector<16xi1>) -> (vector<16xi1>, vector<16xf32>, vector<16xf32>)
        %min3A_1568 = arith.minimumf %max3A_1540, %max3A_1542 : vector<16xf32>
        %max3A_1569 = arith.maximumf %max3A_1540, %max3A_1542 : vector<16xf32>
        %min3A_1570 = arith.minimumf %max3A_1541, %max3A_1543 : vector<16xf32>
        %max3A_1571 = arith.maximumf %max3A_1541, %max3A_1543 : vector<16xf32>
        %min3A_1572 = arith.minimumf %min3A_1568, %min3A_1570 : vector<16xf32>
        %max3A_1573 = arith.maximumf %min3A_1568, %min3A_1570 : vector<16xf32>
        %min3A_1574 = arith.minimumf %max3A_1569, %max3A_1571 : vector<16xf32>
        %max3A_1575 = arith.maximumf %max3A_1569, %max3A_1571 : vector<16xf32>
        %masked_sort3A_1576 = arith.constant dense<true> : vector<16xi1>
        %masked_sort3A_1577, %masked_sort3A_1578, %masked_sort3A_1579 = tpu.sort %min3A_1572, %min3A_1572 masked %masked_sort3A_1576 : (vector<16xf32>, vector<16xf32>, vector<16xi1>) -> (vector<16xi1>, vector<16xf32>, vector<16xf32>)
        %masked_sort3A_1580 = arith.constant dense<true> : vector<16xi1>
        %masked_sort3A_1581, %masked_sort3A_1582, %masked_sort3A_1583 = tpu.sort %max3A_1573, %max3A_1573 masked %masked_sort3A_1580 : (vector<16xf32>, vector<16xf32>, vector<16xi1>) -> (vector<16xi1>, vector<16xf32>, vector<16xf32>)
        %masked_sort3A_1584 = arith.constant dense<true> : vector<16xi1>
        %masked_sort3A_1585, %masked_sort3A_1586, %masked_sort3A_1587 = tpu.sort %min3A_1574, %min3A_1574 masked %masked_sort3A_1584 : (vector<16xf32>, vector<16xf32>, vector<16xi1>) -> (vector<16xi1>, vector<16xf32>, vector<16xf32>)
        %masked_sort3A_1588 = arith.constant dense<true> : vector<16xi1>
        %masked_sort3A_1589, %masked_sort3A_1590, %masked_sort3A_1591 = tpu.sort %max3A_1575, %max3A_1575 masked %masked_sort3A_1588 : (vector<16xf32>, vector<16xf32>, vector<16xi1>) -> (vector<16xi1>, vector<16xf32>, vector<16xf32>)
        %min3A_1592 = arith.minimumf %masked_sort3A_1160, %masked_sort3A_1184 : vector<16xf32>
        %min3A_1593 = arith.minimumf %masked_sort3A_1164, %masked_sort3A_1188 : vector<16xf32>
        %min3A_1594 = arith.minimumf %masked_sort3A_1170, %masked_sort3A_1194 : vector<16xf32>
        %min3A_1595 = arith.minimumf %masked_sort3A_1174, %masked_sort3A_1198 : vector<16xf32>
        %max3A_1596 = arith.maximumf %masked_sort3A_1160, %masked_sort3A_1184 : vector<16xf32>
        %max3A_1597 = arith.maximumf %masked_sort3A_1164, %masked_sort3A_1188 : vector<16xf32>
        %max3A_1598 = arith.maximumf %masked_sort3A_1170, %masked_sort3A_1194 : vector<16xf32>
        %max3A_1599 = arith.maximumf %masked_sort3A_1174, %masked_sort3A_1198 : vector<16xf32>
        %max3A_1600 = arith.maximumf %max3A_1596, %max3A_1598 : vector<16xf32>
        %min3A_1601 = arith.minimumf %max3A_1596, %max3A_1598 : vector<16xf32>
        %max3A_1602 = arith.maximumf %max3A_1597, %max3A_1599 : vector<16xf32>
        %min3A_1603 = arith.minimumf %max3A_1597, %max3A_1599 : vector<16xf32>
        %max3A_1604 = arith.maximumf %max3A_1600, %max3A_1602 : vector<16xf32>
        %min3A_1605 = arith.minimumf %max3A_1600, %max3A_1602 : vector<16xf32>
        %max3A_1606 = arith.maximumf %min3A_1601, %min3A_1603 : vector<16xf32>
        %min3A_1607 = arith.minimumf %min3A_1601, %min3A_1603 : vector<16xf32>
        %masked_sort3A_1608 = arith.constant dense<true> : vector<16xi1>
        %masked_sort3A_1609, %masked_sort3A_1610, %masked_sort3A_1611 = tpu.sort %max3A_1604, %max3A_1604 masked %masked_sort3A_1608 {descending = true} : (vector<16xf32>, vector<16xf32>, vector<16xi1>) -> (vector<16xi1>, vector<16xf32>, vector<16xf32>)
        %masked_sort3A_1612 = arith.constant dense<true> : vector<16xi1>
        %masked_sort3A_1613, %masked_sort3A_1614, %masked_sort3A_1615 = tpu.sort %min3A_1605, %min3A_1605 masked %masked_sort3A_1612 {descending = true} : (vector<16xf32>, vector<16xf32>, vector<16xi1>) -> (vector<16xi1>, vector<16xf32>, vector<16xf32>)
        %masked_sort3A_1616 = arith.constant dense<true> : vector<16xi1>
        %masked_sort3A_1617, %masked_sort3A_1618, %masked_sort3A_1619 = tpu.sort %max3A_1606, %max3A_1606 masked %masked_sort3A_1616 {descending = true} : (vector<16xf32>, vector<16xf32>, vector<16xi1>) -> (vector<16xi1>, vector<16xf32>, vector<16xf32>)
        %masked_sort3A_1620 = arith.constant dense<true> : vector<16xi1>
        %masked_sort3A_1621, %masked_sort3A_1622, %masked_sort3A_1623 = tpu.sort %min3A_1607, %min3A_1607 masked %masked_sort3A_1620 {descending = true} : (vector<16xf32>, vector<16xf32>, vector<16xi1>) -> (vector<16xi1>, vector<16xf32>, vector<16xf32>)
        %max3A_1624 = arith.maximumf %min3A_1592, %min3A_1594 : vector<16xf32>
        %min3A_1625 = arith.minimumf %min3A_1592, %min3A_1594 : vector<16xf32>
        %max3A_1626 = arith.maximumf %min3A_1593, %min3A_1595 : vector<16xf32>
        %min3A_1627 = arith.minimumf %min3A_1593, %min3A_1595 : vector<16xf32>
        %max3A_1628 = arith.maximumf %max3A_1624, %max3A_1626 : vector<16xf32>
        %min3A_1629 = arith.minimumf %max3A_1624, %max3A_1626 : vector<16xf32>
        %max3A_1630 = arith.maximumf %min3A_1625, %min3A_1627 : vector<16xf32>
        %min3A_1631 = arith.minimumf %min3A_1625, %min3A_1627 : vector<16xf32>
        %masked_sort3A_1632 = arith.constant dense<true> : vector<16xi1>
        %masked_sort3A_1633, %masked_sort3A_1634, %masked_sort3A_1635 = tpu.sort %max3A_1628, %max3A_1628 masked %masked_sort3A_1632 {descending = true} : (vector<16xf32>, vector<16xf32>, vector<16xi1>) -> (vector<16xi1>, vector<16xf32>, vector<16xf32>)
        %masked_sort3A_1636 = arith.constant dense<true> : vector<16xi1>
        %masked_sort3A_1637, %masked_sort3A_1638, %masked_sort3A_1639 = tpu.sort %min3A_1629, %min3A_1629 masked %masked_sort3A_1636 {descending = true} : (vector<16xf32>, vector<16xf32>, vector<16xi1>) -> (vector<16xi1>, vector<16xf32>, vector<16xf32>)
        %masked_sort3A_1640 = arith.constant dense<true> : vector<16xi1>
        %masked_sort3A_1641, %masked_sort3A_1642, %masked_sort3A_1643 = tpu.sort %max3A_1630, %max3A_1630 masked %masked_sort3A_1640 {descending = true} : (vector<16xf32>, vector<16xf32>, vector<16xi1>) -> (vector<16xi1>, vector<16xf32>, vector<16xf32>)
        %masked_sort3A_1644 = arith.constant dense<true> : vector<16xi1>
        %masked_sort3A_1645, %masked_sort3A_1646, %masked_sort3A_1647 = tpu.sort %min3A_1631, %min3A_1631 masked %masked_sort3A_1644 {descending = true} : (vector<16xf32>, vector<16xf32>, vector<16xi1>) -> (vector<16xi1>, vector<16xf32>, vector<16xf32>)
        %max3A_1648 = arith.maximumf %masked_sort3A_1218, %masked_sort3A_1274 : vector<16xf32>
        %max3A_1649 = arith.maximumf %masked_sort3A_1222, %masked_sort3A_1278 : vector<16xf32>
        %max3A_1650 = arith.maximumf %masked_sort3A_1226, %masked_sort3A_1282 : vector<16xf32>
        %max3A_1651 = arith.maximumf %masked_sort3A_1230, %masked_sort3A_1286 : vector<16xf32>
        %max3A_1652 = arith.maximumf %masked_sort3A_1242, %masked_sort3A_1298 : vector<16xf32>
        %max3A_1653 = arith.maximumf %masked_sort3A_1246, %masked_sort3A_1302 : vector<16xf32>
        %max3A_1654 = arith.maximumf %masked_sort3A_1250, %masked_sort3A_1306 : vector<16xf32>
        %max3A_1655 = arith.maximumf %masked_sort3A_1254, %masked_sort3A_1310 : vector<16xf32>
        %min3A_1656 = arith.minimumf %max3A_1648, %max3A_1652 : vector<16xf32>
        %max3A_1657 = arith.maximumf %max3A_1648, %max3A_1652 : vector<16xf32>
        %min3A_1658 = arith.minimumf %max3A_1649, %max3A_1653 : vector<16xf32>
        %max3A_1659 = arith.maximumf %max3A_1649, %max3A_1653 : vector<16xf32>
        %min3A_1660 = arith.minimumf %max3A_1650, %max3A_1654 : vector<16xf32>
        %max3A_1661 = arith.maximumf %max3A_1650, %max3A_1654 : vector<16xf32>
        %min3A_1662 = arith.minimumf %max3A_1651, %max3A_1655 : vector<16xf32>
        %max3A_1663 = arith.maximumf %max3A_1651, %max3A_1655 : vector<16xf32>
        %min3A_1664 = arith.minimumf %min3A_1656, %min3A_1660 : vector<16xf32>
        %max3A_1665 = arith.maximumf %min3A_1656, %min3A_1660 : vector<16xf32>
        %min3A_1666 = arith.minimumf %min3A_1658, %min3A_1662 : vector<16xf32>
        %max3A_1667 = arith.maximumf %min3A_1658, %min3A_1662 : vector<16xf32>
        %min3A_1668 = arith.minimumf %max3A_1657, %max3A_1661 : vector<16xf32>
        %max3A_1669 = arith.maximumf %max3A_1657, %max3A_1661 : vector<16xf32>
        %min3A_1670 = arith.minimumf %max3A_1659, %max3A_1663 : vector<16xf32>
        %max3A_1671 = arith.maximumf %max3A_1659, %max3A_1663 : vector<16xf32>
        %min3A_1672 = arith.minimumf %min3A_1664, %min3A_1666 : vector<16xf32>
        %max3A_1673 = arith.maximumf %min3A_1664, %min3A_1666 : vector<16xf32>
        %min3A_1674 = arith.minimumf %max3A_1665, %max3A_1667 : vector<16xf32>
        %max3A_1675 = arith.maximumf %max3A_1665, %max3A_1667 : vector<16xf32>
        %min3A_1676 = arith.minimumf %min3A_1668, %min3A_1670 : vector<16xf32>
        %max3A_1677 = arith.maximumf %min3A_1668, %min3A_1670 : vector<16xf32>
        %min3A_1678 = arith.minimumf %max3A_1669, %max3A_1671 : vector<16xf32>
        %max3A_1679 = arith.maximumf %max3A_1669, %max3A_1671 : vector<16xf32>
        %masked_sort3A_1680 = arith.constant dense<true> : vector<16xi1>
        %masked_sort3A_1681, %masked_sort3A_1682, %masked_sort3A_1683 = tpu.sort %min3A_1672, %min3A_1672 masked %masked_sort3A_1680 : (vector<16xf32>, vector<16xf32>, vector<16xi1>) -> (vector<16xi1>, vector<16xf32>, vector<16xf32>)
        %masked_sort3A_1684 = arith.constant dense<true> : vector<16xi1>
        %masked_sort3A_1685, %masked_sort3A_1686, %masked_sort3A_1687 = tpu.sort %max3A_1673, %max3A_1673 masked %masked_sort3A_1684 : (vector<16xf32>, vector<16xf32>, vector<16xi1>) -> (vector<16xi1>, vector<16xf32>, vector<16xf32>)
        %masked_sort3A_1688 = arith.constant dense<true> : vector<16xi1>
        %masked_sort3A_1689, %masked_sort3A_1690, %masked_sort3A_1691 = tpu.sort %min3A_1674, %min3A_1674 masked %masked_sort3A_1688 : (vector<16xf32>, vector<16xf32>, vector<16xi1>) -> (vector<16xi1>, vector<16xf32>, vector<16xf32>)
        %masked_sort3A_1692 = arith.constant dense<true> : vector<16xi1>
        %masked_sort3A_1693, %masked_sort3A_1694, %masked_sort3A_1695 = tpu.sort %max3A_1675, %max3A_1675 masked %masked_sort3A_1692 : (vector<16xf32>, vector<16xf32>, vector<16xi1>) -> (vector<16xi1>, vector<16xf32>, vector<16xf32>)
        %masked_sort3A_1696 = arith.constant dense<true> : vector<16xi1>
        %masked_sort3A_1697, %masked_sort3A_1698, %masked_sort3A_1699 = tpu.sort %min3A_1676, %min3A_1676 masked %masked_sort3A_1696 : (vector<16xf32>, vector<16xf32>, vector<16xi1>) -> (vector<16xi1>, vector<16xf32>, vector<16xf32>)
        %masked_sort3A_1700 = arith.constant dense<true> : vector<16xi1>
        %masked_sort3A_1701, %masked_sort3A_1702, %masked_sort3A_1703 = tpu.sort %max3A_1677, %max3A_1677 masked %masked_sort3A_1700 : (vector<16xf32>, vector<16xf32>, vector<16xi1>) -> (vector<16xi1>, vector<16xf32>, vector<16xf32>)
        %masked_sort3A_1704 = arith.constant dense<true> : vector<16xi1>
        %masked_sort3A_1705, %masked_sort3A_1706, %masked_sort3A_1707 = tpu.sort %min3A_1678, %min3A_1678 masked %masked_sort3A_1704 : (vector<16xf32>, vector<16xf32>, vector<16xi1>) -> (vector<16xi1>, vector<16xf32>, vector<16xf32>)
        %masked_sort3A_1708 = arith.constant dense<true> : vector<16xi1>
        %masked_sort3A_1709, %masked_sort3A_1710, %masked_sort3A_1711 = tpu.sort %max3A_1679, %max3A_1679 masked %masked_sort3A_1708 : (vector<16xf32>, vector<16xf32>, vector<16xi1>) -> (vector<16xi1>, vector<16xf32>, vector<16xf32>)
        %max3A_1712 = arith.maximumf %masked_sort3A_1330, %masked_sort3A_1386 : vector<16xf32>
        %max3A_1713 = arith.maximumf %masked_sort3A_1334, %masked_sort3A_1390 : vector<16xf32>
        %max3A_1714 = arith.maximumf %masked_sort3A_1338, %masked_sort3A_1394 : vector<16xf32>
        %max3A_1715 = arith.maximumf %masked_sort3A_1342, %masked_sort3A_1398 : vector<16xf32>
        %max3A_1716 = arith.maximumf %masked_sort3A_1354, %masked_sort3A_1410 : vector<16xf32>
        %max3A_1717 = arith.maximumf %masked_sort3A_1358, %masked_sort3A_1414 : vector<16xf32>
        %max3A_1718 = arith.maximumf %masked_sort3A_1362, %masked_sort3A_1418 : vector<16xf32>
        %max3A_1719 = arith.maximumf %masked_sort3A_1366, %masked_sort3A_1422 : vector<16xf32>
        %max3A_1720 = arith.maximumf %max3A_1712, %max3A_1716 : vector<16xf32>
        %min3A_1721 = arith.minimumf %max3A_1712, %max3A_1716 : vector<16xf32>
        %max3A_1722 = arith.maximumf %max3A_1713, %max3A_1717 : vector<16xf32>
        %min3A_1723 = arith.minimumf %max3A_1713, %max3A_1717 : vector<16xf32>
        %max3A_1724 = arith.maximumf %max3A_1714, %max3A_1718 : vector<16xf32>
        %min3A_1725 = arith.minimumf %max3A_1714, %max3A_1718 : vector<16xf32>
        %max3A_1726 = arith.maximumf %max3A_1715, %max3A_1719 : vector<16xf32>
        %min3A_1727 = arith.minimumf %max3A_1715, %max3A_1719 : vector<16xf32>
        %max3A_1728 = arith.maximumf %max3A_1720, %max3A_1724 : vector<16xf32>
        %min3A_1729 = arith.minimumf %max3A_1720, %max3A_1724 : vector<16xf32>
        %max3A_1730 = arith.maximumf %max3A_1722, %max3A_1726 : vector<16xf32>
        %min3A_1731 = arith.minimumf %max3A_1722, %max3A_1726 : vector<16xf32>
        %max3A_1732 = arith.maximumf %min3A_1721, %min3A_1725 : vector<16xf32>
        %min3A_1733 = arith.minimumf %min3A_1721, %min3A_1725 : vector<16xf32>
        %max3A_1734 = arith.maximumf %min3A_1723, %min3A_1727 : vector<16xf32>
        %min3A_1735 = arith.minimumf %min3A_1723, %min3A_1727 : vector<16xf32>
        %max3A_1736 = arith.maximumf %max3A_1728, %max3A_1730 : vector<16xf32>
        %min3A_1737 = arith.minimumf %max3A_1728, %max3A_1730 : vector<16xf32>
        %max3A_1738 = arith.maximumf %min3A_1729, %min3A_1731 : vector<16xf32>
        %min3A_1739 = arith.minimumf %min3A_1729, %min3A_1731 : vector<16xf32>
        %max3A_1740 = arith.maximumf %max3A_1732, %max3A_1734 : vector<16xf32>
        %min3A_1741 = arith.minimumf %max3A_1732, %max3A_1734 : vector<16xf32>
        %max3A_1742 = arith.maximumf %min3A_1733, %min3A_1735 : vector<16xf32>
        %min3A_1743 = arith.minimumf %min3A_1733, %min3A_1735 : vector<16xf32>
        %masked_sort3A_1744 = arith.constant dense<true> : vector<16xi1>
        %masked_sort3A_1745, %masked_sort3A_1746, %masked_sort3A_1747 = tpu.sort %max3A_1736, %max3A_1736 masked %masked_sort3A_1744 {descending = true} : (vector<16xf32>, vector<16xf32>, vector<16xi1>) -> (vector<16xi1>, vector<16xf32>, vector<16xf32>)
        %masked_sort3A_1748 = arith.constant dense<true> : vector<16xi1>
        %masked_sort3A_1749, %masked_sort3A_1750, %masked_sort3A_1751 = tpu.sort %min3A_1737, %min3A_1737 masked %masked_sort3A_1748 {descending = true} : (vector<16xf32>, vector<16xf32>, vector<16xi1>) -> (vector<16xi1>, vector<16xf32>, vector<16xf32>)
        %masked_sort3A_1752 = arith.constant dense<true> : vector<16xi1>
        %masked_sort3A_1753, %masked_sort3A_1754, %masked_sort3A_1755 = tpu.sort %max3A_1738, %max3A_1738 masked %masked_sort3A_1752 {descending = true} : (vector<16xf32>, vector<16xf32>, vector<16xi1>) -> (vector<16xi1>, vector<16xf32>, vector<16xf32>)
        %masked_sort3A_1756 = arith.constant dense<true> : vector<16xi1>
        %masked_sort3A_1757, %masked_sort3A_1758, %masked_sort3A_1759 = tpu.sort %min3A_1739, %min3A_1739 masked %masked_sort3A_1756 {descending = true} : (vector<16xf32>, vector<16xf32>, vector<16xi1>) -> (vector<16xi1>, vector<16xf32>, vector<16xf32>)
        %masked_sort3A_1760 = arith.constant dense<true> : vector<16xi1>
        %masked_sort3A_1761, %masked_sort3A_1762, %masked_sort3A_1763 = tpu.sort %max3A_1740, %max3A_1740 masked %masked_sort3A_1760 {descending = true} : (vector<16xf32>, vector<16xf32>, vector<16xi1>) -> (vector<16xi1>, vector<16xf32>, vector<16xf32>)
        %masked_sort3A_1764 = arith.constant dense<true> : vector<16xi1>
        %masked_sort3A_1765, %masked_sort3A_1766, %masked_sort3A_1767 = tpu.sort %min3A_1741, %min3A_1741 masked %masked_sort3A_1764 {descending = true} : (vector<16xf32>, vector<16xf32>, vector<16xi1>) -> (vector<16xi1>, vector<16xf32>, vector<16xf32>)
        %masked_sort3A_1768 = arith.constant dense<true> : vector<16xi1>
        %masked_sort3A_1769, %masked_sort3A_1770, %masked_sort3A_1771 = tpu.sort %max3A_1742, %max3A_1742 masked %masked_sort3A_1768 {descending = true} : (vector<16xf32>, vector<16xf32>, vector<16xi1>) -> (vector<16xi1>, vector<16xf32>, vector<16xf32>)
        %masked_sort3A_1772 = arith.constant dense<true> : vector<16xi1>
        %masked_sort3A_1773, %masked_sort3A_1774, %masked_sort3A_1775 = tpu.sort %min3A_1743, %min3A_1743 masked %masked_sort3A_1772 {descending = true} : (vector<16xf32>, vector<16xf32>, vector<16xi1>) -> (vector<16xi1>, vector<16xf32>, vector<16xf32>)
        %max3A_1776 = arith.maximumf %masked_sort3A_1442, %masked_sort3A_1498 : vector<16xf32>
        %max3A_1777 = arith.maximumf %masked_sort3A_1446, %masked_sort3A_1502 : vector<16xf32>
        %max3A_1778 = arith.maximumf %masked_sort3A_1450, %masked_sort3A_1506 : vector<16xf32>
        %max3A_1779 = arith.maximumf %masked_sort3A_1454, %masked_sort3A_1510 : vector<16xf32>
        %max3A_1780 = arith.maximumf %masked_sort3A_1466, %masked_sort3A_1522 : vector<16xf32>
        %max3A_1781 = arith.maximumf %masked_sort3A_1470, %masked_sort3A_1526 : vector<16xf32>
        %max3A_1782 = arith.maximumf %masked_sort3A_1474, %masked_sort3A_1530 : vector<16xf32>
        %max3A_1783 = arith.maximumf %masked_sort3A_1478, %masked_sort3A_1534 : vector<16xf32>
        %min3A_1784 = arith.minimumf %max3A_1776, %max3A_1780 : vector<16xf32>
        %max3A_1785 = arith.maximumf %max3A_1776, %max3A_1780 : vector<16xf32>
        %min3A_1786 = arith.minimumf %max3A_1777, %max3A_1781 : vector<16xf32>
        %max3A_1787 = arith.maximumf %max3A_1777, %max3A_1781 : vector<16xf32>
        %min3A_1788 = arith.minimumf %max3A_1778, %max3A_1782 : vector<16xf32>
        %max3A_1789 = arith.maximumf %max3A_1778, %max3A_1782 : vector<16xf32>
        %min3A_1790 = arith.minimumf %max3A_1779, %max3A_1783 : vector<16xf32>
        %max3A_1791 = arith.maximumf %max3A_1779, %max3A_1783 : vector<16xf32>
        %min3A_1792 = arith.minimumf %min3A_1784, %min3A_1788 : vector<16xf32>
        %max3A_1793 = arith.maximumf %min3A_1784, %min3A_1788 : vector<16xf32>
        %min3A_1794 = arith.minimumf %min3A_1786, %min3A_1790 : vector<16xf32>
        %max3A_1795 = arith.maximumf %min3A_1786, %min3A_1790 : vector<16xf32>
        %min3A_1796 = arith.minimumf %max3A_1785, %max3A_1789 : vector<16xf32>
        %max3A_1797 = arith.maximumf %max3A_1785, %max3A_1789 : vector<16xf32>
        %min3A_1798 = arith.minimumf %max3A_1787, %max3A_1791 : vector<16xf32>
        %max3A_1799 = arith.maximumf %max3A_1787, %max3A_1791 : vector<16xf32>
        %min3A_1800 = arith.minimumf %min3A_1792, %min3A_1794 : vector<16xf32>
        %max3A_1801 = arith.maximumf %min3A_1792, %min3A_1794 : vector<16xf32>
        %min3A_1802 = arith.minimumf %max3A_1793, %max3A_1795 : vector<16xf32>
        %max3A_1803 = arith.maximumf %max3A_1793, %max3A_1795 : vector<16xf32>
        %min3A_1804 = arith.minimumf %min3A_1796, %min3A_1798 : vector<16xf32>
        %max3A_1805 = arith.maximumf %min3A_1796, %min3A_1798 : vector<16xf32>
        %min3A_1806 = arith.minimumf %max3A_1797, %max3A_1799 : vector<16xf32>
        %max3A_1807 = arith.maximumf %max3A_1797, %max3A_1799 : vector<16xf32>
        %masked_sort3A_1808 = arith.constant dense<true> : vector<16xi1>
        %masked_sort3A_1809, %masked_sort3A_1810, %masked_sort3A_1811 = tpu.sort %min3A_1800, %min3A_1800 masked %masked_sort3A_1808 : (vector<16xf32>, vector<16xf32>, vector<16xi1>) -> (vector<16xi1>, vector<16xf32>, vector<16xf32>)
        %masked_sort3A_1812 = arith.constant dense<true> : vector<16xi1>
        %masked_sort3A_1813, %masked_sort3A_1814, %masked_sort3A_1815 = tpu.sort %max3A_1801, %max3A_1801 masked %masked_sort3A_1812 : (vector<16xf32>, vector<16xf32>, vector<16xi1>) -> (vector<16xi1>, vector<16xf32>, vector<16xf32>)
        %masked_sort3A_1816 = arith.constant dense<true> : vector<16xi1>
        %masked_sort3A_1817, %masked_sort3A_1818, %masked_sort3A_1819 = tpu.sort %min3A_1802, %min3A_1802 masked %masked_sort3A_1816 : (vector<16xf32>, vector<16xf32>, vector<16xi1>) -> (vector<16xi1>, vector<16xf32>, vector<16xf32>)
        %masked_sort3A_1820 = arith.constant dense<true> : vector<16xi1>
        %masked_sort3A_1821, %masked_sort3A_1822, %masked_sort3A_1823 = tpu.sort %max3A_1803, %max3A_1803 masked %masked_sort3A_1820 : (vector<16xf32>, vector<16xf32>, vector<16xi1>) -> (vector<16xi1>, vector<16xf32>, vector<16xf32>)
        %masked_sort3A_1824 = arith.constant dense<true> : vector<16xi1>
        %masked_sort3A_1825, %masked_sort3A_1826, %masked_sort3A_1827 = tpu.sort %min3A_1804, %min3A_1804 masked %masked_sort3A_1824 : (vector<16xf32>, vector<16xf32>, vector<16xi1>) -> (vector<16xi1>, vector<16xf32>, vector<16xf32>)
        %masked_sort3A_1828 = arith.constant dense<true> : vector<16xi1>
        %masked_sort3A_1829, %masked_sort3A_1830, %masked_sort3A_1831 = tpu.sort %max3A_1805, %max3A_1805 masked %masked_sort3A_1828 : (vector<16xf32>, vector<16xf32>, vector<16xi1>) -> (vector<16xi1>, vector<16xf32>, vector<16xf32>)
        %masked_sort3A_1832 = arith.constant dense<true> : vector<16xi1>
        %masked_sort3A_1833, %masked_sort3A_1834, %masked_sort3A_1835 = tpu.sort %min3A_1806, %min3A_1806 masked %masked_sort3A_1832 : (vector<16xf32>, vector<16xf32>, vector<16xi1>) -> (vector<16xi1>, vector<16xf32>, vector<16xf32>)
        %masked_sort3A_1836 = arith.constant dense<true> : vector<16xi1>
        %masked_sort3A_1837, %masked_sort3A_1838, %masked_sort3A_1839 = tpu.sort %max3A_1807, %max3A_1807 masked %masked_sort3A_1836 : (vector<16xf32>, vector<16xf32>, vector<16xi1>) -> (vector<16xi1>, vector<16xf32>, vector<16xf32>)
        %max3A_1840 = arith.maximumf %masked_sort3A_1554, %masked_sort3A_1610 : vector<16xf32>
        %max3A_1841 = arith.maximumf %masked_sort3A_1558, %masked_sort3A_1614 : vector<16xf32>
        %max3A_1842 = arith.maximumf %masked_sort3A_1562, %masked_sort3A_1618 : vector<16xf32>
        %max3A_1843 = arith.maximumf %masked_sort3A_1566, %masked_sort3A_1622 : vector<16xf32>
        %max3A_1844 = arith.maximumf %masked_sort3A_1578, %masked_sort3A_1634 : vector<16xf32>
        %max3A_1845 = arith.maximumf %masked_sort3A_1582, %masked_sort3A_1638 : vector<16xf32>
        %max3A_1846 = arith.maximumf %masked_sort3A_1586, %masked_sort3A_1642 : vector<16xf32>
        %max3A_1847 = arith.maximumf %masked_sort3A_1590, %masked_sort3A_1646 : vector<16xf32>
        %max3A_1848 = arith.maximumf %max3A_1840, %max3A_1844 : vector<16xf32>
        %min3A_1849 = arith.minimumf %max3A_1840, %max3A_1844 : vector<16xf32>
        %max3A_1850 = arith.maximumf %max3A_1841, %max3A_1845 : vector<16xf32>
        %min3A_1851 = arith.minimumf %max3A_1841, %max3A_1845 : vector<16xf32>
        %max3A_1852 = arith.maximumf %max3A_1842, %max3A_1846 : vector<16xf32>
        %min3A_1853 = arith.minimumf %max3A_1842, %max3A_1846 : vector<16xf32>
        %max3A_1854 = arith.maximumf %max3A_1843, %max3A_1847 : vector<16xf32>
        %min3A_1855 = arith.minimumf %max3A_1843, %max3A_1847 : vector<16xf32>
        %max3A_1856 = arith.maximumf %max3A_1848, %max3A_1852 : vector<16xf32>
        %min3A_1857 = arith.minimumf %max3A_1848, %max3A_1852 : vector<16xf32>
        %max3A_1858 = arith.maximumf %max3A_1850, %max3A_1854 : vector<16xf32>
        %min3A_1859 = arith.minimumf %max3A_1850, %max3A_1854 : vector<16xf32>
        %max3A_1860 = arith.maximumf %min3A_1849, %min3A_1853 : vector<16xf32>
        %min3A_1861 = arith.minimumf %min3A_1849, %min3A_1853 : vector<16xf32>
        %max3A_1862 = arith.maximumf %min3A_1851, %min3A_1855 : vector<16xf32>
        %min3A_1863 = arith.minimumf %min3A_1851, %min3A_1855 : vector<16xf32>
        %max3A_1864 = arith.maximumf %max3A_1856, %max3A_1858 : vector<16xf32>
        %min3A_1865 = arith.minimumf %max3A_1856, %max3A_1858 : vector<16xf32>
        %max3A_1866 = arith.maximumf %min3A_1857, %min3A_1859 : vector<16xf32>
        %min3A_1867 = arith.minimumf %min3A_1857, %min3A_1859 : vector<16xf32>
        %max3A_1868 = arith.maximumf %max3A_1860, %max3A_1862 : vector<16xf32>
        %min3A_1869 = arith.minimumf %max3A_1860, %max3A_1862 : vector<16xf32>
        %max3A_1870 = arith.maximumf %min3A_1861, %min3A_1863 : vector<16xf32>
        %min3A_1871 = arith.minimumf %min3A_1861, %min3A_1863 : vector<16xf32>
        %masked_sort3A_1872 = arith.constant dense<true> : vector<16xi1>
        %masked_sort3A_1873, %masked_sort3A_1874, %masked_sort3A_1875 = tpu.sort %max3A_1864, %max3A_1864 masked %masked_sort3A_1872 {descending = true} : (vector<16xf32>, vector<16xf32>, vector<16xi1>) -> (vector<16xi1>, vector<16xf32>, vector<16xf32>)
        %masked_sort3A_1876 = arith.constant dense<true> : vector<16xi1>
        %masked_sort3A_1877, %masked_sort3A_1878, %masked_sort3A_1879 = tpu.sort %min3A_1865, %min3A_1865 masked %masked_sort3A_1876 {descending = true} : (vector<16xf32>, vector<16xf32>, vector<16xi1>) -> (vector<16xi1>, vector<16xf32>, vector<16xf32>)
        %masked_sort3A_1880 = arith.constant dense<true> : vector<16xi1>
        %masked_sort3A_1881, %masked_sort3A_1882, %masked_sort3A_1883 = tpu.sort %max3A_1866, %max3A_1866 masked %masked_sort3A_1880 {descending = true} : (vector<16xf32>, vector<16xf32>, vector<16xi1>) -> (vector<16xi1>, vector<16xf32>, vector<16xf32>)
        %masked_sort3A_1884 = arith.constant dense<true> : vector<16xi1>
        %masked_sort3A_1885, %masked_sort3A_1886, %masked_sort3A_1887 = tpu.sort %min3A_1867, %min3A_1867 masked %masked_sort3A_1884 {descending = true} : (vector<16xf32>, vector<16xf32>, vector<16xi1>) -> (vector<16xi1>, vector<16xf32>, vector<16xf32>)
        %masked_sort3A_1888 = arith.constant dense<true> : vector<16xi1>
        %masked_sort3A_1889, %masked_sort3A_1890, %masked_sort3A_1891 = tpu.sort %max3A_1868, %max3A_1868 masked %masked_sort3A_1888 {descending = true} : (vector<16xf32>, vector<16xf32>, vector<16xi1>) -> (vector<16xi1>, vector<16xf32>, vector<16xf32>)
        %masked_sort3A_1892 = arith.constant dense<true> : vector<16xi1>
        %masked_sort3A_1893, %masked_sort3A_1894, %masked_sort3A_1895 = tpu.sort %min3A_1869, %min3A_1869 masked %masked_sort3A_1892 {descending = true} : (vector<16xf32>, vector<16xf32>, vector<16xi1>) -> (vector<16xi1>, vector<16xf32>, vector<16xf32>)
        %masked_sort3A_1896 = arith.constant dense<true> : vector<16xi1>
        %masked_sort3A_1897, %masked_sort3A_1898, %masked_sort3A_1899 = tpu.sort %max3A_1870, %max3A_1870 masked %masked_sort3A_1896 {descending = true} : (vector<16xf32>, vector<16xf32>, vector<16xi1>) -> (vector<16xi1>, vector<16xf32>, vector<16xf32>)
        %masked_sort3A_1900 = arith.constant dense<true> : vector<16xi1>
        %masked_sort3A_1901, %masked_sort3A_1902, %masked_sort3A_1903 = tpu.sort %min3A_1871, %min3A_1871 masked %masked_sort3A_1900 {descending = true} : (vector<16xf32>, vector<16xf32>, vector<16xi1>) -> (vector<16xi1>, vector<16xf32>, vector<16xf32>)
        %max3A_1904 = arith.maximumf %masked_sort3A_1682, %masked_sort3A_1746 : vector<16xf32>
        %max3A_1905 = arith.maximumf %masked_sort3A_1686, %masked_sort3A_1750 : vector<16xf32>
        %max3A_1906 = arith.maximumf %masked_sort3A_1690, %masked_sort3A_1754 : vector<16xf32>
        %max3A_1907 = arith.maximumf %masked_sort3A_1694, %masked_sort3A_1758 : vector<16xf32>
        %max3A_1908 = arith.maximumf %masked_sort3A_1698, %masked_sort3A_1762 : vector<16xf32>
        %max3A_1909 = arith.maximumf %masked_sort3A_1702, %masked_sort3A_1766 : vector<16xf32>
        %max3A_1910 = arith.maximumf %masked_sort3A_1706, %masked_sort3A_1770 : vector<16xf32>
        %max3A_1911 = arith.maximumf %masked_sort3A_1710, %masked_sort3A_1774 : vector<16xf32>
        %min3A_1912 = arith.minimumf %max3A_1904, %max3A_1908 : vector<16xf32>
        %max3A_1913 = arith.maximumf %max3A_1904, %max3A_1908 : vector<16xf32>
        %min3A_1914 = arith.minimumf %max3A_1905, %max3A_1909 : vector<16xf32>
        %max3A_1915 = arith.maximumf %max3A_1905, %max3A_1909 : vector<16xf32>
        %min3A_1916 = arith.minimumf %max3A_1906, %max3A_1910 : vector<16xf32>
        %max3A_1917 = arith.maximumf %max3A_1906, %max3A_1910 : vector<16xf32>
        %min3A_1918 = arith.minimumf %max3A_1907, %max3A_1911 : vector<16xf32>
        %max3A_1919 = arith.maximumf %max3A_1907, %max3A_1911 : vector<16xf32>
        %min3A_1920 = arith.minimumf %min3A_1912, %min3A_1916 : vector<16xf32>
        %max3A_1921 = arith.maximumf %min3A_1912, %min3A_1916 : vector<16xf32>
        %min3A_1922 = arith.minimumf %min3A_1914, %min3A_1918 : vector<16xf32>
        %max3A_1923 = arith.maximumf %min3A_1914, %min3A_1918 : vector<16xf32>
        %min3A_1924 = arith.minimumf %max3A_1913, %max3A_1917 : vector<16xf32>
        %max3A_1925 = arith.maximumf %max3A_1913, %max3A_1917 : vector<16xf32>
        %min3A_1926 = arith.minimumf %max3A_1915, %max3A_1919 : vector<16xf32>
        %max3A_1927 = arith.maximumf %max3A_1915, %max3A_1919 : vector<16xf32>
        %min3A_1928 = arith.minimumf %min3A_1920, %min3A_1922 : vector<16xf32>
        %max3A_1929 = arith.maximumf %min3A_1920, %min3A_1922 : vector<16xf32>
        %min3A_1930 = arith.minimumf %max3A_1921, %max3A_1923 : vector<16xf32>
        %max3A_1931 = arith.maximumf %max3A_1921, %max3A_1923 : vector<16xf32>
        %min3A_1932 = arith.minimumf %min3A_1924, %min3A_1926 : vector<16xf32>
        %max3A_1933 = arith.maximumf %min3A_1924, %min3A_1926 : vector<16xf32>
        %min3A_1934 = arith.minimumf %max3A_1925, %max3A_1927 : vector<16xf32>
        %max3A_1935 = arith.maximumf %max3A_1925, %max3A_1927 : vector<16xf32>
        %masked_sort3A_1936 = arith.constant dense<true> : vector<16xi1>
        %masked_sort3A_1937, %masked_sort3A_1938, %masked_sort3A_1939 = tpu.sort %min3A_1928, %min3A_1928 masked %masked_sort3A_1936 : (vector<16xf32>, vector<16xf32>, vector<16xi1>) -> (vector<16xi1>, vector<16xf32>, vector<16xf32>)
        %masked_sort3A_1940 = arith.constant dense<true> : vector<16xi1>
        %masked_sort3A_1941, %masked_sort3A_1942, %masked_sort3A_1943 = tpu.sort %max3A_1929, %max3A_1929 masked %masked_sort3A_1940 : (vector<16xf32>, vector<16xf32>, vector<16xi1>) -> (vector<16xi1>, vector<16xf32>, vector<16xf32>)
        %masked_sort3A_1944 = arith.constant dense<true> : vector<16xi1>
        %masked_sort3A_1945, %masked_sort3A_1946, %masked_sort3A_1947 = tpu.sort %min3A_1930, %min3A_1930 masked %masked_sort3A_1944 : (vector<16xf32>, vector<16xf32>, vector<16xi1>) -> (vector<16xi1>, vector<16xf32>, vector<16xf32>)
        %masked_sort3A_1948 = arith.constant dense<true> : vector<16xi1>
        %masked_sort3A_1949, %masked_sort3A_1950, %masked_sort3A_1951 = tpu.sort %max3A_1931, %max3A_1931 masked %masked_sort3A_1948 : (vector<16xf32>, vector<16xf32>, vector<16xi1>) -> (vector<16xi1>, vector<16xf32>, vector<16xf32>)
        %masked_sort3A_1952 = arith.constant dense<true> : vector<16xi1>
        %masked_sort3A_1953, %masked_sort3A_1954, %masked_sort3A_1955 = tpu.sort %min3A_1932, %min3A_1932 masked %masked_sort3A_1952 : (vector<16xf32>, vector<16xf32>, vector<16xi1>) -> (vector<16xi1>, vector<16xf32>, vector<16xf32>)
        %masked_sort3A_1956 = arith.constant dense<true> : vector<16xi1>
        %masked_sort3A_1957, %masked_sort3A_1958, %masked_sort3A_1959 = tpu.sort %max3A_1933, %max3A_1933 masked %masked_sort3A_1956 : (vector<16xf32>, vector<16xf32>, vector<16xi1>) -> (vector<16xi1>, vector<16xf32>, vector<16xf32>)
        %masked_sort3A_1960 = arith.constant dense<true> : vector<16xi1>
        %masked_sort3A_1961, %masked_sort3A_1962, %masked_sort3A_1963 = tpu.sort %min3A_1934, %min3A_1934 masked %masked_sort3A_1960 : (vector<16xf32>, vector<16xf32>, vector<16xi1>) -> (vector<16xi1>, vector<16xf32>, vector<16xf32>)
        %masked_sort3A_1964 = arith.constant dense<true> : vector<16xi1>
        %masked_sort3A_1965, %masked_sort3A_1966, %masked_sort3A_1967 = tpu.sort %max3A_1935, %max3A_1935 masked %masked_sort3A_1964 : (vector<16xf32>, vector<16xf32>, vector<16xi1>) -> (vector<16xi1>, vector<16xf32>, vector<16xf32>)
        %max3A_1968 = arith.maximumf %masked_sort3A_1810, %masked_sort3A_1874 : vector<16xf32>
        %max3A_1969 = arith.maximumf %masked_sort3A_1814, %masked_sort3A_1878 : vector<16xf32>
        %max3A_1970 = arith.maximumf %masked_sort3A_1818, %masked_sort3A_1882 : vector<16xf32>
        %max3A_1971 = arith.maximumf %masked_sort3A_1822, %masked_sort3A_1886 : vector<16xf32>
        %max3A_1972 = arith.maximumf %masked_sort3A_1826, %masked_sort3A_1890 : vector<16xf32>
        %max3A_1973 = arith.maximumf %masked_sort3A_1830, %masked_sort3A_1894 : vector<16xf32>
        %max3A_1974 = arith.maximumf %masked_sort3A_1834, %masked_sort3A_1898 : vector<16xf32>
        %max3A_1975 = arith.maximumf %masked_sort3A_1838, %masked_sort3A_1902 : vector<16xf32>
        %max3A_1976 = arith.maximumf %max3A_1968, %max3A_1972 : vector<16xf32>
        %min3A_1977 = arith.minimumf %max3A_1968, %max3A_1972 : vector<16xf32>
        %max3A_1978 = arith.maximumf %max3A_1969, %max3A_1973 : vector<16xf32>
        %min3A_1979 = arith.minimumf %max3A_1969, %max3A_1973 : vector<16xf32>
        %max3A_1980 = arith.maximumf %max3A_1970, %max3A_1974 : vector<16xf32>
        %min3A_1981 = arith.minimumf %max3A_1970, %max3A_1974 : vector<16xf32>
        %max3A_1982 = arith.maximumf %max3A_1971, %max3A_1975 : vector<16xf32>
        %min3A_1983 = arith.minimumf %max3A_1971, %max3A_1975 : vector<16xf32>
        %max3A_1984 = arith.maximumf %max3A_1976, %max3A_1980 : vector<16xf32>
        %min3A_1985 = arith.minimumf %max3A_1976, %max3A_1980 : vector<16xf32>
        %max3A_1986 = arith.maximumf %max3A_1978, %max3A_1982 : vector<16xf32>
        %min3A_1987 = arith.minimumf %max3A_1978, %max3A_1982 : vector<16xf32>
        %max3A_1988 = arith.maximumf %min3A_1977, %min3A_1981 : vector<16xf32>
        %min3A_1989 = arith.minimumf %min3A_1977, %min3A_1981 : vector<16xf32>
        %max3A_1990 = arith.maximumf %min3A_1979, %min3A_1983 : vector<16xf32>
        %min3A_1991 = arith.minimumf %min3A_1979, %min3A_1983 : vector<16xf32>
        %max3A_1992 = arith.maximumf %max3A_1984, %max3A_1986 : vector<16xf32>
        %min3A_1993 = arith.minimumf %max3A_1984, %max3A_1986 : vector<16xf32>
        %max3A_1994 = arith.maximumf %min3A_1985, %min3A_1987 : vector<16xf32>
        %min3A_1995 = arith.minimumf %min3A_1985, %min3A_1987 : vector<16xf32>
        %max3A_1996 = arith.maximumf %max3A_1988, %max3A_1990 : vector<16xf32>
        %min3A_1997 = arith.minimumf %max3A_1988, %max3A_1990 : vector<16xf32>
        %max3A_1998 = arith.maximumf %min3A_1989, %min3A_1991 : vector<16xf32>
        %min3A_1999 = arith.minimumf %min3A_1989, %min3A_1991 : vector<16xf32>
        %masked_sort3A_2000 = arith.constant dense<true> : vector<16xi1>
        %masked_sort3A_2001, %masked_sort3A_2002, %masked_sort3A_2003 = tpu.sort %max3A_1992, %max3A_1992 masked %masked_sort3A_2000 {descending = true} : (vector<16xf32>, vector<16xf32>, vector<16xi1>) -> (vector<16xi1>, vector<16xf32>, vector<16xf32>)
        %masked_sort3A_2004 = arith.constant dense<true> : vector<16xi1>
        %masked_sort3A_2005, %masked_sort3A_2006, %masked_sort3A_2007 = tpu.sort %min3A_1993, %min3A_1993 masked %masked_sort3A_2004 {descending = true} : (vector<16xf32>, vector<16xf32>, vector<16xi1>) -> (vector<16xi1>, vector<16xf32>, vector<16xf32>)
        %masked_sort3A_2008 = arith.constant dense<true> : vector<16xi1>
        %masked_sort3A_2009, %masked_sort3A_2010, %masked_sort3A_2011 = tpu.sort %max3A_1994, %max3A_1994 masked %masked_sort3A_2008 {descending = true} : (vector<16xf32>, vector<16xf32>, vector<16xi1>) -> (vector<16xi1>, vector<16xf32>, vector<16xf32>)
        %masked_sort3A_2012 = arith.constant dense<true> : vector<16xi1>
        %masked_sort3A_2013, %masked_sort3A_2014, %masked_sort3A_2015 = tpu.sort %min3A_1995, %min3A_1995 masked %masked_sort3A_2012 {descending = true} : (vector<16xf32>, vector<16xf32>, vector<16xi1>) -> (vector<16xi1>, vector<16xf32>, vector<16xf32>)
        %masked_sort3A_2016 = arith.constant dense<true> : vector<16xi1>
        %masked_sort3A_2017, %masked_sort3A_2018, %masked_sort3A_2019 = tpu.sort %max3A_1996, %max3A_1996 masked %masked_sort3A_2016 {descending = true} : (vector<16xf32>, vector<16xf32>, vector<16xi1>) -> (vector<16xi1>, vector<16xf32>, vector<16xf32>)
        %masked_sort3A_2020 = arith.constant dense<true> : vector<16xi1>
        %masked_sort3A_2021, %masked_sort3A_2022, %masked_sort3A_2023 = tpu.sort %min3A_1997, %min3A_1997 masked %masked_sort3A_2020 {descending = true} : (vector<16xf32>, vector<16xf32>, vector<16xi1>) -> (vector<16xi1>, vector<16xf32>, vector<16xf32>)
        %masked_sort3A_2024 = arith.constant dense<true> : vector<16xi1>
        %masked_sort3A_2025, %masked_sort3A_2026, %masked_sort3A_2027 = tpu.sort %max3A_1998, %max3A_1998 masked %masked_sort3A_2024 {descending = true} : (vector<16xf32>, vector<16xf32>, vector<16xi1>) -> (vector<16xi1>, vector<16xf32>, vector<16xf32>)
        %masked_sort3A_2028 = arith.constant dense<true> : vector<16xi1>
        %masked_sort3A_2029, %masked_sort3A_2030, %masked_sort3A_2031 = tpu.sort %min3A_1999, %min3A_1999 masked %masked_sort3A_2028 {descending = true} : (vector<16xf32>, vector<16xf32>, vector<16xi1>) -> (vector<16xi1>, vector<16xf32>, vector<16xf32>)
        %max3A_2032 = arith.maximumf %masked_sort3A_1938, %masked_sort3A_2002 : vector<16xf32>
        %max3A_2033 = arith.maximumf %masked_sort3A_1942, %masked_sort3A_2006 : vector<16xf32>
        %max3A_2034 = arith.maximumf %masked_sort3A_1946, %masked_sort3A_2010 : vector<16xf32>
        %max3A_2035 = arith.maximumf %masked_sort3A_1950, %masked_sort3A_2014 : vector<16xf32>
        %max3A_2036 = arith.maximumf %masked_sort3A_1954, %masked_sort3A_2018 : vector<16xf32>
        %max3A_2037 = arith.maximumf %masked_sort3A_1958, %masked_sort3A_2022 : vector<16xf32>
        %max3A_2038 = arith.maximumf %masked_sort3A_1962, %masked_sort3A_2026 : vector<16xf32>
        %max3A_2039 = arith.maximumf %masked_sort3A_1966, %masked_sort3A_2030 : vector<16xf32>
        %min3A_2040 = arith.minimumf %max3A_2032, %max3A_2036 : vector<16xf32>
        %max3A_2041 = arith.maximumf %max3A_2032, %max3A_2036 : vector<16xf32>
        %min3A_2042 = arith.minimumf %max3A_2033, %max3A_2037 : vector<16xf32>
        %max3A_2043 = arith.maximumf %max3A_2033, %max3A_2037 : vector<16xf32>
        %min3A_2044 = arith.minimumf %max3A_2034, %max3A_2038 : vector<16xf32>
        %max3A_2045 = arith.maximumf %max3A_2034, %max3A_2038 : vector<16xf32>
        %min3A_2046 = arith.minimumf %max3A_2035, %max3A_2039 : vector<16xf32>
        %max3A_2047 = arith.maximumf %max3A_2035, %max3A_2039 : vector<16xf32>
        %min3A_2048 = arith.minimumf %min3A_2040, %min3A_2044 : vector<16xf32>
        %max3A_2049 = arith.maximumf %min3A_2040, %min3A_2044 : vector<16xf32>
        %min3A_2050 = arith.minimumf %min3A_2042, %min3A_2046 : vector<16xf32>
        %max3A_2051 = arith.maximumf %min3A_2042, %min3A_2046 : vector<16xf32>
        %min3A_2052 = arith.minimumf %max3A_2041, %max3A_2045 : vector<16xf32>
        %max3A_2053 = arith.maximumf %max3A_2041, %max3A_2045 : vector<16xf32>
        %min3A_2054 = arith.minimumf %max3A_2043, %max3A_2047 : vector<16xf32>
        %max3A_2055 = arith.maximumf %max3A_2043, %max3A_2047 : vector<16xf32>
        %min3A_2056 = arith.minimumf %min3A_2048, %min3A_2050 : vector<16xf32>
        %max3A_2057 = arith.maximumf %min3A_2048, %min3A_2050 : vector<16xf32>
        %min3A_2058 = arith.minimumf %max3A_2049, %max3A_2051 : vector<16xf32>
        %max3A_2059 = arith.maximumf %max3A_2049, %max3A_2051 : vector<16xf32>
        %min3A_2060 = arith.minimumf %min3A_2052, %min3A_2054 : vector<16xf32>
        %max3A_2061 = arith.maximumf %min3A_2052, %min3A_2054 : vector<16xf32>
        %min3A_2062 = arith.minimumf %max3A_2053, %max3A_2055 : vector<16xf32>
        %max3A_2063 = arith.maximumf %max3A_2053, %max3A_2055 : vector<16xf32>
        %masked_sort3A_2064 = arith.constant dense<true> : vector<16xi1>
        %masked_sort3A_2065, %masked_sort3A_2066, %masked_sort3A_2067 = tpu.sort %min3A_2056, %min3A_2056 masked %masked_sort3A_2064 : (vector<16xf32>, vector<16xf32>, vector<16xi1>) -> (vector<16xi1>, vector<16xf32>, vector<16xf32>)
        %masked_sort3A_2068 = arith.constant dense<true> : vector<16xi1>
        %masked_sort3A_2069, %masked_sort3A_2070, %masked_sort3A_2071 = tpu.sort %max3A_2057, %max3A_2057 masked %masked_sort3A_2068 : (vector<16xf32>, vector<16xf32>, vector<16xi1>) -> (vector<16xi1>, vector<16xf32>, vector<16xf32>)
        %masked_sort3A_2072 = arith.constant dense<true> : vector<16xi1>
        %masked_sort3A_2073, %masked_sort3A_2074, %masked_sort3A_2075 = tpu.sort %min3A_2058, %min3A_2058 masked %masked_sort3A_2072 : (vector<16xf32>, vector<16xf32>, vector<16xi1>) -> (vector<16xi1>, vector<16xf32>, vector<16xf32>)
        %masked_sort3A_2076 = arith.constant dense<true> : vector<16xi1>
        %masked_sort3A_2077, %masked_sort3A_2078, %masked_sort3A_2079 = tpu.sort %max3A_2059, %max3A_2059 masked %masked_sort3A_2076 : (vector<16xf32>, vector<16xf32>, vector<16xi1>) -> (vector<16xi1>, vector<16xf32>, vector<16xf32>)
        %masked_sort3A_2080 = arith.constant dense<true> : vector<16xi1>
        %masked_sort3A_2081, %masked_sort3A_2082, %masked_sort3A_2083 = tpu.sort %min3A_2060, %min3A_2060 masked %masked_sort3A_2080 : (vector<16xf32>, vector<16xf32>, vector<16xi1>) -> (vector<16xi1>, vector<16xf32>, vector<16xf32>)
        %masked_sort3A_2084 = arith.constant dense<true> : vector<16xi1>
        %masked_sort3A_2085, %masked_sort3A_2086, %masked_sort3A_2087 = tpu.sort %max3A_2061, %max3A_2061 masked %masked_sort3A_2084 : (vector<16xf32>, vector<16xf32>, vector<16xi1>) -> (vector<16xi1>, vector<16xf32>, vector<16xf32>)
        %masked_sort3A_2088 = arith.constant dense<true> : vector<16xi1>
        %masked_sort3A_2089, %masked_sort3A_2090, %masked_sort3A_2091 = tpu.sort %min3A_2062, %min3A_2062 masked %masked_sort3A_2088 : (vector<16xf32>, vector<16xf32>, vector<16xi1>) -> (vector<16xi1>, vector<16xf32>, vector<16xf32>)
        %masked_sort3A_2092 = arith.constant dense<true> : vector<16xi1>
        %masked_sort3A_2093, %masked_sort3A_2094, %masked_sort3A_2095 = tpu.sort %max3A_2063, %max3A_2063 masked %masked_sort3A_2092 : (vector<16xf32>, vector<16xf32>, vector<16xi1>) -> (vector<16xi1>, vector<16xf32>, vector<16xf32>)
        %mul3A_2096 = arith.constant 8 : i32
        %mul3A_2097 = arith.muli %add3A_43, %mul3A_2096 : i32
        %add3A_2098 = arith.addi %mul3A_2097, %scan3A_50 : i32
        %swap3A = arith.index_cast %add3A_2098 : i32 to index
        %swap3A_2099 = arith.constant 0 : index
        %swap3A_2100 = tpu.vector_load %arg6[%swap3A, %swap3A_2099] {strides = array<i32>} : memref<128x128xf32, #tpu.memory_space<vmem>>, vector<16xf32>,
        tpu.vector_store %arg6[%swap3A, %swap3A_2099], %masked_sort3A_2066 {strides = array<i32>} : memref<128x128xf32, #tpu.memory_space<vmem>>, vector<16xf32>,
        %mul3A_2101 = arith.constant 8 : i32
        %mul3A_2102 = arith.muli %add3A_43, %mul3A_2101 : i32
        %add3A_2103 = arith.addi %mul3A_2102, %scan3A_50 : i32
        %swap3A_2104 = arith.index_cast %add3A_2103 : i32 to index
        %swap3A_2105 = arith.constant 16 : index
        %swap3A_2106 = tpu.vector_load %arg6[%swap3A_2104, %swap3A_2105] {strides = array<i32>} : memref<128x128xf32, #tpu.memory_space<vmem>>, vector<16xf32>,
        tpu.vector_store %arg6[%swap3A_2104, %swap3A_2105], %masked_sort3A_2070 {strides = array<i32>} : memref<128x128xf32, #tpu.memory_space<vmem>>, vector<16xf32>,
        %mul3A_2107 = arith.constant 8 : i32
        %mul3A_2108 = arith.muli %add3A_43, %mul3A_2107 : i32
        %add3A_2109 = arith.addi %mul3A_2108, %scan3A_50 : i32
        %swap3A_2110 = arith.index_cast %add3A_2109 : i32 to index
        %swap3A_2111 = arith.constant 32 : index
        %swap3A_2112 = tpu.vector_load %arg6[%swap3A_2110, %swap3A_2111] {strides = array<i32>} : memref<128x128xf32, #tpu.memory_space<vmem>>, vector<16xf32>,
        tpu.vector_store %arg6[%swap3A_2110, %swap3A_2111], %masked_sort3A_2074 {strides = array<i32>} : memref<128x128xf32, #tpu.memory_space<vmem>>, vector<16xf32>,
        %mul3A_2113 = arith.constant 8 : i32
        %mul3A_2114 = arith.muli %add3A_43, %mul3A_2113 : i32
        %add3A_2115 = arith.addi %mul3A_2114, %scan3A_50 : i32
        %swap3A_2116 = arith.index_cast %add3A_2115 : i32 to index
        %swap3A_2117 = arith.constant 48 : index
        %swap3A_2118 = tpu.vector_load %arg6[%swap3A_2116, %swap3A_2117] {strides = array<i32>} : memref<128x128xf32, #tpu.memory_space<vmem>>, vector<16xf32>,
        tpu.vector_store %arg6[%swap3A_2116, %swap3A_2117], %masked_sort3A_2078 {strides = array<i32>} : memref<128x128xf32, #tpu.memory_space<vmem>>, vector<16xf32>,
        %mul3A_2119 = arith.constant 8 : i32
        %mul3A_2120 = arith.muli %add3A_43, %mul3A_2119 : i32
        %add3A_2121 = arith.addi %mul3A_2120, %scan3A_50 : i32
        %swap3A_2122 = arith.index_cast %add3A_2121 : i32 to index
        %swap3A_2123 = arith.constant 64 : index
        %swap3A_2124 = tpu.vector_load %arg6[%swap3A_2122, %swap3A_2123] {strides = array<i32>} : memref<128x128xf32, #tpu.memory_space<vmem>>, vector<16xf32>,
        tpu.vector_store %arg6[%swap3A_2122, %swap3A_2123], %masked_sort3A_2082 {strides = array<i32>} : memref<128x128xf32, #tpu.memory_space<vmem>>, vector<16xf32>,
        %mul3A_2125 = arith.constant 8 : i32
        %mul3A_2126 = arith.muli %add3A_43, %mul3A_2125 : i32
        %add3A_2127 = arith.addi %mul3A_2126, %scan3A_50 : i32
        %swap3A_2128 = arith.index_cast %add3A_2127 : i32 to index
        %swap3A_2129 = arith.constant 80 : index
        %swap3A_2130 = tpu.vector_load %arg6[%swap3A_2128, %swap3A_2129] {strides = array<i32>} : memref<128x128xf32, #tpu.memory_space<vmem>>, vector<16xf32>,
        tpu.vector_store %arg6[%swap3A_2128, %swap3A_2129], %masked_sort3A_2086 {strides = array<i32>} : memref<128x128xf32, #tpu.memory_space<vmem>>, vector<16xf32>,
        %mul3A_2131 = arith.constant 8 : i32
        %mul3A_2132 = arith.muli %add3A_43, %mul3A_2131 : i32
        %add3A_2133 = arith.addi %mul3A_2132, %scan3A_50 : i32
        %swap3A_2134 = arith.index_cast %add3A_2133 : i32 to index
        %swap3A_2135 = arith.constant 96 : index
        %swap3A_2136 = tpu.vector_load %arg6[%swap3A_2134, %swap3A_2135] {strides = array<i32>} : memref<128x128xf32, #tpu.memory_space<vmem>>, vector<16xf32>,
        tpu.vector_store %arg6[%swap3A_2134, %swap3A_2135], %masked_sort3A_2090 {strides = array<i32>} : memref<128x128xf32, #tpu.memory_space<vmem>>, vector<16xf32>,
        %mul3A_2137 = arith.constant 8 : i32
        %mul3A_2138 = arith.muli %add3A_43, %mul3A_2137 : i32
        %add3A_2139 = arith.addi %mul3A_2138, %scan3A_50 : i32
        %swap3A_2140 = arith.index_cast %add3A_2139 : i32 to index
        %swap3A_2141 = arith.constant 112 : index
        %swap3A_2142 = tpu.vector_load %arg6[%swap3A_2140, %swap3A_2141] {strides = array<i32>} : memref<128x128xf32, #tpu.memory_space<vmem>>, vector<16xf32>,
        tpu.vector_store %arg6[%swap3A_2140, %swap3A_2141], %masked_sort3A_2094 {strides = array<i32>} : memref<128x128xf32, #tpu.memory_space<vmem>>, vector<16xf32>,
      }
      %scan3A_49 = arith.constant 8 : i32
    }
    %scan3A_12 = arith.constant 8 : i32
    "tpu.region"() ({
      %run_scoped3A = tpu.sem_alloc : memref<!tpu.dma_semaphore, #tpu.memory_space<semaphore_mem>>
      %dma_start3A_13 = arith.constant 0 : i32
      %dma_start3A_14 = tpu.memref_slice %arg3[%mul3A_2, %dma_start3A_13] : memref<4096x128xf32, #tpu.memory_space<hbm>> -> memref<128x128xf32, #tpu.memory_space<hbm>>
      %dma_start3A_15 = arith.constant 0 : i32
      %dma_start3A_16 = tpu.memref_slice %arg3[%mul3A_2, %dma_start3A_15] : memref<4096x128xf32, #tpu.memory_space<hbm>> -> memref<128x128xf32, #tpu.memory_space<hbm>>
      tpu.enqueue_dma source(%arg6 : memref<128x128xf32, #tpu.memory_space<vmem>>) target(%dma_start3A_16 : memref<128x128xf32, #tpu.memory_space<hbm>>) target_semaphore(%run_scoped3A : memref<!tpu.dma_semaphore, #tpu.memory_space<semaphore_mem>>)
      %dma_wait3A = arith.constant 0 : i32
      %dma_wait3A_17 = tpu.memref_slice %arg3[%mul3A_2, %dma_wait3A] : memref<4096x128xf32, #tpu.memory_space<hbm>> -> memref<128x128xf32, #tpu.memory_space<hbm>>
      %dma_wait3A_18 = arith.constant 0 : i32
      %dma_wait3A_19 = tpu.memref_slice %arg3[%mul3A_2, %dma_wait3A_18] : memref<4096x128xf32, #tpu.memory_space<hbm>> -> memref<128x128xf32, #tpu.memory_space<hbm>>
      tpu.wait_dma2 semaphore(%run_scoped3A : memref<!tpu.dma_semaphore, #tpu.memory_space<semaphore_mem>>) src(%arg6 : memref<128x128xf32, #tpu.memory_space<vmem>>) dst(%dma_wait3A_19 : memref<128x128xf32, #tpu.memory_space<hbm>>)
      tpu.yield
    }) : () -> ()
    return
  }
}

module attributes {stable_mosaic.version = 14 : i64} {
  func.func @_stats_body(%arg0: i32, %arg1: memref<1024x1000xf32, #tpu.memory_space<vmem>>, %arg2: memref<1024x1xi32, #tpu.memory_space<vmem>>, %arg3: memref<1x1xf32, #tpu.memory_space<vmem>>) attributes {dimension_semantics = [#tpu.dimension_semantics<arbitrary>], iteration_bounds = array<i64: 4>, scalar_prefetch = 0 : i64, scratch_operands = 0 : i64, tpu.core_type = #tpu.core_type<tc>, window_params = [{transform_indices = @transform_0, window_bounds = array<i64: 1024, 1000>}, {transform_indices = @transform_1, window_bounds = array<i64: 1024, 1>}, {pipeline_mode = #tpu.pipeline_mode<synchronous>, transform_indices = @transform_2, window_bounds = array<i64: 1, 1>}]} {
    %get3A = arith.constant 0 : index
    %get3A_0 = arith.constant 0 : index
    %get3A_1 = vector.load %arg1[%get3A, %get3A_0] : memref<1024x1000xf32, #tpu.memory_space<vmem>>, vector<1024x1000xf32>
    %get3A_2 = arith.constant 0 : index
    %get3A_3 = arith.constant 0 : index
    %get3A_4 = vector.load %arg2[%get3A_2, %get3A_3] : memref<1024x1xi32, #tpu.memory_space<vmem>>, vector<1024x1xi32>
    %exp3A = math.exp %get3A_1 : vector<1024x1000xf32>
    %reduce_sum3A = arith.constant dense<0.000000e+00> : vector<1024xf32>
    %reduce_sum3A_5 = vector.multi_reduction <add>, %exp3A, %reduce_sum3A [1] : vector<1024x1000xf32> to vector<1024xf32>
    %broadcast_in_dim3A = vector.shape_cast %reduce_sum3A_5 : vector<1024xf32> to vector<1024x1xf32>
    %reduce_sum3A_6 = arith.constant dense<0.000000e+00> : vector<1024xf32>
    %reduce_sum3A_7 = vector.multi_reduction <add>, %get3A_1, %reduce_sum3A_6 [1] : vector<1024x1000xf32> to vector<1024xf32>
    %broadcast_in_dim3A_8 = vector.shape_cast %reduce_sum3A_7 : vector<1024xf32> to vector<1024x1xf32>
    %iota3A = tpu.iota {dimensions = array<i32: 1>} : vector<1024x1000xi32>
    %eq3A = vector.broadcast %get3A_4 : vector<1024x1xi32> to vector<1024x1000xi32>
    %eq3A_9 = arith.cmpi eq, %iota3A, %eq3A : vector<1024x1000xi32>
    %jit3A = arith.constant 0.000000e+00 : f32
    %broadcast_in_dim3A_10 = vector.broadcast %jit3A : f32 to vector<1024x1000xf32>
    %select_n3A = arith.select %eq3A_9, %get3A_1, %broadcast_in_dim3A_10 : vector<1024x1000xi1>, vector<1024x1000xf32>
    %reduce_sum3A_11 = arith.constant dense<0.000000e+00> : vector<1024xf32>
    %reduce_sum3A_12 = vector.multi_reduction <add>, %select_n3A, %reduce_sum3A_11 [1] : vector<1024x1000xf32> to vector<1024xf32>
    %broadcast_in_dim3A_13 = vector.shape_cast %reduce_sum3A_12 : vector<1024xf32> to vector<1024x1xf32>
    %log3A = math.log %broadcast_in_dim3A : vector<1024x1xf32>
    %sub3A = arith.subf %broadcast_in_dim3A_13, %log3A : vector<1024x1xf32>
    %mul3A = arith.constant -2.19726688E-4 : f32
    %mul3A_14 = vector.broadcast %mul3A : f32 to vector<1024x1xf32>
    %mul3A_15 = arith.mulf %mul3A_14, %sub3A : vector<1024x1xf32>
    %mul3A_16 = arith.constant 1.000000e+03 : f32
    %mul3A_17 = vector.broadcast %mul3A_16 : f32 to vector<1024x1xf32>
    %mul3A_18 = arith.mulf %mul3A_17, %log3A : vector<1024x1xf32>
    %sub3A_19 = arith.subf %broadcast_in_dim3A_8, %mul3A_18 : vector<1024x1xf32>
    %mul3A_20 = arith.constant -2.44128229E-9 : f32
    %mul3A_21 = vector.broadcast %mul3A_20 : f32 to vector<1024x1xf32>
    %mul3A_22 = arith.mulf %mul3A_21, %sub3A_19 : vector<1024x1xf32>
    %add3A = arith.addf %mul3A_15, %mul3A_22 : vector<1024x1xf32>
    %reduce_sum3A_23 = vector.shape_cast %add3A : vector<1024x1xf32> to vector<1x1024x1xf32>
    %reduce_sum3A_24 = arith.constant dense<0.000000e+00> : vector<1xf32>
    %reduce_sum3A_25 = vector.multi_reduction <add>, %reduce_sum3A_23, %reduce_sum3A_24 [1, 2] : vector<1x1024x1xf32> to vector<1xf32>
    %reduce_sum3A_26 = vector.shape_cast %reduce_sum3A_25 : vector<1xf32> to vector<1x1x1xf32>
    %reduce_sum3A_27 = vector.extract %reduce_sum3A_26[0, 0, 0] : f32 from vector<1x1x1xf32>
    %broadcast_in_dim3A_28 = vector.broadcast %reduce_sum3A_27 : f32 to vector<1x1xf32>
    %eq3A_29 = arith.constant 0 : i32
    %eq3A_30 = arith.cmpi eq, %arg0, %eq3A_29 : i32
    %convert_element_type3A = arith.extui %eq3A_30 : i1 to i32
    %cond3A = arith.constant 0 : i32
    %cond3A_31 = arith.cmpi ne, %convert_element_type3A, %cond3A : i32
    scf.if %cond3A_31 {
      %broadcast_in_dim3A_38 = arith.constant 0.000000e+00 : f32
      %broadcast_in_dim3A_39 = vector.broadcast %broadcast_in_dim3A_38 : f32 to vector<1x1xf32>
      %swap3A_40 = arith.constant 0 : index
      %swap3A_41 = arith.constant 0 : index
      %swap3A_42 = vector.load %arg3[%swap3A_40, %swap3A_41] : memref<1x1xf32, #tpu.memory_space<vmem>>, vector<1x1xf32>
      tpu.vector_store %arg3[%swap3A_40, %swap3A_41], %broadcast_in_dim3A_39 {strides = array<i32>} : memref<1x1xf32, #tpu.memory_space<vmem>>, vector<1x1xf32>,
    } else {
    }
    %get3A_32 = arith.constant 0 : index
    %get3A_33 = arith.constant 0 : index
    %get3A_34 = vector.load %arg3[%get3A_32, %get3A_33] : memref<1x1xf32, #tpu.memory_space<vmem>>, vector<1x1xf32>
    %add3A_35 = arith.addf %get3A_34, %broadcast_in_dim3A_28 : vector<1x1xf32>
    %swap3A = arith.constant 0 : index
    %swap3A_36 = arith.constant 0 : index
    %swap3A_37 = vector.load %arg3[%swap3A, %swap3A_36] : memref<1x1xf32, #tpu.memory_space<vmem>>, vector<1x1xf32>
    tpu.vector_store %arg3[%swap3A, %swap3A_36], %add3A_35 {strides = array<i32>} : memref<1x1xf32, #tpu.memory_space<vmem>>, vector<1x1xf32>,
    return
  }
  func.func @transform_0(%arg0: i32) -> (i32, i32) {
    %c0_i32 = arith.constant 0 : i32
    %c0_i32_0 = arith.constant 0 : i32
    return %arg0, %c0_i32 : i32, i32
  }
  func.func @transform_1(%arg0: i32) -> (i32, i32) {
    %c0_i32 = arith.constant 0 : i32
    %c0_i32_0 = arith.constant 0 : i32
    return %arg0, %c0_i32 : i32, i32
  }
  func.func @transform_2(%arg0: i32) -> (i32, i32) {
    %c0_i32 = arith.constant 0 : i32
    %c0_i32_0 = arith.constant 0 : i32
    %c0_i32_1 = arith.constant 0 : i32
    return %c0_i32, %c0_i32_0 : i32, i32
  }
}

module attributes {stable_mosaic.version = 14 : i64} {
  func.func @_fin_body(%arg0: i32, %arg1: memref<4096x128xf32, #tpu.memory_space<vmem>>, %arg2: memref<1x1xf32, #tpu.memory_space<vmem>>, %arg3: memref<1x1xf32, #tpu.memory_space<vmem>>) attributes {dimension_semantics = [#tpu.dimension_semantics<arbitrary>], iteration_bounds = array<i64: 1>, scalar_prefetch = 0 : i64, scratch_operands = 0 : i64, tpu.core_type = #tpu.core_type<tc>, window_params = [{transform_indices = @transform_0, window_bounds = array<i64: 4096, 128>}, {pipeline_mode = #tpu.pipeline_mode<synchronous>, transform_indices = @transform_1, window_bounds = array<i64: 1, 1>}, {pipeline_mode = #tpu.pipeline_mode<synchronous>, transform_indices = @transform_2, window_bounds = array<i64: 1, 1>}]} {
    %get3A = arith.constant 0 : index
    %get3A_0 = arith.constant 0 : index
    %get3A_1 = vector.load %arg1[%get3A, %get3A_0] : memref<4096x128xf32, #tpu.memory_space<vmem>>, vector<4096x128xf32>
    %iota3A = tpu.iota {dimensions = array<i32: 0>} : vector<128x128xi32>
    %iota3A_2 = tpu.iota {dimensions = array<i32: 1>} : vector<128x128xi32>
    %lt3A = arith.constant 19 : i32
    %lt3A_3 = vector.broadcast %lt3A : i32 to vector<128x128xi32>
    %lt3A_4 = arith.cmpi slt, %iota3A_2, %lt3A_3 : vector<128x128xi32>
    %mul3A = arith.constant 5 : i32
    %mul3A_5 = vector.broadcast %mul3A : i32 to vector<128x128xi32>
    %mul3A_6 = arith.muli %mul3A_5, %iota3A_2 : vector<128x128xi32>
    %sub3A = arith.constant 118 : i32
    %sub3A_7 = vector.broadcast %sub3A : i32 to vector<128x128xi32>
    %sub3A_8 = arith.subi %sub3A_7, %mul3A_6 : vector<128x128xi32>
    %ge3A = arith.cmpi sge, %iota3A, %sub3A_8 : vector<128x128xi32>
    %and3A = arith.andi %lt3A_4, %ge3A : vector<128x128xi1>
    %mul3A_9 = arith.constant 5 : i32
    %mul3A_10 = vector.broadcast %mul3A_9 : i32 to vector<128x128xi32>
    %mul3A_11 = arith.muli %mul3A_10, %iota3A_2 : vector<128x128xi32>
    %sub3A_12 = arith.constant 128 : i32
    %sub3A_13 = vector.broadcast %sub3A_12 : i32 to vector<128x128xi32>
    %sub3A_14 = arith.subi %sub3A_13, %mul3A_11 : vector<128x128xi32>
    %lt3A_15 = arith.cmpi slt, %iota3A, %sub3A_14 : vector<128x128xi32>
    %and3A_16 = arith.andi %and3A, %lt3A_15 : vector<128x128xi1>
    %jit3A = arith.constant 1.000000e+00 : f32
    %jit3A_17 = arith.constant 0.000000e+00 : f32
    %broadcast_in_dim3A = vector.broadcast %jit3A : f32 to vector<128x128xf32>
    %broadcast_in_dim3A_18 = vector.broadcast %jit3A_17 : f32 to vector<128x128xf32>
    %select_n3A = arith.select %and3A_16, %broadcast_in_dim3A, %broadcast_in_dim3A_18 : vector<128x128xi1>, vector<128x128xf32>
    %reduce_max3A = arith.constant dense<0xFF800000> : vector<4096xf32>
    %reduce_max3A_19 = vector.multi_reduction <maximumf>, %get3A_1, %reduce_max3A [1] : vector<4096x128xf32> to vector<4096xf32>
    %broadcast_in_dim3A_20 = vector.shape_cast %reduce_max3A_19 : vector<4096xf32> to vector<4096x1xf32>
    %sub3A_21 = vector.broadcast %broadcast_in_dim3A_20 : vector<4096x1xf32> to vector<4096x128xf32>
    %sub3A_22 = arith.subf %get3A_1, %sub3A_21 : vector<4096x128xf32>
    %exp3A = math.exp %sub3A_22 : vector<4096x128xf32>
    %dot_general3A = arith.constant dense<0.000000e+00> : vector<4096x128xf32>
    %dot_general3A_23 = tpu.matmul %get3A_1, %select_n3A, %dot_general3A {dimension_numbers = #tpu.dot_dimension_numbers<[1], [0], [0], [1], [0, 0, 1, 1], [], []>, transpose_lhs_hint = false} : vector<4096x128xf32>, vector<128x128xf32>, vector<4096x128xf32> -> vector<4096x128xf32>
    %dot_general3A_24 = arith.constant dense<0.000000e+00> : vector<4096x128xf32>
    %dot_general3A_25 = tpu.matmul %exp3A, %select_n3A, %dot_general3A_24 {dimension_numbers = #tpu.dot_dimension_numbers<[1], [0], [0], [1], [0, 0, 1, 1], [], []>, transpose_lhs_hint = false} : vector<4096x128xf32>, vector<128x128xf32>, vector<4096x128xf32> -> vector<4096x128xf32>
    %iota3A_26 = tpu.iota {dimensions = array<i32: 1>} : vector<4096x128xi32>
    %lt3A_27 = arith.constant 19 : i32
    %lt3A_28 = vector.broadcast %lt3A_27 : i32 to vector<4096x128xi32>
    %lt3A_29 = arith.cmpi slt, %iota3A_26, %lt3A_28 : vector<4096x128xi32>
    %jit3A_30 = arith.constant 1.000000e+00 : f32
    %broadcast_in_dim3A_31 = vector.broadcast %jit3A_30 : f32 to vector<4096x128xf32>
    %select_n3A_32 = arith.select %lt3A_29, %dot_general3A_25, %broadcast_in_dim3A_31 : vector<4096x128xi1>, vector<4096x128xf32>
    %lt3A_33 = arith.constant 19 : i32
    %lt3A_34 = vector.broadcast %lt3A_33 : i32 to vector<4096x128xi32>
    %lt3A_35 = arith.cmpi slt, %iota3A_26, %lt3A_34 : vector<4096x128xi32>
    %log3A = math.log %select_n3A_32 : vector<4096x128xf32>
    %add3A = vector.broadcast %broadcast_in_dim3A_20 : vector<4096x1xf32> to vector<4096x128xf32>
    %add3A_36 = arith.addf %add3A, %log3A : vector<4096x128xf32>
    %mul3A_37 = arith.constant 1.000000e+01 : f32
    %mul3A_38 = vector.broadcast %mul3A_37 : f32 to vector<4096x128xf32>
    %mul3A_39 = arith.mulf %mul3A_38, %add3A_36 : vector<4096x128xf32>
    %sub3A_40 = arith.subf %dot_general3A_23, %mul3A_39 : vector<4096x128xf32>
    %jit3A_41 = arith.constant 0.000000e+00 : f32
    %broadcast_in_dim3A_42 = vector.broadcast %jit3A_41 : f32 to vector<4096x128xf32>
    %select_n3A_43 = arith.select %lt3A_35, %sub3A_40, %broadcast_in_dim3A_42 : vector<4096x128xi1>, vector<4096x128xf32>
    %reduce_sum3A = vector.shape_cast %select_n3A_43 : vector<4096x128xf32> to vector<1x4096x128xf32>
    %reduce_sum3A_44 = arith.constant dense<0.000000e+00> : vector<1xf32>
    %reduce_sum3A_45 = vector.multi_reduction <add>, %reduce_sum3A, %reduce_sum3A_44 [1, 2] : vector<1x4096x128xf32> to vector<1xf32>
    %reduce_sum3A_46 = vector.shape_cast %reduce_sum3A_45 : vector<1xf32> to vector<1x1x1xf32>
    %reduce_sum3A_47 = vector.extract %reduce_sum3A_46[0, 0, 0] : f32 from vector<1x1x1xf32>
    %broadcast_in_dim3A_48 = vector.broadcast %reduce_sum3A_47 : f32 to vector<1x1xf32>
    %mul3A_49 = arith.constant -2.443850e-10 : f32
    %mul3A_50 = vector.broadcast %mul3A_49 : f32 to vector<1x1xf32>
    %mul3A_51 = arith.mulf %mul3A_50, %broadcast_in_dim3A_48 : vector<1x1xf32>
    %eq3A = arith.constant 0 : i32
    %eq3A_52 = arith.cmpi eq, %arg0, %eq3A : i32
    %convert_element_type3A = arith.extui %eq3A_52 : i1 to i32
    %cond3A = arith.constant 0 : i32
    %cond3A_53 = arith.cmpi ne, %convert_element_type3A, %cond3A : i32
    scf.if %cond3A_53 {
      %get3A_60 = arith.constant 0 : index
      %get3A_61 = arith.constant 0 : index
      %get3A_62 = vector.load %arg2[%get3A_60, %get3A_61] : memref<1x1xf32, #tpu.memory_space<vmem>>, vector<1x1xf32>
      %add3A_63 = arith.constant -0.0690775365 : f32
      %add3A_64 = vector.broadcast %add3A_63 : f32 to vector<1x1xf32>
      %add3A_65 = arith.addf %get3A_62, %add3A_64 : vector<1x1xf32>
      %swap3A_66 = arith.constant 0 : index
      %swap3A_67 = arith.constant 0 : index
      %swap3A_68 = vector.load %arg3[%swap3A_66, %swap3A_67] : memref<1x1xf32, #tpu.memory_space<vmem>>, vector<1x1xf32>
      tpu.vector_store %arg3[%swap3A_66, %swap3A_67], %add3A_65 {strides = array<i32>} : memref<1x1xf32, #tpu.memory_space<vmem>>, vector<1x1xf32>,
    } else {
    }
    %get3A_54 = arith.constant 0 : index
    %get3A_55 = arith.constant 0 : index
    %get3A_56 = vector.load %arg3[%get3A_54, %get3A_55] : memref<1x1xf32, #tpu.memory_space<vmem>>, vector<1x1xf32>
    %add3A_57 = arith.addf %get3A_56, %mul3A_51 : vector<1x1xf32>
    %swap3A = arith.constant 0 : index
    %swap3A_58 = arith.constant 0 : index
    %swap3A_59 = vector.load %arg3[%swap3A, %swap3A_58] : memref<1x1xf32, #tpu.memory_space<vmem>>, vector<1x1xf32>
    tpu.vector_store %arg3[%swap3A, %swap3A_58], %add3A_57 {strides = array<i32>} : memref<1x1xf32, #tpu.memory_space<vmem>>, vector<1x1xf32>,
    return
  }
  func.func @transform_0(%arg0: i32) -> (i32, i32) {
    %c0_i32 = arith.constant 0 : i32
    %c0_i32_0 = arith.constant 0 : i32
    return %arg0, %c0_i32 : i32, i32
  }
  func.func @transform_1(%arg0: i32) -> (i32, i32) {
    %c0_i32 = arith.constant 0 : i32
    %c0_i32_0 = arith.constant 0 : i32
    %c0_i32_1 = arith.constant 0 : i32
    return %c0_i32, %c0_i32_0 : i32, i32
  }
  func.func @transform_2(%arg0: i32) -> (i32, i32) {
    %c0_i32 = arith.constant 0 : i32
    %c0_i32_0 = arith.constant 0 : i32
    %c0_i32_1 = arith.constant 0 : i32
    return %c0_i32, %c0_i32_0 : i32, i32
  }
}

</mosaic_0001>

<sc_bundles>
// kernel: kernel.5.cloned.1.call-start
scs
__scs_entry_jumppad:
0x0: {  	(pc) =	sbr.rel $0x88, $3  }
0x1: {  	(tag) =	ssettag $0x0;
	lr =	simm.s32 $0x1  }
0x2: {  	[smem:$0x3F9F] =	sst lr;
	_ =	strace $0xD0000000  }
0x3: {  	_ = 	snop  }
0x4: {  	_ = 	snop  }
0x5: {  	_ = 	snop  }
0x6: {  	_ = 	snop  }
0x7: {  	_ = 	snop  }
__scs_overlays_trampoline_lowered:
0x8: {  	[smem:$0x3FAE] =	sst s0  }
0x9: {  	[smem:$0x3FAF] =	sst s1  }
0xa: {  	[smem:$0x3FB0] =	sst s2  }
0xb: {  	[smem:$0x3FB1] =	sst s3  }
0xc: {  	[smem:$0x3FB2] =	sst s4  }
0xd: {  	[smem:$0x3FB3] =	sst s5  }
0xe: {  	[smem:$0x3FB4] =	sst s6  }
0xf: {  	[smem:$0x3FB5] =	sst s7  }
0x10: {  	[smem:$0x3FB6] =	sst s8  }
0x11: {  	[smem:$0x3FB7] =	sst s9;
	s0 =	simm.s32 @!p0 $0x0  }
0x12: {  	s1 =	sld [smem:$0x3F9D];
	s0 =	simm.s32 @p0 $0x1  }
0x13: {  	[smem:$0x3FB8] =	sst s0;
	s0 =	simm.s32 @!p1 $0x0  }
0x14: {  	s2 =	sld [smem:$0x3F9C];
	s0 =	simm.s32 @p1 $0x1  }
0x15: {  	[smem:$0x3FB9] =	sst s0;
	s0 =	simm.s32 @!p2 $0x0  }
0x16: {  	s3 =	sld [smem:$0x3FDB];
	s0 =	simm.s32 @p2 $0x1  }
0x17: {  	s4 =	simm.s32 $0x1BF5;
	[smem:$0x3FBB] =	sst s0  }
0x18: {  	s0 =	sld [smem:$0x3F9E];
	_ =	swait.ge [sflag:s4], $0x0  }
0x19: {  	s7 =	sld [smem:$0x3F9F]  }
0x1a: {  	s8 =	sadd.s32 $0xFFFFE003, lr  }
0x1b: {  	s9 =	sadd.s32 $0xFFFFFEF7, lr;
	s5 =	simm.s32 $0xFFFFFFFF;
	p2 =	slt.u32 s8, $0xFFFFF086  }
0x1c: {  	p1 =	slt.u32 s9, $0xF7A;
	s5 =	simm.s32 @!p2 $0x0  }
0x1d: {  	s5 =	simm.s32 @p1 $0x1;
	p0 =	seq.s32 s7, s2  }
0x1e: {  	s7 =	smul.u32 @!p0 $0xF7A, s2;
	p2 =	seq.s32 @!p0 s5, $0x0  }
0x1f: {  	s9 =	smul.u32 $0xF7A, s1;
	s8 =	simm.s32 @!p0 $0x1BF5;
	p2 =	por !p2, p0  }
0x20: {  	[sflag:s8] =	ssyncset.s32 @!p0 $0xFFFFF086;
	s6 =	sadd.s32 @!p0 s3, s7;
	s7 =	simm.s32 @!p0 $0x108  }
0x21: {  	s3 =	sadd.s32 s3, s9;
	s6 =	sadd.s32 @!p0 $0x88, s6;
	s7 =	simm.s32 @p2 $0x1082  }
0x22: {  	[simem:s7], [sflag:s8] =	dma.local @!p0 [hbm:s6], $0xF7A  }
0x23: {  	s9 =	sor.u32 $0xD0000000, s2;
	s6 =	simm.s32 $0x108;
	_ =	swait.ge @!p0 [sflag:s8], $0x0  }
0x24: {  	s3 =	sadd.s32 $0x88, s3;
	s6 =	simm.s32 @!p1 $0x1082;
	[sflag:s4] =	ssyncset.s32 $0xFFFFF086  }
0x25: {  	[simem:s6], [sflag:s4] =	dma.local [hbm:s3], $0xF7A  }
0x26: {  	[smem:$0x3F9F] =	sst s1;
	(tag) =	ssettag s2;
	_ =	strace s9  }
0x27: {  	s1 =	sld [smem:$0x3FAF]  }
0x28: {  	s2 =	sld [smem:$0x3FB0]  }
0x29: {  	s4 =	sld [smem:$0x3FB2]  }
0x2a: {  	p0 =	seq.s32 s5, $0x0;
	s5 =	sld [smem:$0x3FB3]  }
0x2b: {  	s6 =	sld [smem:$0x3FB4]  }
0x2c: {  	s7 =	sld [smem:$0x3FB5]  }
0x2d: {  	s3 =	simm.s32 $0x108;
	s8 =	sld [smem:$0x3FB6]  }
0x2e: {  	s3 =	simm.s32 @!p0 $0x1082;
	s9 =	sld [smem:$0x3FB7]  }
0x2f: {  	lr =	sadd.s32 s0, s3;
	s0 =	sld [smem:$0x3FAE]  }
0x30: {  	s3 =	sld [smem:$0x3FB1]  }
0x31: {  	[smem:$0x3FBA] =	sst s10  }
0x32: {  	s10 =	sld [smem:$0x3FB8];
	_ =	sdelay $0x3  }
0x33: {  	p0 =	seq.s32 s10, $0x1;
	s10 =	sld [smem:$0x3FBA];
	_ =	sdelay $0x3  }
0x34: {  	[smem:$0x3FBA] =	sst s10  }
0x35: {  	s10 =	sld [smem:$0x3FB9];
	_ =	sdelay $0x3  }
0x36: {  	p1 =	seq.s32 s10, $0x1;
	s10 =	sld [smem:$0x3FBA];
	_ =	sdelay $0x3  }
0x37: {  	[smem:$0x3FBA] =	sst s10  }
0x38: {  	s10 =	sld [smem:$0x3FBB]  }
0x39: {  	_ = 	snop;
	(pc) =	sbr.ind lr, $3  }
0x3a: {  	_ = 	snop  }
0x3b: {  	_ = 	snop  }
0x3c: {  	p2 =	seq.s32 s10, $0x1;
	s10 =	sld [smem:$0x3FBA]  }
0x3d: {  	_ =	shalt  }
0x3e: {  	_ =	shalt  }
0x3f: {  	_ =	shalt  }
0x40: {  	_ =	shalt  }
0x41: {  	_ =	shalt  }
0x42: {  	_ =	shalt  }
0x43: {  	_ =	shalt  }
0x44: {  	_ =	shalt  }
0x45: {  	_ =	shalt  }
0x46: {  	_ =	shalt  }
0x47: {  	_ =	shalt  }
0x48: {  	_ =	shalt  }
0x49: {  	_ =	shalt  }
0x4a: {  	_ =	shalt  }
0x4b: {  	_ =	shalt  }
0x4c: {  	_ =	shalt  }
0x4d: {  	_ =	shalt  }
0x4e: {  	_ =	shalt  }
0x4f: {  	_ =	shalt  }
0x50: {  	_ =	shalt  }
0x51: {  	_ =	shalt  }
0x52: {  	_ =	shalt  }
0x53: {  	_ =	shalt  }
0x54: {  	_ =	shalt  }
0x55: {  	_ =	shalt  }
0x56: {  	_ =	shalt  }
0x57: {  	_ =	shalt  }
0x58: {  	_ =	shalt  }
0x59: {  	_ =	shalt  }
0x5a: {  	_ =	shalt  }
0x5b: {  	_ =	shalt  }
0x5c: {  	_ =	shalt  }
0x5d: {  	_ =	shalt  }
0x5e: {  	_ =	shalt  }
0x5f: {  	_ =	shalt  }
0x60: {  	_ =	shalt  }
0x61: {  	_ =	shalt  }
0x62: {  	_ =	shalt  }
0x63: {  	_ =	shalt  }
0x64: {  	_ =	shalt  }
0x65: {  	_ =	shalt  }
0x66: {  	_ =	shalt  }
0x67: {  	_ =	shalt  }
0x68: {  	_ =	shalt  }
0x69: {  	_ =	shalt  }
0x6a: {  	_ =	shalt  }
0x6b: {  	_ =	shalt  }
0x6c: {  	_ =	shalt  }
0x6d: {  	_ =	shalt  }
0x6e: {  	_ =	shalt  }
0x6f: {  	_ =	shalt  }
0x70: {  	_ =	shalt  }
0x71: {  	_ =	shalt  }
0x72: {  	_ =	shalt  }
0x73: {  	_ =	shalt  }
0x74: {  	_ =	shalt  }
0x75: {  	_ =	shalt  }
0x76: {  	_ =	shalt  }
0x77: {  	_ =	shalt  }
0x78: {  	_ =	shalt  }
0x79: {  	_ =	shalt  }
0x7a: {  	_ =	shalt  }
0x7b: {  	_ =	shalt  }
0x7c: {  	_ =	shalt  }
0x7d: {  	_ =	shalt  }
0x7e: {  	_ =	shalt  }
0x7f: {  	_ =	shalt  }
0x80: {  	_ =	shalt  }
0x81: {  	_ =	shalt  }
0x82: {  	_ =	shalt  }
0x83: {  	_ =	shalt  }
0x84: {  	_ =	shalt  }
0x85: {  	_ =	shalt  }
0x86: {  	_ =	shalt  }
0x87: {  	_ =	shalt  }
.Lfunc_end0:
.L_simem_size_0:
called_computation_lowered:
.L_overlay_start_0:
0x88: {  	s2 =	sld [smem:$0x3FD9]  }
0x89: {  	s3 =	sld [smem:$0x3FFE];
	_ =	sdelay $0x1  }
0x8a: {  	s1 =	srdreg.scid  }
0x8b: {  	s0 =	sand.u32 $0x1, s1  }
0x8c: {  	s16 =	sshll.u32 s0, $0xA;
	s2 =	sadd.s32 s3, s2  }
0x8d: {  	s2 =	sadd.s32 s2, s16  }
0x8e: {  	[smem:$0x3FC6] =	sst s2  }
0x8f: {  	_ = 	snop  }
0x90: {  	(tm) =	ssettm $0x1  }
0x91: {  	s17 =	sld [smem:$0x3FFB];
	_ =	sdelay $0x3  }
0x92: {  	_ =	strace s17  }
0x93: {  	s2 =	sld [smem:$0x3FFC];
	_ =	sdelay $0x3  }
0x94: {  	_ =	strace s2  }
0x95: {  	s2 =	sld [smem:$0x3FFD];
	_ =	sdelay $0x3  }
0x96: {  	_ =	strace s2  }
0x97: {  	_ =	strace $0x8FFFFFFF  }
0x98: {  	s18 =	sld [smem:$0x3FDB];
	_ =	sdelay $0x1  }
0x99: {  	s19 =	simm.s32 $_scs_section_size  }
0x9a: {  	s4 =	simm.s32 $_size__tile_overlayer_lowered;
	s5 =	simm.s32 $_tile_overlayer_lowered  }
0x9b: {  	s22 =	simm.s32 $0x1BFF;
	s21 =	sshll.u32 s5, $0x1;
	s2 =	sadd.s32 s19, s18  }
0x9c: {  	s6 =	simm.s32 $0x0;
	s20 =	sshll.u32 s4, $0x1;
	s4 =	sadd.s32 s21, s2  }
0x9d: {  	[timem:s6], [sflag:s22] =	dma.local [hbm:s4], s20  }
0x9e: {  	_ =	swait.ge [sflag:s22], s20  }
0x9f: {  	s3 =	ssub.s32 $0x0, s20;
	[sflag:s22] =	ssyncset.done $0x0  }
0xa0: {  	[sflag:s22] =	ssyncadd.s32 s3;
	_ =	sdelay $0x1  }
0xa1: {  	s23 =	simm.s32 $0x1B8B  }
0xa2: {  	_ =	swait.ge [sflag:s23], $0x1  }
0xa3: {  	[sflag:s23] =	ssyncset.done $0x0  }
0xa4: {  	s25 =	simm.s32 $0x1B8E;
	s24 =	sld [smem:$0x3FFE];
	[sflag:s23] =	ssyncadd.s32 $0xFFFFFFFF  }
0xa5: {  	s26 =	simm.s32 $execute0_lowered;
	[smem:$0x3FD2] =	sst s25  }
0xa6: {  	s4 =	sshll.u32 s26, $0x1;
	_ =	strace $0x80000046;
	[dreg:$0x1] =	wrdreg $0xFFFFFFFF  }
0xa7: {  	s28 =	simm.s32 $_size_execute0_lowered;
	s2 =	sadd.s32 s2, s4;
	[dreg:$0x0] =	wrdreg $0x0  }
0xa8: {  	s4 =	sshll.u32 s28, $0x1;
	[dreg:$0x2] =	wrdreg s2  }
0xa9: {  	[dreg:$0x3] =	wrdreg s4  }
0xaa: {  	[dreg:$0x4] =	wrdreg $0xC0  }
0xab: {  	_ =	task [dreg:s6], $0x5FFFF  }
0xac: {  	[dreg:$0x1] =	wrdreg $0xFFFFFFFF  }
0xad: {  	[dreg:$0x0] =	wrdreg $0x60  }
0xae: {  	[dreg:$0x2] =	wrdreg s24  }
0xaf: {  	[dreg:$0x3] =	wrdreg $0x9  }
0xb0: {  	_ =	task.clear_ibuf [dreg:s6], $0x4FFFF;
	_ =	strace $0x90000046  }
0xb1: {  	s29 =	simm.s32 $0x9;
	_ =	strace $0x80000048  }
0xb2: {  	_ =	swait.ge [sflag:s29], $0x1  }
0xb3: {  	[sflag:s29] =	ssyncadd.s32 $0xFFFFFFFF  }
0xb4: {  	_ =	strace $0x90000048  }
0xb5: {  	_ =	sfence  }
0xb6: {  	s30 =	sld [smem:$0x0];
	_ =	sdelay $0x2  }
0xb7: {  	s31 =	sshll.u32 s1, $0xD;
	s1 =	sshrl.u32 s1, $0x2  }
0xb8: {  	s3 =	sand.u32 $0x4000, s31;
	s1 =	sadd.s32 s1, s30  }
0xb9: {  	s0 =	sor.u32 s3, s0;
	s1 =	sshll.u32 s1, $0x11  }
0xba: {  	s0 =	sor.u32 s1, s0  }
0xbb: {  	s0 =	sadd.s32 $0x8F2B, s0  }
0xbc: {  	[sflag:s0] =	ssyncadd.remote.s32 $0x1  }
0xbd: {  	_ =	sfence.sel $0xFFFF  }
0xbe: {  	[dreg:$0x0] =	wrdreg $0xFFFFFFFF;
	(pc) =	sbr.abs _section_cstart, $3  }
0xbf: {  	[dreg:$0x1] =	wrdreg $0xFFFFFFFF  }
0xc0: {  	_ =	task.clear_ibuf [dreg:s6], $0x2FFFF;
	_ =	strace $0x9FFFFFFF  }
0xc1: {  	(tm) =	ssettm $0x7FFFFFFF  }
tec
execute0_lowered:
.L_overlay_start_1:
0x0: {  	(tag) =	ssettag $0x1  }
0x1: {  	s5 =	rddreg [dreg:$0x0];
	s1 =	simm.s32 $0x0  }
0x2: {  	[smem:$0x7FF] =	sst s1  }
0x3: {  	s0 =	rddreg [dreg:$0x1];
	v0 =	vimm.f32 $-1.000000020e+30;
	_ =	strace $0x80000047  }
0x4: {  	(xrf1) =	vsort.dscd.msk.f32 $0xffff, v0, v0;
	_ =	sdelay $0x7  }
0x5: {  	s3 =	srdreg.scid;
	s2 =	stileid.u32  }
0x6: {  	s10 =	simm.s32 $0x1;
	s11 =	simm.s32 $0x2;
	s12 =	simm.s32 $0x4000  }
0x7: {  	s13 =	simm.s32 $0x3;
	s14 =	simm.s32 $0x0;
	s6 =	sand.u32 $0x1, s3  }
0x8: {  	s4 =	sshll.u32 s2, $0x8;
	s7 =	sshll.u32 s6, $0x7;
	s6 =	ssub.s32 $0x2, s6  }
0x9: {  	s3 =	sadd.s32 $0xA00, s5;
	s4 =	sor.u32 s7, s4;
	s8 =	sshrl.u32 s6, $0x1  }
0xa: {  	s7 =	sshll.u32 s4, $0x4;
	s9 =	sshll.u32 s4, $0x7;
	s8 =	ssub.s32 s6, s8  }
0xb: {  	s6 =	sor.u32 $0x10, s4;
	s7 =	sadd.s32 s7, s5;
	s5 =	sadd.s32 s3, s9;
	v60, _, _ =	vpop (xrf1)  }
0xc: {  	vm0 =	vmmov $0xff;
	s8 =	smax.u32 s8, $0x1;
	s9 =	simm.s32 $0x2000;
	s7 =	sadd.s32 $0x80A00, s7;
	[tilespmem:$0x1FFF0] =	vst v60  }
.LBB2_1:
0xd: {  	[tilespmem:s1], [sflag:$0x1] =	stream.linear.gather [hbm4b:s5+s1], $0x2000, $0x38;
	[tilespmem:$0x8000] =	vst v63  }
0xe: {  	s15 =	simm.s32 $0x4040;
	s16 =	simm.s32 $0x4400;
	s17 =	simm.s32 $0x0  }
.LBB2_3:
0xf: {  	s18 =	sshll.u32 s17, $0x4  }
0x10: {  	s19 =	sadd.s32 s18, s4  }
0x11: {  	s19 =	sshll.u32 s19, $0x7  }
0x12: {  	s19 =	sadd.s32 s3, s19  }
0x13: {  	s20 =	sadd.s32 $0x400, s19;
	s19 =	simm.s32 $0x0  }
0x14: {  	[tilespmem:s9], [sflag:$0x2] =	stream.linear.gather [hbm4b:s20+s19], $0x2000, $0x38;
	[tilespmem:$0x8000] =	vst v63  }
0x15: {  	_ =	swait.ge [sflag:s10], $0x2000  }
0x16: {  	v0 =	vmov s15;
	[sflag:s10] =	ssyncset.done $0x0  }
0x17: {  	[tilespmem:$0x1FFE0] =	vst v0;
	[sflag:s10] =	ssyncadd.s32 $0xFFFFE000  }
.LBB2_4:
0x18: {  	s20 =	sshra.s32 s19, $0x2  }
0x19: {  	v0 =	vld [tilespmem:s20+$0x0]  }
0x1a: {  	v1 =	vld [tilespmem:s20+$0x10]  }
0x1b: {  	v2 =	vld [tilespmem:s20+$0x20]  }
0x1c: {  	v3 =	vld [tilespmem:s20+$0x30]  }
0x1d: {  	v4 =	vld [tilespmem:s20+$0x40]  }
0x1e: {  	v5 =	vld [tilespmem:s20+$0x50]  }
0x1f: {  	v6 =	vld [tilespmem:s20+$0x60];
	(xrf1) =	vsort.ascd.msk.f32 $0xffff, v0, v0  }
0x20: {  	v36 =	vld [tilespmem:s20+$0x70];
	(xrf1) =	vsort.dscd.msk.f32 $0xffff, v1, v1  }
0x21: {  	v37 =	vld [tilespmem:s20+$0x400];
	(xrf1) =	vsort.ascd.msk.f32 $0xffff, v2, v2  }
0x22: {  	v38 =	vld [tilespmem:s20+$0x410];
	(xrf1) =	vsort.dscd.msk.f32 $0xffff, v3, v3  }
0x23: {  	v39 =	vld [tilespmem:s20+$0x420];
	(xrf1) =	vsort.ascd.msk.f32 $0xffff, v4, v4  }
0x24: {  	v40 =	vld [tilespmem:s20+$0x430];
	(xrf1) =	vsort.dscd.msk.f32 $0xffff, v5, v5  }
0x25: {  	v41 =	vld [tilespmem:s20+$0x440];
	(xrf1) =	vsort.ascd.msk.f32 $0xffff, v6, v6  }
0x26: {  	v42 =	vld [tilespmem:s20+$0x450];
	(xrf1) =	vsort.dscd.msk.f32 $0xffff, v36, v36  }
0x27: {  	v43 =	vld [tilespmem:s20+$0x460];
	(xrf1) =	vsort.ascd.msk.f32 $0xffff, v37, v37  }
0x28: {  	v44 =	vld [tilespmem:s20+$0x470];
	(xrf1) =	vsort.dscd.msk.f32 $0xffff, v38, v38  }
0x29: {  	v7 =	vld [tilespmem:s20+$0x800];
	(xrf1) =	vsort.ascd.msk.f32 $0xffff, v39, v39  }
0x2a: {  	v8 =	vld [tilespmem:s20+$0x810];
	(xrf1) =	vsort.dscd.msk.f32 $0xffff, v40, v40  }
0x2b: {  	v45 =	vld [tilespmem:s20+$0x820];
	(xrf1) =	vsort.ascd.msk.f32 $0xffff, v41, v41  }
0x2c: {  	v46 =	vld [tilespmem:s20+$0x830];
	(xrf1) =	vsort.dscd.msk.f32 $0xffff, v42, v42  }
0x2d: {  	v47 =	vld [tilespmem:s20+$0x840];
	v2, _, _ =	vpop (xrf1);
	(xrf1) =	vsort.ascd.msk.f32 $0xffff, v43, v43  }
0x2e: {  	v48 =	vld [tilespmem:s20+$0x850];
	v3, _, _ =	vpop (xrf1);
	(xrf1) =	vsort.dscd.msk.f32 $0xffff, v44, v44  }
0x2f: {  	v49 =	vld [tilespmem:s20+$0x860];
	v52, _, _ =	vpop (xrf1);
	(xrf1) =	vsort.ascd.msk.f32 $0xffff, v7, v7  }
0x30: {  	v50 =	vld [tilespmem:s20+$0x870];
	v58, _, _ =	vpop (xrf1);
	(xrf1) =	vsort.dscd.msk.f32 $0xffff, v8, v8  }
0x31: {  	v57 =	vld [tilespmem:s20+$0xC00];
	v53, _, _ =	vpop (xrf1);
	(xrf1) =	vsort.ascd.msk.f32 $0xffff, v45, v45  }
0x32: {  	v59 =	vld [tilespmem:s20+$0xC10];
	v14, _, _ =	vpop (xrf1);
	(xrf1) =	vsort.dscd.msk.f32 $0xffff, v46, v46  }
0x33: {  	v60 =	vld [tilespmem:s20+$0xC20];
	v13, _, _ =	vpop (xrf1);
	(xrf1) =	vsort.ascd.msk.f32 $0xffff, v47, v47  }
0x34: {  	v61 =	vld [tilespmem:s20+$0xC30];
	v17, _, _ =	vpop (xrf1);
	(xrf1) =	vsort.dscd.msk.f32 $0xffff, v48, v48  }
0x35: {  	v62 =	vld [tilespmem:s20+$0xC40];
	v15, _, _ =	vpop (xrf1);
	(xrf1) =	vsort.ascd.msk.f32 $0xffff, v49, v49  }
0x36: {  	v63 =	vld [tilespmem:s20+$0xC50];
	v22, _, _ =	vpop (xrf1);
	(xrf1) =	vsort.dscd.msk.f32 $0xffff, v50, v50  }
0x37: {  	v12 =	vld [tilespmem:s20+$0xC60];
	v19, _, _ =	vpop (xrf1);
	(xrf1) =	vsort.ascd.msk.f32 $0xffff, v57, v57  }
0x38: {  	v16 =	vld [tilespmem:s20+$0xC70];
	v25, _, _ =	vpop (xrf1);
	(xrf1) =	vsort.dscd.msk.f32 $0xffff, v59, v59  }
0x39: {  	v18 =	vld [tilespmem:s20+$0x1000];
	v23, _, _ =	vpop (xrf1);
	(xrf1) =	vsort.ascd.msk.f32 $0xffff, v60, v60  }
0x3a: {  	v54 =	vld [tilespmem:s20+$0x1050];
	v27, _, _ =	vpop (xrf1);
	(xrf1) =	vsort.dscd.msk.f32 $0xffff, v61, v61  }
0x3b: {  	v40 =	vld [tilespmem:s20+$0x1010];
	v26, _, _ =	vpop (xrf1);
	(xrf1) =	vsort.ascd.msk.f32 $0xffff, v62, v62  }
0x3c: {  	v41 =	vld [tilespmem:s20+$0x1020];
	v38, _, _ =	vpop (xrf1);
	(xrf1) =	vsort.dscd.msk.f32 $0xffff, v63, v63  }
0x3d: {  	v42 =	vld [tilespmem:s20+$0x1030];
	v31, _, _ =	vpop (xrf1);
	(xrf1) =	vsort.ascd.msk.f32 $0xffff, v12, v12  }
0x3e: {  	v43 =	vld [tilespmem:s20+$0x1040];
	v47, _, _ =	vpop (xrf1);
	(xrf1) =	vsort.dscd.msk.f32 $0xffff, v16, v16  }
0x3f: {  	v55 =	vld [tilespmem:s20+$0x1060];
	v32, _, _ =	vpop (xrf1);
	(xrf1) =	vsort.ascd.msk.f32 $0xffff, v18, v18  }
0x40: {  	v56 =	vld [tilespmem:s20+$0x1070];
	v48, _, _ =	vpop (xrf1);
	(xrf1) =	vsort.dscd.msk.f32 $0xffff, v40, v40  }
0x41: {  	v20 =	vld [tilespmem:s20+$0x1450];
	v33, _, _ =	vpop (xrf1);
	(xrf1) =	vsort.ascd.msk.f32 $0xffff, v41, v41  }
0x42: {  	v57 =	vld [tilespmem:s20+$0x1400];
	v49, _, _ =	vpop (xrf1);
	(xrf1) =	vsort.dscd.msk.f32 $0xffff, v42, v42  }
0x43: {  	v59 =	vld [tilespmem:s20+$0x1410];
	v34, _, _ =	vpop (xrf1);
	(xrf1) =	vsort.ascd.msk.f32 $0xffff, v43, v43  }
0x44: {  	v12 =	vld [tilespmem:s20+$0x1420];
	v50, _, _ =	vpop (xrf1);
	(xrf1) =	vsort.dscd.msk.f32 $0xffff, v54, v54  }
0x45: {  	v16 =	vld [tilespmem:s20+$0x1430];
	v35, _, _ =	vpop (xrf1);
	(xrf1) =	vsort.ascd.msk.f32 $0xffff, v55, v55  }
0x46: {  	v18 =	vld [tilespmem:s20+$0x1440];
	v51, _, _ =	vpop (xrf1);
	(xrf1) =	vsort.dscd.msk.f32 $0xffff, v56, v56  }
0x47: {  	v21 =	vld [tilespmem:s20+$0x1460];
	v41, _, _ =	vpop (xrf1);
	(xrf1) =	vsort.ascd.msk.f32 $0xffff, v57, v57  }
0x48: {  	v24 =	vld [tilespmem:s20+$0x1470];
	v61, _, _ =	vpop (xrf1);
	(xrf1) =	vsort.dscd.msk.f32 $0xffff, v59, v59  }
0x49: {  	v28 =	vld [tilespmem:s20+$0x1800];
	v42, _, _ =	vpop (xrf1);
	(xrf1) =	vsort.ascd.msk.f32 $0xffff, v12, v12  }
0x4a: {  	v9 =	vld [tilespmem:s20+$0x1810];
	v62, _, _ =	vpop (xrf1);
	(xrf1) =	vsort.dscd.msk.f32 $0xffff, v16, v16  }
0x4b: {  	v10 =	vld [tilespmem:s20+$0x1820];
	v43, _, _ =	vpop (xrf1);
	(xrf1) =	vsort.ascd.msk.f32 $0xffff, v18, v18  }
0x4c: {  	v29 =	vld [tilespmem:s20+$0x1830];
	v63, _, _ =	vpop (xrf1);
	(xrf1) =	vsort.dscd.msk.f32 $0xffff, v20, v20  }
0x4d: {  	v30 =	vld [tilespmem:s20+$0x1840];
	v44, _, _ =	vpop (xrf1);
	(xrf1) =	vsort.ascd.msk.f32 $0xffff, v21, v21  }
0x4e: {  	v36 =	vld [tilespmem:s20+$0x1850];
	v0, _, _ =	vpop (xrf1);
	(xrf1) =	vsort.dscd.msk.f32 $0xffff, v24, v24  }
0x4f: {  	v37 =	vld [tilespmem:s20+$0x1860];
	v45, _, _ =	vpop (xrf1);
	(xrf1) =	vsort.ascd.msk.f32 $0xffff, v28, v28  }
0x50: {  	v39 =	vld [tilespmem:s20+$0x1C00];
	v1, _, _ =	vpop (xrf1);
	(xrf1) =	vsort.dscd.msk.f32 $0xffff, v9, v9  }
0x51: {  	v12 =	vld [tilespmem:s20+$0x1870];
	v46, _, _ =	vpop (xrf1);
	(xrf1) =	vsort.ascd.msk.f32 $0xffff, v10, v10  }
0x52: {  	v40 =	vld [tilespmem:s20+$0x1C20];
	v6, _, _ =	vpop (xrf1);
	(xrf1) =	vsort.dscd.msk.f32 $0xffff, v29, v29  }
0x53: {  	v16 =	vld [tilespmem:s20+$0x1C10];
	v54, _, _ =	vpop (xrf1);
	(xrf1) =	vsort.ascd.msk.f32 $0xffff, v30, v30  }
0x54: {  	v18 =	vld [tilespmem:s20+$0x1C30];
	v10, _, _ =	vpop (xrf1);
	(xrf1) =	vsort.dscd.msk.f32 $0xffff, v36, v36  }
0x55: {  	v20 =	vld [tilespmem:s20+$0x1C40];
	v55, _, _ =	vpop (xrf1);
	(xrf1) =	vsort.ascd.msk.f32 $0xffff, v37, v37  }
0x56: {  	v21 =	vld [tilespmem:s20+$0x1C50];
	v11, _, _ =	vpop (xrf1);
	(xrf1) =	vsort.dscd.msk.f32 $0xffff, v12, v12  }
0x57: {  	v24 =	vld [tilespmem:s20+$0x1C58];
	v56, _, _ =	vpop (xrf1);
	(xrf1) =	vsort.ascd.msk.f32 $0xffff, v39, v39  }
0x58: {  	v60, _, _ =	vpop (xrf1);
	(xrf1) =	vsort.dscd.msk.f32 $0xffff, v16, v16  }
0x59: {  	v37, _, _ =	vpop (xrf1);
	(xrf1) =	vsort.ascd.msk.f32 $0xffff, v40, v40  }
0x5a: {  	v57, _, _ =	vpop (xrf1);
	(xrf1) =	vsort.dscd.msk.f32 $0xffff, v18, v18  }
0x5b: {  	v30, _, _ =	vpop (xrf1);
	(xrf1) =	vsort.ascd.msk.f32 $0xffff, v20, v20  }
0x5c: {  	v28 =	vsel vm0, $0xF149F2CA, v24;
	v40, _, _ =	vpop (xrf1);
	(xrf1) =	vsort.dscd.msk.f32 $0xffff, v21, v21  }
0x5d: {  	v29 =	vmin.f32 v2, v3;
	v24, _, _ =	vpop (xrf1);
	(xrf1) =	vsort.ascd.msk.f32 $0xffff, v28, v28  }
0x5e: {  	v2 =	vmax.f32 v2, v3;
	v39, _, _ =	vpop (xrf1);
	(xrf1) =	vsort.ascd.msk.f32 $0xffff, v29, v29  }
0x5f: {  	v28, _, _ =	vpop (xrf1);
	(xrf1) =	vsort.ascd.msk.f32 $0xffff, v2, v2  }
0x60: {  	v36, _, _ =	vpop (xrf1)  }
0x61: {  	v21, _, _ =	vpop (xrf1)  }
0x62: {  	v29, _, _ =	vpop (xrf1)  }
0x63: {  	v16, _, _ =	vpop (xrf1)  }
0x64: {  	v18, _, _ =	vpop (xrf1)  }
0x65: {  	v12, _, _ =	vpop (xrf1)  }
0x66: {  	v20, _, _ =	vpop (xrf1)  }
0x67: {  	v7, _, _ =	vpop (xrf1)  }
0x68: {  	v8, _, _ =	vpop (xrf1)  }
0x69: {  	v5, _, _ =	vpop (xrf1)  }
0x6a: {  	v9, _, _ =	vpop (xrf1)  }
0x6b: {  	v59 =	vmax.f32 v52, v58;
	v2, _, _ =	vpop (xrf1)  }
0x6c: {  	v52 =	vmin.f32 v52, v58;
	(xrf1) =	vsort.dscd.msk.f32 $0xffff, v59, v59;
	v4, _, _ =	vpop (xrf1)  }
0x6d: {  	v59 =	vmin.f32 v53, v14;
	(xrf1) =	vsort.dscd.msk.f32 $0xffff, v52, v52;
	v3, _, _ =	vpop (xrf1)  }
0x6e: {  	v14 =	vmax.f32 v53, v14;
	(xrf1) =	vsort.ascd.msk.f32 $0xffff, v59, v59  }
0x6f: {  	v53 =	vmax.f32 v13, v17;
	(xrf1) =	vsort.ascd.msk.f32 $0xffff, v14, v14  }
0x70: {  	v13 =	vmin.f32 v13, v17;
	(xrf1) =	vsort.dscd.msk.f32 $0xffff, v53, v53  }
0x71: {  	v58 =	vmin.f32 v15, v22;
	(xrf1) =	vsort.dscd.msk.f32 $0xffff, v13, v13  }
0x72: {  	v59 =	vmax.f32 v15, v22;
	(xrf1) =	vsort.ascd.msk.f32 $0xffff, v58, v58  }
0x73: {  	v17 =	vmax.f32 v19, v25;
	(xrf1) =	vsort.ascd.msk.f32 $0xffff, v59, v59  }
0x74: {  	v19 =	vmin.f32 v19, v25;
	(xrf1) =	vsort.dscd.msk.f32 $0xffff, v17, v17  }
0x75: {  	v22 =	vmin.f32 v23, v27;
	(xrf1) =	vsort.dscd.msk.f32 $0xffff, v19, v19  }
0x76: {  	v23 =	vmax.f32 v23, v27;
	(xrf1) =	vsort.ascd.msk.f32 $0xffff, v22, v22  }
0x77: {  	v25 =	vmax.f32 v26, v38;
	(xrf1) =	vsort.ascd.msk.f32 $0xffff, v23, v23  }
0x78: {  	v26 =	vmin.f32 v26, v38;
	(xrf1) =	vsort.dscd.msk.f32 $0xffff, v25, v25  }
0x79: {  	v27 =	vmin.f32 v31, v47;
	(xrf1) =	vsort.dscd.msk.f32 $0xffff, v26, v26  }
0x7a: {  	v38 =	vmax.f32 v31, v47;
	(xrf1) =	vsort.ascd.msk.f32 $0xffff, v27, v27  }
0x7b: {  	v47 =	vmax.f32 v32, v48;
	v58, _, _ =	vpop (xrf1);
	(xrf1) =	vsort.ascd.msk.f32 $0xffff, v38, v38  }
0x7c: {  	v52 =	vmin.f32 v32, v48;
	v59, _, _ =	vpop (xrf1);
	(xrf1) =	vsort.dscd.msk.f32 $0xffff, v47, v47  }
0x7d: {  	v53 =	vmin.f32 v33, v49;
	v23, _, _ =	vpop (xrf1);
	(xrf1) =	vsort.dscd.msk.f32 $0xffff, v52, v52  }
0x7e: {  	v17 =	vmax.f32 v33, v49;
	v31, _, _ =	vpop (xrf1);
	(xrf1) =	vsort.ascd.msk.f32 $0xffff, v53, v53  }
0x7f: {  	v19 =	vmax.f32 v34, v50;
	v38, _, _ =	vpop (xrf1);
	(xrf1) =	vsort.ascd.msk.f32 $0xffff, v17, v17  }
0x80: {  	v22 =	vmin.f32 v34, v50;
	v53, _, _ =	vpop (xrf1);
	(xrf1) =	vsort.dscd.msk.f32 $0xffff, v19, v19  }
0x81: {  	v27 =	vmin.f32 v35, v51;
	v25, _, _ =	vpop (xrf1);
	(xrf1) =	vsort.dscd.msk.f32 $0xffff, v22, v22  }
0x82: {  	v47 =	vmax.f32 v35, v51;
	v32, _, _ =	vpop (xrf1);
	(xrf1) =	vsort.ascd.msk.f32 $0xffff, v27, v27  }
0x83: {  	v48 =	vmax.f32 v41, v61;
	v50, _, _ =	vpop (xrf1);
	(xrf1) =	vsort.ascd.msk.f32 $0xffff, v47, v47  }
0x84: {  	v49 =	vmin.f32 v41, v61;
	v52, _, _ =	vpop (xrf1);
	(xrf1) =	vsort.dscd.msk.f32 $0xffff, v48, v48  }
0x85: {  	v51 =	vmin.f32 v42, v62;
	v13, _, _ =	vpop (xrf1);
	(xrf1) =	vsort.dscd.msk.f32 $0xffff, v49, v49  }
0x86: {  	v61 =	vmax.f32 v42, v62;
	v26, _, _ =	vpop (xrf1);
	(xrf1) =	vsort.ascd.msk.f32 $0xffff, v51, v51  }
0x87: {  	v62 =	vmax.f32 v43, v63;
	v33, _, _ =	vpop (xrf1);
	(xrf1) =	vsort.ascd.msk.f32 $0xffff, v61, v61  }
0x88: {  	v63 =	vmin.f32 v43, v63;
	v51, _, _ =	vpop (xrf1);
	(xrf1) =	vsort.dscd.msk.f32 $0xffff, v62, v62  }
0x89: {  	v19 =	vmin.f32 v44, v0;
	v27, _, _ =	vpop (xrf1);
	(xrf1) =	vsort.dscd.msk.f32 $0xffff, v63, v63  }
0x8a: {  	v0 =	vmax.f32 v44, v0;
	v34, _, _ =	vpop (xrf1);
	(xrf1) =	vsort.ascd.msk.f32 $0xffff, v19, v19  }
0x8b: {  	v22 =	vmax.f32 v45, v1;
	v35, _, _ =	vpop (xrf1);
	(xrf1) =	vsort.ascd.msk.f32 $0xffff, v0, v0  }
0x8c: {  	v1 =	vmin.f32 v45, v1;
	v49, _, _ =	vpop (xrf1);
	(xrf1) =	vsort.dscd.msk.f32 $0xffff, v22, v22  }
0x8d: {  	v41 =	vmin.f32 v46, v6;
	v14, _, _ =	vpop (xrf1);
	(xrf1) =	vsort.dscd.msk.f32 $0xffff, v1, v1  }
0x8e: {  	v42 =	vmax.f32 v46, v6;
	v44, _, _ =	vpop (xrf1);
	(xrf1) =	vsort.ascd.msk.f32 $0xffff, v41, v41  }
0x8f: {  	v43 =	vmax.f32 v54, v10;
	v47, _, _ =	vpop (xrf1);
	(xrf1) =	vsort.ascd.msk.f32 $0xffff, v42, v42  }
0x90: {  	v45 =	vmin.f32 v54, v10;
	v48, _, _ =	vpop (xrf1);
	(xrf1) =	vsort.dscd.msk.f32 $0xffff, v43, v43  }
0x91: {  	v46 =	vmin.f32 v55, v11;
	v10, _, _ =	vpop (xrf1);
	(xrf1) =	vsort.dscd.msk.f32 $0xffff, v45, v45  }
0x92: {  	v54 =	vmax.f32 v55, v11;
	v0, _, _ =	vpop (xrf1);
	(xrf1) =	vsort.ascd.msk.f32 $0xffff, v46, v46  }
0x93: {  	v55 =	vmax.f32 v56, v60;
	v45, _, _ =	vpop (xrf1);
	(xrf1) =	vsort.ascd.msk.f32 $0xffff, v54, v54  }
0x94: {  	v56 =	vmin.f32 v56, v60;
	v46, _, _ =	vpop (xrf1);
	(xrf1) =	vsort.dscd.msk.f32 $0xffff, v55, v55  }
0x95: {  	v15 =	vmin.f32 v37, v57;
	v6, _, _ =	vpop (xrf1);
	(xrf1) =	vsort.dscd.msk.f32 $0xffff, v56, v56  }
0x96: {  	v17 =	vmax.f32 v37, v57;
	v19, _, _ =	vpop (xrf1);
	(xrf1) =	vsort.ascd.msk.f32 $0xffff, v15, v15  }
0x97: {  	v22 =	vmax.f32 v30, v40;
	v42, _, _ =	vpop (xrf1);
	(xrf1) =	vsort.ascd.msk.f32 $0xffff, v17, v17  }
0x98: {  	v37 =	vmin.f32 v30, v40;
	v43, _, _ =	vpop (xrf1);
	(xrf1) =	vsort.dscd.msk.f32 $0xffff, v22, v22  }
0x99: {  	v40 =	vmin.f32 v24, v39;
	v41 =	vmax.f32 v24, v39;
	v15, _, _ =	vpop (xrf1);
	(xrf1) =	vsort.dscd.msk.f32 $0xffff, v37, v37  }
0x9a: {  	v17, _, _ =	vpop (xrf1);
	(xrf1) =	vsort.ascd.msk.f32 $0xffff, v40, v40  }
0x9b: {  	v54 =	vmax.f32 v28, v36;
	v22, _, _ =	vpop (xrf1);
	(xrf1) =	vsort.ascd.msk.f32 $0xffff, v41, v41  }
0x9c: {  	v55 =	vmin.f32 v28, v36;
	v41, _, _ =	vpop (xrf1);
	(xrf1) =	vsort.dscd.msk.f32 $0xffff, v54, v54  }
0x9d: {  	v57 =	vmax.f32 v21, v29;
	v60 =	vld [tilespmem:$0x1FFF0];
	v56 =	vmin.f32 v21, v29;
	v24, _, _ =	vpop (xrf1);
	(xrf1) =	vsort.dscd.msk.f32 $0xffff, v55, v55  }
0x9e: {  	v61 =	vmax.f32 v16, v18;
	v62 =	vmin.f32 v16, v18;
	v28, _, _ =	vpop (xrf1);
	(xrf1) =	vsort.ascd.msk.f32 $0xffff, v56, v56  }
0x9f: {  	v63 =	vmin.f32 v12, v20;
	v36 =	vmax.f32 v7, v8;
	v39, _, _ =	vpop (xrf1);
	(xrf1) =	vsort.ascd.msk.f32 $0xffff, v57, v57  }
0xa0: {  	v8 =	vmin.f32 v7, v8;
	v21 =	vmax.f32 v12, v20;
	v40, _, _ =	vpop (xrf1);
	(xrf1) =	vsort.dscd.msk.f32 $0xffff, v61, v61  }
0xa1: {  	v37 =	vmin.f32 v5, v9;
	v5 =	vmax.f32 v5, v9;
	v16, _, _ =	vpop (xrf1);
	(xrf1) =	vsort.dscd.msk.f32 $0xffff, v62, v62  }
0xa2: {  	v54 =	vmin.f32 v2, v60;
	v2 =	vmax.f32 v2, v60;
	v18, _, _ =	vpop (xrf1);
	(xrf1) =	vsort.ascd.msk.f32 $0xffff, v63, v63  }
0xa3: {  	v55 =	vmin.f32 v4, v58;
	v56 =	vmin.f32 v3, v59;
	v29, _, _ =	vpop (xrf1);
	(xrf1) =	vsort.ascd.msk.f32 $0xffff, v21, v21  }
0xa4: {  	v3 =	vmax.f32 v3, v59;
	v59 =	vmax.f32 v32, v52;
	v30, _, _ =	vpop (xrf1);
	(xrf1) =	vsort.dscd.msk.f32 $0xffff, v36, v36  }
0xa5: {  	v57 =	vmax.f32 v4, v58;
	v58 =	vmin.f32 v55, v56;
	v7, _, _ =	vpop (xrf1);
	(xrf1) =	vsort.dscd.msk.f32 $0xffff, v8, v8  }
0xa6: {  	v60 =	vmin.f32 v57, v3;
	v1 =	vmax.f32 v57, v3;
	v8, _, _ =	vpop (xrf1);
	(xrf1) =	vsort.ascd.msk.f32 $0xffff, v37, v37  }
0xa7: {  	v61 =	vmax.f32 v23, v38;
	v57 =	vmax.f32 v25, v50;
	v20, _, _ =	vpop (xrf1);
	(xrf1) =	vsort.ascd.msk.f32 $0xffff, v5, v5  }
0xa8: {  	v62 =	vmax.f32 v31, v53;
	v53 =	vmin.f32 v31, v53;
	v36, _, _ =	vpop (xrf1);
	(xrf1) =	vsort.dscd.msk.f32 $0xffff, v2, v2  }
0xa9: {  	v63 =	vmin.f32 v23, v38;
	v38 =	vmax.f32 v61, v62;
	v2, _, _ =	vpop (xrf1);
	(xrf1) =	vsort.dscd.msk.f32 $0xffff, v54, v54  }
0xaa: {  	v4 =	vmin.f32 v61, v62;
	v5 =	vmax.f32 v55, v56;
	v12, _, _ =	vpop (xrf1);
	(xrf1) =	vsort.ascd.msk.f32 $0xffff, v58, v58  }
0xab: {  	v61 =	vmax.f32 v13, v33;
	v62 =	vmax.f32 v26, v51;
	v21, _, _ =	vpop (xrf1);
	(xrf1) =	vsort.ascd.msk.f32 $0xffff, v5, v5  }
0xac: {  	v51 =	vmin.f32 v26, v51;
	v55 =	vmin.f32 v25, v50;
	v37, _, _ =	vpop (xrf1);
	(xrf1) =	vsort.ascd.msk.f32 $0xffff, v60, v60  }
0xad: {  	v56 =	vmin.f32 v32, v52;
	v54 =	vmax.f32 v63, v53;
	v3, _, _ =	vpop (xrf1);
	(xrf1) =	vsort.ascd.msk.f32 $0xffff, v1, v1  }
0xae: {  	v58 =	vmin.f32 v55, v56;
	v60 =	vmin.f32 v57, v59;
	v23, _, _ =	vpop (xrf1);
	(xrf1) =	vsort.dscd.msk.f32 $0xffff, v38, v38  }
0xaf: {  	v1 =	vmin.f32 v63, v53;
	v63 =	vmin.f32 v13, v33;
	v31, _, _ =	vpop (xrf1);
	(xrf1) =	vsort.dscd.msk.f32 $0xffff, v4, v4  }
0xb0: {  	v53 =	vmin.f32 v10, v45;
	v38, _, _ =	vpop (xrf1);
	v4 =	vmax.f32 v55, v56;
	(xrf1) =	vsort.dscd.msk.f32 $0xffff, v54, v54  }
0xb1: {  	v55 =	vmax.f32 v63, v51;
	v56 =	vmin.f32 v27, v35;
	v5, _, _ =	vpop (xrf1);
	(xrf1) =	vsort.dscd.msk.f32 $0xffff, v1, v1  }
0xb2: {  	v54 =	vmax.f32 v61, v62;
	v25, _, _ =	vpop (xrf1);
	v1 =	vmax.f32 v57, v59;
	(xrf1) =	vsort.ascd.msk.f32 $0xffff, v58, v58  }
0xb3: {  	v57 =	vmin.f32 v34, v49;
	v49 =	vmax.f32 v34, v49;
	v32, _, _ =	vpop (xrf1);
	(xrf1) =	vsort.ascd.msk.f32 $0xffff, v4, v4  }
0xb4: {  	v58 =	vmax.f32 v27, v35;
	v59 =	vmin.f32 v56, v57;
	v50, _, _ =	vpop (xrf1);
	(xrf1) =	vsort.ascd.msk.f32 $0xffff, v60, v60  }
0xb5: {  	v4 =	vmin.f32 v61, v62;
	v61 =	vmax.f32 v14, v47;
	v9, _, _ =	vpop (xrf1);
	(xrf1) =	vsort.ascd.msk.f32 $0xffff, v1, v1  }
0xb6: {  	v62 =	vmax.f32 v44, v48;
	v44 =	vmin.f32 v44, v48;
	v26, _, _ =	vpop (xrf1);
	(xrf1) =	vsort.dscd.msk.f32 $0xffff, v54, v54  }
0xb7: {  	v48 =	vmin.f32 v17, v41;
	v41 =	vmax.f32 v17, v41;
	v33, _, _ =	vpop (xrf1);
	(xrf1) =	vsort.dscd.msk.f32 $0xffff, v4, v4  }
0xb8: {  	v60 =	vmin.f32 v58, v49;
	v1 =	vmin.f32 v63, v51;
	v51, _, _ =	vpop (xrf1);
	(xrf1) =	vsort.dscd.msk.f32 $0xffff, v55, v55  }
0xb9: {  	v63 =	vmin.f32 v14, v47;
	v47 =	vmin.f32 v15, v22;
	v13, _, _ =	vpop (xrf1);
	(xrf1) =	vsort.dscd.msk.f32 $0xffff, v1, v1  }
0xba: {  	v52 =	vmax.f32 v63, v44;
	v4 =	vmax.f32 v56, v57;
	v27, _, _ =	vpop (xrf1);
	(xrf1) =	vsort.ascd.msk.f32 $0xffff, v59, v59  }
0xbb: {  	v54 =	vmin.f32 v0, v46;
	v0 =	vmax.f32 v0, v46;
	v34, _, _ =	vpop (xrf1);
	(xrf1) =	vsort.ascd.msk.f32 $0xffff, v4, v4  }
0xbc: {  	v14 =	vmax.f32 v53, v54;
	v1 =	vmax.f32 v58, v49;
	v35, _, _ =	vpop (xrf1);
	(xrf1) =	vsort.ascd.msk.f32 $0xffff, v60, v60  }
0xbd: {  	v55 =	vmax.f32 v10, v45;
	v49 =	vmax.f32 v61, v62;
	v56, _, _ =	vpop (xrf1);
	(xrf1) =	vsort.ascd.msk.f32 $0xffff, v1, v1  }
0xbe: {  	v4 =	vmin.f32 v61, v62;
	v61 =	vmin.f32 v55, v0;
	v57, _, _ =	vpop (xrf1);
	(xrf1) =	vsort.dscd.msk.f32 $0xffff, v49, v49  }
0xbf: {  	v0 =	vmax.f32 v55, v0;
	v62 =	vmax.f32 v6, v42;
	v58, _, _ =	vpop (xrf1);
	(xrf1) =	vsort.dscd.msk.f32 $0xffff, v4, v4  }
0xc0: {  	v42 =	vmin.f32 v6, v42;
	v1 =	vmin.f32 v63, v44;
	v59, _, _ =	vpop (xrf1);
	(xrf1) =	vsort.dscd.msk.f32 $0xffff, v52, v52  }
0xc1: {  	v60 =	vmin.f32 v53, v54;
	v63 =	vmax.f32 v19, v43;
	v4, _, _ =	vpop (xrf1);
	(xrf1) =	vsort.dscd.msk.f32 $0xffff, v1, v1  }
0xc2: {  	v19 =	vmin.f32 v19, v43;
	v44 =	vmin.f32 v24, v39;
	v10, _, _ =	vpop (xrf1);
	(xrf1) =	vsort.ascd.msk.f32 $0xffff, v60, v60  }
0xc3: {  	v43 =	vmin.f32 v2, v21;
	v45 =	vmax.f32 v62, v63;
	v11, _, _ =	vpop (xrf1);
	(xrf1) =	vsort.ascd.msk.f32 $0xffff, v14, v14  }
0xc4: {  	v46 =	vmax.f32 v42, v19;
	v49 =	vmax.f32 v15, v22;
	v14, _, _ =	vpop (xrf1);
	(xrf1) =	vsort.ascd.msk.f32 $0xffff, v61, v61  }
0xc5: {  	v1 =	vmin.f32 v62, v63;
	v62 =	vmax.f32 v24, v39;
	v52, _, _ =	vpop (xrf1);
	(xrf1) =	vsort.ascd.msk.f32 $0xffff, v0, v0  }
0xc6: {  	v63 =	vmax.f32 v28, v40;
	v40 =	vmin.f32 v28, v40;
	v53, _, _ =	vpop (xrf1);
	(xrf1) =	vsort.dscd.msk.f32 $0xffff, v45, v45  }
0xc7: {  	v60 =	vmin.f32 v47, v48;
	v61 =	vmin.f32 v49, v41;
	v54, _, _ =	vpop (xrf1);
	(xrf1) =	vsort.dscd.msk.f32 $0xffff, v1, v1  }
0xc8: {  	v0 =	vmin.f32 v42, v19;
	v45 =	vmax.f32 v62, v63;
	v55, _, _ =	vpop (xrf1);
	(xrf1) =	vsort.dscd.msk.f32 $0xffff, v46, v46  }
0xc9: {  	v1 =	vmax.f32 v47, v48;
	v47 =	vmin.f32 v16, v29;
	v6, _, _ =	vpop (xrf1);
	(xrf1) =	vsort.dscd.msk.f32 $0xffff, v0, v0  }
0xca: {  	v48 =	vmin.f32 v18, v30;
	v18 =	vmax.f32 v18, v30;
	v15, _, _ =	vpop (xrf1);
	(xrf1) =	vsort.ascd.msk.f32 $0xffff, v60, v60  }
0xcb: {  	v46 =	vmax.f32 v44, v40;
	v0 =	vmax.f32 v49, v41;
	v17, _, _ =	vpop (xrf1);
	(xrf1) =	vsort.ascd.msk.f32 $0xffff, v1, v1  }
0xcc: {  	v49 =	vmax.f32 v16, v29;
	v60 =	vmin.f32 v47, v48;
	v19, _, _ =	vpop (xrf1);
	(xrf1) =	vsort.ascd.msk.f32 $0xffff, v61, v61  }
0xcd: {  	v1 =	vmin.f32 v62, v63;
	v62 =	vmax.f32 v7, v20;
	v22, _, _ =	vpop (xrf1);
	(xrf1) =	vsort.ascd.msk.f32 $0xffff, v0, v0  }
0xce: {  	v63 =	vmax.f32 v8, v36;
	v8 =	vmin.f32 v8, v36;
	v28, _, _ =	vpop (xrf1);
	(xrf1) =	vsort.dscd.msk.f32 $0xffff, v45, v45  }
0xcf: {  	v36 =	vmin.f32 v3, v31;
	v61 =	vmin.f32 v49, v18;
	v39, _, _ =	vpop (xrf1);
	(xrf1) =	vsort.dscd.msk.f32 $0xffff, v1, v1  }
0xd0: {  	v0 =	vmin.f32 v44, v40;
	v44 =	vmin.f32 v12, v37;
	v41, _, _ =	vpop (xrf1);
	(xrf1) =	vsort.dscd.msk.f32 $0xffff, v46, v46  }
0xd1: {  	v45 =	vmax.f32 v2, v21;
	v1 =	vmax.f32 v47, v48;
	v24, _, _ =	vpop (xrf1);
	(xrf1) =	vsort.dscd.msk.f32 $0xffff, v0, v0  }
0xd2: {  	v29, _, _ =	vpop (xrf1);
	v0 =	vmax.f32 v49, v18;
	v18 =	vmin.f32 v7, v20;
	(xrf1) =	vsort.ascd.msk.f32 $0xffff, v60, v60  }
0xd3: {  	v20 =	vmax.f32 v62, v63;
	v30, _, _ =	vpop (xrf1);
	v42 =	vmax.f32 v18, v8;
	(xrf1) =	vsort.ascd.msk.f32 $0xffff, v1, v1  }
0xd4: {  	v60 =	vmin.f32 v43, v44;
	v40, _, _ =	vpop (xrf1);
	v1 =	vmin.f32 v62, v63;
	(xrf1) =	vsort.ascd.msk.f32 $0xffff, v61, v61  }
0xd5: {  	v63 =	vmax.f32 v3, v31;
	v31 =	vmax.f32 v25, v50;
	v46, _, _ =	vpop (xrf1);
	(xrf1) =	vsort.ascd.msk.f32 $0xffff, v0, v0  }
0xd6: {  	v61 =	vmax.f32 v12, v37;
	v12 =	vmax.f32 v23, v38;
	v47, _, _ =	vpop (xrf1);
	(xrf1) =	vsort.dscd.msk.f32 $0xffff, v20, v20  }
0xd7: {  	v38 =	vmin.f32 v23, v38;
	v0 =	vmin.f32 v18, v8;
	v48, _, _ =	vpop (xrf1);
	(xrf1) =	vsort.dscd.msk.f32 $0xffff, v1, v1  }
0xd8: {  	v62 =	vmin.f32 v45, v61;
	v37 =	vmax.f32 v63, v12;
	v49, _, _ =	vpop (xrf1);
	(xrf1) =	vsort.dscd.msk.f32 $0xffff, v42, v42  }
0xd9: {  	v1 =	vmax.f32 v43, v44;
	v16, _, _ =	vpop (xrf1);
	(xrf1) =	vsort.dscd.msk.f32 $0xffff, v0, v0;
	v0 =	vmax.f32 v45, v61  }
0xda: {  	v18, _, _ =	vpop (xrf1);
	v61 =	vmin.f32 v5, v32;
	(xrf1) =	vsort.ascd.msk.f32 $0xffff, v60, v60;
	v60 =	vmax.f32 v36, v38  }
0xdb: {  	v20, _, _ =	vpop (xrf1);
	(xrf1) =	vsort.ascd.msk.f32 $0xffff, v1, v1;
	v1 =	vmin.f32 v63, v12;
	v63 =	vmax.f32 v5, v32  }
0xdc: {  	v21, _, _ =	vpop (xrf1);
	(xrf1) =	vsort.ascd.msk.f32 $0xffff, v62, v62;
	v62 =	vmin.f32 v25, v50;
	v32 =	vmin.f32 v63, v31  }
0xdd: {  	v42, _, _ =	vpop (xrf1);
	(xrf1) =	vsort.ascd.msk.f32 $0xffff, v0, v0;
	v0 =	vmin.f32 v36, v38;
	v23 =	vmin.f32 v61, v62  }
0xde: {  	v43, _, _ =	vpop (xrf1);
	v36 =	vmax.f32 v9, v33;
	v38 =	vmin.f32 v9, v33;
	(xrf1) =	vsort.dscd.msk.f32 $0xffff, v37, v37  }
0xdf: {  	v44, _, _ =	vpop (xrf1);
	v37 =	vmax.f32 v26, v51;
	(xrf1) =	vsort.dscd.msk.f32 $0xffff, v1, v1;
	v1 =	vmax.f32 v61, v62  }
0xe0: {  	v45, _, _ =	vpop (xrf1);
	v50 =	vmax.f32 v36, v37;
	v62 =	vmin.f32 v13, v56;
	(xrf1) =	vsort.dscd.msk.f32 $0xffff, v60, v60  }
0xe1: {  	v3, _, _ =	vpop (xrf1);
	v60 =	vmin.f32 v26, v51;
	v51 =	vmax.f32 v13, v56;
	(xrf1) =	vsort.dscd.msk.f32 $0xffff, v0, v0  }
0xe2: {  	v56 =	vmin.f32 v35, v59;
	v35 =	vmax.f32 v35, v59;
	v7, _, _ =	vpop (xrf1);
	(xrf1) =	vsort.ascd.msk.f32 $0xffff, v23, v23  }
0xe3: {  	v0 =	vmax.f32 v63, v31;
	v61 =	vmax.f32 v38, v60;
	v8, _, _ =	vpop (xrf1);
	(xrf1) =	vsort.ascd.msk.f32 $0xffff, v1, v1  }
0xe4: {  	v63 =	vmin.f32 v27, v57;
	v27 =	vmax.f32 v27, v57;
	(xrf1) =	vsort.ascd.msk.f32 $0xffff, v32, v32  }
0xe5: {  	v12, _, _ =	vpop (xrf1);
	v1 =	vmin.f32 v36, v37;
	(xrf1) =	vsort.ascd.msk.f32 $0xffff, v0, v0;
	v0 =	vmin.f32 v38, v60  }
0xe6: {  	v25, _, _ =	vpop (xrf1);
	(xrf1) =	vsort.dscd.msk.f32 $0xffff, v50, v50;
	v50 =	vmin.f32 v34, v58;
	v34 =	vmax.f32 v34, v58  }
0xe7: {  	v31, _, _ =	vpop (xrf1);
	v58 =	vmin.f32 v63, v56;
	(xrf1) =	vsort.dscd.msk.f32 $0xffff, v1, v1;
	v57 =	vmin.f32 v62, v50  }
0xe8: {  	v32, _, _ =	vpop (xrf1);
	v1 =	vmax.f32 v63, v56;
	v63 =	vmax.f32 v51, v34;
	(xrf1) =	vsort.dscd.msk.f32 $0xffff, v61, v61  }
0xe9: {  	v59 =	vmin.f32 v57, v58;
	v13 =	vmax.f32 v57, v58;
	v61 =	vmin.f32 v51, v34  }
0xea: {  	v51 =	vmax.f32 v27, v35;
	v57 =	vmax.f32 v4, v52;
	v58 =	vmax.f32 v11, v54  }
0xeb: {  	v33, _, _ =	vpop (xrf1);
	(xrf1) =	vsort.dscd.msk.f32 $0xffff, v0, v0;
	v0 =	vmax.f32 v62, v50;
	v62 =	vmin.f32 v27, v35  }
0xec: {  	v2, _, _ =	vpop (xrf1);
	v56 =	vmin.f32 v63, v51;
	(xrf1) =	vsort.ascd.msk.f32 $0xffff, v59, v59;
	v60 =	vmin.f32 v0, v1  }
0xed: {  	v5, _, _ =	vpop (xrf1);
	v0 =	vmax.f32 v0, v1;
	v50 =	vmin.f32 v61, v62;
	(xrf1) =	vsort.ascd.msk.f32 $0xffff, v13, v13  }
0xee: {  	v9, _, _ =	vpop (xrf1);
	v1 =	vmax.f32 v61, v62;
	v59 =	vmax.f32 v14, v55;
	(xrf1) =	vsort.ascd.msk.f32 $0xffff, v60, v60  }
0xef: {  	v61 =	vmax.f32 v57, v58;
	v13, _, _ =	vpop (xrf1);
	v60 =	vmin.f32 v11, v54;
	(xrf1) =	vsort.ascd.msk.f32 $0xffff, v0, v0  }
0xf0: {  	v23, _, _ =	vpop (xrf1);
	v0 =	vmax.f32 v63, v51;
	v63 =	vmin.f32 v14, v55;
	(xrf1) =	vsort.ascd.msk.f32 $0xffff, v50, v50  }
0xf1: {  	v27, _, _ =	vpop (xrf1);
	(xrf1) =	vsort.ascd.msk.f32 $0xffff, v1, v1;
	v1 =	vmin.f32 v10, v53;
	v10 =	vmax.f32 v10, v53  }
0xf2: {  	v34, _, _ =	vpop (xrf1);
	v53 =	vmin.f32 v57, v58;
	(xrf1) =	vsort.ascd.msk.f32 $0xffff, v56, v56;
	v62 =	vmax.f32 v10, v59  }
0xf3: {  	v55 =	vmin.f32 v10, v59;
	v59 =	vmax.f32 v1, v63;
	v1 =	vmin.f32 v1, v63  }
0xf4: {  	v35, _, _ =	vpop (xrf1);
	v63 =	vmin.f32 v17, v39;
	v39 =	vmax.f32 v17, v39;
	(xrf1) =	vsort.ascd.msk.f32 $0xffff, v0, v0  }
0xf5: {  	v0 =	vmin.f32 v4, v52;
	v54 =	vmax.f32 v61, v62;
	v56 =	vmin.f32 v61, v62  }
0xf6: {  	v57 =	vmax.f32 v53, v55;
	v36 =	vmin.f32 v53, v55;
	v61 =	vmin.f32 v6, v22  }
0xf7: {  	v4, _, _ =	vpop (xrf1);
	v62 =	vmin.f32 v15, v28;
	v28 =	vmax.f32 v15, v28;
	(xrf1) =	vsort.dscd.msk.f32 $0xffff, v54, v54  }
0xf8: {  	v10, _, _ =	vpop (xrf1);
	v58 =	vmax.f32 v0, v60;
	v0 =	vmin.f32 v0, v60;
	(xrf1) =	vsort.dscd.msk.f32 $0xffff, v56, v56  }
0xf9: {  	v60 =	vmax.f32 v58, v59;
	v50 =	vmin.f32 v58, v59;
	v51 =	vmax.f32 v0, v1  }
0xfa: {  	v11, _, _ =	vpop (xrf1);
	v0 =	vmin.f32 v0, v1;
	v56 =	vmax.f32 v6, v22;
	(xrf1) =	vsort.dscd.msk.f32 $0xffff, v57, v57  }
0xfb: {  	v58 =	vmin.f32 v61, v63;
	v14, _, _ =	vpop (xrf1);
	v57 =	vmin.f32 v19, v41;
	(xrf1) =	vsort.dscd.msk.f32 $0xffff, v36, v36  }
0xfc: {  	v41 =	vmax.f32 v19, v41;
	v54 =	vmax.f32 v56, v39;
	v26, _, _ =	vpop (xrf1);
	(xrf1) =	vsort.dscd.msk.f32 $0xffff, v60, v60  }
0xfd: {  	v59 =	vmin.f32 v62, v57;
	v1 =	vmax.f32 v62, v57;
	v36, _, _ =	vpop (xrf1);
	(xrf1) =	vsort.dscd.msk.f32 $0xffff, v50, v50  }
0xfe: {  	v62 =	vmin.f32 v56, v39;
	v56 =	vmax.f32 v28, v41;
	v37, _, _ =	vpop (xrf1);
	(xrf1) =	vsort.dscd.msk.f32 $0xffff, v51, v51  }
0xff: {  	v60 =	vmin.f32 v58, v59;
	v57 =	vmin.f32 v54, v56;
	v38, _, _ =	vpop (xrf1);
	(xrf1) =	vsort.dscd.msk.f32 $0xffff, v0, v0  }
0x100: {  	v0 =	vmax.f32 v61, v63;
	v61 =	vmax.f32 v58, v59;
	v63 =	vmin.f32 v28, v41  }
0x101: {  	v58 =	vmin.f32 v24, v46;
	v59 =	vmin.f32 v29, v47;
	v46 =	vmax.f32 v24, v46  }
0x102: {  	v6, _, _ =	vpop (xrf1);
	v29 =	vmax.f32 v29, v47;
	(xrf1) =	vsort.ascd.msk.f32 $0xffff, v60, v60;
	v50 =	vmin.f32 v0, v1  }
0x103: {  	v0 =	vmax.f32 v0, v1;
	v55 =	vmin.f32 v62, v63;
	v1 =	vmax.f32 v62, v63  }
0x104: {  	v15, _, _ =	vpop (xrf1);
	v60 =	vmax.f32 v30, v48;
	v30 =	vmin.f32 v30, v48;
	(xrf1) =	vsort.ascd.msk.f32 $0xffff, v61, v61  }
0x105: {  	v61 =	vmax.f32 v40, v49;
	v62 =	vmax.f32 v46, v60;
	v49 =	vmin.f32 v40, v49  }
0x106: {  	v46 =	vmin.f32 v46, v60;
	v60 =	vmin.f32 v20, v44;
	v44 =	vmax.f32 v20, v44  }
0x107: {  	v17, _, _ =	vpop (xrf1);
	(xrf1) =	vsort.ascd.msk.f32 $0xffff, v50, v50;
	v63 =	vmax.f32 v29, v61;
	v53 =	vmin.f32 v29, v61  }
0x108: {  	v19, _, _ =	vpop (xrf1);
	v61 =	vmin.f32 v21, v45;
	v45 =	vmax.f32 v21, v45;
	(xrf1) =	vsort.ascd.msk.f32 $0xffff, v0, v0  }
0x109: {  	v0 =	vmax.f32 v54, v56;
	v52 =	vmax.f32 v62, v63;
	v48 =	vmin.f32 v62, v63  }
0x10a: {  	v22, _, _ =	vpop (xrf1);
	v50 =	vmax.f32 v46, v53;
	v47 =	vmin.f32 v46, v53;
	(xrf1) =	vsort.ascd.msk.f32 $0xffff, v55, v55  }
0x10b: {  	v54 =	vmax.f32 v58, v30;
	v28, _, _ =	vpop (xrf1);
	v55 =	vmax.f32 v59, v49;
	(xrf1) =	vsort.ascd.msk.f32 $0xffff, v1, v1  }
0x10c: {  	v39, _, _ =	vpop (xrf1);
	v56 =	vmax.f32 v54, v55;
	v1 =	vmin.f32 v59, v49;
	v59 =	vmin.f32 v18, v43  }
0x10d: {  	v43 =	vmax.f32 v18, v43;
	v41, _, _ =	vpop (xrf1);
	(xrf1) =	vsort.ascd.msk.f32 $0xffff, v57, v57;
	v63 =	vmin.f32 v59, v61  }
0x10e: {  	(xrf1) =	vsort.ascd.msk.f32 $0xffff, v0, v0;
	v24, _, _ =	vpop (xrf1);
	v0 =	vmin.f32 v58, v30;
	v58 =	vmin.f32 v16, v42  }
0x10f: {  	v42 =	vmax.f32 v16, v42;
	v29, _, _ =	vpop (xrf1);
	(xrf1) =	vsort.dscd.msk.f32 $0xffff, v52, v52;
	v57 =	vmax.f32 v0, v1  }
0x110: {  	v0 =	vmin.f32 v0, v1;
	v62 =	vmin.f32 v58, v60;
	v40, _, _ =	vpop (xrf1);
	(xrf1) =	vsort.dscd.msk.f32 $0xffff, v48, v48  }
0x111: {  	v1 =	vmax.f32 v59, v61;
	v61 =	vmin.f32 v3, v25;
	v46, _, _ =	vpop (xrf1);
	(xrf1) =	vsort.dscd.msk.f32 $0xffff, v50, v50  }
0x112: {  	v3 =	vmax.f32 v3, v25;
	v50 =	vmin.f32 v54, v55;
	(xrf1) =	vsort.dscd.msk.f32 $0xffff, v47, v47  }
0x113: {  	v54 =	vmin.f32 v62, v63;
	v55 =	vmax.f32 v62, v63;
	v47, _, _ =	vpop (xrf1);
	(xrf1) =	vsort.dscd.msk.f32 $0xffff, v56, v56  }
0x114: {  	v62 =	vmax.f32 v7, v31;
	v63 =	vmax.f32 v8, v32;
	v48, _, _ =	vpop (xrf1);
	(xrf1) =	vsort.dscd.msk.f32 $0xffff, v50, v50  }
0x115: {  	v8 =	vmin.f32 v8, v32;
	v56 =	vmin.f32 v42, v44;
	v49, _, _ =	vpop (xrf1);
	(xrf1) =	vsort.dscd.msk.f32 $0xffff, v57, v57  }
0x116: {  	v50, _, _ =	vpop (xrf1);
	v57 =	vmin.f32 v43, v45;
	v45 =	vmax.f32 v43, v45;
	(xrf1) =	vsort.dscd.msk.f32 $0xffff, v0, v0  }
0x117: {  	v0 =	vmax.f32 v58, v60;
	v58 =	vmax.f32 v42, v44;
	v59 =	vmin.f32 v56, v57  }
0x118: {  	v16, _, _ =	vpop (xrf1);
	(xrf1) =	vsort.ascd.msk.f32 $0xffff, v54, v54;
	v51 =	vmin.f32 v0, v1;
	v0 =	vmax.f32 v0, v1  }
0x119: {  	v1 =	vmax.f32 v56, v57;
	v60 =	vmin.f32 v58, v45;
	v54 =	vmax.f32 v12, v33  }
0x11a: {  	v18, _, _ =	vpop (xrf1);
	v33 =	vmin.f32 v12, v33;
	(xrf1) =	vsort.ascd.msk.f32 $0xffff, v55, v55;
	v55 =	vmax.f32 v3, v63  }
0x11b: {  	v20, _, _ =	vpop (xrf1);
	v56 =	vmax.f32 v62, v54;
	v3 =	vmin.f32 v3, v63;
	(xrf1) =	vsort.ascd.msk.f32 $0xffff, v51, v51  }
0x11c: {  	v57 =	vmax.f32 v55, v56;
	v32 =	vmin.f32 v55, v56;
	v55 =	vmin.f32 v2, v23  }
0x11d: {  	v21, _, _ =	vpop (xrf1);
	v56 =	vmin.f32 v5, v27;
	v23 =	vmax.f32 v2, v23;
	v27 =	vmax.f32 v5, v27  }
0x11e: {  	(xrf1) =	vsort.ascd.msk.f32 $0xffff, v0, v0;
	v30, _, _ =	vpop (xrf1);
	v0 =	vmax.f32 v58, v45;
	v45 =	vmin.f32 v62, v54  }
0x11f: {  	v42, _, _ =	vpop (xrf1);
	(xrf1) =	vsort.ascd.msk.f32 $0xffff, v59, v59;
	v58 =	vmax.f32 v3, v45;
	v3 =	vmin.f32 v3, v45  }
0x120: {  	v59 =	vmax.f32 v61, v8;
	v43, _, _ =	vpop (xrf1);
	(xrf1) =	vsort.ascd.msk.f32 $0xffff, v1, v1;
	v1 =	vmin.f32 v7, v31  }
0x121: {  	v61 =	vmin.f32 v61, v8;
	v44, _, _ =	vpop (xrf1);
	(xrf1) =	vsort.ascd.msk.f32 $0xffff, v60, v60;
	v60 =	vmax.f32 v1, v33  }
0x122: {  	v1 =	vmin.f32 v1, v33;
	(xrf1) =	vsort.ascd.msk.f32 $0xffff, v0, v0;
	v7, _, _ =	vpop (xrf1);
	v62 =	vmax.f32 v59, v60  }
0x123: {  	v63 =	vmin.f32 v59, v60;
	v54 =	vmax.f32 v61, v1;
	v12, _, _ =	vpop (xrf1);
	(xrf1) =	vsort.dscd.msk.f32 $0xffff, v57, v57  }
0x124: {  	v1 =	vmin.f32 v61, v1;
	v57 =	vmin.f32 v9, v34;
	v25, _, _ =	vpop (xrf1);
	(xrf1) =	vsort.dscd.msk.f32 $0xffff, v32, v32  }
0x125: {  	v34 =	vmax.f32 v9, v34;
	v31, _, _ =	vpop (xrf1);
	(xrf1) =	vsort.dscd.msk.f32 $0xffff, v58, v58;
	v58 =	vmin.f32 v13, v35  }
0x126: {  	v59 =	vmin.f32 v55, v57;
	(xrf1) =	vsort.dscd.msk.f32 $0xffff, v3, v3;
	v32, _, _ =	vpop (xrf1);
	v60 =	vmin.f32 v56, v58  }
0x127: {  	v13 =	vmax.f32 v13, v35;
	v33, _, _ =	vpop (xrf1);
	(xrf1) =	vsort.dscd.msk.f32 $0xffff, v62, v62;
	v61 =	vmin.f32 v59, v60  }
0x128: {  	v62 =	vmax.f32 v56, v58;
	v9 =	vmax.f32 v59, v60;
	v45, _, _ =	vpop (xrf1);
	(xrf1) =	vsort.dscd.msk.f32 $0xffff, v63, v63  }
0x129: {  	v60 =	vmin.f32 v4, v26;
	v4 =	vmax.f32 v4, v26;
	v0, _, _ =	vpop (xrf1);
	(xrf1) =	vsort.dscd.msk.f32 $0xffff, v54, v54  }
0x12a: {  	v63 =	vmin.f32 v23, v34;
	v54 =	vmin.f32 v27, v13;
	(xrf1) =	vsort.dscd.msk.f32 $0xffff, v1, v1  }
0x12b: {  	v1 =	vmax.f32 v55, v57;
	v55 =	vmax.f32 v23, v34;
	v56 =	vmin.f32 v63, v54  }
0x12c: {  	v57 =	vmax.f32 v27, v13;
	v58 =	vmax.f32 v63, v54;
	v63 =	vmax.f32 v14, v38  }
0x12d: {  	v2, _, _ =	vpop (xrf1);
	v14 =	vmin.f32 v14, v38;
	v0 =	vmax.f32 v44, v0;
	(xrf1) =	vsort.ascd.msk.f32 $0xffff, v61, v61  }
0x12e: {  	v51 =	vmin.f32 v1, v62;
	v1 =	vmax.f32 v1, v62;
	v59 =	vmin.f32 v55, v57  }
0x12f: {  	v61 =	vmin.f32 v10, v36;
	v10 =	vmax.f32 v10, v36;
	v62 =	vmax.f32 v11, v37  }
0x130: {  	v3, _, _ =	vpop (xrf1);
	v11 =	vmin.f32 v11, v37;
	v37 =	vmax.f32 v20, v25;
	(xrf1) =	vsort.ascd.msk.f32 $0xffff, v9, v9  }
0x131: {  	v52 =	vmax.f32 v10, v63;
	v10 =	vmin.f32 v10, v63;
	v63 =	vmax.f32 v19, v46  }
0x132: {  	v46 =	vmax.f32 v28, v48;
	v48 =	vmax.f32 v41, v50;
	v41 =	vmax.f32 v42, v33  }
0x133: {  	v5, _, _ =	vpop (xrf1);
	v42 =	vmax.f32 v43, v45;
	(xrf1) =	vsort.ascd.msk.f32 $0xffff, v51, v51;
	v51 =	vmax.f32 v4, v62  }
0x134: {  	v4 =	vmin.f32 v4, v62;
	v62 =	vmax.f32 v17, v40;
	v40 =	vmax.f32 v22, v47  }
0x135: {  	v47 =	vmax.f32 v39, v49;
	v17 =	vmax.f32 v63, v48;
	v39 =	vmax.f32 v21, v31  }
0x136: {  	v8, _, _ =	vpop (xrf1);
	v45 =	vmax.f32 v37, v42;
	(xrf1) =	vsort.ascd.msk.f32 $0xffff, v1, v1;
	v1 =	vmax.f32 v55, v57  }
0x137: {  	v53 =	vmax.f32 v51, v52;
	v36 =	vmin.f32 v51, v52;
	v54 =	vmax.f32 v4, v10  }
0x138: {  	v4 =	vmin.f32 v4, v10;
	v55 =	vmax.f32 v60, v11;
	v51 =	vmin.f32 v62, v47  }
0x139: {  	v52 =	vmin.f32 v63, v48;
	v63 =	vmax.f32 v18, v12;
	v12 =	vmin.f32 v37, v42  }
0x13a: {  	v9, _, _ =	vpop (xrf1);
	(xrf1) =	vsort.ascd.msk.f32 $0xffff, v56, v56;
	v56 =	vmax.f32 v61, v14;
	v14 =	vmin.f32 v61, v14  }
0x13b: {  	v61 =	vmax.f32 v15, v29;
	v15 =	vmax.f32 v62, v47;
	v62 =	vmax.f32 v16, v7  }
0x13c: {  	v13, _, _ =	vpop (xrf1);
	v44 =	vmax.f32 v63, v41;
	v7 =	vmin.f32 v63, v41;
	(xrf1) =	vsort.ascd.msk.f32 $0xffff, v58, v58  }
0x13d: {  	v23, _, _ =	vpop (xrf1);
	v57 =	vmax.f32 v55, v56;
	v50 =	vmin.f32 v61, v46;
	(xrf1) =	vsort.ascd.msk.f32 $0xffff, v59, v59  }
0x13e: {  	v58 =	vmin.f32 v55, v56;
	v27, _, _ =	vpop (xrf1);
	v19 =	vmax.f32 v50, v52;
	(xrf1) =	vsort.ascd.msk.f32 $0xffff, v1, v1  }
0x13f: {  	v1 =	vmin.f32 v60, v11;
	v60 =	vmax.f32 v6, v24;
	v6 =	vmax.f32 v61, v46  }
0x140: {  	v38, _, _ =	vpop (xrf1);
	v46 =	vmax.f32 v39, v0;
	v0 =	vmin.f32 v39, v0;
	(xrf1) =	vsort.dscd.msk.f32 $0xffff, v53, v53  }
0x141: {  	v59 =	vmax.f32 v1, v14;
	v1 =	vmin.f32 v1, v14;
	v49 =	vmin.f32 v60, v40  }
0x142: {  	v35, _, _ =	vpop (xrf1);
	v48 =	vmax.f32 v44, v46;
	(xrf1) =	vsort.dscd.msk.f32 $0xffff, v36, v36;
	v53 =	vmin.f32 v49, v51  }
0x143: {  	v26, _, _ =	vpop (xrf1);
	v22 =	vmax.f32 v49, v51;
	(xrf1) =	vsort.dscd.msk.f32 $0xffff, v54, v54;
	v54 =	vmin.f32 v50, v52  }
0x144: {  	v10, _, _ =	vpop (xrf1);
	v56 =	vmin.f32 v22, v19;
	v19 =	vmax.f32 v22, v19;
	v52 =	vmax.f32 v7, v0  }
0x145: {  	v0 =	vmin.f32 v7, v0;
	(xrf1) =	vsort.dscd.msk.f32 $0xffff, v4, v4;
	v4, _, _ =	vpop (xrf1);
	v55 =	vmin.f32 v53, v54  }
0x146: {  	v24 =	vmax.f32 v53, v54;
	(xrf1) =	vsort.dscd.msk.f32 $0xffff, v57, v57;
	v4 =	vmax.f32 v9, v4  }
0x147: {  	v36, _, _ =	vpop (xrf1);
	(xrf1) =	vsort.dscd.msk.f32 $0xffff, v58, v58;
	v58 =	vmin.f32 v6, v17;
	v6 =	vmax.f32 v6, v17  }
0x148: {  	v11, _, _ =	vpop (xrf1);
	v17 =	vmin.f32 v44, v46;
	v63 =	vmax.f32 v13, v36;
	(xrf1) =	vsort.dscd.msk.f32 $0xffff, v59, v59  }
0x149: {  	v14, _, _ =	vpop (xrf1);
	v13 =	vmax.f32 v23, v11;
	(xrf1) =	vsort.dscd.msk.f32 $0xffff, v1, v1;
	v1 =	vmax.f32 v60, v40  }
0x14a: {  	v28, _, _ =	vpop (xrf1);
	v40 =	vmax.f32 v30, v32;
	v23 =	vmax.f32 v27, v14;
	(xrf1) =	vsort.ascd.msk.f32 $0xffff, v55, v55  }
0x14b: {  	v34, _, _ =	vpop (xrf1);
	v57 =	vmin.f32 v1, v15;
	v1 =	vmax.f32 v1, v15;
	v43 =	vmax.f32 v62, v40  }
0x14c: {  	v29, _, _ =	vpop (xrf1);
	(xrf1) =	vsort.ascd.msk.f32 $0xffff, v24, v24;
	v59 =	vmin.f32 v57, v58;
	v60 =	vmax.f32 v57, v58  }
0x14d: {  	v61 =	vmin.f32 v1, v6;
	v1 =	vmax.f32 v1, v6;
	v22, _, _ =	vpop (xrf1);
	(xrf1) =	vsort.ascd.msk.f32 $0xffff, v56, v56  }
0x14e: {  	v47 =	vmax.f32 v43, v45;
	v18 =	vmin.f32 v43, v45;
	v15, _, _ =	vpop (xrf1);
	(xrf1) =	vsort.ascd.msk.f32 $0xffff, v19, v19  }
0x14f: {  	v49 =	vmax.f32 v47, v48;
	v20 =	vmin.f32 v47, v48;
	(xrf1) =	vsort.ascd.msk.f32 $0xffff, v59, v59  }
0x150: {  	v50 =	vmax.f32 v18, v17;
	v17 =	vmin.f32 v18, v17;
	v24, _, _ =	vpop (xrf1);
	(xrf1) =	vsort.ascd.msk.f32 $0xffff, v60, v60  }
0x151: {  	v59 =	vmax.f32 v2, v38;
	v19, _, _ =	vpop (xrf1);
	v60 =	vmax.f32 v3, v35;
	(xrf1) =	vsort.ascd.msk.f32 $0xffff, v61, v61  }
0x152: {  	v61 =	vmax.f32 v5, v26;
	v26 =	vmin.f32 v59, v4;
	v27 =	vmin.f32 v60, v63  }
0x153: {  	v6, _, _ =	vpop (xrf1);
	v2 =	vmax.f32 v60, v63;
	(xrf1) =	vsort.ascd.msk.f32 $0xffff, v1, v1;
	v1 =	vmin.f32 v62, v40  }
0x154: {  	v62 =	vmax.f32 v8, v10;
	v30 =	vmin.f32 v61, v13;
	v3 =	vmax.f32 v61, v13  }
0x155: {  	v16, _, _ =	vpop (xrf1);
	(xrf1) =	vsort.dscd.msk.f32 $0xffff, v49, v49;
	v51 =	vmax.f32 v1, v12;
	v1 =	vmin.f32 v1, v12  }
0x156: {  	v25, _, _ =	vpop (xrf1);
	v31 =	vmin.f32 v62, v23;
	v32 =	vmin.f32 v26, v30;
	v5 =	vmax.f32 v62, v23  }
0x157: {  	v7 =	vmax.f32 v26, v30;
	v49 =	vmax.f32 v28, v16;
	v21, _, _ =	vpop (xrf1);
	(xrf1) =	vsort.dscd.msk.f32 $0xffff, v20, v20  }
0x158: {  	v53 =	vmax.f32 v51, v52;
	v54 =	vmin.f32 v51, v52;
	v57 =	vmax.f32 v1, v0  }
0x159: {  	v0 =	vmin.f32 v1, v0;
	v33 =	vmin.f32 v27, v31;
	v41 =	vmin.f32 v2, v5  }
0x15a: {  	v2 =	vmax.f32 v2, v5;
	v18, _, _ =	vpop (xrf1);
	(xrf1) =	vsort.dscd.msk.f32 $0xffff, v50, v50;
	v35 =	vmin.f32 v32, v33  }
0x15b: {  	v8 =	vmax.f32 v32, v33;
	v50 =	vmax.f32 v34, v25;
	v12, _, _ =	vpop (xrf1);
	(xrf1) =	vsort.dscd.msk.f32 $0xffff, v17, v17  }
0x15c: {  	v51 =	vmax.f32 v29, v21;
	v52 =	vmax.f32 v22, v18;
	v55, _, _ =	vpop (xrf1);
	(xrf1) =	vsort.dscd.msk.f32 $0xffff, v53, v53  }
0x15d: {  	v12 =	vmax.f32 v15, v12;
	v56, _, _ =	vpop (xrf1);
	(xrf1) =	vsort.dscd.msk.f32 $0xffff, v54, v54;
	v53 =	vmax.f32 v24, v55  }
0x15e: {  	v55 =	vmax.f32 v49, v12;
	(xrf1) =	vsort.dscd.msk.f32 $0xffff, v57, v57;
	v54 =	vmax.f32 v19, v56  }
0x15f: {  	v58, _, _ =	vpop (xrf1);
	v56 =	vmax.f32 v50, v53;
	v5 =	vmin.f32 v50, v53;
	(xrf1) =	vsort.dscd.msk.f32 $0xffff, v0, v0  }
0x160: {  	v0 =	vmax.f32 v59, v4;
	v9, _, _ =	vpop (xrf1);
	v4 =	vmax.f32 v27, v31;
	v1 =	vmax.f32 v6, v58  }
0x161: {  	v57 =	vmax.f32 v51, v54;
	v13 =	vmin.f32 v51, v54;
	v36, _, _ =	vpop (xrf1);
	(xrf1) =	vsort.ascd.msk.f32 $0xffff, v35, v35  }
0x162: {  	v38 =	vmin.f32 v7, v4;
	v4 =	vmax.f32 v7, v4;
	v40 =	vmin.f32 v0, v3;
	v37, _, _ =	vpop (xrf1)  }
0x163: {  	v0 =	vmax.f32 v0, v3;
	v58 =	vmax.f32 v52, v1;
	(xrf1) =	vsort.ascd.msk.f32 $0xffff, v8, v8;
	v39, _, _ =	vpop (xrf1)  }
0x164: {  	v59 =	vmax.f32 v55, v57;
	v1 =	vmin.f32 v52, v1;
	(xrf1) =	vsort.ascd.msk.f32 $0xffff, v38, v38;
	v42, _, _ =	vpop (xrf1)  }
0x165: {  	v6 =	vmin.f32 v55, v57;
	v43 =	vmin.f32 v40, v41;
	(xrf1) =	vsort.ascd.msk.f32 $0xffff, v4, v4;
	v45, _, _ =	vpop (xrf1)  }
0x166: {  	v44 =	vmax.f32 v40, v41;
	v47 =	vmin.f32 v0, v2;
	(xrf1) =	vsort.ascd.msk.f32 $0xffff, v43, v43;
	v46, _, _ =	vpop (xrf1)  }
0x167: {  	v0 =	vmax.f32 v0, v2;
	v60 =	vmax.f32 v56, v58;
	(xrf1) =	vsort.ascd.msk.f32 $0xffff, v44, v44;
	v48, _, _ =	vpop (xrf1)  }
0x168: {  	v25 =	vmax.f32 v5, v1;
	v1 =	vmin.f32 v5, v1;
	(xrf1) =	vsort.ascd.msk.f32 $0xffff, v47, v47;
	v61, _, _ =	vpop (xrf1)  }
0x169: {  	v62 =	vmax.f32 v59, v60;
	v16 =	vmin.f32 v59, v60;
	(xrf1) =	vsort.ascd.msk.f32 $0xffff, v0, v0;
	v63, _, _ =	vpop (xrf1)  }
0x16a: {  	v0 =	vmin.f32 v49, v12;
	v12 =	vmin.f32 v56, v58;
	(xrf1) =	vsort.dscd.msk.f32 $0xffff, v62, v62;
	v21, _, _ =	vpop (xrf1)  }
0x16b: {  	v22 =	vmax.f32 v6, v12;
	v6 =	vmin.f32 v6, v12;
	(xrf1) =	vsort.dscd.msk.f32 $0xffff, v16, v16;
	v23, _, _ =	vpop (xrf1)  }
0x16c: {  	v24 =	vmax.f32 v0, v13;
	v0 =	vmin.f32 v0, v13;
	(xrf1) =	vsort.dscd.msk.f32 $0xffff, v22, v22;
	v26, _, _ =	vpop (xrf1)  }
0x16d: {  	v34 =	vmax.f32 v9, v61;
	v27 =	vmax.f32 v24, v25;
	(xrf1) =	vsort.dscd.msk.f32 $0xffff, v6, v6;
	v29, _, _ =	vpop (xrf1)  }
0x16e: {  	v28 =	vmin.f32 v24, v25;
	v31 =	vmax.f32 v0, v1;
	(xrf1) =	vsort.dscd.msk.f32 $0xffff, v27, v27;
	v30, _, _ =	vpop (xrf1)  }
0x16f: {  	v0 =	vmin.f32 v0, v1;
	v35 =	vmax.f32 v36, v63;
	(xrf1) =	vsort.dscd.msk.f32 $0xffff, v28, v28;
	v32, _, _ =	vpop (xrf1)  }
0x170: {  	v10 =	vmax.f32 v37, v21;
	v7 =	vmax.f32 v39, v23;
	(xrf1) =	vsort.dscd.msk.f32 $0xffff, v31, v31;
	v33, _, _ =	vpop (xrf1)  }
0x171: {  	v3 =	vmax.f32 v42, v26;
	v8 =	vmax.f32 v45, v29;
	(xrf1) =	vsort.dscd.msk.f32 $0xffff, v0, v0;
	v36, _, _ =	vpop (xrf1)  }
0x172: {  	v39 =	vmin.f32 v34, v3;
	v3 =	vmax.f32 v34, v3;
	v4 =	vmax.f32 v46, v30;
	v37, _, _ =	vpop (xrf1)  }
0x173: {  	v40 =	vmin.f32 v35, v8;
	v8 =	vmax.f32 v35, v8;
	v1 =	vmax.f32 v48, v32;
	v38, _, _ =	vpop (xrf1)  }
0x174: {  	v42 =	vmin.f32 v10, v4;
	v4 =	vmax.f32 v10, v4;
	v43 =	vmin.f32 v7, v1;
	v41, _, _ =	vpop (xrf1)  }
0x175: {  	v45 =	vmin.f32 v39, v42;
	v1 =	vmax.f32 v7, v1;
	v46 =	vmin.f32 v40, v43;
	v44, _, _ =	vpop (xrf1)  }
0x176: {  	v6 =	vmax.f32 v39, v42;
	v53 =	vmin.f32 v3, v4;
	v48 =	vmin.f32 v45, v46;
	v47, _, _ =	vpop (xrf1)  }
0x177: {  	v5 =	vmax.f32 v40, v43;
	v10 =	vmax.f32 v45, v46;
	v49, _, _ =	vpop (xrf1);
	(xrf1) =	vsort.ascd.msk.f32 $0xffff, v48, v48  }
0x178: {  	v3 =	vmax.f32 v3, v4;
	v51 =	vmin.f32 v6, v5;
	v50, _, _ =	vpop (xrf1);
	(xrf1) =	vsort.ascd.msk.f32 $0xffff, v10, v10  }
0x179: {  	v54 =	vmin.f32 v8, v1;
	v5 =	vmax.f32 v6, v5;
	v52, _, _ =	vpop (xrf1);
	(xrf1) =	vsort.ascd.msk.f32 $0xffff, v51, v51  }
0x17a: {  	v1 =	vmax.f32 v8, v1;
	v56 =	vmin.f32 v53, v54;
	v55, _, _ =	vpop (xrf1);
	(xrf1) =	vsort.ascd.msk.f32 $0xffff, v5, v5  }
0x17b: {  	v57 =	vmax.f32 v53, v54;
	v60 =	vmin.f32 v3, v1;
	v58, _, _ =	vpop (xrf1);
	(xrf1) =	vsort.ascd.msk.f32 $0xffff, v56, v56  }
0x17c: {  	v1 =	vmax.f32 v3, v1;
	v0 =	vmax.f32 v33, v50;
	v59, _, _ =	vpop (xrf1);
	(xrf1) =	vsort.ascd.msk.f32 $0xffff, v57, v57  }
0x17d: {  	v6 =	vmax.f32 v36, v52;
	v4 =	vmax.f32 v37, v55;
	(xrf1) =	vsort.ascd.msk.f32 $0xffff, v60, v60;
	v61, _, _ =	vpop (xrf1)  }
0x17e: {  	v2 =	vmax.f32 v38, v58;
	v5 =	vmax.f32 v41, v59;
	(xrf1) =	vsort.ascd.msk.f32 $0xffff, v1, v1;
	v62, _, _ =	vpop (xrf1)  }
0x17f: {  	v3 =	vmax.f32 v44, v61;
	v15 =	vmax.f32 v0, v5;
	v0 =	vmin.f32 v0, v5;
	v63, _, _ =	vpop (xrf1)  }
0x180: {  	v1 =	vmax.f32 v47, v62;
	v16 =	vmax.f32 v6, v3;
	v14 =	vmax.f32 v49, v63  }
0x181: {  	v3 =	vmin.f32 v6, v3;
	v17 =	vmax.f32 v4, v1;
	v18 =	vmax.f32 v2, v14  }
0x182: {  	v1 =	vmin.f32 v4, v1;
	v19 =	vmax.f32 v15, v17;
	v20 =	vmax.f32 v16, v18  }
0x183: {  	v2 =	vmin.f32 v2, v14;
	v6 =	vmin.f32 v15, v17;
	v21 =	vmax.f32 v19, v20  }
0x184: {  	v5 =	vmin.f32 v16, v18;
	v4 =	vmin.f32 v19, v20;
	(xrf1) =	vsort.dscd.msk.f32 $0xffff, v21, v21  }
0x185: {  	v22 =	vmax.f32 v0, v1;
	v8 =	vmax.f32 v6, v5;
	(xrf1) =	vsort.dscd.msk.f32 $0xffff, v4, v4  }
0x186: {  	v23 =	vmax.f32 v3, v2;
	v5 =	vmin.f32 v6, v5;
	(xrf1) =	vsort.dscd.msk.f32 $0xffff, v8, v8  }
0x187: {  	v0 =	vmin.f32 v0, v1;
	v24 =	vmax.f32 v22, v23;
	(xrf1) =	vsort.dscd.msk.f32 $0xffff, v5, v5  }
0x188: {  	v2 =	vmin.f32 v3, v2;
	v25 =	vmin.f32 v22, v23;
	(xrf1) =	vsort.dscd.msk.f32 $0xffff, v24, v24  }
0x189: {  	v26 =	vmax.f32 v0, v2;
	(xrf1) =	vsort.dscd.msk.f32 $0xffff, v25, v25  }
0x18a: {  	v0 =	vmin.f32 v0, v2;
	v27, _, _ =	vpop (xrf1);
	(xrf1) =	vsort.dscd.msk.f32 $0xffff, v26, v26  }
0x18b: {  	v28, _, _ =	vpop (xrf1);
	(xrf1) =	vsort.dscd.msk.f32 $0xffff, v0, v0  }
0x18c: {  	v29, _, _ =	vpop (xrf1)  }
0x18d: {  	v30, _, _ =	vpop (xrf1)  }
0x18e: {  	v31, _, _ =	vpop (xrf1)  }
0x18f: {  	v32, _, _ =	vpop (xrf1)  }
0x190: {  	v33, _, _ =	vpop (xrf1)  }
0x191: {  	v34, _, _ =	vpop (xrf1)  }
0x192: {  	v35, _, _ =	vpop (xrf1)  }
0x193: {  	v36, _, _ =	vpop (xrf1)  }
0x194: {  	v37, _, _ =	vpop (xrf1)  }
0x195: {  	v38, _, _ =	vpop (xrf1)  }
0x196: {  	v39, _, _ =	vpop (xrf1)  }
0x197: {  	v3 =	vmax.f32 v27, v35;
	v1 =	vmax.f32 v28, v36;
	v40, _, _ =	vpop (xrf1)  }
0x198: {  	v0 =	vmax.f32 v29, v37;
	v2 =	vmax.f32 v30, v38;
	v4 =	vmax.f32 v31, v39;
	v41, _, _ =	vpop (xrf1)  }
0x199: {  	v5 =	vmax.f32 v32, v40;
	v43 =	vmin.f32 v3, v4;
	v3 =	vmax.f32 v3, v4;
	v42, _, _ =	vpop (xrf1)  }
0x19a: {  	v6 =	vmax.f32 v33, v41;
	v44 =	vmin.f32 v1, v5;
	v7 =	vmax.f32 v34, v42  }
0x19b: {  	v1 =	vmax.f32 v1, v5;
	v45 =	vmin.f32 v0, v6;
	v9 =	vmin.f32 v2, v7  }
0x19c: {  	v0 =	vmax.f32 v0, v6;
	v46 =	vmin.f32 v43, v45;
	v47 =	vmin.f32 v44, v9  }
0x19d: {  	v2 =	vmax.f32 v2, v7;
	v5 =	vmax.f32 v43, v45;
	v48 =	vmin.f32 v46, v47  }
0x19e: {  	v4 =	vmax.f32 v44, v9;
	v6 =	vmax.f32 v46, v47;
	(xrf1) =	vsort.ascd.msk.f32 $0xffff, v48, v48  }
0x19f: {  	v50 =	vmin.f32 v3, v0;
	v49 =	vmin.f32 v5, v4;
	(xrf1) =	vsort.ascd.msk.f32 $0xffff, v6, v6  }
0x1a0: {  	v51 =	vmin.f32 v1, v2;
	v4 =	vmax.f32 v5, v4;
	(xrf1) =	vsort.ascd.msk.f32 $0xffff, v49, v49  }
0x1a1: {  	v0 =	vmax.f32 v3, v0;
	v52 =	vmin.f32 v50, v51;
	(xrf1) =	vsort.ascd.msk.f32 $0xffff, v4, v4  }
0x1a2: {  	v1 =	vmax.f32 v1, v2;
	v53 =	vmax.f32 v50, v51;
	(xrf1) =	vsort.ascd.msk.f32 $0xffff, v52, v52  }
0x1a3: {  	v54 =	vmin.f32 v0, v1;
	(xrf1) =	vsort.ascd.msk.f32 $0xffff, v53, v53  }
0x1a4: {  	v0 =	vmax.f32 v0, v1;
	(xrf1) =	vsort.ascd.msk.f32 $0xffff, v54, v54  }
0x1a5: {  	v56 =	vld [tilespmem:$0x1FFE0];
	(xrf1) =	vsort.ascd.msk.f32 $0xffff, v0, v0;
	_ =	sdelay $0x6  }
0x1a6: {  	v55, _, _ =	vpop (xrf1)  }
0x1a7: {  	[tilespmem:v56+s20+$0xFFFFFFC0 ss:$0x1] =	vst.idx.msk $0xffff, v55;
	v57, _, _ =	vpop (xrf1)  }
0x1a8: {  	[tilespmem:v56+s20+$0xFFFFFFD0 ss:$0x1] =	vst.idx.msk $0xffff, v57;
	v58, _, _ =	vpop (xrf1)  }
0x1a9: {  	p0 =	sne.s32 s19, $0xE00;
	[tilespmem:v56+s20+$0xFFFFFFE0 ss:$0x1] =	vst.idx.msk $0xffff, v58;
	v59, _, _ =	vpop (xrf1)  }
.Ltmp0:
0x1aa: {  	[tilespmem:v56+s20+$0xFFFFFFF0 ss:$0x1] =	vst.idx.msk $0xffff, v59;
	v60, _, _ =	vpop (xrf1);
	(pc) =	sbr.rel @p0 .LBB2_4-.Ltmp0, $4  }
0x1ab: {  	[tilespmem:v56+s20+$0x0 ss:$0x1] =	vst.idx.msk $0xffff, v60;
	v61, _, _ =	vpop (xrf1)  }
0x1ac: {  	[tilespmem:v56+s20+$0x10 ss:$0x1] =	vst.idx.msk $0xffff, v61;
	v62, _, _ =	vpop (xrf1)  }
0x1ad: {  	[tilespmem:v56+s20+$0x20 ss:$0x1] =	vst.idx.msk $0xffff, v62;
	v63, _, _ =	vpop (xrf1)  }
0x1ae: {  	s19 =	sadd.s32 $0x200, s19;
	[tilespmem:v56+s20+$0x30 ss:$0x1] =	vst.idx.msk $0xffff, v63  }
0x1af: {  	p0 =	seq.s32 s17, $0x7  }
0x1b0: {  	s18 =	sadd.s32 @!p0 s18, s6  }
0x1b1: {  	s18 =	sshll.u32 @!p0 s18, $0x7  }
0x1b2: {  	s19 =	simm.s32 @!p0 $0x0;
	s18 =	sadd.s32 @!p0 s3, s18  }
0x1b3: {  	[tilespmem:s19], [sflag:$0x1] =	stream.linear.gather @!p0 [hbm4b:s18+s19], $0x2000, $0x38;
	[tilespmem:$0x8000] =	vst v63  }
0x1b4: {  	_ =	swait.ge [sflag:s11], $0x2000  }
0x1b5: {  	v0 =	vmov s16;
	[sflag:s11] =	ssyncset.done $0x0  }
0x1b6: {  	s17 =	sadd.s32 $0x1, s17;
	s18 =	simm.s32 $0x0;
	[tilespmem:$0x1FFD0] =	vst v0;
	[sflag:s11] =	ssyncadd.s32 $0xFFFFE000  }
.LBB2_6:
0x1b7: {  	s19 =	sshra.s32 s18, $0x2  }
0x1b8: {  	v0 =	vld [tilespmem:s19+$0x2000]  }
0x1b9: {  	v1 =	vld [tilespmem:s19+$0x2010]  }
0x1ba: {  	v2 =	vld [tilespmem:s19+$0x2020]  }
0x1bb: {  	v3 =	vld [tilespmem:s19+$0x2030]  }
0x1bc: {  	v4 =	vld [tilespmem:s19+$0x2040]  }
0x1bd: {  	v5 =	vld [tilespmem:s19+$0x2050]  }
0x1be: {  	v6 =	vld [tilespmem:s19+$0x2060];
	(xrf1) =	vsort.ascd.msk.f32 $0xffff, v0, v0  }
0x1bf: {  	v28 =	vld [tilespmem:s19+$0x2070];
	(xrf1) =	vsort.dscd.msk.f32 $0xffff, v1, v1  }
0x1c0: {  	v29 =	vld [tilespmem:s19+$0x2400];
	(xrf1) =	vsort.ascd.msk.f32 $0xffff, v2, v2  }
0x1c1: {  	v30 =	vld [tilespmem:s19+$0x2410];
	(xrf1) =	vsort.dscd.msk.f32 $0xffff, v3, v3  }
0x1c2: {  	v31 =	vld [tilespmem:s19+$0x2420];
	(xrf1) =	vsort.ascd.msk.f32 $0xffff, v4, v4  }
0x1c3: {  	v32 =	vld [tilespmem:s19+$0x2430];
	(xrf1) =	vsort.dscd.msk.f32 $0xffff, v5, v5  }
0x1c4: {  	v33 =	vld [tilespmem:s19+$0x2440];
	(xrf1) =	vsort.ascd.msk.f32 $0xffff, v6, v6  }
0x1c5: {  	v34 =	vld [tilespmem:s19+$0x2450];
	(xrf1) =	vsort.dscd.msk.f32 $0xffff, v28, v28  }
0x1c6: {  	v35 =	vld [tilespmem:s19+$0x2460];
	(xrf1) =	vsort.ascd.msk.f32 $0xffff, v29, v29  }
0x1c7: {  	v36 =	vld [tilespmem:s19+$0x2470];
	(xrf1) =	vsort.dscd.msk.f32 $0xffff, v30, v30  }
0x1c8: {  	v7 =	vld [tilespmem:s19+$0x2800];
	(xrf1) =	vsort.ascd.msk.f32 $0xffff, v31, v31  }
0x1c9: {  	v8 =	vld [tilespmem:s19+$0x2810];
	(xrf1) =	vsort.dscd.msk.f32 $0xffff, v32, v32  }
0x1ca: {  	v37 =	vld [tilespmem:s19+$0x2820];
	(xrf1) =	vsort.ascd.msk.f32 $0xffff, v33, v33  }
0x1cb: {  	v38 =	vld [tilespmem:s19+$0x2830];
	(xrf1) =	vsort.dscd.msk.f32 $0xffff, v34, v34  }
0x1cc: {  	v39 =	vld [tilespmem:s19+$0x2840];
	v2, _, _ =	vpop (xrf1);
	(xrf1) =	vsort.ascd.msk.f32 $0xffff, v35, v35  }
0x1cd: {  	v40 =	vld [tilespmem:s19+$0x2850];
	v3, _, _ =	vpop (xrf1);
	(xrf1) =	vsort.dscd.msk.f32 $0xffff, v36, v36  }
0x1ce: {  	v41 =	vld [tilespmem:s19+$0x2860];
	v52, _, _ =	vpop (xrf1);
	(xrf1) =	vsort.ascd.msk.f32 $0xffff, v7, v7  }
0x1cf: {  	v42 =	vld [tilespmem:s19+$0x2870];
	v58, _, _ =	vpop (xrf1);
	(xrf1) =	vsort.dscd.msk.f32 $0xffff, v8, v8  }
0x1d0: {  	v43 =	vld [tilespmem:s19+$0x2C00];
	v53, _, _ =	vpop (xrf1);
	(xrf1) =	vsort.ascd.msk.f32 $0xffff, v37, v37  }
0x1d1: {  	v44 =	vld [tilespmem:s19+$0x2C10];
	v14, _, _ =	vpop (xrf1);
	(xrf1) =	vsort.dscd.msk.f32 $0xffff, v38, v38  }
0x1d2: {  	v45 =	vld [tilespmem:s19+$0x2C20];
	v13, _, _ =	vpop (xrf1);
	(xrf1) =	vsort.ascd.msk.f32 $0xffff, v39, v39  }
0x1d3: {  	v46 =	vld [tilespmem:s19+$0x2C30];
	v17, _, _ =	vpop (xrf1);
	(xrf1) =	vsort.dscd.msk.f32 $0xffff, v40, v40  }
0x1d4: {  	v47 =	vld [tilespmem:s19+$0x2C40];
	v15, _, _ =	vpop (xrf1);
	(xrf1) =	vsort.ascd.msk.f32 $0xffff, v41, v41  }
0x1d5: {  	v48 =	vld [tilespmem:s19+$0x2C50];
	v22, _, _ =	vpop (xrf1);
	(xrf1) =	vsort.dscd.msk.f32 $0xffff, v42, v42  }
0x1d6: {  	v49 =	vld [tilespmem:s19+$0x2C60];
	v19, _, _ =	vpop (xrf1);
	(xrf1) =	vsort.ascd.msk.f32 $0xffff, v43, v43  }
0x1d7: {  	v50 =	vld [tilespmem:s19+$0x2C70];
	v25, _, _ =	vpop (xrf1);
	(xrf1) =	vsort.dscd.msk.f32 $0xffff, v44, v44  }
0x1d8: {  	v51 =	vld [tilespmem:s19+$0x3000];
	v23, _, _ =	vpop (xrf1);
	(xrf1) =	vsort.ascd.msk.f32 $0xffff, v45, v45  }
0x1d9: {  	v54 =	vld [tilespmem:s19+$0x3010];
	v27, _, _ =	vpop (xrf1);
	(xrf1) =	vsort.dscd.msk.f32 $0xffff, v46, v46  }
0x1da: {  	v55 =	vld [tilespmem:s19+$0x3020];
	v26, _, _ =	vpop (xrf1);
	(xrf1) =	vsort.ascd.msk.f32 $0xffff, v47, v47  }
0x1db: {  	v9 =	vld [tilespmem:s19+$0x3030];
	v38, _, _ =	vpop (xrf1);
	(xrf1) =	vsort.dscd.msk.f32 $0xffff, v48, v48  }
0x1dc: {  	v56 =	vld [tilespmem:s19+$0x3040];
	v31, _, _ =	vpop (xrf1);
	(xrf1) =	vsort.ascd.msk.f32 $0xffff, v49, v49  }
0x1dd: {  	v57 =	vld [tilespmem:s19+$0x3050];
	v0, _, _ =	vpop (xrf1);
	(xrf1) =	vsort.dscd.msk.f32 $0xffff, v50, v50  }
0x1de: {  	v59 =	vld [tilespmem:s19+$0x3060];
	v32, _, _ =	vpop (xrf1);
	(xrf1) =	vsort.ascd.msk.f32 $0xffff, v51, v51  }
0x1df: {  	v60 =	vld [tilespmem:s19+$0x3070];
	v47, _, _ =	vpop (xrf1);
	(xrf1) =	vsort.dscd.msk.f32 $0xffff, v54, v54  }
0x1e0: {  	v61 =	vld [tilespmem:s19+$0x3400];
	v33, _, _ =	vpop (xrf1);
	(xrf1) =	vsort.ascd.msk.f32 $0xffff, v55, v55  }
0x1e1: {  	v62 =	vld [tilespmem:s19+$0x3410];
	v48, _, _ =	vpop (xrf1);
	(xrf1) =	vsort.dscd.msk.f32 $0xffff, v9, v9  }
0x1e2: {  	v63 =	vld [tilespmem:s19+$0x3420];
	v34, _, _ =	vpop (xrf1);
	(xrf1) =	vsort.ascd.msk.f32 $0xffff, v56, v56  }
0x1e3: {  	v12 =	vld [tilespmem:s19+$0x3430];
	v49, _, _ =	vpop (xrf1);
	(xrf1) =	vsort.dscd.msk.f32 $0xffff, v57, v57  }
0x1e4: {  	v16 =	vld [tilespmem:s19+$0x3440];
	v35, _, _ =	vpop (xrf1);
	(xrf1) =	vsort.ascd.msk.f32 $0xffff, v59, v59  }
0x1e5: {  	v18 =	vld [tilespmem:s19+$0x3450];
	v50, _, _ =	vpop (xrf1);
	(xrf1) =	vsort.dscd.msk.f32 $0xffff, v60, v60  }
0x1e6: {  	v20 =	vld [tilespmem:s19+$0x3460];
	v41, _, _ =	vpop (xrf1);
	(xrf1) =	vsort.ascd.msk.f32 $0xffff, v61, v61  }
0x1e7: {  	v21 =	vld [tilespmem:s19+$0x3470];
	v51, _, _ =	vpop (xrf1);
	(xrf1) =	vsort.dscd.msk.f32 $0xffff, v62, v62  }
0x1e8: {  	v24 =	vld [tilespmem:s19+$0x3800];
	v42, _, _ =	vpop (xrf1);
	(xrf1) =	vsort.ascd.msk.f32 $0xffff, v63, v63  }
0x1e9: {  	v10 =	vld [tilespmem:s19+$0x3820];
	v61, _, _ =	vpop (xrf1);
	(xrf1) =	vsort.dscd.msk.f32 $0xffff, v12, v12  }
0x1ea: {  	v28 =	vld [tilespmem:s19+$0x3810];
	v43, _, _ =	vpop (xrf1);
	(xrf1) =	vsort.ascd.msk.f32 $0xffff, v16, v16  }
0x1eb: {  	v29 =	vld [tilespmem:s19+$0x3830];
	v62, _, _ =	vpop (xrf1);
	(xrf1) =	vsort.dscd.msk.f32 $0xffff, v18, v18  }
0x1ec: {  	v30 =	vld [tilespmem:s19+$0x3840];
	v44, _, _ =	vpop (xrf1);
	(xrf1) =	vsort.ascd.msk.f32 $0xffff, v20, v20  }
0x1ed: {  	v36 =	vld [tilespmem:s19+$0x3850];
	v63, _, _ =	vpop (xrf1);
	(xrf1) =	vsort.dscd.msk.f32 $0xffff, v21, v21  }
0x1ee: {  	v37 =	vld [tilespmem:s19+$0x3860];
	v45, _, _ =	vpop (xrf1);
	(xrf1) =	vsort.ascd.msk.f32 $0xffff, v24, v24  }
0x1ef: {  	v39 =	vld [tilespmem:s19+$0x3C00];
	v1, _, _ =	vpop (xrf1);
	(xrf1) =	vsort.dscd.msk.f32 $0xffff, v28, v28  }
0x1f0: {  	v12 =	vld [tilespmem:s19+$0x3870];
	v46, _, _ =	vpop (xrf1);
	(xrf1) =	vsort.ascd.msk.f32 $0xffff, v10, v10  }
0x1f1: {  	v40 =	vld [tilespmem:s19+$0x3C20];
	v6, _, _ =	vpop (xrf1);
	(xrf1) =	vsort.dscd.msk.f32 $0xffff, v29, v29  }
0x1f2: {  	v16 =	vld [tilespmem:s19+$0x3C10];
	v54, _, _ =	vpop (xrf1);
	(xrf1) =	vsort.ascd.msk.f32 $0xffff, v30, v30  }
0x1f3: {  	v18 =	vld [tilespmem:s19+$0x3C30];
	v10, _, _ =	vpop (xrf1);
	(xrf1) =	vsort.dscd.msk.f32 $0xffff, v36, v36  }
0x1f4: {  	v20 =	vld [tilespmem:s19+$0x3C40];
	v55, _, _ =	vpop (xrf1);
	(xrf1) =	vsort.ascd.msk.f32 $0xffff, v37, v37  }
0x1f5: {  	v21 =	vld [tilespmem:s19+$0x3C50];
	v11, _, _ =	vpop (xrf1);
	(xrf1) =	vsort.dscd.msk.f32 $0xffff, v12, v12  }
0x1f6: {  	v24 =	vld [tilespmem:s19+$0x3C58];
	v56, _, _ =	vpop (xrf1);
	(xrf1) =	vsort.ascd.msk.f32 $0xffff, v39, v39  }
0x1f7: {  	v60, _, _ =	vpop (xrf1);
	(xrf1) =	vsort.dscd.msk.f32 $0xffff, v16, v16  }
0x1f8: {  	v37, _, _ =	vpop (xrf1);
	(xrf1) =	vsort.ascd.msk.f32 $0xffff, v40, v40  }
0x1f9: {  	v57, _, _ =	vpop (xrf1);
	(xrf1) =	vsort.dscd.msk.f32 $0xffff, v18, v18  }
0x1fa: {  	v30, _, _ =	vpop (xrf1);
	(xrf1) =	vsort.ascd.msk.f32 $0xffff, v20, v20  }
0x1fb: {  	v28 =	vsel vm0, $0xF149F2CA, v24;
	v40, _, _ =	vpop (xrf1);
	(xrf1) =	vsort.dscd.msk.f32 $0xffff, v21, v21  }
0x1fc: {  	v29 =	vmin.f32 v2, v3;
	v24, _, _ =	vpop (xrf1);
	(xrf1) =	vsort.ascd.msk.f32 $0xffff, v28, v28  }
0x1fd: {  	v2 =	vmax.f32 v2, v3;
	v39, _, _ =	vpop (xrf1);
	(xrf1) =	vsort.ascd.msk.f32 $0xffff, v29, v29  }
0x1fe: {  	v28, _, _ =	vpop (xrf1);
	(xrf1) =	vsort.ascd.msk.f32 $0xffff, v2, v2  }
0x1ff: {  	v36, _, _ =	vpop (xrf1)  }
0x200: {  	v21, _, _ =	vpop (xrf1)  }
0x201: {  	v29, _, _ =	vpop (xrf1)  }
0x202: {  	v16, _, _ =	vpop (xrf1)  }
0x203: {  	v18, _, _ =	vpop (xrf1)  }
0x204: {  	v12, _, _ =	vpop (xrf1)  }
0x205: {  	v20, _, _ =	vpop (xrf1)  }
0x206: {  	v7, _, _ =	vpop (xrf1)  }
0x207: {  	v8, _, _ =	vpop (xrf1)  }
0x208: {  	v5, _, _ =	vpop (xrf1)  }
0x209: {  	v9, _, _ =	vpop (xrf1)  }
0x20a: {  	v59 =	vmax.f32 v52, v58;
	v2, _, _ =	vpop (xrf1)  }
0x20b: {  	v52 =	vmin.f32 v52, v58;
	(xrf1) =	vsort.dscd.msk.f32 $0xffff, v59, v59;
	v4, _, _ =	vpop (xrf1)  }
0x20c: {  	v59 =	vmin.f32 v53, v14;
	(xrf1) =	vsort.dscd.msk.f32 $0xffff, v52, v52;
	v3, _, _ =	vpop (xrf1)  }
0x20d: {  	v14 =	vmax.f32 v53, v14;
	(xrf1) =	vsort.ascd.msk.f32 $0xffff, v59, v59  }
0x20e: {  	v53 =	vmax.f32 v13, v17;
	(xrf1) =	vsort.ascd.msk.f32 $0xffff, v14, v14  }
0x20f: {  	v13 =	vmin.f32 v13, v17;
	(xrf1) =	vsort.dscd.msk.f32 $0xffff, v53, v53  }
0x210: {  	v58 =	vmin.f32 v15, v22;
	(xrf1) =	vsort.dscd.msk.f32 $0xffff, v13, v13  }
0x211: {  	v59 =	vmax.f32 v15, v22;
	(xrf1) =	vsort.ascd.msk.f32 $0xffff, v58, v58  }
0x212: {  	v17 =	vmax.f32 v19, v25;
	(xrf1) =	vsort.ascd.msk.f32 $0xffff, v59, v59  }
0x213: {  	v19 =	vmin.f32 v19, v25;
	(xrf1) =	vsort.dscd.msk.f32 $0xffff, v17, v17  }
0x214: {  	v22 =	vmin.f32 v23, v27;
	(xrf1) =	vsort.dscd.msk.f32 $0xffff, v19, v19  }
0x215: {  	v23 =	vmax.f32 v23, v27;
	(xrf1) =	vsort.ascd.msk.f32 $0xffff, v22, v22  }
0x216: {  	v25 =	vmax.f32 v26, v38;
	(xrf1) =	vsort.ascd.msk.f32 $0xffff, v23, v23  }
0x217: {  	v26 =	vmin.f32 v26, v38;
	(xrf1) =	vsort.dscd.msk.f32 $0xffff, v25, v25  }
0x218: {  	v27 =	vmin.f32 v31, v0;
	(xrf1) =	vsort.dscd.msk.f32 $0xffff, v26, v26  }
0x219: {  	v0 =	vmax.f32 v31, v0;
	(xrf1) =	vsort.ascd.msk.f32 $0xffff, v27, v27  }
0x21a: {  	v38 =	vmax.f32 v32, v47;
	v58, _, _ =	vpop (xrf1);
	(xrf1) =	vsort.ascd.msk.f32 $0xffff, v0, v0  }
0x21b: {  	v52 =	vmin.f32 v32, v47;
	v59, _, _ =	vpop (xrf1);
	(xrf1) =	vsort.dscd.msk.f32 $0xffff, v38, v38  }
0x21c: {  	v53 =	vmin.f32 v33, v48;
	v23, _, _ =	vpop (xrf1);
	(xrf1) =	vsort.dscd.msk.f32 $0xffff, v52, v52  }
0x21d: {  	v17 =	vmax.f32 v33, v48;
	v31, _, _ =	vpop (xrf1);
	(xrf1) =	vsort.ascd.msk.f32 $0xffff, v53, v53  }
0x21e: {  	v19 =	vmax.f32 v34, v49;
	v38, _, _ =	vpop (xrf1);
	(xrf1) =	vsort.ascd.msk.f32 $0xffff, v17, v17  }
0x21f: {  	v22 =	vmin.f32 v34, v49;
	v53, _, _ =	vpop (xrf1);
	(xrf1) =	vsort.dscd.msk.f32 $0xffff, v19, v19  }
0x220: {  	v27 =	vmin.f32 v35, v50;
	v25, _, _ =	vpop (xrf1);
	(xrf1) =	vsort.dscd.msk.f32 $0xffff, v22, v22  }
0x221: {  	v35 =	vmax.f32 v35, v50;
	v32, _, _ =	vpop (xrf1);
	(xrf1) =	vsort.ascd.msk.f32 $0xffff, v27, v27  }
0x222: {  	v47 =	vmax.f32 v41, v51;
	v50, _, _ =	vpop (xrf1);
	(xrf1) =	vsort.ascd.msk.f32 $0xffff, v35, v35  }
0x223: {  	v48 =	vmin.f32 v41, v51;
	v52, _, _ =	vpop (xrf1);
	(xrf1) =	vsort.dscd.msk.f32 $0xffff, v47, v47  }
0x224: {  	v51 =	vmax.f32 v42, v61;
	v49 =	vmin.f32 v42, v61;
	v13, _, _ =	vpop (xrf1);
	(xrf1) =	vsort.dscd.msk.f32 $0xffff, v48, v48  }
0x225: {  	v26, _, _ =	vpop (xrf1);
	(xrf1) =	vsort.ascd.msk.f32 $0xffff, v49, v49  }
0x226: {  	v61 =	vmax.f32 v43, v62;
	v33, _, _ =	vpop (xrf1);
	(xrf1) =	vsort.ascd.msk.f32 $0xffff, v51, v51  }
0x227: {  	v62 =	vmin.f32 v43, v62;
	v51, _, _ =	vpop (xrf1);
	(xrf1) =	vsort.dscd.msk.f32 $0xffff, v61, v61  }
0x228: {  	v17 =	vmin.f32 v44, v63;
	v27, _, _ =	vpop (xrf1);
	(xrf1) =	vsort.dscd.msk.f32 $0xffff, v62, v62  }
0x229: {  	v19 =	vmax.f32 v44, v63;
	v34, _, _ =	vpop (xrf1);
	(xrf1) =	vsort.ascd.msk.f32 $0xffff, v17, v17  }
0x22a: {  	v22 =	vmax.f32 v45, v1;
	v35, _, _ =	vpop (xrf1);
	(xrf1) =	vsort.ascd.msk.f32 $0xffff, v19, v19  }
0x22b: {  	v1 =	vmin.f32 v45, v1;
	v49, _, _ =	vpop (xrf1);
	(xrf1) =	vsort.dscd.msk.f32 $0xffff, v22, v22  }
0x22c: {  	v41 =	vmin.f32 v46, v6;
	v14, _, _ =	vpop (xrf1);
	(xrf1) =	vsort.dscd.msk.f32 $0xffff, v1, v1  }
0x22d: {  	v42 =	vmax.f32 v46, v6;
	v44, _, _ =	vpop (xrf1);
	(xrf1) =	vsort.ascd.msk.f32 $0xffff, v41, v41  }
0x22e: {  	v43 =	vmax.f32 v54, v10;
	v47, _, _ =	vpop (xrf1);
	(xrf1) =	vsort.ascd.msk.f32 $0xffff, v42, v42  }
0x22f: {  	v45 =	vmin.f32 v54, v10;
	v48, _, _ =	vpop (xrf1);
	(xrf1) =	vsort.dscd.msk.f32 $0xffff, v43, v43  }
0x230: {  	v46 =	vmin.f32 v55, v11;
	v10, _, _ =	vpop (xrf1);
	(xrf1) =	vsort.dscd.msk.f32 $0xffff, v45, v45  }
0x231: {  	v54 =	vmax.f32 v55, v11;
	v0, _, _ =	vpop (xrf1);
	(xrf1) =	vsort.ascd.msk.f32 $0xffff, v46, v46  }
0x232: {  	v55 =	vmax.f32 v56, v60;
	v45, _, _ =	vpop (xrf1);
	(xrf1) =	vsort.ascd.msk.f32 $0xffff, v54, v54  }
0x233: {  	v56 =	vmin.f32 v56, v60;
	v46, _, _ =	vpop (xrf1);
	(xrf1) =	vsort.dscd.msk.f32 $0xffff, v55, v55  }
0x234: {  	v15 =	vmin.f32 v37, v57;
	v6, _, _ =	vpop (xrf1);
	(xrf1) =	vsort.dscd.msk.f32 $0xffff, v56, v56  }
0x235: {  	v17 =	vmax.f32 v37, v57;
	v19, _, _ =	vpop (xrf1);
	(xrf1) =	vsort.ascd.msk.f32 $0xffff, v15, v15  }
0x236: {  	v22 =	vmax.f32 v30, v40;
	v42, _, _ =	vpop (xrf1);
	(xrf1) =	vsort.ascd.msk.f32 $0xffff, v17, v17  }
0x237: {  	v37 =	vmin.f32 v30, v40;
	v43, _, _ =	vpop (xrf1);
	(xrf1) =	vsort.dscd.msk.f32 $0xffff, v22, v22  }
0x238: {  	v40 =	vmin.f32 v24, v39;
	v41 =	vmax.f32 v24, v39;
	v15, _, _ =	vpop (xrf1);
	(xrf1) =	vsort.dscd.msk.f32 $0xffff, v37, v37  }
0x239: {  	v17, _, _ =	vpop (xrf1);
	(xrf1) =	vsort.ascd.msk.f32 $0xffff, v40, v40  }
0x23a: {  	v54 =	vmax.f32 v28, v36;
	v22, _, _ =	vpop (xrf1);
	(xrf1) =	vsort.ascd.msk.f32 $0xffff, v41, v41  }
0x23b: {  	v55 =	vmin.f32 v28, v36;
	v41, _, _ =	vpop (xrf1);
	(xrf1) =	vsort.dscd.msk.f32 $0xffff, v54, v54  }
0x23c: {  	v63 =	vmin.f32 v12, v20;
	v60 =	vld [tilespmem:$0x1FFF0];
	v56 =	vmin.f32 v21, v29;
	v24, _, _ =	vpop (xrf1);
	(xrf1) =	vsort.dscd.msk.f32 $0xffff, v55, v55  }
0x23d: {  	v61 =	vmax.f32 v16, v18;
	v57 =	vmax.f32 v21, v29;
	v28, _, _ =	vpop (xrf1);
	(xrf1) =	vsort.ascd.msk.f32 $0xffff, v56, v56  }
0x23e: {  	v62 =	vmin.f32 v16, v18;
	v36 =	vmax.f32 v7, v8;
	v39, _, _ =	vpop (xrf1);
	(xrf1) =	vsort.ascd.msk.f32 $0xffff, v57, v57  }
0x23f: {  	v8 =	vmin.f32 v7, v8;
	v21 =	vmax.f32 v12, v20;
	v40, _, _ =	vpop (xrf1);
	(xrf1) =	vsort.dscd.msk.f32 $0xffff, v61, v61  }
0x240: {  	v37 =	vmin.f32 v5, v9;
	v5 =	vmax.f32 v5, v9;
	v16, _, _ =	vpop (xrf1);
	(xrf1) =	vsort.dscd.msk.f32 $0xffff, v62, v62  }
0x241: {  	v54 =	vmin.f32 v2, v60;
	v2 =	vmax.f32 v2, v60;
	v18, _, _ =	vpop (xrf1);
	(xrf1) =	vsort.ascd.msk.f32 $0xffff, v63, v63  }
0x242: {  	v55 =	vmin.f32 v4, v58;
	v56 =	vmin.f32 v3, v59;
	v29, _, _ =	vpop (xrf1);
	(xrf1) =	vsort.ascd.msk.f32 $0xffff, v21, v21  }
0x243: {  	v3 =	vmax.f32 v3, v59;
	v59 =	vmax.f32 v32, v52;
	v30, _, _ =	vpop (xrf1);
	(xrf1) =	vsort.dscd.msk.f32 $0xffff, v36, v36  }
0x244: {  	v57 =	vmax.f32 v4, v58;
	v58 =	vmin.f32 v55, v56;
	v7, _, _ =	vpop (xrf1);
	(xrf1) =	vsort.dscd.msk.f32 $0xffff, v8, v8  }
0x245: {  	v60 =	vmin.f32 v57, v3;
	v1 =	vmax.f32 v57, v3;
	v8, _, _ =	vpop (xrf1);
	(xrf1) =	vsort.ascd.msk.f32 $0xffff, v37, v37  }
0x246: {  	v61 =	vmax.f32 v23, v38;
	v57 =	vmax.f32 v25, v50;
	v20, _, _ =	vpop (xrf1);
	(xrf1) =	vsort.ascd.msk.f32 $0xffff, v5, v5  }
0x247: {  	v62 =	vmax.f32 v31, v53;
	v53 =	vmin.f32 v31, v53;
	v36, _, _ =	vpop (xrf1);
	(xrf1) =	vsort.dscd.msk.f32 $0xffff, v2, v2  }
0x248: {  	v63 =	vmin.f32 v23, v38;
	v38 =	vmax.f32 v61, v62;
	v2, _, _ =	vpop (xrf1);
	(xrf1) =	vsort.dscd.msk.f32 $0xffff, v54, v54  }
0x249: {  	v4 =	vmin.f32 v61, v62;
	v5 =	vmax.f32 v55, v56;
	v12, _, _ =	vpop (xrf1);
	(xrf1) =	vsort.ascd.msk.f32 $0xffff, v58, v58  }
0x24a: {  	v61 =	vmax.f32 v13, v33;
	v62 =	vmax.f32 v26, v51;
	v21, _, _ =	vpop (xrf1);
	(xrf1) =	vsort.ascd.msk.f32 $0xffff, v5, v5  }
0x24b: {  	v51 =	vmin.f32 v26, v51;
	v55 =	vmin.f32 v25, v50;
	v37, _, _ =	vpop (xrf1);
	(xrf1) =	vsort.ascd.msk.f32 $0xffff, v60, v60  }
0x24c: {  	v56 =	vmin.f32 v32, v52;
	v54 =	vmax.f32 v63, v53;
	v3, _, _ =	vpop (xrf1);
	(xrf1) =	vsort.ascd.msk.f32 $0xffff, v1, v1  }
0x24d: {  	v58 =	vmin.f32 v55, v56;
	v60 =	vmin.f32 v57, v59;
	v23, _, _ =	vpop (xrf1);
	(xrf1) =	vsort.dscd.msk.f32 $0xffff, v38, v38  }
0x24e: {  	v1 =	vmin.f32 v63, v53;
	v63 =	vmin.f32 v13, v33;
	v31, _, _ =	vpop (xrf1);
	(xrf1) =	vsort.dscd.msk.f32 $0xffff, v4, v4  }
0x24f: {  	v53 =	vmin.f32 v10, v45;
	v38, _, _ =	vpop (xrf1);
	v4 =	vmax.f32 v55, v56;
	(xrf1) =	vsort.dscd.msk.f32 $0xffff, v54, v54  }
0x250: {  	v55 =	vmax.f32 v63, v51;
	v56 =	vmin.f32 v27, v35;
	v5, _, _ =	vpop (xrf1);
	(xrf1) =	vsort.dscd.msk.f32 $0xffff, v1, v1  }
0x251: {  	v54 =	vmax.f32 v61, v62;
	v25, _, _ =	vpop (xrf1);
	v1 =	vmax.f32 v57, v59;
	(xrf1) =	vsort.ascd.msk.f32 $0xffff, v58, v58  }
0x252: {  	v57 =	vmin.f32 v34, v49;
	v49 =	vmax.f32 v34, v49;
	v32, _, _ =	vpop (xrf1);
	(xrf1) =	vsort.ascd.msk.f32 $0xffff, v4, v4  }
0x253: {  	v58 =	vmax.f32 v27, v35;
	v59 =	vmin.f32 v56, v57;
	v50, _, _ =	vpop (xrf1);
	(xrf1) =	vsort.ascd.msk.f32 $0xffff, v60, v60  }
0x254: {  	v4 =	vmin.f32 v61, v62;
	v61 =	vmax.f32 v14, v47;
	v9, _, _ =	vpop (xrf1);
	(xrf1) =	vsort.ascd.msk.f32 $0xffff, v1, v1  }
0x255: {  	v62 =	vmax.f32 v44, v48;
	v44 =	vmin.f32 v44, v48;
	v26, _, _ =	vpop (xrf1);
	(xrf1) =	vsort.dscd.msk.f32 $0xffff, v54, v54  }
0x256: {  	v48 =	vmin.f32 v17, v41;
	v41 =	vmax.f32 v17, v41;
	v33, _, _ =	vpop (xrf1);
	(xrf1) =	vsort.dscd.msk.f32 $0xffff, v4, v4  }
0x257: {  	v60 =	vmin.f32 v58, v49;
	v1 =	vmin.f32 v63, v51;
	v51, _, _ =	vpop (xrf1);
	(xrf1) =	vsort.dscd.msk.f32 $0xffff, v55, v55  }
0x258: {  	v63 =	vmin.f32 v14, v47;
	v47 =	vmin.f32 v15, v22;
	v13, _, _ =	vpop (xrf1);
	(xrf1) =	vsort.dscd.msk.f32 $0xffff, v1, v1  }
0x259: {  	v52 =	vmax.f32 v63, v44;
	v4 =	vmax.f32 v56, v57;
	v27, _, _ =	vpop (xrf1);
	(xrf1) =	vsort.ascd.msk.f32 $0xffff, v59, v59  }
0x25a: {  	v54 =	vmin.f32 v0, v46;
	v0 =	vmax.f32 v0, v46;
	v34, _, _ =	vpop (xrf1);
	(xrf1) =	vsort.ascd.msk.f32 $0xffff, v4, v4  }
0x25b: {  	v14 =	vmax.f32 v53, v54;
	v1 =	vmax.f32 v58, v49;
	v35, _, _ =	vpop (xrf1);
	(xrf1) =	vsort.ascd.msk.f32 $0xffff, v60, v60  }
0x25c: {  	v55 =	vmax.f32 v10, v45;
	v49 =	vmax.f32 v61, v62;
	v56, _, _ =	vpop (xrf1);
	(xrf1) =	vsort.ascd.msk.f32 $0xffff, v1, v1  }
0x25d: {  	v4 =	vmin.f32 v61, v62;
	v61 =	vmin.f32 v55, v0;
	v57, _, _ =	vpop (xrf1);
	(xrf1) =	vsort.dscd.msk.f32 $0xffff, v49, v49  }
0x25e: {  	v0 =	vmax.f32 v55, v0;
	v62 =	vmax.f32 v6, v42;
	v58, _, _ =	vpop (xrf1);
	(xrf1) =	vsort.dscd.msk.f32 $0xffff, v4, v4  }
0x25f: {  	v42 =	vmin.f32 v6, v42;
	v1 =	vmin.f32 v63, v44;
	v59, _, _ =	vpop (xrf1);
	(xrf1) =	vsort.dscd.msk.f32 $0xffff, v52, v52  }
0x260: {  	v60 =	vmin.f32 v53, v54;
	v63 =	vmax.f32 v19, v43;
	v4, _, _ =	vpop (xrf1);
	(xrf1) =	vsort.dscd.msk.f32 $0xffff, v1, v1  }
0x261: {  	v19 =	vmin.f32 v19, v43;
	v44 =	vmin.f32 v24, v39;
	v10, _, _ =	vpop (xrf1);
	(xrf1) =	vsort.ascd.msk.f32 $0xffff, v60, v60  }
0x262: {  	v43 =	vmin.f32 v2, v21;
	v45 =	vmax.f32 v62, v63;
	v11, _, _ =	vpop (xrf1);
	(xrf1) =	vsort.ascd.msk.f32 $0xffff, v14, v14  }
0x263: {  	v46 =	vmax.f32 v42, v19;
	v49 =	vmax.f32 v15, v22;
	v14, _, _ =	vpop (xrf1);
	(xrf1) =	vsort.ascd.msk.f32 $0xffff, v61, v61  }
0x264: {  	v1 =	vmin.f32 v62, v63;
	v62 =	vmax.f32 v24, v39;
	v52, _, _ =	vpop (xrf1);
	(xrf1) =	vsort.ascd.msk.f32 $0xffff, v0, v0  }
0x265: {  	v63 =	vmax.f32 v28, v40;
	v40 =	vmin.f32 v28, v40;
	v53, _, _ =	vpop (xrf1);
	(xrf1) =	vsort.dscd.msk.f32 $0xffff, v45, v45  }
0x266: {  	v60 =	vmin.f32 v47, v48;
	v61 =	vmin.f32 v49, v41;
	v54, _, _ =	vpop (xrf1);
	(xrf1) =	vsort.dscd.msk.f32 $0xffff, v1, v1  }
0x267: {  	v0 =	vmin.f32 v42, v19;
	v45 =	vmax.f32 v62, v63;
	v55, _, _ =	vpop (xrf1);
	(xrf1) =	vsort.dscd.msk.f32 $0xffff, v46, v46  }
0x268: {  	v1 =	vmax.f32 v47, v48;
	v47 =	vmin.f32 v16, v29;
	v6, _, _ =	vpop (xrf1);
	(xrf1) =	vsort.dscd.msk.f32 $0xffff, v0, v0  }
0x269: {  	v48 =	vmin.f32 v18, v30;
	v18 =	vmax.f32 v18, v30;
	v15, _, _ =	vpop (xrf1);
	(xrf1) =	vsort.ascd.msk.f32 $0xffff, v60, v60  }
0x26a: {  	v46 =	vmax.f32 v44, v40;
	v0 =	vmax.f32 v49, v41;
	v17, _, _ =	vpop (xrf1);
	(xrf1) =	vsort.ascd.msk.f32 $0xffff, v1, v1  }
0x26b: {  	v49 =	vmax.f32 v16, v29;
	v60 =	vmin.f32 v47, v48;
	v19, _, _ =	vpop (xrf1);
	(xrf1) =	vsort.ascd.msk.f32 $0xffff, v61, v61  }
0x26c: {  	v1 =	vmin.f32 v62, v63;
	v62 =	vmax.f32 v7, v20;
	v22, _, _ =	vpop (xrf1);
	(xrf1) =	vsort.ascd.msk.f32 $0xffff, v0, v0  }
0x26d: {  	v63 =	vmax.f32 v8, v36;
	v8 =	vmin.f32 v8, v36;
	v28, _, _ =	vpop (xrf1);
	(xrf1) =	vsort.dscd.msk.f32 $0xffff, v45, v45  }
0x26e: {  	v36 =	vmin.f32 v3, v31;
	v61 =	vmin.f32 v49, v18;
	v39, _, _ =	vpop (xrf1);
	(xrf1) =	vsort.dscd.msk.f32 $0xffff, v1, v1  }
0x26f: {  	v0 =	vmin.f32 v44, v40;
	v44 =	vmin.f32 v12, v37;
	v41, _, _ =	vpop (xrf1);
	(xrf1) =	vsort.dscd.msk.f32 $0xffff, v46, v46  }
0x270: {  	v45 =	vmax.f32 v2, v21;
	v1 =	vmax.f32 v47, v48;
	v24, _, _ =	vpop (xrf1);
	(xrf1) =	vsort.dscd.msk.f32 $0xffff, v0, v0  }
0x271: {  	v29, _, _ =	vpop (xrf1);
	v0 =	vmax.f32 v49, v18;
	v18 =	vmin.f32 v7, v20;
	(xrf1) =	vsort.ascd.msk.f32 $0xffff, v60, v60  }
0x272: {  	v20 =	vmax.f32 v62, v63;
	v30, _, _ =	vpop (xrf1);
	v42 =	vmax.f32 v18, v8;
	(xrf1) =	vsort.ascd.msk.f32 $0xffff, v1, v1  }
0x273: {  	v60 =	vmin.f32 v43, v44;
	v40, _, _ =	vpop (xrf1);
	v1 =	vmin.f32 v62, v63;
	(xrf1) =	vsort.ascd.msk.f32 $0xffff, v61, v61  }
0x274: {  	v63 =	vmax.f32 v3, v31;
	v31 =	vmax.f32 v25, v50;
	v46, _, _ =	vpop (xrf1);
	(xrf1) =	vsort.ascd.msk.f32 $0xffff, v0, v0  }
0x275: {  	v61 =	vmax.f32 v12, v37;
	v12 =	vmax.f32 v23, v38;
	v47, _, _ =	vpop (xrf1);
	(xrf1) =	vsort.dscd.msk.f32 $0xffff, v20, v20  }
0x276: {  	v38 =	vmin.f32 v23, v38;
	v0 =	vmin.f32 v18, v8;
	v48, _, _ =	vpop (xrf1);
	(xrf1) =	vsort.dscd.msk.f32 $0xffff, v1, v1  }
0x277: {  	v62 =	vmin.f32 v45, v61;
	v37 =	vmax.f32 v63, v12;
	v49, _, _ =	vpop (xrf1);
	(xrf1) =	vsort.dscd.msk.f32 $0xffff, v42, v42  }
0x278: {  	v1 =	vmax.f32 v43, v44;
	v16, _, _ =	vpop (xrf1);
	(xrf1) =	vsort.dscd.msk.f32 $0xffff, v0, v0;
	v0 =	vmax.f32 v45, v61  }
0x279: {  	v18, _, _ =	vpop (xrf1);
	v61 =	vmin.f32 v5, v32;
	(xrf1) =	vsort.ascd.msk.f32 $0xffff, v60, v60;
	v60 =	vmax.f32 v36, v38  }
0x27a: {  	v20, _, _ =	vpop (xrf1);
	(xrf1) =	vsort.ascd.msk.f32 $0xffff, v1, v1;
	v1 =	vmin.f32 v63, v12;
	v63 =	vmax.f32 v5, v32  }
0x27b: {  	v21, _, _ =	vpop (xrf1);
	(xrf1) =	vsort.ascd.msk.f32 $0xffff, v62, v62;
	v62 =	vmin.f32 v25, v50;
	v32 =	vmin.f32 v63, v31  }
0x27c: {  	v42, _, _ =	vpop (xrf1);
	(xrf1) =	vsort.ascd.msk.f32 $0xffff, v0, v0;
	v0 =	vmin.f32 v36, v38;
	v23 =	vmin.f32 v61, v62  }
0x27d: {  	v43, _, _ =	vpop (xrf1);
	v36 =	vmax.f32 v9, v33;
	v38 =	vmin.f32 v9, v33;
	(xrf1) =	vsort.dscd.msk.f32 $0xffff, v37, v37  }
0x27e: {  	v44, _, _ =	vpop (xrf1);
	v37 =	vmax.f32 v26, v51;
	(xrf1) =	vsort.dscd.msk.f32 $0xffff, v1, v1;
	v1 =	vmax.f32 v61, v62  }
0x27f: {  	v45, _, _ =	vpop (xrf1);
	v50 =	vmax.f32 v36, v37;
	v62 =	vmin.f32 v13, v56;
	(xrf1) =	vsort.dscd.msk.f32 $0xffff, v60, v60  }
0x280: {  	v3, _, _ =	vpop (xrf1);
	v60 =	vmin.f32 v26, v51;
	v51 =	vmax.f32 v13, v56;
	(xrf1) =	vsort.dscd.msk.f32 $0xffff, v0, v0  }
0x281: {  	v56 =	vmin.f32 v35, v59;
	v35 =	vmax.f32 v35, v59;
	v7, _, _ =	vpop (xrf1);
	(xrf1) =	vsort.ascd.msk.f32 $0xffff, v23, v23  }
0x282: {  	v0 =	vmax.f32 v63, v31;
	v61 =	vmax.f32 v38, v60;
	v8, _, _ =	vpop (xrf1);
	(xrf1) =	vsort.ascd.msk.f32 $0xffff, v1, v1  }
0x283: {  	v63 =	vmin.f32 v27, v57;
	v27 =	vmax.f32 v27, v57;
	(xrf1) =	vsort.ascd.msk.f32 $0xffff, v32, v32  }
0x284: {  	v12, _, _ =	vpop (xrf1);
	v1 =	vmin.f32 v36, v37;
	(xrf1) =	vsort.ascd.msk.f32 $0xffff, v0, v0;
	v0 =	vmin.f32 v38, v60  }
0x285: {  	v25, _, _ =	vpop (xrf1);
	(xrf1) =	vsort.dscd.msk.f32 $0xffff, v50, v50;
	v50 =	vmin.f32 v34, v58;
	v34 =	vmax.f32 v34, v58  }
0x286: {  	v31, _, _ =	vpop (xrf1);
	v58 =	vmin.f32 v63, v56;
	(xrf1) =	vsort.dscd.msk.f32 $0xffff, v1, v1;
	v57 =	vmin.f32 v62, v50  }
0x287: {  	v32, _, _ =	vpop (xrf1);
	v1 =	vmax.f32 v63, v56;
	v63 =	vmax.f32 v51, v34;
	(xrf1) =	vsort.dscd.msk.f32 $0xffff, v61, v61  }
0x288: {  	v59 =	vmin.f32 v57, v58;
	v13 =	vmax.f32 v57, v58;
	v61 =	vmin.f32 v51, v34  }
0x289: {  	v51 =	vmax.f32 v27, v35;
	v57 =	vmax.f32 v4, v52;
	v58 =	vmax.f32 v11, v54  }
0x28a: {  	v33, _, _ =	vpop (xrf1);
	(xrf1) =	vsort.dscd.msk.f32 $0xffff, v0, v0;
	v0 =	vmax.f32 v62, v50;
	v62 =	vmin.f32 v27, v35  }
0x28b: {  	v2, _, _ =	vpop (xrf1);
	v56 =	vmin.f32 v63, v51;
	(xrf1) =	vsort.ascd.msk.f32 $0xffff, v59, v59;
	v60 =	vmin.f32 v0, v1  }
0x28c: {  	v5, _, _ =	vpop (xrf1);
	v0 =	vmax.f32 v0, v1;
	v50 =	vmin.f32 v61, v62;
	(xrf1) =	vsort.ascd.msk.f32 $0xffff, v13, v13  }
0x28d: {  	v9, _, _ =	vpop (xrf1);
	v1 =	vmax.f32 v61, v62;
	v59 =	vmax.f32 v14, v55;
	(xrf1) =	vsort.ascd.msk.f32 $0xffff, v60, v60  }
0x28e: {  	v61 =	vmax.f32 v57, v58;
	v13, _, _ =	vpop (xrf1);
	v60 =	vmin.f32 v11, v54;
	(xrf1) =	vsort.ascd.msk.f32 $0xffff, v0, v0  }
0x28f: {  	v23, _, _ =	vpop (xrf1);
	v0 =	vmax.f32 v63, v51;
	v63 =	vmin.f32 v14, v55;
	(xrf1) =	vsort.ascd.msk.f32 $0xffff, v50, v50  }
0x290: {  	v27, _, _ =	vpop (xrf1);
	(xrf1) =	vsort.ascd.msk.f32 $0xffff, v1, v1;
	v1 =	vmin.f32 v10, v53;
	v10 =	vmax.f32 v10, v53  }
0x291: {  	v34, _, _ =	vpop (xrf1);
	v53 =	vmin.f32 v57, v58;
	(xrf1) =	vsort.ascd.msk.f32 $0xffff, v56, v56;
	v62 =	vmax.f32 v10, v59  }
0x292: {  	v55 =	vmin.f32 v10, v59;
	v59 =	vmax.f32 v1, v63;
	v1 =	vmin.f32 v1, v63  }
0x293: {  	v35, _, _ =	vpop (xrf1);
	v63 =	vmin.f32 v17, v39;
	v39 =	vmax.f32 v17, v39;
	(xrf1) =	vsort.ascd.msk.f32 $0xffff, v0, v0  }
0x294: {  	v0 =	vmin.f32 v4, v52;
	v54 =	vmax.f32 v61, v62;
	v56 =	vmin.f32 v61, v62  }
0x295: {  	v57 =	vmax.f32 v53, v55;
	v36 =	vmin.f32 v53, v55;
	v61 =	vmin.f32 v6, v22  }
0x296: {  	v4, _, _ =	vpop (xrf1);
	v62 =	vmin.f32 v15, v28;
	v28 =	vmax.f32 v15, v28;
	(xrf1) =	vsort.dscd.msk.f32 $0xffff, v54, v54  }
0x297: {  	v10, _, _ =	vpop (xrf1);
	v58 =	vmax.f32 v0, v60;
	v0 =	vmin.f32 v0, v60;
	(xrf1) =	vsort.dscd.msk.f32 $0xffff, v56, v56  }
0x298: {  	v60 =	vmax.f32 v58, v59;
	v50 =	vmin.f32 v58, v59;
	v51 =	vmax.f32 v0, v1  }
0x299: {  	v11, _, _ =	vpop (xrf1);
	v0 =	vmin.f32 v0, v1;
	v56 =	vmax.f32 v6, v22;
	(xrf1) =	vsort.dscd.msk.f32 $0xffff, v57, v57  }
0x29a: {  	v58 =	vmin.f32 v61, v63;
	v14, _, _ =	vpop (xrf1);
	v57 =	vmin.f32 v19, v41;
	(xrf1) =	vsort.dscd.msk.f32 $0xffff, v36, v36  }
0x29b: {  	v41 =	vmax.f32 v19, v41;
	v54 =	vmax.f32 v56, v39;
	v26, _, _ =	vpop (xrf1);
	(xrf1) =	vsort.dscd.msk.f32 $0xffff, v60, v60  }
0x29c: {  	v59 =	vmin.f32 v62, v57;
	v1 =	vmax.f32 v62, v57;
	v36, _, _ =	vpop (xrf1);
	(xrf1) =	vsort.dscd.msk.f32 $0xffff, v50, v50  }
0x29d: {  	v62 =	vmin.f32 v56, v39;
	v56 =	vmax.f32 v28, v41;
	v37, _, _ =	vpop (xrf1);
	(xrf1) =	vsort.dscd.msk.f32 $0xffff, v51, v51  }
0x29e: {  	v60 =	vmin.f32 v58, v59;
	v57 =	vmin.f32 v54, v56;
	v38, _, _ =	vpop (xrf1);
	(xrf1) =	vsort.dscd.msk.f32 $0xffff, v0, v0  }
0x29f: {  	v0 =	vmax.f32 v61, v63;
	v61 =	vmax.f32 v58, v59;
	v63 =	vmin.f32 v28, v41  }
0x2a0: {  	v58 =	vmin.f32 v24, v46;
	v59 =	vmin.f32 v29, v47;
	v46 =	vmax.f32 v24, v46  }
0x2a1: {  	v6, _, _ =	vpop (xrf1);
	v29 =	vmax.f32 v29, v47;
	(xrf1) =	vsort.ascd.msk.f32 $0xffff, v60, v60;
	v50 =	vmin.f32 v0, v1  }
0x2a2: {  	v0 =	vmax.f32 v0, v1;
	v55 =	vmin.f32 v62, v63;
	v1 =	vmax.f32 v62, v63  }
0x2a3: {  	v15, _, _ =	vpop (xrf1);
	v60 =	vmax.f32 v30, v48;
	v30 =	vmin.f32 v30, v48;
	(xrf1) =	vsort.ascd.msk.f32 $0xffff, v61, v61  }
0x2a4: {  	v61 =	vmax.f32 v40, v49;
	v62 =	vmax.f32 v46, v60;
	v49 =	vmin.f32 v40, v49  }
0x2a5: {  	v46 =	vmin.f32 v46, v60;
	v60 =	vmin.f32 v20, v44;
	v44 =	vmax.f32 v20, v44  }
0x2a6: {  	v17, _, _ =	vpop (xrf1);
	(xrf1) =	vsort.ascd.msk.f32 $0xffff, v50, v50;
	v63 =	vmax.f32 v29, v61;
	v53 =	vmin.f32 v29, v61  }
0x2a7: {  	v19, _, _ =	vpop (xrf1);
	v61 =	vmin.f32 v21, v45;
	v45 =	vmax.f32 v21, v45;
	(xrf1) =	vsort.ascd.msk.f32 $0xffff, v0, v0  }
0x2a8: {  	v0 =	vmax.f32 v54, v56;
	v52 =	vmax.f32 v62, v63;
	v48 =	vmin.f32 v62, v63  }
0x2a9: {  	v22, _, _ =	vpop (xrf1);
	v50 =	vmax.f32 v46, v53;
	v47 =	vmin.f32 v46, v53;
	(xrf1) =	vsort.ascd.msk.f32 $0xffff, v55, v55  }
0x2aa: {  	v54 =	vmax.f32 v58, v30;
	v28, _, _ =	vpop (xrf1);
	v55 =	vmax.f32 v59, v49;
	(xrf1) =	vsort.ascd.msk.f32 $0xffff, v1, v1  }
0x2ab: {  	v39, _, _ =	vpop (xrf1);
	v56 =	vmax.f32 v54, v55;
	v1 =	vmin.f32 v59, v49;
	v59 =	vmin.f32 v18, v43  }
0x2ac: {  	v43 =	vmax.f32 v18, v43;
	v41, _, _ =	vpop (xrf1);
	(xrf1) =	vsort.ascd.msk.f32 $0xffff, v57, v57;
	v63 =	vmin.f32 v59, v61  }
0x2ad: {  	(xrf1) =	vsort.ascd.msk.f32 $0xffff, v0, v0;
	v24, _, _ =	vpop (xrf1);
	v0 =	vmin.f32 v58, v30;
	v58 =	vmin.f32 v16, v42  }
0x2ae: {  	v42 =	vmax.f32 v16, v42;
	v29, _, _ =	vpop (xrf1);
	(xrf1) =	vsort.dscd.msk.f32 $0xffff, v52, v52;
	v57 =	vmax.f32 v0, v1  }
0x2af: {  	v0 =	vmin.f32 v0, v1;
	v62 =	vmin.f32 v58, v60;
	v40, _, _ =	vpop (xrf1);
	(xrf1) =	vsort.dscd.msk.f32 $0xffff, v48, v48  }
0x2b0: {  	v1 =	vmax.f32 v59, v61;
	v61 =	vmin.f32 v3, v25;
	v46, _, _ =	vpop (xrf1);
	(xrf1) =	vsort.dscd.msk.f32 $0xffff, v50, v50  }
0x2b1: {  	v3 =	vmax.f32 v3, v25;
	v50 =	vmin.f32 v54, v55;
	(xrf1) =	vsort.dscd.msk.f32 $0xffff, v47, v47  }
0x2b2: {  	v54 =	vmin.f32 v62, v63;
	v55 =	vmax.f32 v62, v63;
	v47, _, _ =	vpop (xrf1);
	(xrf1) =	vsort.dscd.msk.f32 $0xffff, v56, v56  }
0x2b3: {  	v62 =	vmax.f32 v7, v31;
	v63 =	vmax.f32 v8, v32;
	v48, _, _ =	vpop (xrf1);
	(xrf1) =	vsort.dscd.msk.f32 $0xffff, v50, v50  }
0x2b4: {  	v8 =	vmin.f32 v8, v32;
	v56 =	vmin.f32 v42, v44;
	v49, _, _ =	vpop (xrf1);
	(xrf1) =	vsort.dscd.msk.f32 $0xffff, v57, v57  }
0x2b5: {  	v50, _, _ =	vpop (xrf1);
	v57 =	vmin.f32 v43, v45;
	v45 =	vmax.f32 v43, v45;
	(xrf1) =	vsort.dscd.msk.f32 $0xffff, v0, v0  }
0x2b6: {  	v0 =	vmax.f32 v58, v60;
	v58 =	vmax.f32 v42, v44;
	v59 =	vmin.f32 v56, v57  }
0x2b7: {  	v16, _, _ =	vpop (xrf1);
	(xrf1) =	vsort.ascd.msk.f32 $0xffff, v54, v54;
	v51 =	vmin.f32 v0, v1;
	v0 =	vmax.f32 v0, v1  }
0x2b8: {  	v1 =	vmax.f32 v56, v57;
	v60 =	vmin.f32 v58, v45;
	v54 =	vmax.f32 v12, v33  }
0x2b9: {  	v18, _, _ =	vpop (xrf1);
	v33 =	vmin.f32 v12, v33;
	(xrf1) =	vsort.ascd.msk.f32 $0xffff, v55, v55;
	v55 =	vmax.f32 v3, v63  }
0x2ba: {  	v20, _, _ =	vpop (xrf1);
	v56 =	vmax.f32 v62, v54;
	v3 =	vmin.f32 v3, v63;
	(xrf1) =	vsort.ascd.msk.f32 $0xffff, v51, v51  }
0x2bb: {  	v57 =	vmax.f32 v55, v56;
	v32 =	vmin.f32 v55, v56;
	v55 =	vmin.f32 v2, v23  }
0x2bc: {  	v21, _, _ =	vpop (xrf1);
	v56 =	vmin.f32 v5, v27;
	v23 =	vmax.f32 v2, v23;
	v27 =	vmax.f32 v5, v27  }
0x2bd: {  	(xrf1) =	vsort.ascd.msk.f32 $0xffff, v0, v0;
	v30, _, _ =	vpop (xrf1);
	v0 =	vmax.f32 v58, v45;
	v45 =	vmin.f32 v62, v54  }
0x2be: {  	v42, _, _ =	vpop (xrf1);
	(xrf1) =	vsort.ascd.msk.f32 $0xffff, v59, v59;
	v58 =	vmax.f32 v3, v45;
	v3 =	vmin.f32 v3, v45  }
0x2bf: {  	v59 =	vmax.f32 v61, v8;
	v43, _, _ =	vpop (xrf1);
	(xrf1) =	vsort.ascd.msk.f32 $0xffff, v1, v1;
	v1 =	vmin.f32 v7, v31  }
0x2c0: {  	v61 =	vmin.f32 v61, v8;
	v44, _, _ =	vpop (xrf1);
	(xrf1) =	vsort.ascd.msk.f32 $0xffff, v60, v60;
	v60 =	vmax.f32 v1, v33  }
0x2c1: {  	v1 =	vmin.f32 v1, v33;
	(xrf1) =	vsort.ascd.msk.f32 $0xffff, v0, v0;
	v7, _, _ =	vpop (xrf1);
	v62 =	vmax.f32 v59, v60  }
0x2c2: {  	v63 =	vmin.f32 v59, v60;
	v54 =	vmax.f32 v61, v1;
	v12, _, _ =	vpop (xrf1);
	(xrf1) =	vsort.dscd.msk.f32 $0xffff, v57, v57  }
0x2c3: {  	v1 =	vmin.f32 v61, v1;
	v57 =	vmin.f32 v9, v34;
	v25, _, _ =	vpop (xrf1);
	(xrf1) =	vsort.dscd.msk.f32 $0xffff, v32, v32  }
0x2c4: {  	v34 =	vmax.f32 v9, v34;
	v31, _, _ =	vpop (xrf1);
	(xrf1) =	vsort.dscd.msk.f32 $0xffff, v58, v58;
	v58 =	vmin.f32 v13, v35  }
0x2c5: {  	v59 =	vmin.f32 v55, v57;
	(xrf1) =	vsort.dscd.msk.f32 $0xffff, v3, v3;
	v32, _, _ =	vpop (xrf1);
	v60 =	vmin.f32 v56, v58  }
0x2c6: {  	v13 =	vmax.f32 v13, v35;
	v33, _, _ =	vpop (xrf1);
	(xrf1) =	vsort.dscd.msk.f32 $0xffff, v62, v62;
	v61 =	vmin.f32 v59, v60  }
0x2c7: {  	v62 =	vmax.f32 v56, v58;
	v9 =	vmax.f32 v59, v60;
	v45, _, _ =	vpop (xrf1);
	(xrf1) =	vsort.dscd.msk.f32 $0xffff, v63, v63  }
0x2c8: {  	v60 =	vmin.f32 v4, v26;
	v4 =	vmax.f32 v4, v26;
	v0, _, _ =	vpop (xrf1);
	(xrf1) =	vsort.dscd.msk.f32 $0xffff, v54, v54  }
0x2c9: {  	v63 =	vmin.f32 v23, v34;
	v54 =	vmin.f32 v27, v13;
	(xrf1) =	vsort.dscd.msk.f32 $0xffff, v1, v1  }
0x2ca: {  	v1 =	vmax.f32 v55, v57;
	v55 =	vmax.f32 v23, v34;
	v56 =	vmin.f32 v63, v54  }
0x2cb: {  	v57 =	vmax.f32 v27, v13;
	v58 =	vmax.f32 v63, v54;
	v63 =	vmax.f32 v14, v38  }
0x2cc: {  	v2, _, _ =	vpop (xrf1);
	v14 =	vmin.f32 v14, v38;
	v0 =	vmax.f32 v44, v0;
	(xrf1) =	vsort.ascd.msk.f32 $0xffff, v61, v61  }
0x2cd: {  	v51 =	vmin.f32 v1, v62;
	v1 =	vmax.f32 v1, v62;
	v59 =	vmin.f32 v55, v57  }
0x2ce: {  	v61 =	vmin.f32 v10, v36;
	v10 =	vmax.f32 v10, v36;
	v62 =	vmax.f32 v11, v37  }
0x2cf: {  	v3, _, _ =	vpop (xrf1);
	v11 =	vmin.f32 v11, v37;
	v37 =	vmax.f32 v20, v25;
	(xrf1) =	vsort.ascd.msk.f32 $0xffff, v9, v9  }
0x2d0: {  	v52 =	vmax.f32 v10, v63;
	v10 =	vmin.f32 v10, v63;
	v63 =	vmax.f32 v19, v46  }
0x2d1: {  	v46 =	vmax.f32 v28, v48;
	v48 =	vmax.f32 v41, v50;
	v41 =	vmax.f32 v42, v33  }
0x2d2: {  	v5, _, _ =	vpop (xrf1);
	v42 =	vmax.f32 v43, v45;
	(xrf1) =	vsort.ascd.msk.f32 $0xffff, v51, v51;
	v51 =	vmax.f32 v4, v62  }
0x2d3: {  	v4 =	vmin.f32 v4, v62;
	v62 =	vmax.f32 v17, v40;
	v40 =	vmax.f32 v22, v47  }
0x2d4: {  	v47 =	vmax.f32 v39, v49;
	v17 =	vmax.f32 v63, v48;
	v39 =	vmax.f32 v21, v31  }
0x2d5: {  	v8, _, _ =	vpop (xrf1);
	v45 =	vmax.f32 v37, v42;
	(xrf1) =	vsort.ascd.msk.f32 $0xffff, v1, v1;
	v1 =	vmax.f32 v55, v57  }
0x2d6: {  	v53 =	vmax.f32 v51, v52;
	v36 =	vmin.f32 v51, v52;
	v54 =	vmax.f32 v4, v10  }
0x2d7: {  	v4 =	vmin.f32 v4, v10;
	v55 =	vmax.f32 v60, v11;
	v51 =	vmin.f32 v62, v47  }
0x2d8: {  	v52 =	vmin.f32 v63, v48;
	v63 =	vmax.f32 v18, v12;
	v12 =	vmin.f32 v37, v42  }
0x2d9: {  	v9, _, _ =	vpop (xrf1);
	(xrf1) =	vsort.ascd.msk.f32 $0xffff, v56, v56;
	v56 =	vmax.f32 v61, v14;
	v14 =	vmin.f32 v61, v14  }
0x2da: {  	v61 =	vmax.f32 v15, v29;
	v15 =	vmax.f32 v62, v47;
	v62 =	vmax.f32 v16, v7  }
0x2db: {  	v13, _, _ =	vpop (xrf1);
	v44 =	vmax.f32 v63, v41;
	v7 =	vmin.f32 v63, v41;
	(xrf1) =	vsort.ascd.msk.f32 $0xffff, v58, v58  }
0x2dc: {  	v23, _, _ =	vpop (xrf1);
	v57 =	vmax.f32 v55, v56;
	v50 =	vmin.f32 v61, v46;
	(xrf1) =	vsort.ascd.msk.f32 $0xffff, v59, v59  }
0x2dd: {  	v58 =	vmin.f32 v55, v56;
	v27, _, _ =	vpop (xrf1);
	v19 =	vmax.f32 v50, v52;
	(xrf1) =	vsort.ascd.msk.f32 $0xffff, v1, v1  }
0x2de: {  	v1 =	vmin.f32 v60, v11;
	v60 =	vmax.f32 v6, v24;
	v6 =	vmax.f32 v61, v46  }
0x2df: {  	v38, _, _ =	vpop (xrf1);
	v46 =	vmax.f32 v39, v0;
	v0 =	vmin.f32 v39, v0;
	(xrf1) =	vsort.dscd.msk.f32 $0xffff, v53, v53  }
0x2e0: {  	v59 =	vmax.f32 v1, v14;
	v1 =	vmin.f32 v1, v14;
	v49 =	vmin.f32 v60, v40  }
0x2e1: {  	v35, _, _ =	vpop (xrf1);
	v48 =	vmax.f32 v44, v46;
	(xrf1) =	vsort.dscd.msk.f32 $0xffff, v36, v36;
	v53 =	vmin.f32 v49, v51  }
0x2e2: {  	v26, _, _ =	vpop (xrf1);
	v22 =	vmax.f32 v49, v51;
	(xrf1) =	vsort.dscd.msk.f32 $0xffff, v54, v54;
	v54 =	vmin.f32 v50, v52  }
0x2e3: {  	v10, _, _ =	vpop (xrf1);
	v56 =	vmin.f32 v22, v19;
	v19 =	vmax.f32 v22, v19;
	v52 =	vmax.f32 v7, v0  }
0x2e4: {  	v0 =	vmin.f32 v7, v0;
	(xrf1) =	vsort.dscd.msk.f32 $0xffff, v4, v4;
	v4, _, _ =	vpop (xrf1);
	v55 =	vmin.f32 v53, v54  }
0x2e5: {  	v24 =	vmax.f32 v53, v54;
	(xrf1) =	vsort.dscd.msk.f32 $0xffff, v57, v57;
	v4 =	vmax.f32 v9, v4  }
0x2e6: {  	v36, _, _ =	vpop (xrf1);
	(xrf1) =	vsort.dscd.msk.f32 $0xffff, v58, v58;
	v58 =	vmin.f32 v6, v17;
	v6 =	vmax.f32 v6, v17  }
0x2e7: {  	v11, _, _ =	vpop (xrf1);
	v17 =	vmin.f32 v44, v46;
	v63 =	vmax.f32 v13, v36;
	(xrf1) =	vsort.dscd.msk.f32 $0xffff, v59, v59  }
0x2e8: {  	v14, _, _ =	vpop (xrf1);
	v13 =	vmax.f32 v23, v11;
	(xrf1) =	vsort.dscd.msk.f32 $0xffff, v1, v1;
	v1 =	vmax.f32 v60, v40  }
0x2e9: {  	v28, _, _ =	vpop (xrf1);
	v40 =	vmax.f32 v30, v32;
	v23 =	vmax.f32 v27, v14;
	(xrf1) =	vsort.ascd.msk.f32 $0xffff, v55, v55  }
0x2ea: {  	v34, _, _ =	vpop (xrf1);
	v57 =	vmin.f32 v1, v15;
	v1 =	vmax.f32 v1, v15;
	v43 =	vmax.f32 v62, v40  }
0x2eb: {  	v29, _, _ =	vpop (xrf1);
	(xrf1) =	vsort.ascd.msk.f32 $0xffff, v24, v24;
	v59 =	vmin.f32 v57, v58;
	v60 =	vmax.f32 v57, v58  }
0x2ec: {  	v61 =	vmin.f32 v1, v6;
	v1 =	vmax.f32 v1, v6;
	v22, _, _ =	vpop (xrf1);
	(xrf1) =	vsort.ascd.msk.f32 $0xffff, v56, v56  }
0x2ed: {  	v47 =	vmax.f32 v43, v45;
	v18 =	vmin.f32 v43, v45;
	v15, _, _ =	vpop (xrf1);
	(xrf1) =	vsort.ascd.msk.f32 $0xffff, v19, v19  }
0x2ee: {  	v49 =	vmax.f32 v47, v48;
	v20 =	vmin.f32 v47, v48;
	(xrf1) =	vsort.ascd.msk.f32 $0xffff, v59, v59  }
0x2ef: {  	v50 =	vmax.f32 v18, v17;
	v17 =	vmin.f32 v18, v17;
	v24, _, _ =	vpop (xrf1);
	(xrf1) =	vsort.ascd.msk.f32 $0xffff, v60, v60  }
0x2f0: {  	v59 =	vmax.f32 v2, v38;
	v19, _, _ =	vpop (xrf1);
	v60 =	vmax.f32 v3, v35;
	(xrf1) =	vsort.ascd.msk.f32 $0xffff, v61, v61  }
0x2f1: {  	v61 =	vmax.f32 v5, v26;
	v26 =	vmin.f32 v59, v4;
	v27 =	vmin.f32 v60, v63  }
0x2f2: {  	v6, _, _ =	vpop (xrf1);
	v2 =	vmax.f32 v60, v63;
	(xrf1) =	vsort.ascd.msk.f32 $0xffff, v1, v1;
	v1 =	vmin.f32 v62, v40  }
0x2f3: {  	v62 =	vmax.f32 v8, v10;
	v30 =	vmin.f32 v61, v13;
	v3 =	vmax.f32 v61, v13  }
0x2f4: {  	v16, _, _ =	vpop (xrf1);
	(xrf1) =	vsort.dscd.msk.f32 $0xffff, v49, v49;
	v51 =	vmax.f32 v1, v12;
	v1 =	vmin.f32 v1, v12  }
0x2f5: {  	v25, _, _ =	vpop (xrf1);
	v31 =	vmin.f32 v62, v23;
	v32 =	vmin.f32 v26, v30;
	v5 =	vmax.f32 v62, v23  }
0x2f6: {  	v7 =	vmax.f32 v26, v30;
	v49 =	vmax.f32 v28, v16;
	v21, _, _ =	vpop (xrf1);
	(xrf1) =	vsort.dscd.msk.f32 $0xffff, v20, v20  }
0x2f7: {  	v53 =	vmax.f32 v51, v52;
	v54 =	vmin.f32 v51, v52;
	v57 =	vmax.f32 v1, v0  }
0x2f8: {  	v0 =	vmin.f32 v1, v0;
	v33 =	vmin.f32 v27, v31;
	v41 =	vmin.f32 v2, v5  }
0x2f9: {  	v2 =	vmax.f32 v2, v5;
	v18, _, _ =	vpop (xrf1);
	(xrf1) =	vsort.dscd.msk.f32 $0xffff, v50, v50;
	v35 =	vmin.f32 v32, v33  }
0x2fa: {  	v8 =	vmax.f32 v32, v33;
	v50 =	vmax.f32 v34, v25;
	v12, _, _ =	vpop (xrf1);
	(xrf1) =	vsort.dscd.msk.f32 $0xffff, v17, v17  }
0x2fb: {  	v51 =	vmax.f32 v29, v21;
	v52 =	vmax.f32 v22, v18;
	v55, _, _ =	vpop (xrf1);
	(xrf1) =	vsort.dscd.msk.f32 $0xffff, v53, v53  }
0x2fc: {  	v12 =	vmax.f32 v15, v12;
	v56, _, _ =	vpop (xrf1);
	(xrf1) =	vsort.dscd.msk.f32 $0xffff, v54, v54;
	v53 =	vmax.f32 v24, v55  }
0x2fd: {  	v55 =	vmax.f32 v49, v12;
	(xrf1) =	vsort.dscd.msk.f32 $0xffff, v57, v57;
	v54 =	vmax.f32 v19, v56  }
0x2fe: {  	v58, _, _ =	vpop (xrf1);
	v56 =	vmax.f32 v50, v53;
	v5 =	vmin.f32 v50, v53;
	(xrf1) =	vsort.dscd.msk.f32 $0xffff, v0, v0  }
0x2ff: {  	v0 =	vmax.f32 v59, v4;
	v9, _, _ =	vpop (xrf1);
	v4 =	vmax.f32 v27, v31;
	v1 =	vmax.f32 v6, v58  }
0x300: {  	v57 =	vmax.f32 v51, v54;
	v13 =	vmin.f32 v51, v54;
	v36, _, _ =	vpop (xrf1);
	(xrf1) =	vsort.ascd.msk.f32 $0xffff, v35, v35  }
0x301: {  	v38 =	vmin.f32 v7, v4;
	v4 =	vmax.f32 v7, v4;
	v40 =	vmin.f32 v0, v3;
	v37, _, _ =	vpop (xrf1)  }
0x302: {  	v0 =	vmax.f32 v0, v3;
	v58 =	vmax.f32 v52, v1;
	(xrf1) =	vsort.ascd.msk.f32 $0xffff, v8, v8;
	v39, _, _ =	vpop (xrf1)  }
0x303: {  	v59 =	vmax.f32 v55, v57;
	v1 =	vmin.f32 v52, v1;
	(xrf1) =	vsort.ascd.msk.f32 $0xffff, v38, v38;
	v42, _, _ =	vpop (xrf1)  }
0x304: {  	v6 =	vmin.f32 v55, v57;
	v43 =	vmin.f32 v40, v41;
	(xrf1) =	vsort.ascd.msk.f32 $0xffff, v4, v4;
	v45, _, _ =	vpop (xrf1)  }
0x305: {  	v44 =	vmax.f32 v40, v41;
	v47 =	vmin.f32 v0, v2;
	(xrf1) =	vsort.ascd.msk.f32 $0xffff, v43, v43;
	v46, _, _ =	vpop (xrf1)  }
0x306: {  	v0 =	vmax.f32 v0, v2;
	v60 =	vmax.f32 v56, v58;
	(xrf1) =	vsort.ascd.msk.f32 $0xffff, v44, v44;
	v48, _, _ =	vpop (xrf1)  }
0x307: {  	v25 =	vmax.f32 v5, v1;
	v1 =	vmin.f32 v5, v1;
	(xrf1) =	vsort.ascd.msk.f32 $0xffff, v47, v47;
	v61, _, _ =	vpop (xrf1)  }
0x308: {  	v62 =	vmax.f32 v59, v60;
	v16 =	vmin.f32 v59, v60;
	(xrf1) =	vsort.ascd.msk.f32 $0xffff, v0, v0;
	v63, _, _ =	vpop (xrf1)  }
0x309: {  	v0 =	vmin.f32 v49, v12;
	v12 =	vmin.f32 v56, v58;
	(xrf1) =	vsort.dscd.msk.f32 $0xffff, v62, v62;
	v21, _, _ =	vpop (xrf1)  }
0x30a: {  	v22 =	vmax.f32 v6, v12;
	v6 =	vmin.f32 v6, v12;
	(xrf1) =	vsort.dscd.msk.f32 $0xffff, v16, v16;
	v23, _, _ =	vpop (xrf1)  }
0x30b: {  	v24 =	vmax.f32 v0, v13;
	v0 =	vmin.f32 v0, v13;
	(xrf1) =	vsort.dscd.msk.f32 $0xffff, v22, v22;
	v26, _, _ =	vpop (xrf1)  }
0x30c: {  	v34 =	vmax.f32 v9, v61;
	v27 =	vmax.f32 v24, v25;
	(xrf1) =	vsort.dscd.msk.f32 $0xffff, v6, v6;
	v29, _, _ =	vpop (xrf1)  }
0x30d: {  	v28 =	vmin.f32 v24, v25;
	v31 =	vmax.f32 v0, v1;
	(xrf1) =	vsort.dscd.msk.f32 $0xffff, v27, v27;
	v30, _, _ =	vpop (xrf1)  }
0x30e: {  	v0 =	vmin.f32 v0, v1;
	v35 =	vmax.f32 v36, v63;
	(xrf1) =	vsort.dscd.msk.f32 $0xffff, v28, v28;
	v32, _, _ =	vpop (xrf1)  }
0x30f: {  	v10 =	vmax.f32 v37, v21;
	v7 =	vmax.f32 v39, v23;
	(xrf1) =	vsort.dscd.msk.f32 $0xffff, v31, v31;
	v33, _, _ =	vpop (xrf1)  }
0x310: {  	v3 =	vmax.f32 v42, v26;
	v8 =	vmax.f32 v45, v29;
	(xrf1) =	vsort.dscd.msk.f32 $0xffff, v0, v0;
	v36, _, _ =	vpop (xrf1)  }
0x311: {  	v39 =	vmin.f32 v34, v3;
	v3 =	vmax.f32 v34, v3;
	v4 =	vmax.f32 v46, v30;
	v37, _, _ =	vpop (xrf1)  }
0x312: {  	v40 =	vmin.f32 v35, v8;
	v8 =	vmax.f32 v35, v8;
	v1 =	vmax.f32 v48, v32;
	v38, _, _ =	vpop (xrf1)  }
0x313: {  	v42 =	vmin.f32 v10, v4;
	v4 =	vmax.f32 v10, v4;
	v43 =	vmin.f32 v7, v1;
	v41, _, _ =	vpop (xrf1)  }
0x314: {  	v45 =	vmin.f32 v39, v42;
	v1 =	vmax.f32 v7, v1;
	v46 =	vmin.f32 v40, v43;
	v44, _, _ =	vpop (xrf1)  }
0x315: {  	v6 =	vmax.f32 v39, v42;
	v53 =	vmin.f32 v3, v4;
	v48 =	vmin.f32 v45, v46;
	v47, _, _ =	vpop (xrf1)  }
0x316: {  	v5 =	vmax.f32 v40, v43;
	v10 =	vmax.f32 v45, v46;
	v49, _, _ =	vpop (xrf1);
	(xrf1) =	vsort.ascd.msk.f32 $0xffff, v48, v48  }
0x317: {  	v3 =	vmax.f32 v3, v4;
	v51 =	vmin.f32 v6, v5;
	v50, _, _ =	vpop (xrf1);
	(xrf1) =	vsort.ascd.msk.f32 $0xffff, v10, v10  }
0x318: {  	v54 =	vmin.f32 v8, v1;
	v5 =	vmax.f32 v6, v5;
	v52, _, _ =	vpop (xrf1);
	(xrf1) =	vsort.ascd.msk.f32 $0xffff, v51, v51  }
0x319: {  	v1 =	vmax.f32 v8, v1;
	v56 =	vmin.f32 v53, v54;
	v55, _, _ =	vpop (xrf1);
	(xrf1) =	vsort.ascd.msk.f32 $0xffff, v5, v5  }
0x31a: {  	v57 =	vmax.f32 v53, v54;
	v60 =	vmin.f32 v3, v1;
	v58, _, _ =	vpop (xrf1);
	(xrf1) =	vsort.ascd.msk.f32 $0xffff, v56, v56  }
0x31b: {  	v1 =	vmax.f32 v3, v1;
	v0 =	vmax.f32 v33, v50;
	v59, _, _ =	vpop (xrf1);
	(xrf1) =	vsort.ascd.msk.f32 $0xffff, v57, v57  }
0x31c: {  	v6 =	vmax.f32 v36, v52;
	v4 =	vmax.f32 v37, v55;
	(xrf1) =	vsort.ascd.msk.f32 $0xffff, v60, v60;
	v61, _, _ =	vpop (xrf1)  }
0x31d: {  	v2 =	vmax.f32 v38, v58;
	v5 =	vmax.f32 v41, v59;
	(xrf1) =	vsort.ascd.msk.f32 $0xffff, v1, v1;
	v62, _, _ =	vpop (xrf1)  }
0x31e: {  	v3 =	vmax.f32 v44, v61;
	v15 =	vmax.f32 v0, v5;
	v0 =	vmin.f32 v0, v5;
	v63, _, _ =	vpop (xrf1)  }
0x31f: {  	v1 =	vmax.f32 v47, v62;
	v16 =	vmax.f32 v6, v3;
	v14 =	vmax.f32 v49, v63  }
0x320: {  	v3 =	vmin.f32 v6, v3;
	v17 =	vmax.f32 v4, v1;
	v18 =	vmax.f32 v2, v14  }
0x321: {  	v1 =	vmin.f32 v4, v1;
	v19 =	vmax.f32 v15, v17;
	v20 =	vmax.f32 v16, v18  }
0x322: {  	v2 =	vmin.f32 v2, v14;
	v6 =	vmin.f32 v15, v17;
	v21 =	vmax.f32 v19, v20  }
0x323: {  	v5 =	vmin.f32 v16, v18;
	v4 =	vmin.f32 v19, v20;
	(xrf1) =	vsort.dscd.msk.f32 $0xffff, v21, v21  }
0x324: {  	v22 =	vmax.f32 v0, v1;
	v8 =	vmax.f32 v6, v5;
	(xrf1) =	vsort.dscd.msk.f32 $0xffff, v4, v4  }
0x325: {  	v23 =	vmax.f32 v3, v2;
	v5 =	vmin.f32 v6, v5;
	(xrf1) =	vsort.dscd.msk.f32 $0xffff, v8, v8  }
0x326: {  	v0 =	vmin.f32 v0, v1;
	v24 =	vmax.f32 v22, v23;
	(xrf1) =	vsort.dscd.msk.f32 $0xffff, v5, v5  }
0x327: {  	v2 =	vmin.f32 v3, v2;
	v25 =	vmin.f32 v22, v23;
	(xrf1) =	vsort.dscd.msk.f32 $0xffff, v24, v24  }
0x328: {  	v26 =	vmax.f32 v0, v2;
	(xrf1) =	vsort.dscd.msk.f32 $0xffff, v25, v25  }
0x329: {  	v0 =	vmin.f32 v0, v2;
	v27, _, _ =	vpop (xrf1);
	(xrf1) =	vsort.dscd.msk.f32 $0xffff, v26, v26  }
0x32a: {  	v28, _, _ =	vpop (xrf1);
	(xrf1) =	vsort.dscd.msk.f32 $0xffff, v0, v0  }
0x32b: {  	v29, _, _ =	vpop (xrf1)  }
0x32c: {  	v30, _, _ =	vpop (xrf1)  }
0x32d: {  	v31, _, _ =	vpop (xrf1)  }
0x32e: {  	v32, _, _ =	vpop (xrf1)  }
0x32f: {  	v33, _, _ =	vpop (xrf1)  }
0x330: {  	v34, _, _ =	vpop (xrf1)  }
0x331: {  	v35, _, _ =	vpop (xrf1)  }
0x332: {  	v36, _, _ =	vpop (xrf1)  }
0x333: {  	v37, _, _ =	vpop (xrf1)  }
0x334: {  	v38, _, _ =	vpop (xrf1)  }
0x335: {  	v39, _, _ =	vpop (xrf1)  }
0x336: {  	v3 =	vmax.f32 v27, v35;
	v1 =	vmax.f32 v28, v36;
	v40, _, _ =	vpop (xrf1)  }
0x337: {  	v0 =	vmax.f32 v29, v37;
	v2 =	vmax.f32 v30, v38;
	v4 =	vmax.f32 v31, v39;
	v41, _, _ =	vpop (xrf1)  }
0x338: {  	v5 =	vmax.f32 v32, v40;
	v43 =	vmin.f32 v3, v4;
	v3 =	vmax.f32 v3, v4;
	v42, _, _ =	vpop (xrf1)  }
0x339: {  	v6 =	vmax.f32 v33, v41;
	v44 =	vmin.f32 v1, v5;
	v7 =	vmax.f32 v34, v42  }
0x33a: {  	v1 =	vmax.f32 v1, v5;
	v45 =	vmin.f32 v0, v6;
	v9 =	vmin.f32 v2, v7  }
0x33b: {  	v0 =	vmax.f32 v0, v6;
	v46 =	vmin.f32 v43, v45;
	v47 =	vmin.f32 v44, v9  }
0x33c: {  	v2 =	vmax.f32 v2, v7;
	v5 =	vmax.f32 v43, v45;
	v48 =	vmin.f32 v46, v47  }
0x33d: {  	v4 =	vmax.f32 v44, v9;
	v6 =	vmax.f32 v46, v47;
	(xrf1) =	vsort.ascd.msk.f32 $0xffff, v48, v48  }
0x33e: {  	v50 =	vmin.f32 v3, v0;
	v49 =	vmin.f32 v5, v4;
	(xrf1) =	vsort.ascd.msk.f32 $0xffff, v6, v6  }
0x33f: {  	v51 =	vmin.f32 v1, v2;
	v4 =	vmax.f32 v5, v4;
	(xrf1) =	vsort.ascd.msk.f32 $0xffff, v49, v49  }
0x340: {  	v0 =	vmax.f32 v3, v0;
	v52 =	vmin.f32 v50, v51;
	(xrf1) =	vsort.ascd.msk.f32 $0xffff, v4, v4  }
0x341: {  	v1 =	vmax.f32 v1, v2;
	v53 =	vmax.f32 v50, v51;
	(xrf1) =	vsort.ascd.msk.f32 $0xffff, v52, v52  }
0x342: {  	v54 =	vmin.f32 v0, v1;
	(xrf1) =	vsort.ascd.msk.f32 $0xffff, v53, v53  }
0x343: {  	v0 =	vmax.f32 v0, v1;
	(xrf1) =	vsort.ascd.msk.f32 $0xffff, v54, v54  }
0x344: {  	v56 =	vld [tilespmem:$0x1FFD0];
	(xrf1) =	vsort.ascd.msk.f32 $0xffff, v0, v0;
	_ =	sdelay $0x6  }
0x345: {  	v55, _, _ =	vpop (xrf1)  }
0x346: {  	[tilespmem:v56+s19+$0x0 ss:$0x1] =	vst.idx.msk $0xffff, v55;
	v57, _, _ =	vpop (xrf1)  }
0x347: {  	[tilespmem:v56+s19+$0x10 ss:$0x1] =	vst.idx.msk $0xffff, v57;
	v58, _, _ =	vpop (xrf1)  }
0x348: {  	p0 =	seq.s32 s18, $0xE00;
	[tilespmem:v56+s19+$0x20 ss:$0x1] =	vst.idx.msk $0xffff, v58;
	v59, _, _ =	vpop (xrf1)  }
.Ltmp1:
0x349: {  	[tilespmem:v56+s19+$0x30 ss:$0x1] =	vst.idx.msk $0xffff, v59;
	v60, _, _ =	vpop (xrf1);
	(pc) =	sbr.rel @!p0 .LBB2_6-.Ltmp1, $4  }
0x34a: {  	[tilespmem:v56+s19+$0x40 ss:$0x1] =	vst.idx.msk $0xffff, v60;
	v61, _, _ =	vpop (xrf1)  }
0x34b: {  	[tilespmem:v56+s19+$0x50 ss:$0x1] =	vst.idx.msk $0xffff, v61;
	v62, _, _ =	vpop (xrf1)  }
0x34c: {  	[tilespmem:v56+s19+$0x60 ss:$0x1] =	vst.idx.msk $0xffff, v62;
	v63, _, _ =	vpop (xrf1)  }
0x34d: {  	s18 =	sadd.s32 $0x200, s18;
	[tilespmem:v56+s19+$0x70 ss:$0x1] =	vst.idx.msk $0xffff, v63  }
0x34e: {  	p0 =	seq.s32 s17, $0x8  }
.Ltmp2:
0x34f: {  	_ = 	snop;
	(pc) =	sbr.rel @!p0 .LBB2_3-.Ltmp2, $2  }
0x350: {  	_ =	sdelay $0x2  }
0x351: {  	s15 =	sadd.s32 $0x800, s15;
	s16 =	sadd.s32 $0x800, s16  }
0x352: {  	s14 =	sadd.s32 $0x1, s14  }
0x353: {  	p0 =	sne.s32 s14, s8  }
.Ltmp3:
0x354: {  	_ = 	snop;
	(pc) =	sbr.rel @p0 .LBB2_1-.Ltmp3, $4  }
0x355: {  	[hbm4b:s7+s1] =	stream.linear.scatter [tilespmem:s12], [sflag:$0x3], $0x4000, $0x38;
	[tilespmem:$0x8000] =	vst v63  }
0x356: {  	_ =	swait.ge [sflag:s13], $0x4000  }
0x357: {  	[sflag:s13] =	ssyncset.done $0x0  }
0x358: {  	[sflag:s13] =	ssyncadd.s32 $0xFFFFC000  }
0x359: {  	_ =	sfence.sel $0x180000  }
0x35a: {  	[bflag:$0x0] =	sbarrier.arrive $0xFFFF  }
0x35b: {  	p0 =	sne.s32 s2, $0x0;
	_ =	strace $0x90000047  }
0x35c: {  	s0 =	sadd.s32 @!p0 $0x100000, s0;
	[bflag:$0x2] =	sbarrier.arrive $0xFFFF  }
0x35d: {  	[sflag:s0] =	ssyncadd.tile.s32 @!p0 $0x1;
	_ =	shalt  }
.Lfunc_end2:
_tile_overlayer_lowered:
.L_overlay_start_2:
0x35e: {  	(tag) =	ssettag $0x2  }
0x35f: {  	s0 =	rddreg [dreg:$0x0];
	s2 =	stileid.u32  }
0x360: {  	s1 =	rddreg [dreg:$0x1];
	p0 =	sne.s32 s2, $0x0  }
0x361: {  	s3 =	rddreg [dreg:$0x2];
	[bflag:$0x3] =	sbarrier.arrive $0xFFFF;
	s2 =	simm.s32 @!p0 $0x1C03  }
0x362: {  	[timem:s3], [sflag:s2] =	dma.local @!p0 [hbm:s0], s1  }
0x363: {  	s0 =	simm.s32 @!p0 $0x3  }
0x364: {  	_ =	swait.ge @!p0 [sflag:s0], s1  }
0x365: {  	s1 =	ssub.s32 @!p0 $0x0, s1;
	[sflag:s0] =	ssyncset.done @!p0 $0x0  }
0x366: {  	[sflag:s0] =	ssyncadd.s32 @!p0 s1  }
0x367: {  	[bflag:$0x3] =	sbarrier.arrive $0xFFFF  }
0x368: {  	_ =	shalt  }

</sc_bundles>
